<compile_context>
chip_gen: v7x
topology: tpu7x:2x2x1
jax: 0.10.2.dev20260603
libtpu: 0.0.44.dev20260713+nightly
codegen_flags: <defaults>
</compile_context>

<pallas_src>
import functools

import jax
import jax.numpy as jnp
from jax import lax
from jax.experimental import pallas as pl
from jax.experimental.pallas import tpu as pltpu
from jax.experimental.pallas import tpu_sc as plsc

NUM_USERS = 70000
NUM_ITEMS = 30000
N_NODES = NUM_USERS + NUM_ITEMS
N_EDGES = 1600000
KH = 16
N_TILES = 16
RPT = 6272
NPAD = N_TILES * RPT
EPT = 102400
EPAD = N_TILES * EPT
EB = 128
MB = 4
NG = EPT // (MB * EB)
RB = 128
N_LAYERS = 3
ROW_BYTES = EB * KH * 4


def _rsqrt16(x):
    i = lax.bitcast_convert_type(x, jnp.int32)
    i = jnp.int32(0x5F3759DF) - lax.shift_right_logical(i, 1)
    y = lax.bitcast_convert_type(i, jnp.float32)
    for _ in range(3):
        y = y * (1.5 - 0.5 * x * y * y)
    return y


def _sc_body(y_hbm, src2, dst1, e1h, zh, out_hbm, xs_hbm, dis_hbm,
             acc_sh, srcb, dsts, rows, disb, accb, outb, semg, sems,
             *, tile):
    row0 = tile * RPT
    et0 = tile * (EPT // EB)

    def load_dst(g, slot):
        e0 = (et0 + g * MB) * EB
        for j in range(MB):
            pltpu.sync_copy(dst1.at[pl.ds(e0 + j * EB, EB)],
                            dsts[slot * MB + j])

    def load_src(g, slot):
        r = et0 + g * MB
        pltpu.sync_copy(src2.at[pl.ds(r, MB), :],
                        srcb.at[pl.ds(slot * MB, MB), :])

    pltpu.sync_copy(zh, acc_sh.at[pl.ds(row0, RPT), :])
    plsc.subcore_barrier()

    pltpu.sync_copy(e1h, rows.at[0])

    def deg_body(g, c):
        load_dst(g, 0)
        hs = [pltpu.async_copy(rows.at[0], acc_sh.at[dsts[j]], sems,
                               add=True) for j in range(MB)]
        for h in hs:
            h.wait()
        return c
    lax.fori_loop(0, NG, deg_body, 0)
    plsc.subcore_barrier()

    def dis_chunk(j, c):
        r = row0 + j * RB
        pltpu.sync_copy(acc_sh.at[pl.ds(r, RB), :], accb)

        def dis_row(i, c2):
            drow = accb[i]
            y = _rsqrt16(jnp.maximum(drow, 1.0))
            accb[i] = jnp.where(drow > 0.0, y, 0.0)
            return c2
        lax.fori_loop(0, RB, dis_row, 0)
        pltpu.sync_copy(accb, dis_hbm.at[pl.ds(r, RB), :])
        return c
    lax.fori_loop(0, RPT // RB, dis_chunk, 0)

    pltpu.sync_copy(zh, acc_sh.at[pl.ds(row0, RPT), :])

    def p0_chunk(j, c):
        r = row0 + j * RB
        pltpu.sync_copy(y_hbm.at[pl.ds(r, RB), :], accb)
        pltpu.sync_copy(dis_hbm.at[pl.ds(r, RB), :], disb)

        def p0_row(i, c2):
            a = accb[i]
            outb[i] = 0.25 * a
            accb[i] = disb[i] * a
            return c2
        lax.fori_loop(0, RB, p0_row, 0)
        pltpu.sync_copy(outb, out_hbm.at[pl.ds(r, RB), :])
        pltpu.sync_copy(accb, xs_hbm.at[pl.ds(r, RB), :])
        return c
    lax.fori_loop(0, RPT // RB, p0_chunk, 0)
    plsc.subcore_barrier()

    for l in range(N_LAYERS):
        def edge_body(g, c):
            load_src(g, 0)
            load_dst(g, 0)
            hg = [pltpu.async_copy(xs_hbm.at[srcb.at[j]], rows.at[j], semg)
                  for j in range(MB)]
            for h in hg:
                h.wait()
            hs = [pltpu.async_copy(rows.at[j], acc_sh.at[dsts[j]], sems,
                                   add=True) for j in range(MB)]
            for h in hs:
                h.wait()
            return c
        lax.fori_loop(0, NG, edge_body, 0)
        plsc.subcore_barrier()

        last = l == N_LAYERS - 1

        def sc_chunk(j, c):
            r = row0 + j * RB
            pltpu.sync_copy(acc_sh.at[pl.ds(r, RB), :], accb)
            pltpu.sync_copy(out_hbm.at[pl.ds(r, RB), :], outb)
            pltpu.sync_copy(dis_hbm.at[pl.ds(r, RB), :], disb)

            def sc_row(i, c2):
                a = accb[i]
                d = disb[i]
                outb[i] = outb[i] + (0.25 * d) * a
                if not last:
                    accb[i] = (d * d) * a
                return c2
            lax.fori_loop(0, RB, sc_row, 0)
            pltpu.sync_copy(outb, out_hbm.at[pl.ds(r, RB), :])
            if not last:
                pltpu.sync_copy(accb, xs_hbm.at[pl.ds(r, RB), :])
            return c
        lax.fori_loop(0, RPT // RB, sc_chunk, 0)
        if not last:
            pltpu.sync_copy(zh, acc_sh.at[pl.ds(row0, RPT), :])
            plsc.subcore_barrier()


def _make_kernel():
    mesh = plsc.VectorSubcoreMesh(core_axis_name="c", subcore_axis_name="s")

    @functools.partial(
        pl.kernel,
        mesh=mesh,
        out_type=[
            jax.ShapeDtypeStruct((NPAD, KH), jnp.float32),
            jax.ShapeDtypeStruct((NPAD, KH), jnp.float32),
            jax.ShapeDtypeStruct((NPAD, KH), jnp.float32),
            jax.ShapeDtypeStruct((NPAD, KH), jnp.float32),
            jax.ShapeDtypeStruct((NPAD, KH), jnp.float32),
            jax.ShapeDtypeStruct((NPAD, KH), jnp.float32),
        ],
        scratch_types=[
            pltpu.VMEM_SHARED((NPAD, KH), jnp.float32),
            pltpu.VMEM((MB, EB), jnp.int32),
            [pltpu.VMEM((EB,), jnp.int32)] * MB,
            pltpu.VMEM((MB, EB, KH), jnp.float32),
            pltpu.VMEM((RB, KH), jnp.float32),
            pltpu.VMEM((RB, KH), jnp.float32),
            pltpu.VMEM((RB, KH), jnp.float32),
            pltpu.SemaphoreType.DMA,
            pltpu.SemaphoreType.DMA,
        ],
        compiler_params=pltpu.CompilerParams(use_tc_tiling_on_sc=False),
    )
    def _k(yL, yR, src2, dst1, e1h, zh, outL, outR, xsL, xsR, disL, disR,
           acc_sh, srcb, dsts, rows, disb, accb, outb, semg, sems):
        core = lax.axis_index("c")
        tile = lax.axis_index("s")
        scratch = (acc_sh, srcb, dsts, rows, disb, accb, outb, semg, sems)

        @pl.when(core == 0)
        def _():
            _sc_body(yL, src2, dst1, e1h, zh, outL, xsL, disL, *scratch,
                     tile=tile)

        @pl.when(core == 1)
        def _():
            _sc_body(yR, src2, dst1, e1h, zh, outR, xsR, disR, *scratch,
                     tile=tile)

    return _k


_SC_KERNEL = _make_kernel()


def kernel(Gu, Gi, Gut, Git, edge_index):
    y0 = jnp.concatenate([Gu + Gut, Gi + Git], axis=0)
    y0 = jnp.pad(y0, ((0, NPAD - N_NODES), (0, 0)))
    yL = y0[:, :KH]
    yR = y0[:, KH:]
    fill = jnp.full((EPAD - N_EDGES,), NPAD - 1, dtype=jnp.int32)
    src = jnp.concatenate([edge_index[0], fill]).reshape(EPAD // EB, EB)
    dst = jnp.concatenate([edge_index[1], fill])
    e1h = jnp.ones((EB, KH), jnp.float32)
    zh = jnp.zeros((RPT, KH), jnp.float32)
    outL, outR, _, _, _, _ = _SC_KERNEL(yL, yR, src, dst, e1h, zh)
    return jnp.concatenate([outL[:N_NODES], outR[:N_NODES]], axis=1)

# --- scband reference (transcript-rebuilt; emitter-appended) ---
"""Pipeline reference for scband-egcfv2-model-4887672782968 (READ-ONLY COPY).

The authoritative reference and input builder live on the scoring server;
editing this copy changes nothing except your own understanding.
"""

import jax, jax.numpy as jnp
import numpy as np

NUM_USERS = 70000
NUM_ITEMS = 30000
EMBED_K = 32
N_LAYERS = 3
N_NODES = NUM_USERS + NUM_ITEMS
N_EDGES = 1600000


def _xavier_normal(key, shape):
    fan_in, fan_out = shape[0], shape[1]
    std = float(np.sqrt(2.0 / (fan_in + fan_out)))
    return jax.random.normal(key, shape, dtype=jnp.float32) * std


def setup_inputs(seed: int = 0) -> dict:
    key = jax.random.key(seed)
    k1, k2, k3, k4, k5 = jax.random.split(key, 5)
    Gu = _xavier_normal(k1, (NUM_USERS, EMBED_K))
    Gi = _xavier_normal(k2, (NUM_ITEMS, EMBED_K))
    Gut = _xavier_normal(k3, (NUM_USERS, EMBED_K))
    Git = _xavier_normal(k4, (NUM_ITEMS, EMBED_K))
    edge_index = jax.random.randint(k5, (2, N_EDGES), 0, N_NODES, dtype=jnp.int32)
    return {"Gu": Gu, "Gi": Gi, "Gut": Gut, "Git": Git, "edge_index": edge_index}


def _lgconv(x, src, dst):
    # LightGCN conv: out = D^{-1/2} A D^{-1/2} x, edgewise gather -> scale -> scatter-add
    deg = jnp.zeros((N_NODES,), dtype=x.dtype).at[dst].add(1.0)
    deg_inv_sqrt = jnp.where(deg > 0, 1.0 / jnp.sqrt(jnp.maximum(deg, 1.0)), 0.0)
    norm = deg_inv_sqrt[src] * deg_inv_sqrt[dst]
    msgs = x[src] * norm[:, None]
    return jnp.zeros_like(x).at[dst].add(msgs)


def reference(Gu, Gi, Gut, Git, edge_index):
    src = edge_index[0]
    dst = edge_index[1]
    # collaborative branch: n_layers of LGConv over concat(Gu, Gi)
    x = jnp.concatenate([Gu, Gi], axis=0)
    collab_states = [x]
    h = x
    for _ in range(N_LAYERS):
        h = _lgconv(h, src, dst)
        collab_states.append(h)
    collab = jnp.mean(jnp.stack(collab_states, axis=0), axis=0)
    # textual branch: n_layers of node-node textual propagation over concat(Gut, Git)
    xt = jnp.concatenate([Gut, Git], axis=0)
    text_states = [xt]
    ht = xt
    for _ in range(N_LAYERS):
        ht = _lgconv(ht, src, dst)
        text_states.append(ht)
    textual = jnp.mean(jnp.stack(text_states, axis=0), axis=0)
    final = collab + textual
    return final

if __name__ == "__main__":
    import jax
    _d = setup_inputs()
    print(jax.jit(kernel)(*tuple(_d.values())))

</pallas_src>

<mosaic_0001>
#map = affine_map<(d0, d1) -> (0, 0)>
#map1 = affine_map<(d0, d1) -> (0)>
module attributes {stable_mosaic.version = 14 : i64} {
  func.func @_k(%arg0: i32, %arg1: i32, %arg2: memref<100352x16xf32, #tpu.memory_space<hbm>>, %arg3: memref<100352x16xf32, #tpu.memory_space<hbm>>, %arg4: memref<12800x128xi32, #tpu.memory_space<hbm>>, %arg5: memref<1638400xi32, #tpu.memory_space<hbm>>, %arg6: memref<128x16xf32, #tpu.memory_space<hbm>>, %arg7: memref<6272x16xf32, #tpu.memory_space<hbm>>, %arg8: memref<100352x16xf32, #tpu.memory_space<hbm>>, %arg9: memref<100352x16xf32, #tpu.memory_space<hbm>>, %arg10: memref<100352x16xf32, #tpu.memory_space<hbm>>, %arg11: memref<100352x16xf32, #tpu.memory_space<hbm>>, %arg12: memref<100352x16xf32, #tpu.memory_space<hbm>>, %arg13: memref<100352x16xf32, #tpu.memory_space<hbm>>, %arg14: memref<100352x16xf32, #tpu.memory_space<vmem_shared>>, %arg15: memref<4x128xi32, #tpu.memory_space<vmem>>, %arg16: memref<128xi32, #tpu.memory_space<vmem>>, %arg17: memref<128xi32, #tpu.memory_space<vmem>>, %arg18: memref<128xi32, #tpu.memory_space<vmem>>, %arg19: memref<128xi32, #tpu.memory_space<vmem>>, %arg20: memref<4x128x16xf32, #tpu.memory_space<vmem>>, %arg21: memref<128x16xf32, #tpu.memory_space<vmem>>, %arg22: memref<128x16xf32, #tpu.memory_space<vmem>>, %arg23: memref<128x16xf32, #tpu.memory_space<vmem>>, %arg24: memref<!tpu.dma_semaphore, #tpu.memory_space<semaphore_mem>>, %arg25: memref<!tpu.dma_semaphore, #tpu.memory_space<semaphore_mem>>) attributes {dimension_semantics = [#tpu.dimension_semantics<core_parallel>, #tpu.dimension_semantics<subcore_parallel>], iteration_bounds = array<i64: 2, 16>, scalar_prefetch = 0 : i64, scratch_operands = 12 : i64, tpu.core_type = #tpu.core_type<sc_vector_subcore>, window_params = [{transform_indices = #map}, {transform_indices = #map}, {transform_indices = #map}, {transform_indices = #map1}, {transform_indices = #map}, {transform_indices = #map}, {transform_indices = #map}, {transform_indices = #map}, {transform_indices = #map}, {transform_indices = #map}, {transform_indices = #map}, {transform_indices = #map}]} {
    %eq3A = arith.constant 0 : i32
    %eq3A_0 = arith.cmpi eq, %arg0, %eq3A : i32
    %convert_element_type3A = arith.extui %eq3A_0 : i1 to i32
    %cond3A = arith.constant 0 : i32
    %cond3A_1 = arith.cmpi ne, %convert_element_type3A, %cond3A : i32
    scf.if %cond3A_1 {
      %mul3A = arith.constant 6272 : i32
      %mul3A_7 = arith.muli %arg1, %mul3A : i32
      %mul3A_8 = arith.constant 800 : i32
      %mul3A_9 = arith.muli %arg1, %mul3A_8 : i32
      "tpu.region"() ({
        %run_scoped3A_70 = tpu.sem_alloc : memref<!tpu.dma_semaphore, #tpu.memory_space<semaphore_mem>>
        %dma_start3A = arith.constant 0 : i32
        %dma_start3A_71 = tpu.memref_slice %arg14[%mul3A_7, %dma_start3A] : memref<100352x16xf32, #tpu.memory_space<vmem_shared>> -> memref<6272x16xf32, #tpu.memory_space<vmem_shared>>
        tpu.enqueue_dma source(%arg7 : memref<6272x16xf32, #tpu.memory_space<hbm>>) target(%dma_start3A_71 : memref<6272x16xf32, #tpu.memory_space<vmem_shared>>) target_semaphore(%run_scoped3A_70 : memref<!tpu.dma_semaphore, #tpu.memory_space<semaphore_mem>>)
        %dma_wait3A = arith.constant 0 : i32
        %dma_wait3A_72 = tpu.memref_slice %arg14[%mul3A_7, %dma_wait3A] : memref<100352x16xf32, #tpu.memory_space<vmem_shared>> -> memref<6272x16xf32, #tpu.memory_space<vmem_shared>>
        tpu.wait_dma2 semaphore(%run_scoped3A_70 : memref<!tpu.dma_semaphore, #tpu.memory_space<semaphore_mem>>) src(%arg7 : memref<6272x16xf32, #tpu.memory_space<hbm>>) dst(%dma_wait3A_72 : memref<6272x16xf32, #tpu.memory_space<vmem_shared>>)
        tpu.yield
      }) : () -> ()
      %barrier3A = arith.constant 0 : index
      tpu.barrier barrier_id(%barrier3A)
      %run_scoped3A = arith.constant 0 : i32
      "tpu.region"() ({
        %run_scoped3A_70 = tpu.sem_alloc : memref<!tpu.dma_semaphore, #tpu.memory_space<semaphore_mem>>
        %dma_start3A = arith.constant 0 : i32
        %dma_start3A_71 = arith.constant 0 : i32
        %dma_start3A_72 = tpu.memref_slice %arg20[%run_scoped3A, %dma_start3A, %dma_start3A_71] : memref<4x128x16xf32, #tpu.memory_space<vmem>> -> memref<1x128x16xf32, #tpu.memory_space<vmem>>
        %dma_start3A_73 = tpu.memref_squeeze %dma_start3A_72 : memref<1x128x16xf32, #tpu.memory_space<vmem>> -> memref<128x16xf32, #tpu.memory_space<vmem>>
        %dma_start3A_74 = arith.constant 0 : i32
        %dma_start3A_75 = arith.constant 0 : i32
        %dma_start3A_76 = tpu.memref_slice %arg20[%run_scoped3A, %dma_start3A_74, %dma_start3A_75] : memref<4x128x16xf32, #tpu.memory_space<vmem>> -> memref<1x128x16xf32, #tpu.memory_space<vmem>>
        %dma_start3A_77 = tpu.memref_squeeze %dma_start3A_76 : memref<1x128x16xf32, #tpu.memory_space<vmem>> -> memref<128x16xf32, #tpu.memory_space<vmem>>
        tpu.enqueue_dma source(%arg6 : memref<128x16xf32, #tpu.memory_space<hbm>>) target(%dma_start3A_77 : memref<128x16xf32, #tpu.memory_space<vmem>>) target_semaphore(%run_scoped3A_70 : memref<!tpu.dma_semaphore, #tpu.memory_space<semaphore_mem>>)
        %dma_wait3A = arith.constant 0 : i32
        %dma_wait3A_78 = arith.constant 0 : i32
        %dma_wait3A_79 = tpu.memref_slice %arg20[%run_scoped3A, %dma_wait3A, %dma_wait3A_78] : memref<4x128x16xf32, #tpu.memory_space<vmem>> -> memref<1x128x16xf32, #tpu.memory_space<vmem>>
        %dma_wait3A_80 = tpu.memref_squeeze %dma_wait3A_79 : memref<1x128x16xf32, #tpu.memory_space<vmem>> -> memref<128x16xf32, #tpu.memory_space<vmem>>
        %dma_wait3A_81 = arith.constant 0 : i32
        %dma_wait3A_82 = arith.constant 0 : i32
        %dma_wait3A_83 = tpu.memref_slice %arg20[%run_scoped3A, %dma_wait3A_81, %dma_wait3A_82] : memref<4x128x16xf32, #tpu.memory_space<vmem>> -> memref<1x128x16xf32, #tpu.memory_space<vmem>>
        %dma_wait3A_84 = tpu.memref_squeeze %dma_wait3A_83 : memref<1x128x16xf32, #tpu.memory_space<vmem>> -> memref<128x16xf32, #tpu.memory_space<vmem>>
        tpu.wait_dma2 semaphore(%run_scoped3A_70 : memref<!tpu.dma_semaphore, #tpu.memory_space<semaphore_mem>>) src(%arg6 : memref<128x16xf32, #tpu.memory_space<hbm>>) dst(%dma_wait3A_84 : memref<128x16xf32, #tpu.memory_space<vmem>>)
        tpu.yield
      }) : () -> ()
      %scan3A = arith.constant 0 : i32
      %scan3A_10 = arith.constant 0 : i32
      %scan3A_11 = arith.constant 200 : i32
      %scan3A_12 = arith.addi %scan3A_10, %scan3A_11 : i32
      %scan3A_13 = arith.constant 1 : i32
      scf.for %scan3A_70 = %scan3A_10 to %scan3A_12 step %scan3A_13  : i32 {
        %mul3A_71 = arith.constant 4 : i32
        %mul3A_72 = arith.muli %scan3A_70, %mul3A_71 : i32
        %add3A = arith.addi %mul3A_9, %mul3A_72 : i32
        %mul3A_73 = arith.constant 128 : i32
        %mul3A_74 = arith.muli %add3A, %mul3A_73 : i32
        %add3A_75 = arith.constant 0 : i32
        %add3A_76 = arith.addi %mul3A_74, %add3A_75 : i32
        "tpu.region"() ({
          %run_scoped3A_145 = tpu.sem_alloc : memref<!tpu.dma_semaphore, #tpu.memory_space<semaphore_mem>>
          %dma_start3A_146 = tpu.memref_slice %arg5[%add3A_76] : memref<1638400xi32, #tpu.memory_space<hbm>> -> memref<128xi32, #tpu.memory_space<hbm>>
          %dma_start3A_147 = tpu.memref_slice %arg5[%add3A_76] : memref<1638400xi32, #tpu.memory_space<hbm>> -> memref<128xi32, #tpu.memory_space<hbm>>
          tpu.enqueue_dma source(%dma_start3A_147 : memref<128xi32, #tpu.memory_space<hbm>>) target(%arg16 : memref<128xi32, #tpu.memory_space<vmem>>) target_semaphore(%run_scoped3A_145 : memref<!tpu.dma_semaphore, #tpu.memory_space<semaphore_mem>>)
          %dma_wait3A_148 = tpu.memref_slice %arg5[%add3A_76] : memref<1638400xi32, #tpu.memory_space<hbm>> -> memref<128xi32, #tpu.memory_space<hbm>>
          %dma_wait3A_149 = tpu.memref_slice %arg5[%add3A_76] : memref<1638400xi32, #tpu.memory_space<hbm>> -> memref<128xi32, #tpu.memory_space<hbm>>
          tpu.wait_dma2 semaphore(%run_scoped3A_145 : memref<!tpu.dma_semaphore, #tpu.memory_space<semaphore_mem>>) src(%dma_wait3A_149 : memref<128xi32, #tpu.memory_space<hbm>>) dst(%arg16 : memref<128xi32, #tpu.memory_space<vmem>>)
          tpu.yield
        }) : () -> ()
        %add3A_77 = arith.constant 128 : i32
        %add3A_78 = arith.addi %mul3A_74, %add3A_77 : i32
        "tpu.region"() ({
          %run_scoped3A_145 = tpu.sem_alloc : memref<!tpu.dma_semaphore, #tpu.memory_space<semaphore_mem>>
          %dma_start3A_146 = tpu.memref_slice %arg5[%add3A_78] : memref<1638400xi32, #tpu.memory_space<hbm>> -> memref<128xi32, #tpu.memory_space<hbm>>
          %dma_start3A_147 = tpu.memref_slice %arg5[%add3A_78] : memref<1638400xi32, #tpu.memory_space<hbm>> -> memref<128xi32, #tpu.memory_space<hbm>>
          tpu.enqueue_dma source(%dma_start3A_147 : memref<128xi32, #tpu.memory_space<hbm>>) target(%arg17 : memref<128xi32, #tpu.memory_space<vmem>>) target_semaphore(%run_scoped3A_145 : memref<!tpu.dma_semaphore, #tpu.memory_space<semaphore_mem>>)
          %dma_wait3A_148 = tpu.memref_slice %arg5[%add3A_78] : memref<1638400xi32, #tpu.memory_space<hbm>> -> memref<128xi32, #tpu.memory_space<hbm>>
          %dma_wait3A_149 = tpu.memref_slice %arg5[%add3A_78] : memref<1638400xi32, #tpu.memory_space<hbm>> -> memref<128xi32, #tpu.memory_space<hbm>>
          tpu.wait_dma2 semaphore(%run_scoped3A_145 : memref<!tpu.dma_semaphore, #tpu.memory_space<semaphore_mem>>) src(%dma_wait3A_149 : memref<128xi32, #tpu.memory_space<hbm>>) dst(%arg17 : memref<128xi32, #tpu.memory_space<vmem>>)
          tpu.yield
        }) : () -> ()
        %add3A_79 = arith.constant 256 : i32
        %add3A_80 = arith.addi %mul3A_74, %add3A_79 : i32
        "tpu.region"() ({
          %run_scoped3A_145 = tpu.sem_alloc : memref<!tpu.dma_semaphore, #tpu.memory_space<semaphore_mem>>
          %dma_start3A_146 = tpu.memref_slice %arg5[%add3A_80] : memref<1638400xi32, #tpu.memory_space<hbm>> -> memref<128xi32, #tpu.memory_space<hbm>>
          %dma_start3A_147 = tpu.memref_slice %arg5[%add3A_80] : memref<1638400xi32, #tpu.memory_space<hbm>> -> memref<128xi32, #tpu.memory_space<hbm>>
          tpu.enqueue_dma source(%dma_start3A_147 : memref<128xi32, #tpu.memory_space<hbm>>) target(%arg18 : memref<128xi32, #tpu.memory_space<vmem>>) target_semaphore(%run_scoped3A_145 : memref<!tpu.dma_semaphore, #tpu.memory_space<semaphore_mem>>)
          %dma_wait3A_148 = tpu.memref_slice %arg5[%add3A_80] : memref<1638400xi32, #tpu.memory_space<hbm>> -> memref<128xi32, #tpu.memory_space<hbm>>
          %dma_wait3A_149 = tpu.memref_slice %arg5[%add3A_80] : memref<1638400xi32, #tpu.memory_space<hbm>> -> memref<128xi32, #tpu.memory_space<hbm>>
          tpu.wait_dma2 semaphore(%run_scoped3A_145 : memref<!tpu.dma_semaphore, #tpu.memory_space<semaphore_mem>>) src(%dma_wait3A_149 : memref<128xi32, #tpu.memory_space<hbm>>) dst(%arg18 : memref<128xi32, #tpu.memory_space<vmem>>)
          tpu.yield
        }) : () -> ()
        %add3A_81 = arith.constant 384 : i32
        %add3A_82 = arith.addi %mul3A_74, %add3A_81 : i32
        "tpu.region"() ({
          %run_scoped3A_145 = tpu.sem_alloc : memref<!tpu.dma_semaphore, #tpu.memory_space<semaphore_mem>>
          %dma_start3A_146 = tpu.memref_slice %arg5[%add3A_82] : memref<1638400xi32, #tpu.memory_space<hbm>> -> memref<128xi32, #tpu.memory_space<hbm>>
          %dma_start3A_147 = tpu.memref_slice %arg5[%add3A_82] : memref<1638400xi32, #tpu.memory_space<hbm>> -> memref<128xi32, #tpu.memory_space<hbm>>
          tpu.enqueue_dma source(%dma_start3A_147 : memref<128xi32, #tpu.memory_space<hbm>>) target(%arg19 : memref<128xi32, #tpu.memory_space<vmem>>) target_semaphore(%run_scoped3A_145 : memref<!tpu.dma_semaphore, #tpu.memory_space<semaphore_mem>>)
          %dma_wait3A_148 = tpu.memref_slice %arg5[%add3A_82] : memref<1638400xi32, #tpu.memory_space<hbm>> -> memref<128xi32, #tpu.memory_space<hbm>>
          %dma_wait3A_149 = tpu.memref_slice %arg5[%add3A_82] : memref<1638400xi32, #tpu.memory_space<hbm>> -> memref<128xi32, #tpu.memory_space<hbm>>
          tpu.wait_dma2 semaphore(%run_scoped3A_145 : memref<!tpu.dma_semaphore, #tpu.memory_space<semaphore_mem>>) src(%dma_wait3A_149 : memref<128xi32, #tpu.memory_space<hbm>>) dst(%arg19 : memref<128xi32, #tpu.memory_space<vmem>>)
          tpu.yield
        }) : () -> ()
        %dma_start3A = arith.constant 0 : i32
        %dma_start3A_83 = arith.constant 0 : i32
        %dma_start3A_84 = arith.constant 0 : i32
        %dma_start3A_85 = tpu.memref_slice %arg20[%dma_start3A, %dma_start3A_83, %dma_start3A_84] : memref<4x128x16xf32, #tpu.memory_space<vmem>> -> memref<1x128x16xf32, #tpu.memory_space<vmem>>
        %dma_start3A_86 = tpu.memref_squeeze %dma_start3A_85 : memref<1x128x16xf32, #tpu.memory_space<vmem>> -> memref<128x16xf32, #tpu.memory_space<vmem>>
        %dma_start3A_87 = arith.constant 0 : i32
        %dma_start3A_88 = arith.constant 0 : i32
        %dma_start3A_89 = tpu.memref_slice %arg14[%dma_start3A_87, %dma_start3A_88] : memref<100352x16xf32, #tpu.memory_space<vmem_shared>> -> memref<100352x16xf32, #tpu.memory_space<vmem_shared>>
        tpu.enqueue_indirect_dma source(%dma_start3A_86 : memref<128x16xf32, #tpu.memory_space<vmem>>) target(%dma_start3A_89 : memref<100352x16xf32, #tpu.memory_space<vmem_shared>>) offsets(%arg16 : memref<128xi32, #tpu.memory_space<vmem>>) semaphore(%arg25 : memref<!tpu.dma_semaphore, #tpu.memory_space<semaphore_mem>>) {add = true}
        %dma_start3A_90 = arith.constant 0 : i32
        %dma_start3A_91 = arith.constant 0 : i32
        %dma_start3A_92 = arith.constant 0 : i32
        %dma_start3A_93 = tpu.memref_slice %arg20[%dma_start3A_90, %dma_start3A_91, %dma_start3A_92] : memref<4x128x16xf32, #tpu.memory_space<vmem>> -> memref<1x128x16xf32, #tpu.memory_space<vmem>>
        %dma_start3A_94 = tpu.memref_squeeze %dma_start3A_93 : memref<1x128x16xf32, #tpu.memory_space<vmem>> -> memref<128x16xf32, #tpu.memory_space<vmem>>
        %dma_start3A_95 = arith.constant 0 : i32
        %dma_start3A_96 = arith.constant 0 : i32
        %dma_start3A_97 = tpu.memref_slice %arg14[%dma_start3A_95, %dma_start3A_96] : memref<100352x16xf32, #tpu.memory_space<vmem_shared>> -> memref<100352x16xf32, #tpu.memory_space<vmem_shared>>
        tpu.enqueue_indirect_dma source(%dma_start3A_94 : memref<128x16xf32, #tpu.memory_space<vmem>>) target(%dma_start3A_97 : memref<100352x16xf32, #tpu.memory_space<vmem_shared>>) offsets(%arg17 : memref<128xi32, #tpu.memory_space<vmem>>) semaphore(%arg25 : memref<!tpu.dma_semaphore, #tpu.memory_space<semaphore_mem>>) {add = true}
        %dma_start3A_98 = arith.constant 0 : i32
        %dma_start3A_99 = arith.constant 0 : i32
        %dma_start3A_100 = arith.constant 0 : i32
        %dma_start3A_101 = tpu.memref_slice %arg20[%dma_start3A_98, %dma_start3A_99, %dma_start3A_100] : memref<4x128x16xf32, #tpu.memory_space<vmem>> -> memref<1x128x16xf32, #tpu.memory_space<vmem>>
        %dma_start3A_102 = tpu.memref_squeeze %dma_start3A_101 : memref<1x128x16xf32, #tpu.memory_space<vmem>> -> memref<128x16xf32, #tpu.memory_space<vmem>>
        %dma_start3A_103 = arith.constant 0 : i32
        %dma_start3A_104 = arith.constant 0 : i32
        %dma_start3A_105 = tpu.memref_slice %arg14[%dma_start3A_103, %dma_start3A_104] : memref<100352x16xf32, #tpu.memory_space<vmem_shared>> -> memref<100352x16xf32, #tpu.memory_space<vmem_shared>>
        tpu.enqueue_indirect_dma source(%dma_start3A_102 : memref<128x16xf32, #tpu.memory_space<vmem>>) target(%dma_start3A_105 : memref<100352x16xf32, #tpu.memory_space<vmem_shared>>) offsets(%arg18 : memref<128xi32, #tpu.memory_space<vmem>>) semaphore(%arg25 : memref<!tpu.dma_semaphore, #tpu.memory_space<semaphore_mem>>) {add = true}
        %dma_start3A_106 = arith.constant 0 : i32
        %dma_start3A_107 = arith.constant 0 : i32
        %dma_start3A_108 = arith.constant 0 : i32
        %dma_start3A_109 = tpu.memref_slice %arg20[%dma_start3A_106, %dma_start3A_107, %dma_start3A_108] : memref<4x128x16xf32, #tpu.memory_space<vmem>> -> memref<1x128x16xf32, #tpu.memory_space<vmem>>
        %dma_start3A_110 = tpu.memref_squeeze %dma_start3A_109 : memref<1x128x16xf32, #tpu.memory_space<vmem>> -> memref<128x16xf32, #tpu.memory_space<vmem>>
        %dma_start3A_111 = arith.constant 0 : i32
        %dma_start3A_112 = arith.constant 0 : i32
        %dma_start3A_113 = tpu.memref_slice %arg14[%dma_start3A_111, %dma_start3A_112] : memref<100352x16xf32, #tpu.memory_space<vmem_shared>> -> memref<100352x16xf32, #tpu.memory_space<vmem_shared>>
        tpu.enqueue_indirect_dma source(%dma_start3A_110 : memref<128x16xf32, #tpu.memory_space<vmem>>) target(%dma_start3A_113 : memref<100352x16xf32, #tpu.memory_space<vmem_shared>>) offsets(%arg19 : memref<128xi32, #tpu.memory_space<vmem>>) semaphore(%arg25 : memref<!tpu.dma_semaphore, #tpu.memory_space<semaphore_mem>>) {add = true}
        %dma_wait3A = arith.constant 0 : i32
        %dma_wait3A_114 = arith.constant 0 : i32
        %dma_wait3A_115 = arith.constant 0 : i32
        %dma_wait3A_116 = tpu.memref_slice %arg20[%dma_wait3A, %dma_wait3A_114, %dma_wait3A_115] : memref<4x128x16xf32, #tpu.memory_space<vmem>> -> memref<1x128x16xf32, #tpu.memory_space<vmem>>
        %dma_wait3A_117 = tpu.memref_squeeze %dma_wait3A_116 : memref<1x128x16xf32, #tpu.memory_space<vmem>> -> memref<128x16xf32, #tpu.memory_space<vmem>>
        %dma_wait3A_118 = arith.constant 0 : i32
        %dma_wait3A_119 = arith.constant 0 : i32
        %dma_wait3A_120 = tpu.memref_slice %arg14[%dma_wait3A_118, %dma_wait3A_119] : memref<100352x16xf32, #tpu.memory_space<vmem_shared>> -> memref<100352x16xf32, #tpu.memory_space<vmem_shared>>
        tpu.wait_indirect_dma semaphore(%arg25 : memref<!tpu.dma_semaphore, #tpu.memory_space<semaphore_mem>>) src(%dma_wait3A_117 : memref<128x16xf32, #tpu.memory_space<vmem>>) dst(%dma_wait3A_120 : memref<100352x16xf32, #tpu.memory_space<vmem_shared>>)
        %dma_wait3A_121 = arith.constant 0 : i32
        %dma_wait3A_122 = arith.constant 0 : i32
        %dma_wait3A_123 = arith.constant 0 : i32
        %dma_wait3A_124 = tpu.memref_slice %arg20[%dma_wait3A_121, %dma_wait3A_122, %dma_wait3A_123] : memref<4x128x16xf32, #tpu.memory_space<vmem>> -> memref<1x128x16xf32, #tpu.memory_space<vmem>>
        %dma_wait3A_125 = tpu.memref_squeeze %dma_wait3A_124 : memref<1x128x16xf32, #tpu.memory_space<vmem>> -> memref<128x16xf32, #tpu.memory_space<vmem>>
        %dma_wait3A_126 = arith.constant 0 : i32
        %dma_wait3A_127 = arith.constant 0 : i32
        %dma_wait3A_128 = tpu.memref_slice %arg14[%dma_wait3A_126, %dma_wait3A_127] : memref<100352x16xf32, #tpu.memory_space<vmem_shared>> -> memref<100352x16xf32, #tpu.memory_space<vmem_shared>>
        tpu.wait_indirect_dma semaphore(%arg25 : memref<!tpu.dma_semaphore, #tpu.memory_space<semaphore_mem>>) src(%dma_wait3A_125 : memref<128x16xf32, #tpu.memory_space<vmem>>) dst(%dma_wait3A_128 : memref<100352x16xf32, #tpu.memory_space<vmem_shared>>)
        %dma_wait3A_129 = arith.constant 0 : i32
        %dma_wait3A_130 = arith.constant 0 : i32
        %dma_wait3A_131 = arith.constant 0 : i32
        %dma_wait3A_132 = tpu.memref_slice %arg20[%dma_wait3A_129, %dma_wait3A_130, %dma_wait3A_131] : memref<4x128x16xf32, #tpu.memory_space<vmem>> -> memref<1x128x16xf32, #tpu.memory_space<vmem>>
        %dma_wait3A_133 = tpu.memref_squeeze %dma_wait3A_132 : memref<1x128x16xf32, #tpu.memory_space<vmem>> -> memref<128x16xf32, #tpu.memory_space<vmem>>
        %dma_wait3A_134 = arith.constant 0 : i32
        %dma_wait3A_135 = arith.constant 0 : i32
        %dma_wait3A_136 = tpu.memref_slice %arg14[%dma_wait3A_134, %dma_wait3A_135] : memref<100352x16xf32, #tpu.memory_space<vmem_shared>> -> memref<100352x16xf32, #tpu.memory_space<vmem_shared>>
        tpu.wait_indirect_dma semaphore(%arg25 : memref<!tpu.dma_semaphore, #tpu.memory_space<semaphore_mem>>) src(%dma_wait3A_133 : memref<128x16xf32, #tpu.memory_space<vmem>>) dst(%dma_wait3A_136 : memref<100352x16xf32, #tpu.memory_space<vmem_shared>>)
        %dma_wait3A_137 = arith.constant 0 : i32
        %dma_wait3A_138 = arith.constant 0 : i32
        %dma_wait3A_139 = arith.constant 0 : i32
        %dma_wait3A_140 = tpu.memref_slice %arg20[%dma_wait3A_137, %dma_wait3A_138, %dma_wait3A_139] : memref<4x128x16xf32, #tpu.memory_space<vmem>> -> memref<1x128x16xf32, #tpu.memory_space<vmem>>
        %dma_wait3A_141 = tpu.memref_squeeze %dma_wait3A_140 : memref<1x128x16xf32, #tpu.memory_space<vmem>> -> memref<128x16xf32, #tpu.memory_space<vmem>>
        %dma_wait3A_142 = arith.constant 0 : i32
        %dma_wait3A_143 = arith.constant 0 : i32
        %dma_wait3A_144 = tpu.memref_slice %arg14[%dma_wait3A_142, %dma_wait3A_143] : memref<100352x16xf32, #tpu.memory_space<vmem_shared>> -> memref<100352x16xf32, #tpu.memory_space<vmem_shared>>
        tpu.wait_indirect_dma semaphore(%arg25 : memref<!tpu.dma_semaphore, #tpu.memory_space<semaphore_mem>>) src(%dma_wait3A_141 : memref<128x16xf32, #tpu.memory_space<vmem>>) dst(%dma_wait3A_144 : memref<100352x16xf32, #tpu.memory_space<vmem_shared>>)
      }
      %scan3A_14 = arith.constant 200 : i32
      %barrier3A_15 = arith.constant 0 : index
      tpu.barrier barrier_id(%barrier3A_15)
      %scan3A_16 = arith.constant 0 : i32
      %scan3A_17 = arith.constant 0 : i32
      %scan3A_18 = arith.constant 49 : i32
      %scan3A_19 = arith.addi %scan3A_17, %scan3A_18 : i32
      %scan3A_20 = arith.constant 1 : i32
      scf.for %scan3A_70 = %scan3A_17 to %scan3A_19 step %scan3A_20  : i32 {
        %mul3A_71 = arith.constant 128 : i32
        %mul3A_72 = arith.muli %scan3A_70, %mul3A_71 : i32
        %add3A = arith.addi %mul3A_7, %mul3A_72 : i32
        "tpu.region"() ({
          %run_scoped3A_79 = tpu.sem_alloc : memref<!tpu.dma_semaphore, #tpu.memory_space<semaphore_mem>>
          %dma_start3A = arith.constant 0 : i32
          %dma_start3A_80 = tpu.memref_slice %arg14[%add3A, %dma_start3A] : memref<100352x16xf32, #tpu.memory_space<vmem_shared>> -> memref<128x16xf32, #tpu.memory_space<vmem_shared>>
          %dma_start3A_81 = arith.constant 0 : i32
          %dma_start3A_82 = tpu.memref_slice %arg14[%add3A, %dma_start3A_81] : memref<100352x16xf32, #tpu.memory_space<vmem_shared>> -> memref<128x16xf32, #tpu.memory_space<vmem_shared>>
          tpu.enqueue_dma source(%dma_start3A_82 : memref<128x16xf32, #tpu.memory_space<vmem_shared>>) target(%arg22 : memref<128x16xf32, #tpu.memory_space<vmem>>) target_semaphore(%run_scoped3A_79 : memref<!tpu.dma_semaphore, #tpu.memory_space<semaphore_mem>>)
          %dma_wait3A = arith.constant 0 : i32
          %dma_wait3A_83 = tpu.memref_slice %arg14[%add3A, %dma_wait3A] : memref<100352x16xf32, #tpu.memory_space<vmem_shared>> -> memref<128x16xf32, #tpu.memory_space<vmem_shared>>
          %dma_wait3A_84 = arith.constant 0 : i32
          %dma_wait3A_85 = tpu.memref_slice %arg14[%add3A, %dma_wait3A_84] : memref<100352x16xf32, #tpu.memory_space<vmem_shared>> -> memref<128x16xf32, #tpu.memory_space<vmem_shared>>
          tpu.wait_dma2 semaphore(%run_scoped3A_79 : memref<!tpu.dma_semaphore, #tpu.memory_space<semaphore_mem>>) src(%dma_wait3A_85 : memref<128x16xf32, #tpu.memory_space<vmem_shared>>) dst(%arg22 : memref<128x16xf32, #tpu.memory_space<vmem>>)
          tpu.yield
        }) : () -> ()
        %scan3A_73 = arith.constant 0 : i32
        %scan3A_74 = arith.constant 0 : i32
        %scan3A_75 = arith.constant 128 : i32
        %scan3A_76 = arith.addi %scan3A_74, %scan3A_75 : i32
        %scan3A_77 = arith.constant 1 : i32
        scf.for %scan3A_79 = %scan3A_74 to %scan3A_76 step %scan3A_77  : i32 {
          %get3A = arith.index_cast %scan3A_79 : i32 to index
          %get3A_80 = arith.constant 0 : index
          %get3A_81 = tpu.vector_load %arg22[%get3A, %get3A_80] {strides = array<i32>} : memref<128x16xf32, #tpu.memory_space<vmem>>, vector<1x16xf32>,
          %get3A_82 = vector.shape_cast %get3A_81 : vector<1x16xf32> to vector<16xf32>
          %max3A = arith.constant 1.000000e+00 : f32
          %max3A_83 = vector.broadcast %max3A : f32 to vector<16xf32>
          %max3A_84 = arith.maximumf %get3A_82, %max3A_83 : vector<16xf32>
          %bitcast_convert_type3A = tpu.bitcast %max3A_84 : vector<16xf32> -> vector<16xi32>
          %shift_right_logical3A = arith.constant 1 : i32
          %shift_right_logical3A_85 = vector.broadcast %shift_right_logical3A : i32 to vector<16xi32>
          %shift_right_logical3A_86 = arith.shrui %bitcast_convert_type3A, %shift_right_logical3A_85 : vector<16xi32>
          %sub3A = arith.constant 1597463007 : i32
          %sub3A_87 = vector.broadcast %sub3A : i32 to vector<16xi32>
          %sub3A_88 = arith.subi %sub3A_87, %shift_right_logical3A_86 : vector<16xi32>
          %bitcast_convert_type3A_89 = tpu.bitcast %sub3A_88 : vector<16xi32> -> vector<16xf32>
          %mul3A_90 = arith.constant 5.000000e-01 : f32
          %mul3A_91 = vector.broadcast %mul3A_90 : f32 to vector<16xf32>
          %mul3A_92 = arith.mulf %mul3A_91, %max3A_84 : vector<16xf32>
          %mul3A_93 = arith.mulf %mul3A_92, %bitcast_convert_type3A_89 : vector<16xf32>
          %mul3A_94 = arith.mulf %mul3A_93, %bitcast_convert_type3A_89 : vector<16xf32>
          %sub3A_95 = arith.constant 1.500000e+00 : f32
          %sub3A_96 = vector.broadcast %sub3A_95 : f32 to vector<16xf32>
          %sub3A_97 = arith.subf %sub3A_96, %mul3A_94 : vector<16xf32>
          %mul3A_98 = arith.mulf %bitcast_convert_type3A_89, %sub3A_97 : vector<16xf32>
          %mul3A_99 = arith.constant 5.000000e-01 : f32
          %mul3A_100 = vector.broadcast %mul3A_99 : f32 to vector<16xf32>
          %mul3A_101 = arith.mulf %mul3A_100, %max3A_84 : vector<16xf32>
          %mul3A_102 = arith.mulf %mul3A_101, %mul3A_98 : vector<16xf32>
          %mul3A_103 = arith.mulf %mul3A_102, %mul3A_98 : vector<16xf32>
          %sub3A_104 = arith.constant 1.500000e+00 : f32
          %sub3A_105 = vector.broadcast %sub3A_104 : f32 to vector<16xf32>
          %sub3A_106 = arith.subf %sub3A_105, %mul3A_103 : vector<16xf32>
          %mul3A_107 = arith.mulf %mul3A_98, %sub3A_106 : vector<16xf32>
          %mul3A_108 = arith.constant 5.000000e-01 : f32
          %mul3A_109 = vector.broadcast %mul3A_108 : f32 to vector<16xf32>
          %mul3A_110 = arith.mulf %mul3A_109, %max3A_84 : vector<16xf32>
          %mul3A_111 = arith.mulf %mul3A_110, %mul3A_107 : vector<16xf32>
          %mul3A_112 = arith.mulf %mul3A_111, %mul3A_107 : vector<16xf32>
          %sub3A_113 = arith.constant 1.500000e+00 : f32
          %sub3A_114 = vector.broadcast %sub3A_113 : f32 to vector<16xf32>
          %sub3A_115 = arith.subf %sub3A_114, %mul3A_112 : vector<16xf32>
          %mul3A_116 = arith.mulf %mul3A_107, %sub3A_115 : vector<16xf32>
          %gt3A = arith.constant 0.000000e+00 : f32
          %gt3A_117 = vector.broadcast %gt3A : f32 to vector<16xf32>
          %gt3A_118 = arith.cmpf ogt, %get3A_82, %gt3A_117 : vector<16xf32>
          %jit3A = arith.constant 0.000000e+00 : f32
          %broadcast_in_dim3A = vector.broadcast %jit3A : f32 to vector<16xf32>
          %select_n3A = arith.select %gt3A_118, %mul3A_116, %broadcast_in_dim3A : vector<16xi1>, vector<16xf32>
          %swap3A = arith.index_cast %scan3A_79 : i32 to index
          %swap3A_119 = arith.constant 0 : index
          %swap3A_120 = tpu.vector_load %arg22[%swap3A, %swap3A_119] {strides = array<i32>} : memref<128x16xf32, #tpu.memory_space<vmem>>, vector<1x16xf32>,
          %swap3A_121 = vector.shape_cast %swap3A_120 : vector<1x16xf32> to vector<16xf32>
          %swap3A_122 = vector.shape_cast %select_n3A : vector<16xf32> to vector<1x16xf32>
          tpu.vector_store %arg22[%swap3A, %swap3A_119], %swap3A_122 {strides = array<i32>} : memref<128x16xf32, #tpu.memory_space<vmem>>, vector<1x16xf32>,
        }
        %scan3A_78 = arith.constant 128 : i32
        "tpu.region"() ({
          %run_scoped3A_79 = tpu.sem_alloc : memref<!tpu.dma_semaphore, #tpu.memory_space<semaphore_mem>>
          %dma_start3A = arith.constant 0 : i32
          %dma_start3A_80 = tpu.memref_slice %arg12[%add3A, %dma_start3A] : memref<100352x16xf32, #tpu.memory_space<hbm>> -> memref<128x16xf32, #tpu.memory_space<hbm>>
          %dma_start3A_81 = arith.constant 0 : i32
          %dma_start3A_82 = tpu.memref_slice %arg12[%add3A, %dma_start3A_81] : memref<100352x16xf32, #tpu.memory_space<hbm>> -> memref<128x16xf32, #tpu.memory_space<hbm>>
          tpu.enqueue_dma source(%arg22 : memref<128x16xf32, #tpu.memory_space<vmem>>) target(%dma_start3A_82 : memref<128x16xf32, #tpu.memory_space<hbm>>) target_semaphore(%run_scoped3A_79 : memref<!tpu.dma_semaphore, #tpu.memory_space<semaphore_mem>>)
          %dma_wait3A = arith.constant 0 : i32
          %dma_wait3A_83 = tpu.memref_slice %arg12[%add3A, %dma_wait3A] : memref<100352x16xf32, #tpu.memory_space<hbm>> -> memref<128x16xf32, #tpu.memory_space<hbm>>
          %dma_wait3A_84 = arith.constant 0 : i32
          %dma_wait3A_85 = tpu.memref_slice %arg12[%add3A, %dma_wait3A_84] : memref<100352x16xf32, #tpu.memory_space<hbm>> -> memref<128x16xf32, #tpu.memory_space<hbm>>
          tpu.wait_dma2 semaphore(%run_scoped3A_79 : memref<!tpu.dma_semaphore, #tpu.memory_space<semaphore_mem>>) src(%arg22 : memref<128x16xf32, #tpu.memory_space<vmem>>) dst(%dma_wait3A_85 : memref<128x16xf32, #tpu.memory_space<hbm>>)
          tpu.yield
        }) : () -> ()
      }
      %scan3A_21 = arith.constant 49 : i32
      "tpu.region"() ({
        %run_scoped3A_70 = tpu.sem_alloc : memref<!tpu.dma_semaphore, #tpu.memory_space<semaphore_mem>>
        %dma_start3A = arith.constant 0 : i32
        %dma_start3A_71 = tpu.memref_slice %arg14[%mul3A_7, %dma_start3A] : memref<100352x16xf32, #tpu.memory_space<vmem_shared>> -> memref<6272x16xf32, #tpu.memory_space<vmem_shared>>
        tpu.enqueue_dma source(%arg7 : memref<6272x16xf32, #tpu.memory_space<hbm>>) target(%dma_start3A_71 : memref<6272x16xf32, #tpu.memory_space<vmem_shared>>) target_semaphore(%run_scoped3A_70 : memref<!tpu.dma_semaphore, #tpu.memory_space<semaphore_mem>>)
        %dma_wait3A = arith.constant 0 : i32
        %dma_wait3A_72 = tpu.memref_slice %arg14[%mul3A_7, %dma_wait3A] : memref<100352x16xf32, #tpu.memory_space<vmem_shared>> -> memref<6272x16xf32, #tpu.memory_space<vmem_shared>>
        tpu.wait_dma2 semaphore(%run_scoped3A_70 : memref<!tpu.dma_semaphore, #tpu.memory_space<semaphore_mem>>) src(%arg7 : memref<6272x16xf32, #tpu.memory_space<hbm>>) dst(%dma_wait3A_72 : memref<6272x16xf32, #tpu.memory_space<vmem_shared>>)
        tpu.yield
      }) : () -> ()
      %scan3A_22 = arith.constant 0 : i32
      %scan3A_23 = arith.constant 0 : i32
      %scan3A_24 = arith.constant 49 : i32
      %scan3A_25 = arith.addi %scan3A_23, %scan3A_24 : i32
      %scan3A_26 = arith.constant 1 : i32
      scf.for %scan3A_70 = %scan3A_23 to %scan3A_25 step %scan3A_26  : i32 {
        %mul3A_71 = arith.constant 128 : i32
        %mul3A_72 = arith.muli %scan3A_70, %mul3A_71 : i32
        %add3A = arith.addi %mul3A_7, %mul3A_72 : i32
        "tpu.region"() ({
          %run_scoped3A_79 = tpu.sem_alloc : memref<!tpu.dma_semaphore, #tpu.memory_space<semaphore_mem>>
          %dma_start3A = arith.constant 0 : i32
          %dma_start3A_80 = tpu.memref_slice %arg2[%add3A, %dma_start3A] : memref<100352x16xf32, #tpu.memory_space<hbm>> -> memref<128x16xf32, #tpu.memory_space<hbm>>
          %dma_start3A_81 = arith.constant 0 : i32
          %dma_start3A_82 = tpu.memref_slice %arg2[%add3A, %dma_start3A_81] : memref<100352x16xf32, #tpu.memory_space<hbm>> -> memref<128x16xf32, #tpu.memory_space<hbm>>
          tpu.enqueue_dma source(%dma_start3A_82 : memref<128x16xf32, #tpu.memory_space<hbm>>) target(%arg22 : memref<128x16xf32, #tpu.memory_space<vmem>>) target_semaphore(%run_scoped3A_79 : memref<!tpu.dma_semaphore, #tpu.memory_space<semaphore_mem>>)
          %dma_wait3A = arith.constant 0 : i32
          %dma_wait3A_83 = tpu.memref_slice %arg2[%add3A, %dma_wait3A] : memref<100352x16xf32, #tpu.memory_space<hbm>> -> memref<128x16xf32, #tpu.memory_space<hbm>>
          %dma_wait3A_84 = arith.constant 0 : i32
          %dma_wait3A_85 = tpu.memref_slice %arg2[%add3A, %dma_wait3A_84] : memref<100352x16xf32, #tpu.memory_space<hbm>> -> memref<128x16xf32, #tpu.memory_space<hbm>>
          tpu.wait_dma2 semaphore(%run_scoped3A_79 : memref<!tpu.dma_semaphore, #tpu.memory_space<semaphore_mem>>) src(%dma_wait3A_85 : memref<128x16xf32, #tpu.memory_space<hbm>>) dst(%arg22 : memref<128x16xf32, #tpu.memory_space<vmem>>)
          tpu.yield
        }) : () -> ()
        "tpu.region"() ({
          %run_scoped3A_79 = tpu.sem_alloc : memref<!tpu.dma_semaphore, #tpu.memory_space<semaphore_mem>>
          %dma_start3A = arith.constant 0 : i32
          %dma_start3A_80 = tpu.memref_slice %arg12[%add3A, %dma_start3A] : memref<100352x16xf32, #tpu.memory_space<hbm>> -> memref<128x16xf32, #tpu.memory_space<hbm>>
          %dma_start3A_81 = arith.constant 0 : i32
          %dma_start3A_82 = tpu.memref_slice %arg12[%add3A, %dma_start3A_81] : memref<100352x16xf32, #tpu.memory_space<hbm>> -> memref<128x16xf32, #tpu.memory_space<hbm>>
          tpu.enqueue_dma source(%dma_start3A_82 : memref<128x16xf32, #tpu.memory_space<hbm>>) target(%arg21 : memref<128x16xf32, #tpu.memory_space<vmem>>) target_semaphore(%run_scoped3A_79 : memref<!tpu.dma_semaphore, #tpu.memory_space<semaphore_mem>>)
          %dma_wait3A = arith.constant 0 : i32
          %dma_wait3A_83 = tpu.memref_slice %arg12[%add3A, %dma_wait3A] : memref<100352x16xf32, #tpu.memory_space<hbm>> -> memref<128x16xf32, #tpu.memory_space<hbm>>
          %dma_wait3A_84 = arith.constant 0 : i32
          %dma_wait3A_85 = tpu.memref_slice %arg12[%add3A, %dma_wait3A_84] : memref<100352x16xf32, #tpu.memory_space<hbm>> -> memref<128x16xf32, #tpu.memory_space<hbm>>
          tpu.wait_dma2 semaphore(%run_scoped3A_79 : memref<!tpu.dma_semaphore, #tpu.memory_space<semaphore_mem>>) src(%dma_wait3A_85 : memref<128x16xf32, #tpu.memory_space<hbm>>) dst(%arg21 : memref<128x16xf32, #tpu.memory_space<vmem>>)
          tpu.yield
        }) : () -> ()
        %scan3A_73 = arith.constant 0 : i32
        %scan3A_74 = arith.constant 0 : i32
        %scan3A_75 = arith.constant 128 : i32
        %scan3A_76 = arith.addi %scan3A_74, %scan3A_75 : i32
        %scan3A_77 = arith.constant 1 : i32
        scf.for %scan3A_79 = %scan3A_74 to %scan3A_76 step %scan3A_77  : i32 {
          %get3A = arith.index_cast %scan3A_79 : i32 to index
          %get3A_80 = arith.constant 0 : index
          %get3A_81 = tpu.vector_load %arg22[%get3A, %get3A_80] {strides = array<i32>} : memref<128x16xf32, #tpu.memory_space<vmem>>, vector<1x16xf32>,
          %get3A_82 = vector.shape_cast %get3A_81 : vector<1x16xf32> to vector<16xf32>
          %mul3A_83 = arith.constant 2.500000e-01 : f32
          %mul3A_84 = vector.broadcast %mul3A_83 : f32 to vector<16xf32>
          %mul3A_85 = arith.mulf %mul3A_84, %get3A_82 : vector<16xf32>
          %swap3A = arith.index_cast %scan3A_79 : i32 to index
          %swap3A_86 = arith.constant 0 : index
          %swap3A_87 = tpu.vector_load %arg23[%swap3A, %swap3A_86] {strides = array<i32>} : memref<128x16xf32, #tpu.memory_space<vmem>>, vector<1x16xf32>,
          %swap3A_88 = vector.shape_cast %swap3A_87 : vector<1x16xf32> to vector<16xf32>
          %swap3A_89 = vector.shape_cast %mul3A_85 : vector<16xf32> to vector<1x16xf32>
          tpu.vector_store %arg23[%swap3A, %swap3A_86], %swap3A_89 {strides = array<i32>} : memref<128x16xf32, #tpu.memory_space<vmem>>, vector<1x16xf32>,
          %get3A_90 = arith.index_cast %scan3A_79 : i32 to index
          %get3A_91 = arith.constant 0 : index
          %get3A_92 = tpu.vector_load %arg21[%get3A_90, %get3A_91] {strides = array<i32>} : memref<128x16xf32, #tpu.memory_space<vmem>>, vector<1x16xf32>,
          %get3A_93 = vector.shape_cast %get3A_92 : vector<1x16xf32> to vector<16xf32>
          %mul3A_94 = arith.mulf %get3A_93, %get3A_82 : vector<16xf32>
          %swap3A_95 = arith.index_cast %scan3A_79 : i32 to index
          %swap3A_96 = arith.constant 0 : index
          %swap3A_97 = tpu.vector_load %arg22[%swap3A_95, %swap3A_96] {strides = array<i32>} : memref<128x16xf32, #tpu.memory_space<vmem>>, vector<1x16xf32>,
          %swap3A_98 = vector.shape_cast %swap3A_97 : vector<1x16xf32> to vector<16xf32>
          %swap3A_99 = vector.shape_cast %mul3A_94 : vector<16xf32> to vector<1x16xf32>
          tpu.vector_store %arg22[%swap3A_95, %swap3A_96], %swap3A_99 {strides = array<i32>} : memref<128x16xf32, #tpu.memory_space<vmem>>, vector<1x16xf32>,
        }
        %scan3A_78 = arith.constant 128 : i32
        "tpu.region"() ({
          %run_scoped3A_79 = tpu.sem_alloc : memref<!tpu.dma_semaphore, #tpu.memory_space<semaphore_mem>>
          %dma_start3A = arith.constant 0 : i32
          %dma_start3A_80 = tpu.memref_slice %arg8[%add3A, %dma_start3A] : memref<100352x16xf32, #tpu.memory_space<hbm>> -> memref<128x16xf32, #tpu.memory_space<hbm>>
          %dma_start3A_81 = arith.constant 0 : i32
          %dma_start3A_82 = tpu.memref_slice %arg8[%add3A, %dma_start3A_81] : memref<100352x16xf32, #tpu.memory_space<hbm>> -> memref<128x16xf32, #tpu.memory_space<hbm>>
          tpu.enqueue_dma source(%arg23 : memref<128x16xf32, #tpu.memory_space<vmem>>) target(%dma_start3A_82 : memref<128x16xf32, #tpu.memory_space<hbm>>) target_semaphore(%run_scoped3A_79 : memref<!tpu.dma_semaphore, #tpu.memory_space<semaphore_mem>>)
          %dma_wait3A = arith.constant 0 : i32
          %dma_wait3A_83 = tpu.memref_slice %arg8[%add3A, %dma_wait3A] : memref<100352x16xf32, #tpu.memory_space<hbm>> -> memref<128x16xf32, #tpu.memory_space<hbm>>
          %dma_wait3A_84 = arith.constant 0 : i32
          %dma_wait3A_85 = tpu.memref_slice %arg8[%add3A, %dma_wait3A_84] : memref<100352x16xf32, #tpu.memory_space<hbm>> -> memref<128x16xf32, #tpu.memory_space<hbm>>
          tpu.wait_dma2 semaphore(%run_scoped3A_79 : memref<!tpu.dma_semaphore, #tpu.memory_space<semaphore_mem>>) src(%arg23 : memref<128x16xf32, #tpu.memory_space<vmem>>) dst(%dma_wait3A_85 : memref<128x16xf32, #tpu.memory_space<hbm>>)
          tpu.yield
        }) : () -> ()
        "tpu.region"() ({
          %run_scoped3A_79 = tpu.sem_alloc : memref<!tpu.dma_semaphore, #tpu.memory_space<semaphore_mem>>
          %dma_start3A = arith.constant 0 : i32
          %dma_start3A_80 = tpu.memref_slice %arg10[%add3A, %dma_start3A] : memref<100352x16xf32, #tpu.memory_space<hbm>> -> memref<128x16xf32, #tpu.memory_space<hbm>>
          %dma_start3A_81 = arith.constant 0 : i32
          %dma_start3A_82 = tpu.memref_slice %arg10[%add3A, %dma_start3A_81] : memref<100352x16xf32, #tpu.memory_space<hbm>> -> memref<128x16xf32, #tpu.memory_space<hbm>>
          tpu.enqueue_dma source(%arg22 : memref<128x16xf32, #tpu.memory_space<vmem>>) target(%dma_start3A_82 : memref<128x16xf32, #tpu.memory_space<hbm>>) target_semaphore(%run_scoped3A_79 : memref<!tpu.dma_semaphore, #tpu.memory_space<semaphore_mem>>)
          %dma_wait3A = arith.constant 0 : i32
          %dma_wait3A_83 = tpu.memref_slice %arg10[%add3A, %dma_wait3A] : memref<100352x16xf32, #tpu.memory_space<hbm>> -> memref<128x16xf32, #tpu.memory_space<hbm>>
          %dma_wait3A_84 = arith.constant 0 : i32
          %dma_wait3A_85 = tpu.memref_slice %arg10[%add3A, %dma_wait3A_84] : memref<100352x16xf32, #tpu.memory_space<hbm>> -> memref<128x16xf32, #tpu.memory_space<hbm>>
          tpu.wait_dma2 semaphore(%run_scoped3A_79 : memref<!tpu.dma_semaphore, #tpu.memory_space<semaphore_mem>>) src(%arg22 : memref<128x16xf32, #tpu.memory_space<vmem>>) dst(%dma_wait3A_85 : memref<128x16xf32, #tpu.memory_space<hbm>>)
          tpu.yield
        }) : () -> ()
      }
      %scan3A_27 = arith.constant 49 : i32
      %barrier3A_28 = arith.constant 0 : index
      tpu.barrier barrier_id(%barrier3A_28)
      %scan3A_29 = arith.constant 0 : i32
      %scan3A_30 = arith.constant 0 : i32
      %scan3A_31 = arith.constant 200 : i32
      %scan3A_32 = arith.addi %scan3A_30, %scan3A_31 : i32
      %scan3A_33 = arith.constant 1 : i32
      scf.for %scan3A_70 = %scan3A_30 to %scan3A_32 step %scan3A_33  : i32 {
        %mul3A_71 = arith.constant 4 : i32
        %mul3A_72 = arith.muli %scan3A_70, %mul3A_71 : i32
        %add3A = arith.addi %mul3A_9, %mul3A_72 : i32
        "tpu.region"() ({
          %run_scoped3A_244 = tpu.sem_alloc : memref<!tpu.dma_semaphore, #tpu.memory_space<semaphore_mem>>
          %dma_start3A_245 = arith.constant 0 : i32
          %dma_start3A_246 = arith.constant 0 : i32
          %dma_start3A_247 = tpu.memref_slice %arg15[%dma_start3A_245, %dma_start3A_246] : memref<4x128xi32, #tpu.memory_space<vmem>> -> memref<4x128xi32, #tpu.memory_space<vmem>>
          %dma_start3A_248 = arith.constant 0 : i32
          %dma_start3A_249 = tpu.memref_slice %arg4[%add3A, %dma_start3A_248] : memref<12800x128xi32, #tpu.memory_space<hbm>> -> memref<4x128xi32, #tpu.memory_space<hbm>>
          %dma_start3A_250 = arith.constant 0 : i32
          %dma_start3A_251 = arith.constant 0 : i32
          %dma_start3A_252 = tpu.memref_slice %arg15[%dma_start3A_250, %dma_start3A_251] : memref<4x128xi32, #tpu.memory_space<vmem>> -> memref<4x128xi32, #tpu.memory_space<vmem>>
          %dma_start3A_253 = arith.constant 0 : i32
          %dma_start3A_254 = tpu.memref_slice %arg4[%add3A, %dma_start3A_253] : memref<12800x128xi32, #tpu.memory_space<hbm>> -> memref<4x128xi32, #tpu.memory_space<hbm>>
          tpu.enqueue_dma source(%dma_start3A_254 : memref<4x128xi32, #tpu.memory_space<hbm>>) target(%dma_start3A_252 : memref<4x128xi32, #tpu.memory_space<vmem>>) target_semaphore(%run_scoped3A_244 : memref<!tpu.dma_semaphore, #tpu.memory_space<semaphore_mem>>)
          %dma_wait3A_255 = arith.constant 0 : i32
          %dma_wait3A_256 = arith.constant 0 : i32
          %dma_wait3A_257 = tpu.memref_slice %arg15[%dma_wait3A_255, %dma_wait3A_256] : memref<4x128xi32, #tpu.memory_space<vmem>> -> memref<4x128xi32, #tpu.memory_space<vmem>>
          %dma_wait3A_258 = arith.constant 0 : i32
          %dma_wait3A_259 = tpu.memref_slice %arg4[%add3A, %dma_wait3A_258] : memref<12800x128xi32, #tpu.memory_space<hbm>> -> memref<4x128xi32, #tpu.memory_space<hbm>>
          %dma_wait3A_260 = arith.constant 0 : i32
          %dma_wait3A_261 = arith.constant 0 : i32
          %dma_wait3A_262 = tpu.memref_slice %arg15[%dma_wait3A_260, %dma_wait3A_261] : memref<4x128xi32, #tpu.memory_space<vmem>> -> memref<4x128xi32, #tpu.memory_space<vmem>>
          %dma_wait3A_263 = arith.constant 0 : i32
          %dma_wait3A_264 = tpu.memref_slice %arg4[%add3A, %dma_wait3A_263] : memref<12800x128xi32, #tpu.memory_space<hbm>> -> memref<4x128xi32, #tpu.memory_space<hbm>>
          tpu.wait_dma2 semaphore(%run_scoped3A_244 : memref<!tpu.dma_semaphore, #tpu.memory_space<semaphore_mem>>) src(%dma_wait3A_264 : memref<4x128xi32, #tpu.memory_space<hbm>>) dst(%dma_wait3A_262 : memref<4x128xi32, #tpu.memory_space<vmem>>)
          tpu.yield
        }) : () -> ()
        %mul3A_73 = arith.constant 4 : i32
        %mul3A_74 = arith.muli %scan3A_70, %mul3A_73 : i32
        %add3A_75 = arith.addi %mul3A_9, %mul3A_74 : i32
        %mul3A_76 = arith.constant 128 : i32
        %mul3A_77 = arith.muli %add3A_75, %mul3A_76 : i32
        %add3A_78 = arith.constant 0 : i32
        %add3A_79 = arith.addi %mul3A_77, %add3A_78 : i32
        "tpu.region"() ({
          %run_scoped3A_244 = tpu.sem_alloc : memref<!tpu.dma_semaphore, #tpu.memory_space<semaphore_mem>>
          %dma_start3A_245 = tpu.memref_slice %arg5[%add3A_79] : memref<1638400xi32, #tpu.memory_space<hbm>> -> memref<128xi32, #tpu.memory_space<hbm>>
          %dma_start3A_246 = tpu.memref_slice %arg5[%add3A_79] : memref<1638400xi32, #tpu.memory_space<hbm>> -> memref<128xi32, #tpu.memory_space<hbm>>
          tpu.enqueue_dma source(%dma_start3A_246 : memref<128xi32, #tpu.memory_space<hbm>>) target(%arg16 : memref<128xi32, #tpu.memory_space<vmem>>) target_semaphore(%run_scoped3A_244 : memref<!tpu.dma_semaphore, #tpu.memory_space<semaphore_mem>>)
          %dma_wait3A_247 = tpu.memref_slice %arg5[%add3A_79] : memref<1638400xi32, #tpu.memory_space<hbm>> -> memref<128xi32, #tpu.memory_space<hbm>>
          %dma_wait3A_248 = tpu.memref_slice %arg5[%add3A_79] : memref<1638400xi32, #tpu.memory_space<hbm>> -> memref<128xi32, #tpu.memory_space<hbm>>
          tpu.wait_dma2 semaphore(%run_scoped3A_244 : memref<!tpu.dma_semaphore, #tpu.memory_space<semaphore_mem>>) src(%dma_wait3A_248 : memref<128xi32, #tpu.memory_space<hbm>>) dst(%arg16 : memref<128xi32, #tpu.memory_space<vmem>>)
          tpu.yield
        }) : () -> ()
        %add3A_80 = arith.constant 128 : i32
        %add3A_81 = arith.addi %mul3A_77, %add3A_80 : i32
        "tpu.region"() ({
          %run_scoped3A_244 = tpu.sem_alloc : memref<!tpu.dma_semaphore, #tpu.memory_space<semaphore_mem>>
          %dma_start3A_245 = tpu.memref_slice %arg5[%add3A_81] : memref<1638400xi32, #tpu.memory_space<hbm>> -> memref<128xi32, #tpu.memory_space<hbm>>
          %dma_start3A_246 = tpu.memref_slice %arg5[%add3A_81] : memref<1638400xi32, #tpu.memory_space<hbm>> -> memref<128xi32, #tpu.memory_space<hbm>>
          tpu.enqueue_dma source(%dma_start3A_246 : memref<128xi32, #tpu.memory_space<hbm>>) target(%arg17 : memref<128xi32, #tpu.memory_space<vmem>>) target_semaphore(%run_scoped3A_244 : memref<!tpu.dma_semaphore, #tpu.memory_space<semaphore_mem>>)
          %dma_wait3A_247 = tpu.memref_slice %arg5[%add3A_81] : memref<1638400xi32, #tpu.memory_space<hbm>> -> memref<128xi32, #tpu.memory_space<hbm>>
          %dma_wait3A_248 = tpu.memref_slice %arg5[%add3A_81] : memref<1638400xi32, #tpu.memory_space<hbm>> -> memref<128xi32, #tpu.memory_space<hbm>>
          tpu.wait_dma2 semaphore(%run_scoped3A_244 : memref<!tpu.dma_semaphore, #tpu.memory_space<semaphore_mem>>) src(%dma_wait3A_248 : memref<128xi32, #tpu.memory_space<hbm>>) dst(%arg17 : memref<128xi32, #tpu.memory_space<vmem>>)
          tpu.yield
        }) : () -> ()
        %add3A_82 = arith.constant 256 : i32
        %add3A_83 = arith.addi %mul3A_77, %add3A_82 : i32
        "tpu.region"() ({
          %run_scoped3A_244 = tpu.sem_alloc : memref<!tpu.dma_semaphore, #tpu.memory_space<semaphore_mem>>
          %dma_start3A_245 = tpu.memref_slice %arg5[%add3A_83] : memref<1638400xi32, #tpu.memory_space<hbm>> -> memref<128xi32, #tpu.memory_space<hbm>>
          %dma_start3A_246 = tpu.memref_slice %arg5[%add3A_83] : memref<1638400xi32, #tpu.memory_space<hbm>> -> memref<128xi32, #tpu.memory_space<hbm>>
          tpu.enqueue_dma source(%dma_start3A_246 : memref<128xi32, #tpu.memory_space<hbm>>) target(%arg18 : memref<128xi32, #tpu.memory_space<vmem>>) target_semaphore(%run_scoped3A_244 : memref<!tpu.dma_semaphore, #tpu.memory_space<semaphore_mem>>)
          %dma_wait3A_247 = tpu.memref_slice %arg5[%add3A_83] : memref<1638400xi32, #tpu.memory_space<hbm>> -> memref<128xi32, #tpu.memory_space<hbm>>
          %dma_wait3A_248 = tpu.memref_slice %arg5[%add3A_83] : memref<1638400xi32, #tpu.memory_space<hbm>> -> memref<128xi32, #tpu.memory_space<hbm>>
          tpu.wait_dma2 semaphore(%run_scoped3A_244 : memref<!tpu.dma_semaphore, #tpu.memory_space<semaphore_mem>>) src(%dma_wait3A_248 : memref<128xi32, #tpu.memory_space<hbm>>) dst(%arg18 : memref<128xi32, #tpu.memory_space<vmem>>)
          tpu.yield
        }) : () -> ()
        %add3A_84 = arith.constant 384 : i32
        %add3A_85 = arith.addi %mul3A_77, %add3A_84 : i32
        "tpu.region"() ({
          %run_scoped3A_244 = tpu.sem_alloc : memref<!tpu.dma_semaphore, #tpu.memory_space<semaphore_mem>>
          %dma_start3A_245 = tpu.memref_slice %arg5[%add3A_85] : memref<1638400xi32, #tpu.memory_space<hbm>> -> memref<128xi32, #tpu.memory_space<hbm>>
          %dma_start3A_246 = tpu.memref_slice %arg5[%add3A_85] : memref<1638400xi32, #tpu.memory_space<hbm>> -> memref<128xi32, #tpu.memory_space<hbm>>
          tpu.enqueue_dma source(%dma_start3A_246 : memref<128xi32, #tpu.memory_space<hbm>>) target(%arg19 : memref<128xi32, #tpu.memory_space<vmem>>) target_semaphore(%run_scoped3A_244 : memref<!tpu.dma_semaphore, #tpu.memory_space<semaphore_mem>>)
          %dma_wait3A_247 = tpu.memref_slice %arg5[%add3A_85] : memref<1638400xi32, #tpu.memory_space<hbm>> -> memref<128xi32, #tpu.memory_space<hbm>>
          %dma_wait3A_248 = tpu.memref_slice %arg5[%add3A_85] : memref<1638400xi32, #tpu.memory_space<hbm>> -> memref<128xi32, #tpu.memory_space<hbm>>
          tpu.wait_dma2 semaphore(%run_scoped3A_244 : memref<!tpu.dma_semaphore, #tpu.memory_space<semaphore_mem>>) src(%dma_wait3A_248 : memref<128xi32, #tpu.memory_space<hbm>>) dst(%arg19 : memref<128xi32, #tpu.memory_space<vmem>>)
          tpu.yield
        }) : () -> ()
        %dma_start3A = arith.constant 0 : i32
        %dma_start3A_86 = arith.constant 0 : i32
        %dma_start3A_87 = arith.constant 0 : i32
        %dma_start3A_88 = arith.constant 0 : i32
        %dma_start3A_89 = tpu.memref_slice %arg20[%dma_start3A_86, %dma_start3A_87, %dma_start3A_88] : memref<4x128x16xf32, #tpu.memory_space<vmem>> -> memref<1x128x16xf32, #tpu.memory_space<vmem>>
        %dma_start3A_90 = tpu.memref_squeeze %dma_start3A_89 : memref<1x128x16xf32, #tpu.memory_space<vmem>> -> memref<128x16xf32, #tpu.memory_space<vmem>>
        %dma_start3A_91 = arith.constant 0 : i32
        %dma_start3A_92 = tpu.memref_slice %arg15[%dma_start3A, %dma_start3A_91] : memref<4x128xi32, #tpu.memory_space<vmem>> -> memref<1x128xi32, #tpu.memory_space<vmem>>
        %dma_start3A_93 = tpu.memref_squeeze %dma_start3A_92 : memref<1x128xi32, #tpu.memory_space<vmem>> -> memref<128xi32, #tpu.memory_space<vmem>>
        %dma_start3A_94 = arith.constant 0 : i32
        %dma_start3A_95 = arith.constant 0 : i32
        %dma_start3A_96 = tpu.memref_slice %arg10[%dma_start3A_94, %dma_start3A_95] : memref<100352x16xf32, #tpu.memory_space<hbm>> -> memref<100352x16xf32, #tpu.memory_space<hbm>>
        tpu.enqueue_indirect_dma source(%dma_start3A_96 : memref<100352x16xf32, #tpu.memory_space<hbm>>) target(%dma_start3A_90 : memref<128x16xf32, #tpu.memory_space<vmem>>) offsets(%dma_start3A_93 : memref<128xi32, #tpu.memory_space<vmem>>) semaphore(%arg24 : memref<!tpu.dma_semaphore, #tpu.memory_space<semaphore_mem>>)
        %dma_start3A_97 = arith.constant 1 : i32
        %dma_start3A_98 = arith.constant 1 : i32
        %dma_start3A_99 = arith.constant 0 : i32
        %dma_start3A_100 = arith.constant 0 : i32
        %dma_start3A_101 = tpu.memref_slice %arg20[%dma_start3A_98, %dma_start3A_99, %dma_start3A_100] : memref<4x128x16xf32, #tpu.memory_space<vmem>> -> memref<1x128x16xf32, #tpu.memory_space<vmem>>
        %dma_start3A_102 = tpu.memref_squeeze %dma_start3A_101 : memref<1x128x16xf32, #tpu.memory_space<vmem>> -> memref<128x16xf32, #tpu.memory_space<vmem>>
        %dma_start3A_103 = arith.constant 0 : i32
        %dma_start3A_104 = tpu.memref_slice %arg15[%dma_start3A_97, %dma_start3A_103] : memref<4x128xi32, #tpu.memory_space<vmem>> -> memref<1x128xi32, #tpu.memory_space<vmem>>
        %dma_start3A_105 = tpu.memref_squeeze %dma_start3A_104 : memref<1x128xi32, #tpu.memory_space<vmem>> -> memref<128xi32, #tpu.memory_space<vmem>>
        %dma_start3A_106 = arith.constant 0 : i32
        %dma_start3A_107 = arith.constant 0 : i32
        %dma_start3A_108 = tpu.memref_slice %arg10[%dma_start3A_106, %dma_start3A_107] : memref<100352x16xf32, #tpu.memory_space<hbm>> -> memref<100352x16xf32, #tpu.memory_space<hbm>>
        tpu.enqueue_indirect_dma source(%dma_start3A_108 : memref<100352x16xf32, #tpu.memory_space<hbm>>) target(%dma_start3A_102 : memref<128x16xf32, #tpu.memory_space<vmem>>) offsets(%dma_start3A_105 : memref<128xi32, #tpu.memory_space<vmem>>) semaphore(%arg24 : memref<!tpu.dma_semaphore, #tpu.memory_space<semaphore_mem>>)
        %dma_start3A_109 = arith.constant 2 : i32
        %dma_start3A_110 = arith.constant 2 : i32
        %dma_start3A_111 = arith.constant 0 : i32
        %dma_start3A_112 = arith.constant 0 : i32
        %dma_start3A_113 = tpu.memref_slice %arg20[%dma_start3A_110, %dma_start3A_111, %dma_start3A_112] : memref<4x128x16xf32, #tpu.memory_space<vmem>> -> memref<1x128x16xf32, #tpu.memory_space<vmem>>
        %dma_start3A_114 = tpu.memref_squeeze %dma_start3A_113 : memref<1x128x16xf32, #tpu.memory_space<vmem>> -> memref<128x16xf32, #tpu.memory_space<vmem>>
        %dma_start3A_115 = arith.constant 0 : i32
        %dma_start3A_116 = tpu.memref_slice %arg15[%dma_start3A_109, %dma_start3A_115] : memref<4x128xi32, #tpu.memory_space<vmem>> -> memref<1x128xi32, #tpu.memory_space<vmem>>
        %dma_start3A_117 = tpu.memref_squeeze %dma_start3A_116 : memref<1x128xi32, #tpu.memory_space<vmem>> -> memref<128xi32, #tpu.memory_space<vmem>>
        %dma_start3A_118 = arith.constant 0 : i32
        %dma_start3A_119 = arith.constant 0 : i32
        %dma_start3A_120 = tpu.memref_slice %arg10[%dma_start3A_118, %dma_start3A_119] : memref<100352x16xf32, #tpu.memory_space<hbm>> -> memref<100352x16xf32, #tpu.memory_space<hbm>>
        tpu.enqueue_indirect_dma source(%dma_start3A_120 : memref<100352x16xf32, #tpu.memory_space<hbm>>) target(%dma_start3A_114 : memref<128x16xf32, #tpu.memory_space<vmem>>) offsets(%dma_start3A_117 : memref<128xi32, #tpu.memory_space<vmem>>) semaphore(%arg24 : memref<!tpu.dma_semaphore, #tpu.memory_space<semaphore_mem>>)
        %dma_start3A_121 = arith.constant 3 : i32
        %dma_start3A_122 = arith.constant 3 : i32
        %dma_start3A_123 = arith.constant 0 : i32
        %dma_start3A_124 = arith.constant 0 : i32
        %dma_start3A_125 = tpu.memref_slice %arg20[%dma_start3A_122, %dma_start3A_123, %dma_start3A_124] : memref<4x128x16xf32, #tpu.memory_space<vmem>> -> memref<1x128x16xf32, #tpu.memory_space<vmem>>
        %dma_start3A_126 = tpu.memref_squeeze %dma_start3A_125 : memref<1x128x16xf32, #tpu.memory_space<vmem>> -> memref<128x16xf32, #tpu.memory_space<vmem>>
        %dma_start3A_127 = arith.constant 0 : i32
        %dma_start3A_128 = tpu.memref_slice %arg15[%dma_start3A_121, %dma_start3A_127] : memref<4x128xi32, #tpu.memory_space<vmem>> -> memref<1x128xi32, #tpu.memory_space<vmem>>
        %dma_start3A_129 = tpu.memref_squeeze %dma_start3A_128 : memref<1x128xi32, #tpu.memory_space<vmem>> -> memref<128xi32, #tpu.memory_space<vmem>>
        %dma_start3A_130 = arith.constant 0 : i32
        %dma_start3A_131 = arith.constant 0 : i32
        %dma_start3A_132 = tpu.memref_slice %arg10[%dma_start3A_130, %dma_start3A_131] : memref<100352x16xf32, #tpu.memory_space<hbm>> -> memref<100352x16xf32, #tpu.memory_space<hbm>>
        tpu.enqueue_indirect_dma source(%dma_start3A_132 : memref<100352x16xf32, #tpu.memory_space<hbm>>) target(%dma_start3A_126 : memref<128x16xf32, #tpu.memory_space<vmem>>) offsets(%dma_start3A_129 : memref<128xi32, #tpu.memory_space<vmem>>) semaphore(%arg24 : memref<!tpu.dma_semaphore, #tpu.memory_space<semaphore_mem>>)
        %dma_wait3A = arith.constant 0 : i32
        %dma_wait3A_133 = arith.constant 0 : i32
        %dma_wait3A_134 = arith.constant 0 : i32
        %dma_wait3A_135 = arith.constant 0 : i32
        %dma_wait3A_136 = tpu.memref_slice %arg20[%dma_wait3A_133, %dma_wait3A_134, %dma_wait3A_135] : memref<4x128x16xf32, #tpu.memory_space<vmem>> -> memref<1x128x16xf32, #tpu.memory_space<vmem>>
        %dma_wait3A_137 = tpu.memref_squeeze %dma_wait3A_136 : memref<1x128x16xf32, #tpu.memory_space<vmem>> -> memref<128x16xf32, #tpu.memory_space<vmem>>
        %dma_wait3A_138 = arith.constant 0 : i32
        %dma_wait3A_139 = tpu.memref_slice %arg15[%dma_wait3A, %dma_wait3A_138] : memref<4x128xi32, #tpu.memory_space<vmem>> -> memref<1x128xi32, #tpu.memory_space<vmem>>
        %dma_wait3A_140 = tpu.memref_squeeze %dma_wait3A_139 : memref<1x128xi32, #tpu.memory_space<vmem>> -> memref<128xi32, #tpu.memory_space<vmem>>
        %dma_wait3A_141 = arith.constant 0 : i32
        %dma_wait3A_142 = arith.constant 0 : i32
        %dma_wait3A_143 = tpu.memref_slice %arg10[%dma_wait3A_141, %dma_wait3A_142] : memref<100352x16xf32, #tpu.memory_space<hbm>> -> memref<100352x16xf32, #tpu.memory_space<hbm>>
        tpu.wait_indirect_dma semaphore(%arg24 : memref<!tpu.dma_semaphore, #tpu.memory_space<semaphore_mem>>) src(%dma_wait3A_143 : memref<100352x16xf32, #tpu.memory_space<hbm>>) dst(%dma_wait3A_137 : memref<128x16xf32, #tpu.memory_space<vmem>>)
        %dma_wait3A_144 = arith.constant 1 : i32
        %dma_wait3A_145 = arith.constant 1 : i32
        %dma_wait3A_146 = arith.constant 0 : i32
        %dma_wait3A_147 = arith.constant 0 : i32
        %dma_wait3A_148 = tpu.memref_slice %arg20[%dma_wait3A_145, %dma_wait3A_146, %dma_wait3A_147] : memref<4x128x16xf32, #tpu.memory_space<vmem>> -> memref<1x128x16xf32, #tpu.memory_space<vmem>>
        %dma_wait3A_149 = tpu.memref_squeeze %dma_wait3A_148 : memref<1x128x16xf32, #tpu.memory_space<vmem>> -> memref<128x16xf32, #tpu.memory_space<vmem>>
        %dma_wait3A_150 = arith.constant 0 : i32
        %dma_wait3A_151 = tpu.memref_slice %arg15[%dma_wait3A_144, %dma_wait3A_150] : memref<4x128xi32, #tpu.memory_space<vmem>> -> memref<1x128xi32, #tpu.memory_space<vmem>>
        %dma_wait3A_152 = tpu.memref_squeeze %dma_wait3A_151 : memref<1x128xi32, #tpu.memory_space<vmem>> -> memref<128xi32, #tpu.memory_space<vmem>>
        %dma_wait3A_153 = arith.constant 0 : i32
        %dma_wait3A_154 = arith.constant 0 : i32
        %dma_wait3A_155 = tpu.memref_slice %arg10[%dma_wait3A_153, %dma_wait3A_154] : memref<100352x16xf32, #tpu.memory_space<hbm>> -> memref<100352x16xf32, #tpu.memory_space<hbm>>
        tpu.wait_indirect_dma semaphore(%arg24 : memref<!tpu.dma_semaphore, #tpu.memory_space<semaphore_mem>>) src(%dma_wait3A_155 : memref<100352x16xf32, #tpu.memory_space<hbm>>) dst(%dma_wait3A_149 : memref<128x16xf32, #tpu.memory_space<vmem>>)
        %dma_wait3A_156 = arith.constant 2 : i32
        %dma_wait3A_157 = arith.constant 2 : i32
        %dma_wait3A_158 = arith.constant 0 : i32
        %dma_wait3A_159 = arith.constant 0 : i32
        %dma_wait3A_160 = tpu.memref_slice %arg20[%dma_wait3A_157, %dma_wait3A_158, %dma_wait3A_159] : memref<4x128x16xf32, #tpu.memory_space<vmem>> -> memref<1x128x16xf32, #tpu.memory_space<vmem>>
        %dma_wait3A_161 = tpu.memref_squeeze %dma_wait3A_160 : memref<1x128x16xf32, #tpu.memory_space<vmem>> -> memref<128x16xf32, #tpu.memory_space<vmem>>
        %dma_wait3A_162 = arith.constant 0 : i32
        %dma_wait3A_163 = tpu.memref_slice %arg15[%dma_wait3A_156, %dma_wait3A_162] : memref<4x128xi32, #tpu.memory_space<vmem>> -> memref<1x128xi32, #tpu.memory_space<vmem>>
        %dma_wait3A_164 = tpu.memref_squeeze %dma_wait3A_163 : memref<1x128xi32, #tpu.memory_space<vmem>> -> memref<128xi32, #tpu.memory_space<vmem>>
        %dma_wait3A_165 = arith.constant 0 : i32
        %dma_wait3A_166 = arith.constant 0 : i32
        %dma_wait3A_167 = tpu.memref_slice %arg10[%dma_wait3A_165, %dma_wait3A_166] : memref<100352x16xf32, #tpu.memory_space<hbm>> -> memref<100352x16xf32, #tpu.memory_space<hbm>>
        tpu.wait_indirect_dma semaphore(%arg24 : memref<!tpu.dma_semaphore, #tpu.memory_space<semaphore_mem>>) src(%dma_wait3A_167 : memref<100352x16xf32, #tpu.memory_space<hbm>>) dst(%dma_wait3A_161 : memref<128x16xf32, #tpu.memory_space<vmem>>)
        %dma_wait3A_168 = arith.constant 3 : i32
        %dma_wait3A_169 = arith.constant 3 : i32
        %dma_wait3A_170 = arith.constant 0 : i32
        %dma_wait3A_171 = arith.constant 0 : i32
        %dma_wait3A_172 = tpu.memref_slice %arg20[%dma_wait3A_169, %dma_wait3A_170, %dma_wait3A_171] : memref<4x128x16xf32, #tpu.memory_space<vmem>> -> memref<1x128x16xf32, #tpu.memory_space<vmem>>
        %dma_wait3A_173 = tpu.memref_squeeze %dma_wait3A_172 : memref<1x128x16xf32, #tpu.memory_space<vmem>> -> memref<128x16xf32, #tpu.memory_space<vmem>>
        %dma_wait3A_174 = arith.constant 0 : i32
        %dma_wait3A_175 = tpu.memref_slice %arg15[%dma_wait3A_168, %dma_wait3A_174] : memref<4x128xi32, #tpu.memory_space<vmem>> -> memref<1x128xi32, #tpu.memory_space<vmem>>
        %dma_wait3A_176 = tpu.memref_squeeze %dma_wait3A_175 : memref<1x128xi32, #tpu.memory_space<vmem>> -> memref<128xi32, #tpu.memory_space<vmem>>
        %dma_wait3A_177 = arith.constant 0 : i32
        %dma_wait3A_178 = arith.constant 0 : i32
        %dma_wait3A_179 = tpu.memref_slice %arg10[%dma_wait3A_177, %dma_wait3A_178] : memref<100352x16xf32, #tpu.memory_space<hbm>> -> memref<100352x16xf32, #tpu.memory_space<hbm>>
        tpu.wait_indirect_dma semaphore(%arg24 : memref<!tpu.dma_semaphore, #tpu.memory_space<semaphore_mem>>) src(%dma_wait3A_179 : memref<100352x16xf32, #tpu.memory_space<hbm>>) dst(%dma_wait3A_173 : memref<128x16xf32, #tpu.memory_space<vmem>>)
        %dma_start3A_180 = arith.constant 0 : i32
        %dma_start3A_181 = arith.constant 0 : i32
        %dma_start3A_182 = arith.constant 0 : i32
        %dma_start3A_183 = tpu.memref_slice %arg20[%dma_start3A_180, %dma_start3A_181, %dma_start3A_182] : memref<4x128x16xf32, #tpu.memory_space<vmem>> -> memref<1x128x16xf32, #tpu.memory_space<vmem>>
        %dma_start3A_184 = tpu.memref_squeeze %dma_start3A_183 : memref<1x128x16xf32, #tpu.memory_space<vmem>> -> memref<128x16xf32, #tpu.memory_space<vmem>>
        %dma_start3A_185 = arith.constant 0 : i32
        %dma_start3A_186 = arith.constant 0 : i32
        %dma_start3A_187 = tpu.memref_slice %arg14[%dma_start3A_185, %dma_start3A_186] : memref<100352x16xf32, #tpu.memory_space<vmem_shared>> -> memref<100352x16xf32, #tpu.memory_space<vmem_shared>>
        tpu.enqueue_indirect_dma source(%dma_start3A_184 : memref<128x16xf32, #tpu.memory_space<vmem>>) target(%dma_start3A_187 : memref<100352x16xf32, #tpu.memory_space<vmem_shared>>) offsets(%arg16 : memref<128xi32, #tpu.memory_space<vmem>>) semaphore(%arg25 : memref<!tpu.dma_semaphore, #tpu.memory_space<semaphore_mem>>) {add = true}
        %dma_start3A_188 = arith.constant 1 : i32
        %dma_start3A_189 = arith.constant 0 : i32
        %dma_start3A_190 = arith.constant 0 : i32
        %dma_start3A_191 = tpu.memref_slice %arg20[%dma_start3A_188, %dma_start3A_189, %dma_start3A_190] : memref<4x128x16xf32, #tpu.memory_space<vmem>> -> memref<1x128x16xf32, #tpu.memory_space<vmem>>
        %dma_start3A_192 = tpu.memref_squeeze %dma_start3A_191 : memref<1x128x16xf32, #tpu.memory_space<vmem>> -> memref<128x16xf32, #tpu.memory_space<vmem>>
        %dma_start3A_193 = arith.constant 0 : i32
        %dma_start3A_194 = arith.constant 0 : i32
        %dma_start3A_195 = tpu.memref_slice %arg14[%dma_start3A_193, %dma_start3A_194] : memref<100352x16xf32, #tpu.memory_space<vmem_shared>> -> memref<100352x16xf32, #tpu.memory_space<vmem_shared>>
        tpu.enqueue_indirect_dma source(%dma_start3A_192 : memref<128x16xf32, #tpu.memory_space<vmem>>) target(%dma_start3A_195 : memref<100352x16xf32, #tpu.memory_space<vmem_shared>>) offsets(%arg17 : memref<128xi32, #tpu.memory_space<vmem>>) semaphore(%arg25 : memref<!tpu.dma_semaphore, #tpu.memory_space<semaphore_mem>>) {add = true}
        %dma_start3A_196 = arith.constant 2 : i32
        %dma_start3A_197 = arith.constant 0 : i32
        %dma_start3A_198 = arith.constant 0 : i32
        %dma_start3A_199 = tpu.memref_slice %arg20[%dma_start3A_196, %dma_start3A_197, %dma_start3A_198] : memref<4x128x16xf32, #tpu.memory_space<vmem>> -> memref<1x128x16xf32, #tpu.memory_space<vmem>>
        %dma_start3A_200 = tpu.memref_squeeze %dma_start3A_199 : memref<1x128x16xf32, #tpu.memory_space<vmem>> -> memref<128x16xf32, #tpu.memory_space<vmem>>
        %dma_start3A_201 = arith.constant 0 : i32
        %dma_start3A_202 = arith.constant 0 : i32
        %dma_start3A_203 = tpu.memref_slice %arg14[%dma_start3A_201, %dma_start3A_202] : memref<100352x16xf32, #tpu.memory_space<vmem_shared>> -> memref<100352x16xf32, #tpu.memory_space<vmem_shared>>
        tpu.enqueue_indirect_dma source(%dma_start3A_200 : memref<128x16xf32, #tpu.memory_space<vmem>>) target(%dma_start3A_203 : memref<100352x16xf32, #tpu.memory_space<vmem_shared>>) offsets(%arg18 : memref<128xi32, #tpu.memory_space<vmem>>) semaphore(%arg25 : memref<!tpu.dma_semaphore, #tpu.memory_space<semaphore_mem>>) {add = true}
        %dma_start3A_204 = arith.constant 3 : i32
        %dma_start3A_205 = arith.constant 0 : i32
        %dma_start3A_206 = arith.constant 0 : i32
        %dma_start3A_207 = tpu.memref_slice %arg20[%dma_start3A_204, %dma_start3A_205, %dma_start3A_206] : memref<4x128x16xf32, #tpu.memory_space<vmem>> -> memref<1x128x16xf32, #tpu.memory_space<vmem>>
        %dma_start3A_208 = tpu.memref_squeeze %dma_start3A_207 : memref<1x128x16xf32, #tpu.memory_space<vmem>> -> memref<128x16xf32, #tpu.memory_space<vmem>>
        %dma_start3A_209 = arith.constant 0 : i32
        %dma_start3A_210 = arith.constant 0 : i32
        %dma_start3A_211 = tpu.memref_slice %arg14[%dma_start3A_209, %dma_start3A_210] : memref<100352x16xf32, #tpu.memory_space<vmem_shared>> -> memref<100352x16xf32, #tpu.memory_space<vmem_shared>>
        tpu.enqueue_indirect_dma source(%dma_start3A_208 : memref<128x16xf32, #tpu.memory_space<vmem>>) target(%dma_start3A_211 : memref<100352x16xf32, #tpu.memory_space<vmem_shared>>) offsets(%arg19 : memref<128xi32, #tpu.memory_space<vmem>>) semaphore(%arg25 : memref<!tpu.dma_semaphore, #tpu.memory_space<semaphore_mem>>) {add = true}
        %dma_wait3A_212 = arith.constant 0 : i32
        %dma_wait3A_213 = arith.constant 0 : i32
        %dma_wait3A_214 = arith.constant 0 : i32
        %dma_wait3A_215 = tpu.memref_slice %arg20[%dma_wait3A_212, %dma_wait3A_213, %dma_wait3A_214] : memref<4x128x16xf32, #tpu.memory_space<vmem>> -> memref<1x128x16xf32, #tpu.memory_space<vmem>>
        %dma_wait3A_216 = tpu.memref_squeeze %dma_wait3A_215 : memref<1x128x16xf32, #tpu.memory_space<vmem>> -> memref<128x16xf32, #tpu.memory_space<vmem>>
        %dma_wait3A_217 = arith.constant 0 : i32
        %dma_wait3A_218 = arith.constant 0 : i32
        %dma_wait3A_219 = tpu.memref_slice %arg14[%dma_wait3A_217, %dma_wait3A_218] : memref<100352x16xf32, #tpu.memory_space<vmem_shared>> -> memref<100352x16xf32, #tpu.memory_space<vmem_shared>>
        tpu.wait_indirect_dma semaphore(%arg25 : memref<!tpu.dma_semaphore, #tpu.memory_space<semaphore_mem>>) src(%dma_wait3A_216 : memref<128x16xf32, #tpu.memory_space<vmem>>) dst(%dma_wait3A_219 : memref<100352x16xf32, #tpu.memory_space<vmem_shared>>)
        %dma_wait3A_220 = arith.constant 1 : i32
        %dma_wait3A_221 = arith.constant 0 : i32
        %dma_wait3A_222 = arith.constant 0 : i32
        %dma_wait3A_223 = tpu.memref_slice %arg20[%dma_wait3A_220, %dma_wait3A_221, %dma_wait3A_222] : memref<4x128x16xf32, #tpu.memory_space<vmem>> -> memref<1x128x16xf32, #tpu.memory_space<vmem>>
        %dma_wait3A_224 = tpu.memref_squeeze %dma_wait3A_223 : memref<1x128x16xf32, #tpu.memory_space<vmem>> -> memref<128x16xf32, #tpu.memory_space<vmem>>
        %dma_wait3A_225 = arith.constant 0 : i32
        %dma_wait3A_226 = arith.constant 0 : i32
        %dma_wait3A_227 = tpu.memref_slice %arg14[%dma_wait3A_225, %dma_wait3A_226] : memref<100352x16xf32, #tpu.memory_space<vmem_shared>> -> memref<100352x16xf32, #tpu.memory_space<vmem_shared>>
        tpu.wait_indirect_dma semaphore(%arg25 : memref<!tpu.dma_semaphore, #tpu.memory_space<semaphore_mem>>) src(%dma_wait3A_224 : memref<128x16xf32, #tpu.memory_space<vmem>>) dst(%dma_wait3A_227 : memref<100352x16xf32, #tpu.memory_space<vmem_shared>>)
        %dma_wait3A_228 = arith.constant 2 : i32
        %dma_wait3A_229 = arith.constant 0 : i32
        %dma_wait3A_230 = arith.constant 0 : i32
        %dma_wait3A_231 = tpu.memref_slice %arg20[%dma_wait3A_228, %dma_wait3A_229, %dma_wait3A_230] : memref<4x128x16xf32, #tpu.memory_space<vmem>> -> memref<1x128x16xf32, #tpu.memory_space<vmem>>
        %dma_wait3A_232 = tpu.memref_squeeze %dma_wait3A_231 : memref<1x128x16xf32, #tpu.memory_space<vmem>> -> memref<128x16xf32, #tpu.memory_space<vmem>>
        %dma_wait3A_233 = arith.constant 0 : i32
        %dma_wait3A_234 = arith.constant 0 : i32
        %dma_wait3A_235 = tpu.memref_slice %arg14[%dma_wait3A_233, %dma_wait3A_234] : memref<100352x16xf32, #tpu.memory_space<vmem_shared>> -> memref<100352x16xf32, #tpu.memory_space<vmem_shared>>
        tpu.wait_indirect_dma semaphore(%arg25 : memref<!tpu.dma_semaphore, #tpu.memory_space<semaphore_mem>>) src(%dma_wait3A_232 : memref<128x16xf32, #tpu.memory_space<vmem>>) dst(%dma_wait3A_235 : memref<100352x16xf32, #tpu.memory_space<vmem_shared>>)
        %dma_wait3A_236 = arith.constant 3 : i32
        %dma_wait3A_237 = arith.constant 0 : i32
        %dma_wait3A_238 = arith.constant 0 : i32
        %dma_wait3A_239 = tpu.memref_slice %arg20[%dma_wait3A_236, %dma_wait3A_237, %dma_wait3A_238] : memref<4x128x16xf32, #tpu.memory_space<vmem>> -> memref<1x128x16xf32, #tpu.memory_space<vmem>>
        %dma_wait3A_240 = tpu.memref_squeeze %dma_wait3A_239 : memref<1x128x16xf32, #tpu.memory_space<vmem>> -> memref<128x16xf32, #tpu.memory_space<vmem>>
        %dma_wait3A_241 = arith.constant 0 : i32
        %dma_wait3A_242 = arith.constant 0 : i32
        %dma_wait3A_243 = tpu.memref_slice %arg14[%dma_wait3A_241, %dma_wait3A_242] : memref<100352x16xf32, #tpu.memory_space<vmem_shared>> -> memref<100352x16xf32, #tpu.memory_space<vmem_shared>>
        tpu.wait_indirect_dma semaphore(%arg25 : memref<!tpu.dma_semaphore, #tpu.memory_space<semaphore_mem>>) src(%dma_wait3A_240 : memref<128x16xf32, #tpu.memory_space<vmem>>) dst(%dma_wait3A_243 : memref<100352x16xf32, #tpu.memory_space<vmem_shared>>)
      }
      %scan3A_34 = arith.constant 200 : i32
      %barrier3A_35 = arith.constant 0 : index
      tpu.barrier barrier_id(%barrier3A_35)
      %scan3A_36 = arith.constant 0 : i32
      %scan3A_37 = arith.constant 0 : i32
      %scan3A_38 = arith.constant 49 : i32
      %scan3A_39 = arith.addi %scan3A_37, %scan3A_38 : i32
      %scan3A_40 = arith.constant 1 : i32
      scf.for %scan3A_70 = %scan3A_37 to %scan3A_39 step %scan3A_40  : i32 {
        %mul3A_71 = arith.constant 128 : i32
        %mul3A_72 = arith.muli %scan3A_70, %mul3A_71 : i32
        %add3A = arith.addi %mul3A_7, %mul3A_72 : i32
        "tpu.region"() ({
          %run_scoped3A_79 = tpu.sem_alloc : memref<!tpu.dma_semaphore, #tpu.memory_space<semaphore_mem>>
          %dma_start3A = arith.constant 0 : i32
          %dma_start3A_80 = tpu.memref_slice %arg14[%add3A, %dma_start3A] : memref<100352x16xf32, #tpu.memory_space<vmem_shared>> -> memref<128x16xf32, #tpu.memory_space<vmem_shared>>
          %dma_start3A_81 = arith.constant 0 : i32
          %dma_start3A_82 = tpu.memref_slice %arg14[%add3A, %dma_start3A_81] : memref<100352x16xf32, #tpu.memory_space<vmem_shared>> -> memref<128x16xf32, #tpu.memory_space<vmem_shared>>
          tpu.enqueue_dma source(%dma_start3A_82 : memref<128x16xf32, #tpu.memory_space<vmem_shared>>) target(%arg22 : memref<128x16xf32, #tpu.memory_space<vmem>>) target_semaphore(%run_scoped3A_79 : memref<!tpu.dma_semaphore, #tpu.memory_space<semaphore_mem>>)
          %dma_wait3A = arith.constant 0 : i32
          %dma_wait3A_83 = tpu.memref_slice %arg14[%add3A, %dma_wait3A] : memref<100352x16xf32, #tpu.memory_space<vmem_shared>> -> memref<128x16xf32, #tpu.memory_space<vmem_shared>>
          %dma_wait3A_84 = arith.constant 0 : i32
          %dma_wait3A_85 = tpu.memref_slice %arg14[%add3A, %dma_wait3A_84] : memref<100352x16xf32, #tpu.memory_space<vmem_shared>> -> memref<128x16xf32, #tpu.memory_space<vmem_shared>>
          tpu.wait_dma2 semaphore(%run_scoped3A_79 : memref<!tpu.dma_semaphore, #tpu.memory_space<semaphore_mem>>) src(%dma_wait3A_85 : memref<128x16xf32, #tpu.memory_space<vmem_shared>>) dst(%arg22 : memref<128x16xf32, #tpu.memory_space<vmem>>)
          tpu.yield
        }) : () -> ()
        "tpu.region"() ({
          %run_scoped3A_79 = tpu.sem_alloc : memref<!tpu.dma_semaphore, #tpu.memory_space<semaphore_mem>>
          %dma_start3A = arith.constant 0 : i32
          %dma_start3A_80 = tpu.memref_slice %arg8[%add3A, %dma_start3A] : memref<100352x16xf32, #tpu.memory_space<hbm>> -> memref<128x16xf32, #tpu.memory_space<hbm>>
          %dma_start3A_81 = arith.constant 0 : i32
          %dma_start3A_82 = tpu.memref_slice %arg8[%add3A, %dma_start3A_81] : memref<100352x16xf32, #tpu.memory_space<hbm>> -> memref<128x16xf32, #tpu.memory_space<hbm>>
          tpu.enqueue_dma source(%dma_start3A_82 : memref<128x16xf32, #tpu.memory_space<hbm>>) target(%arg23 : memref<128x16xf32, #tpu.memory_space<vmem>>) target_semaphore(%run_scoped3A_79 : memref<!tpu.dma_semaphore, #tpu.memory_space<semaphore_mem>>)
          %dma_wait3A = arith.constant 0 : i32
          %dma_wait3A_83 = tpu.memref_slice %arg8[%add3A, %dma_wait3A] : memref<100352x16xf32, #tpu.memory_space<hbm>> -> memref<128x16xf32, #tpu.memory_space<hbm>>
          %dma_wait3A_84 = arith.constant 0 : i32
          %dma_wait3A_85 = tpu.memref_slice %arg8[%add3A, %dma_wait3A_84] : memref<100352x16xf32, #tpu.memory_space<hbm>> -> memref<128x16xf32, #tpu.memory_space<hbm>>
          tpu.wait_dma2 semaphore(%run_scoped3A_79 : memref<!tpu.dma_semaphore, #tpu.memory_space<semaphore_mem>>) src(%dma_wait3A_85 : memref<128x16xf32, #tpu.memory_space<hbm>>) dst(%arg23 : memref<128x16xf32, #tpu.memory_space<vmem>>)
          tpu.yield
        }) : () -> ()
        "tpu.region"() ({
          %run_scoped3A_79 = tpu.sem_alloc : memref<!tpu.dma_semaphore, #tpu.memory_space<semaphore_mem>>
          %dma_start3A = arith.constant 0 : i32
          %dma_start3A_80 = tpu.memref_slice %arg12[%add3A, %dma_start3A] : memref<100352x16xf32, #tpu.memory_space<hbm>> -> memref<128x16xf32, #tpu.memory_space<hbm>>
          %dma_start3A_81 = arith.constant 0 : i32
          %dma_start3A_82 = tpu.memref_slice %arg12[%add3A, %dma_start3A_81] : memref<100352x16xf32, #tpu.memory_space<hbm>> -> memref<128x16xf32, #tpu.memory_space<hbm>>
          tpu.enqueue_dma source(%dma_start3A_82 : memref<128x16xf32, #tpu.memory_space<hbm>>) target(%arg21 : memref<128x16xf32, #tpu.memory_space<vmem>>) target_semaphore(%run_scoped3A_79 : memref<!tpu.dma_semaphore, #tpu.memory_space<semaphore_mem>>)
          %dma_wait3A = arith.constant 0 : i32
          %dma_wait3A_83 = tpu.memref_slice %arg12[%add3A, %dma_wait3A] : memref<100352x16xf32, #tpu.memory_space<hbm>> -> memref<128x16xf32, #tpu.memory_space<hbm>>
          %dma_wait3A_84 = arith.constant 0 : i32
          %dma_wait3A_85 = tpu.memref_slice %arg12[%add3A, %dma_wait3A_84] : memref<100352x16xf32, #tpu.memory_space<hbm>> -> memref<128x16xf32, #tpu.memory_space<hbm>>
          tpu.wait_dma2 semaphore(%run_scoped3A_79 : memref<!tpu.dma_semaphore, #tpu.memory_space<semaphore_mem>>) src(%dma_wait3A_85 : memref<128x16xf32, #tpu.memory_space<hbm>>) dst(%arg21 : memref<128x16xf32, #tpu.memory_space<vmem>>)
          tpu.yield
        }) : () -> ()
        %scan3A_73 = arith.constant 0 : i32
        %scan3A_74 = arith.constant 0 : i32
        %scan3A_75 = arith.constant 128 : i32
        %scan3A_76 = arith.addi %scan3A_74, %scan3A_75 : i32
        %scan3A_77 = arith.constant 1 : i32
        scf.for %scan3A_79 = %scan3A_74 to %scan3A_76 step %scan3A_77  : i32 {
          %get3A = arith.index_cast %scan3A_79 : i32 to index
          %get3A_80 = arith.constant 0 : index
          %get3A_81 = tpu.vector_load %arg22[%get3A, %get3A_80] {strides = array<i32>} : memref<128x16xf32, #tpu.memory_space<vmem>>, vector<1x16xf32>,
          %get3A_82 = vector.shape_cast %get3A_81 : vector<1x16xf32> to vector<16xf32>
          %get3A_83 = arith.index_cast %scan3A_79 : i32 to index
          %get3A_84 = arith.constant 0 : index
          %get3A_85 = tpu.vector_load %arg21[%get3A_83, %get3A_84] {strides = array<i32>} : memref<128x16xf32, #tpu.memory_space<vmem>>, vector<1x16xf32>,
          %get3A_86 = vector.shape_cast %get3A_85 : vector<1x16xf32> to vector<16xf32>
          %get3A_87 = arith.index_cast %scan3A_79 : i32 to index
          %get3A_88 = arith.constant 0 : index
          %get3A_89 = tpu.vector_load %arg23[%get3A_87, %get3A_88] {strides = array<i32>} : memref<128x16xf32, #tpu.memory_space<vmem>>, vector<1x16xf32>,
          %get3A_90 = vector.shape_cast %get3A_89 : vector<1x16xf32> to vector<16xf32>
          %mul3A_91 = arith.constant 2.500000e-01 : f32
          %mul3A_92 = vector.broadcast %mul3A_91 : f32 to vector<16xf32>
          %mul3A_93 = arith.mulf %mul3A_92, %get3A_86 : vector<16xf32>
          %mul3A_94 = arith.mulf %mul3A_93, %get3A_82 : vector<16xf32>
          %add3A_95 = arith.addf %get3A_90, %mul3A_94 : vector<16xf32>
          %swap3A = arith.index_cast %scan3A_79 : i32 to index
          %swap3A_96 = arith.constant 0 : index
          %swap3A_97 = tpu.vector_load %arg23[%swap3A, %swap3A_96] {strides = array<i32>} : memref<128x16xf32, #tpu.memory_space<vmem>>, vector<1x16xf32>,
          %swap3A_98 = vector.shape_cast %swap3A_97 : vector<1x16xf32> to vector<16xf32>
          %swap3A_99 = vector.shape_cast %add3A_95 : vector<16xf32> to vector<1x16xf32>
          tpu.vector_store %arg23[%swap3A, %swap3A_96], %swap3A_99 {strides = array<i32>} : memref<128x16xf32, #tpu.memory_space<vmem>>, vector<1x16xf32>,
          %mul3A_100 = arith.mulf %get3A_86, %get3A_86 : vector<16xf32>
          %mul3A_101 = arith.mulf %mul3A_100, %get3A_82 : vector<16xf32>
          %swap3A_102 = arith.index_cast %scan3A_79 : i32 to index
          %swap3A_103 = arith.constant 0 : index
          %swap3A_104 = tpu.vector_load %arg22[%swap3A_102, %swap3A_103] {strides = array<i32>} : memref<128x16xf32, #tpu.memory_space<vmem>>, vector<1x16xf32>,
          %swap3A_105 = vector.shape_cast %swap3A_104 : vector<1x16xf32> to vector<16xf32>
          %swap3A_106 = vector.shape_cast %mul3A_101 : vector<16xf32> to vector<1x16xf32>
          tpu.vector_store %arg22[%swap3A_102, %swap3A_103], %swap3A_106 {strides = array<i32>} : memref<128x16xf32, #tpu.memory_space<vmem>>, vector<1x16xf32>,
        }
        %scan3A_78 = arith.constant 128 : i32
        "tpu.region"() ({
          %run_scoped3A_79 = tpu.sem_alloc : memref<!tpu.dma_semaphore, #tpu.memory_space<semaphore_mem>>
          %dma_start3A = arith.constant 0 : i32
          %dma_start3A_80 = tpu.memref_slice %arg8[%add3A, %dma_start3A] : memref<100352x16xf32, #tpu.memory_space<hbm>> -> memref<128x16xf32, #tpu.memory_space<hbm>>
          %dma_start3A_81 = arith.constant 0 : i32
          %dma_start3A_82 = tpu.memref_slice %arg8[%add3A, %dma_start3A_81] : memref<100352x16xf32, #tpu.memory_space<hbm>> -> memref<128x16xf32, #tpu.memory_space<hbm>>
          tpu.enqueue_dma source(%arg23 : memref<128x16xf32, #tpu.memory_space<vmem>>) target(%dma_start3A_82 : memref<128x16xf32, #tpu.memory_space<hbm>>) target_semaphore(%run_scoped3A_79 : memref<!tpu.dma_semaphore, #tpu.memory_space<semaphore_mem>>)
          %dma_wait3A = arith.constant 0 : i32
          %dma_wait3A_83 = tpu.memref_slice %arg8[%add3A, %dma_wait3A] : memref<100352x16xf32, #tpu.memory_space<hbm>> -> memref<128x16xf32, #tpu.memory_space<hbm>>
          %dma_wait3A_84 = arith.constant 0 : i32
          %dma_wait3A_85 = tpu.memref_slice %arg8[%add3A, %dma_wait3A_84] : memref<100352x16xf32, #tpu.memory_space<hbm>> -> memref<128x16xf32, #tpu.memory_space<hbm>>
          tpu.wait_dma2 semaphore(%run_scoped3A_79 : memref<!tpu.dma_semaphore, #tpu.memory_space<semaphore_mem>>) src(%arg23 : memref<128x16xf32, #tpu.memory_space<vmem>>) dst(%dma_wait3A_85 : memref<128x16xf32, #tpu.memory_space<hbm>>)
          tpu.yield
        }) : () -> ()
        "tpu.region"() ({
          %run_scoped3A_79 = tpu.sem_alloc : memref<!tpu.dma_semaphore, #tpu.memory_space<semaphore_mem>>
          %dma_start3A = arith.constant 0 : i32
          %dma_start3A_80 = tpu.memref_slice %arg10[%add3A, %dma_start3A] : memref<100352x16xf32, #tpu.memory_space<hbm>> -> memref<128x16xf32, #tpu.memory_space<hbm>>
          %dma_start3A_81 = arith.constant 0 : i32
          %dma_start3A_82 = tpu.memref_slice %arg10[%add3A, %dma_start3A_81] : memref<100352x16xf32, #tpu.memory_space<hbm>> -> memref<128x16xf32, #tpu.memory_space<hbm>>
          tpu.enqueue_dma source(%arg22 : memref<128x16xf32, #tpu.memory_space<vmem>>) target(%dma_start3A_82 : memref<128x16xf32, #tpu.memory_space<hbm>>) target_semaphore(%run_scoped3A_79 : memref<!tpu.dma_semaphore, #tpu.memory_space<semaphore_mem>>)
          %dma_wait3A = arith.constant 0 : i32
          %dma_wait3A_83 = tpu.memref_slice %arg10[%add3A, %dma_wait3A] : memref<100352x16xf32, #tpu.memory_space<hbm>> -> memref<128x16xf32, #tpu.memory_space<hbm>>
          %dma_wait3A_84 = arith.constant 0 : i32
          %dma_wait3A_85 = tpu.memref_slice %arg10[%add3A, %dma_wait3A_84] : memref<100352x16xf32, #tpu.memory_space<hbm>> -> memref<128x16xf32, #tpu.memory_space<hbm>>
          tpu.wait_dma2 semaphore(%run_scoped3A_79 : memref<!tpu.dma_semaphore, #tpu.memory_space<semaphore_mem>>) src(%arg22 : memref<128x16xf32, #tpu.memory_space<vmem>>) dst(%dma_wait3A_85 : memref<128x16xf32, #tpu.memory_space<hbm>>)
          tpu.yield
        }) : () -> ()
      }
      %scan3A_41 = arith.constant 49 : i32
      "tpu.region"() ({
        %run_scoped3A_70 = tpu.sem_alloc : memref<!tpu.dma_semaphore, #tpu.memory_space<semaphore_mem>>
        %dma_start3A = arith.constant 0 : i32
        %dma_start3A_71 = tpu.memref_slice %arg14[%mul3A_7, %dma_start3A] : memref<100352x16xf32, #tpu.memory_space<vmem_shared>> -> memref<6272x16xf32, #tpu.memory_space<vmem_shared>>
        tpu.enqueue_dma source(%arg7 : memref<6272x16xf32, #tpu.memory_space<hbm>>) target(%dma_start3A_71 : memref<6272x16xf32, #tpu.memory_space<vmem_shared>>) target_semaphore(%run_scoped3A_70 : memref<!tpu.dma_semaphore, #tpu.memory_space<semaphore_mem>>)
        %dma_wait3A = arith.constant 0 : i32
        %dma_wait3A_72 = tpu.memref_slice %arg14[%mul3A_7, %dma_wait3A] : memref<100352x16xf32, #tpu.memory_space<vmem_shared>> -> memref<6272x16xf32, #tpu.memory_space<vmem_shared>>
        tpu.wait_dma2 semaphore(%run_scoped3A_70 : memref<!tpu.dma_semaphore, #tpu.memory_space<semaphore_mem>>) src(%arg7 : memref<6272x16xf32, #tpu.memory_space<hbm>>) dst(%dma_wait3A_72 : memref<6272x16xf32, #tpu.memory_space<vmem_shared>>)
        tpu.yield
      }) : () -> ()
      %barrier3A_42 = arith.constant 0 : index
      tpu.barrier barrier_id(%barrier3A_42)
      %scan3A_43 = arith.constant 0 : i32
      %scan3A_44 = arith.constant 0 : i32
      %scan3A_45 = arith.constant 200 : i32
      %scan3A_46 = arith.addi %scan3A_44, %scan3A_45 : i32
      %scan3A_47 = arith.constant 1 : i32
      scf.for %scan3A_70 = %scan3A_44 to %scan3A_46 step %scan3A_47  : i32 {
        %mul3A_71 = arith.constant 4 : i32
        %mul3A_72 = arith.muli %scan3A_70, %mul3A_71 : i32
        %add3A = arith.addi %mul3A_9, %mul3A_72 : i32
        "tpu.region"() ({
          %run_scoped3A_244 = tpu.sem_alloc : memref<!tpu.dma_semaphore, #tpu.memory_space<semaphore_mem>>
          %dma_start3A_245 = arith.constant 0 : i32
          %dma_start3A_246 = arith.constant 0 : i32
          %dma_start3A_247 = tpu.memref_slice %arg15[%dma_start3A_245, %dma_start3A_246] : memref<4x128xi32, #tpu.memory_space<vmem>> -> memref<4x128xi32, #tpu.memory_space<vmem>>
          %dma_start3A_248 = arith.constant 0 : i32
          %dma_start3A_249 = tpu.memref_slice %arg4[%add3A, %dma_start3A_248] : memref<12800x128xi32, #tpu.memory_space<hbm>> -> memref<4x128xi32, #tpu.memory_space<hbm>>
          %dma_start3A_250 = arith.constant 0 : i32
          %dma_start3A_251 = arith.constant 0 : i32
          %dma_start3A_252 = tpu.memref_slice %arg15[%dma_start3A_250, %dma_start3A_251] : memref<4x128xi32, #tpu.memory_space<vmem>> -> memref<4x128xi32, #tpu.memory_space<vmem>>
          %dma_start3A_253 = arith.constant 0 : i32
          %dma_start3A_254 = tpu.memref_slice %arg4[%add3A, %dma_start3A_253] : memref<12800x128xi32, #tpu.memory_space<hbm>> -> memref<4x128xi32, #tpu.memory_space<hbm>>
          tpu.enqueue_dma source(%dma_start3A_254 : memref<4x128xi32, #tpu.memory_space<hbm>>) target(%dma_start3A_252 : memref<4x128xi32, #tpu.memory_space<vmem>>) target_semaphore(%run_scoped3A_244 : memref<!tpu.dma_semaphore, #tpu.memory_space<semaphore_mem>>)
          %dma_wait3A_255 = arith.constant 0 : i32
          %dma_wait3A_256 = arith.constant 0 : i32
          %dma_wait3A_257 = tpu.memref_slice %arg15[%dma_wait3A_255, %dma_wait3A_256] : memref<4x128xi32, #tpu.memory_space<vmem>> -> memref<4x128xi32, #tpu.memory_space<vmem>>
          %dma_wait3A_258 = arith.constant 0 : i32
          %dma_wait3A_259 = tpu.memref_slice %arg4[%add3A, %dma_wait3A_258] : memref<12800x128xi32, #tpu.memory_space<hbm>> -> memref<4x128xi32, #tpu.memory_space<hbm>>
          %dma_wait3A_260 = arith.constant 0 : i32
          %dma_wait3A_261 = arith.constant 0 : i32
          %dma_wait3A_262 = tpu.memref_slice %arg15[%dma_wait3A_260, %dma_wait3A_261] : memref<4x128xi32, #tpu.memory_space<vmem>> -> memref<4x128xi32, #tpu.memory_space<vmem>>
          %dma_wait3A_263 = arith.constant 0 : i32
          %dma_wait3A_264 = tpu.memref_slice %arg4[%add3A, %dma_wait3A_263] : memref<12800x128xi32, #tpu.memory_space<hbm>> -> memref<4x128xi32, #tpu.memory_space<hbm>>
          tpu.wait_dma2 semaphore(%run_scoped3A_244 : memref<!tpu.dma_semaphore, #tpu.memory_space<semaphore_mem>>) src(%dma_wait3A_264 : memref<4x128xi32, #tpu.memory_space<hbm>>) dst(%dma_wait3A_262 : memref<4x128xi32, #tpu.memory_space<vmem>>)
          tpu.yield
        }) : () -> ()
        %mul3A_73 = arith.constant 4 : i32
        %mul3A_74 = arith.muli %scan3A_70, %mul3A_73 : i32
        %add3A_75 = arith.addi %mul3A_9, %mul3A_74 : i32
        %mul3A_76 = arith.constant 128 : i32
        %mul3A_77 = arith.muli %add3A_75, %mul3A_76 : i32
        %add3A_78 = arith.constant 0 : i32
        %add3A_79 = arith.addi %mul3A_77, %add3A_78 : i32
        "tpu.region"() ({
          %run_scoped3A_244 = tpu.sem_alloc : memref<!tpu.dma_semaphore, #tpu.memory_space<semaphore_mem>>
          %dma_start3A_245 = tpu.memref_slice %arg5[%add3A_79] : memref<1638400xi32, #tpu.memory_space<hbm>> -> memref<128xi32, #tpu.memory_space<hbm>>
          %dma_start3A_246 = tpu.memref_slice %arg5[%add3A_79] : memref<1638400xi32, #tpu.memory_space<hbm>> -> memref<128xi32, #tpu.memory_space<hbm>>
          tpu.enqueue_dma source(%dma_start3A_246 : memref<128xi32, #tpu.memory_space<hbm>>) target(%arg16 : memref<128xi32, #tpu.memory_space<vmem>>) target_semaphore(%run_scoped3A_244 : memref<!tpu.dma_semaphore, #tpu.memory_space<semaphore_mem>>)
          %dma_wait3A_247 = tpu.memref_slice %arg5[%add3A_79] : memref<1638400xi32, #tpu.memory_space<hbm>> -> memref<128xi32, #tpu.memory_space<hbm>>
          %dma_wait3A_248 = tpu.memref_slice %arg5[%add3A_79] : memref<1638400xi32, #tpu.memory_space<hbm>> -> memref<128xi32, #tpu.memory_space<hbm>>
          tpu.wait_dma2 semaphore(%run_scoped3A_244 : memref<!tpu.dma_semaphore, #tpu.memory_space<semaphore_mem>>) src(%dma_wait3A_248 : memref<128xi32, #tpu.memory_space<hbm>>) dst(%arg16 : memref<128xi32, #tpu.memory_space<vmem>>)
          tpu.yield
        }) : () -> ()
        %add3A_80 = arith.constant 128 : i32
        %add3A_81 = arith.addi %mul3A_77, %add3A_80 : i32
        "tpu.region"() ({
          %run_scoped3A_244 = tpu.sem_alloc : memref<!tpu.dma_semaphore, #tpu.memory_space<semaphore_mem>>
          %dma_start3A_245 = tpu.memref_slice %arg5[%add3A_81] : memref<1638400xi32, #tpu.memory_space<hbm>> -> memref<128xi32, #tpu.memory_space<hbm>>
          %dma_start3A_246 = tpu.memref_slice %arg5[%add3A_81] : memref<1638400xi32, #tpu.memory_space<hbm>> -> memref<128xi32, #tpu.memory_space<hbm>>
          tpu.enqueue_dma source(%dma_start3A_246 : memref<128xi32, #tpu.memory_space<hbm>>) target(%arg17 : memref<128xi32, #tpu.memory_space<vmem>>) target_semaphore(%run_scoped3A_244 : memref<!tpu.dma_semaphore, #tpu.memory_space<semaphore_mem>>)
          %dma_wait3A_247 = tpu.memref_slice %arg5[%add3A_81] : memref<1638400xi32, #tpu.memory_space<hbm>> -> memref<128xi32, #tpu.memory_space<hbm>>
          %dma_wait3A_248 = tpu.memref_slice %arg5[%add3A_81] : memref<1638400xi32, #tpu.memory_space<hbm>> -> memref<128xi32, #tpu.memory_space<hbm>>
          tpu.wait_dma2 semaphore(%run_scoped3A_244 : memref<!tpu.dma_semaphore, #tpu.memory_space<semaphore_mem>>) src(%dma_wait3A_248 : memref<128xi32, #tpu.memory_space<hbm>>) dst(%arg17 : memref<128xi32, #tpu.memory_space<vmem>>)
          tpu.yield
        }) : () -> ()
        %add3A_82 = arith.constant 256 : i32
        %add3A_83 = arith.addi %mul3A_77, %add3A_82 : i32
        "tpu.region"() ({
          %run_scoped3A_244 = tpu.sem_alloc : memref<!tpu.dma_semaphore, #tpu.memory_space<semaphore_mem>>
          %dma_start3A_245 = tpu.memref_slice %arg5[%add3A_83] : memref<1638400xi32, #tpu.memory_space<hbm>> -> memref<128xi32, #tpu.memory_space<hbm>>
          %dma_start3A_246 = tpu.memref_slice %arg5[%add3A_83] : memref<1638400xi32, #tpu.memory_space<hbm>> -> memref<128xi32, #tpu.memory_space<hbm>>
          tpu.enqueue_dma source(%dma_start3A_246 : memref<128xi32, #tpu.memory_space<hbm>>) target(%arg18 : memref<128xi32, #tpu.memory_space<vmem>>) target_semaphore(%run_scoped3A_244 : memref<!tpu.dma_semaphore, #tpu.memory_space<semaphore_mem>>)
          %dma_wait3A_247 = tpu.memref_slice %arg5[%add3A_83] : memref<1638400xi32, #tpu.memory_space<hbm>> -> memref<128xi32, #tpu.memory_space<hbm>>
          %dma_wait3A_248 = tpu.memref_slice %arg5[%add3A_83] : memref<1638400xi32, #tpu.memory_space<hbm>> -> memref<128xi32, #tpu.memory_space<hbm>>
          tpu.wait_dma2 semaphore(%run_scoped3A_244 : memref<!tpu.dma_semaphore, #tpu.memory_space<semaphore_mem>>) src(%dma_wait3A_248 : memref<128xi32, #tpu.memory_space<hbm>>) dst(%arg18 : memref<128xi32, #tpu.memory_space<vmem>>)
          tpu.yield
        }) : () -> ()
        %add3A_84 = arith.constant 384 : i32
        %add3A_85 = arith.addi %mul3A_77, %add3A_84 : i32
        "tpu.region"() ({
          %run_scoped3A_244 = tpu.sem_alloc : memref<!tpu.dma_semaphore, #tpu.memory_space<semaphore_mem>>
          %dma_start3A_245 = tpu.memref_slice %arg5[%add3A_85] : memref<1638400xi32, #tpu.memory_space<hbm>> -> memref<128xi32, #tpu.memory_space<hbm>>
          %dma_start3A_246 = tpu.memref_slice %arg5[%add3A_85] : memref<1638400xi32, #tpu.memory_space<hbm>> -> memref<128xi32, #tpu.memory_space<hbm>>
          tpu.enqueue_dma source(%dma_start3A_246 : memref<128xi32, #tpu.memory_space<hbm>>) target(%arg19 : memref<128xi32, #tpu.memory_space<vmem>>) target_semaphore(%run_scoped3A_244 : memref<!tpu.dma_semaphore, #tpu.memory_space<semaphore_mem>>)
          %dma_wait3A_247 = tpu.memref_slice %arg5[%add3A_85] : memref<1638400xi32, #tpu.memory_space<hbm>> -> memref<128xi32, #tpu.memory_space<hbm>>
          %dma_wait3A_248 = tpu.memref_slice %arg5[%add3A_85] : memref<1638400xi32, #tpu.memory_space<hbm>> -> memref<128xi32, #tpu.memory_space<hbm>>
          tpu.wait_dma2 semaphore(%run_scoped3A_244 : memref<!tpu.dma_semaphore, #tpu.memory_space<semaphore_mem>>) src(%dma_wait3A_248 : memref<128xi32, #tpu.memory_space<hbm>>) dst(%arg19 : memref<128xi32, #tpu.memory_space<vmem>>)
          tpu.yield
        }) : () -> ()
        %dma_start3A = arith.constant 0 : i32
        %dma_start3A_86 = arith.constant 0 : i32
        %dma_start3A_87 = arith.constant 0 : i32
        %dma_start3A_88 = arith.constant 0 : i32
        %dma_start3A_89 = tpu.memref_slice %arg20[%dma_start3A_86, %dma_start3A_87, %dma_start3A_88] : memref<4x128x16xf32, #tpu.memory_space<vmem>> -> memref<1x128x16xf32, #tpu.memory_space<vmem>>
        %dma_start3A_90 = tpu.memref_squeeze %dma_start3A_89 : memref<1x128x16xf32, #tpu.memory_space<vmem>> -> memref<128x16xf32, #tpu.memory_space<vmem>>
        %dma_start3A_91 = arith.constant 0 : i32
        %dma_start3A_92 = tpu.memref_slice %arg15[%dma_start3A, %dma_start3A_91] : memref<4x128xi32, #tpu.memory_space<vmem>> -> memref<1x128xi32, #tpu.memory_space<vmem>>
        %dma_start3A_93 = tpu.memref_squeeze %dma_start3A_92 : memref<1x128xi32, #tpu.memory_space<vmem>> -> memref<128xi32, #tpu.memory_space<vmem>>
        %dma_start3A_94 = arith.constant 0 : i32
        %dma_start3A_95 = arith.constant 0 : i32
        %dma_start3A_96 = tpu.memref_slice %arg10[%dma_start3A_94, %dma_start3A_95] : memref<100352x16xf32, #tpu.memory_space<hbm>> -> memref<100352x16xf32, #tpu.memory_space<hbm>>
        tpu.enqueue_indirect_dma source(%dma_start3A_96 : memref<100352x16xf32, #tpu.memory_space<hbm>>) target(%dma_start3A_90 : memref<128x16xf32, #tpu.memory_space<vmem>>) offsets(%dma_start3A_93 : memref<128xi32, #tpu.memory_space<vmem>>) semaphore(%arg24 : memref<!tpu.dma_semaphore, #tpu.memory_space<semaphore_mem>>)
        %dma_start3A_97 = arith.constant 1 : i32
        %dma_start3A_98 = arith.constant 1 : i32
        %dma_start3A_99 = arith.constant 0 : i32
        %dma_start3A_100 = arith.constant 0 : i32
        %dma_start3A_101 = tpu.memref_slice %arg20[%dma_start3A_98, %dma_start3A_99, %dma_start3A_100] : memref<4x128x16xf32, #tpu.memory_space<vmem>> -> memref<1x128x16xf32, #tpu.memory_space<vmem>>
        %dma_start3A_102 = tpu.memref_squeeze %dma_start3A_101 : memref<1x128x16xf32, #tpu.memory_space<vmem>> -> memref<128x16xf32, #tpu.memory_space<vmem>>
        %dma_start3A_103 = arith.constant 0 : i32
        %dma_start3A_104 = tpu.memref_slice %arg15[%dma_start3A_97, %dma_start3A_103] : memref<4x128xi32, #tpu.memory_space<vmem>> -> memref<1x128xi32, #tpu.memory_space<vmem>>
        %dma_start3A_105 = tpu.memref_squeeze %dma_start3A_104 : memref<1x128xi32, #tpu.memory_space<vmem>> -> memref<128xi32, #tpu.memory_space<vmem>>
        %dma_start3A_106 = arith.constant 0 : i32
        %dma_start3A_107 = arith.constant 0 : i32
        %dma_start3A_108 = tpu.memref_slice %arg10[%dma_start3A_106, %dma_start3A_107] : memref<100352x16xf32, #tpu.memory_space<hbm>> -> memref<100352x16xf32, #tpu.memory_space<hbm>>
        tpu.enqueue_indirect_dma source(%dma_start3A_108 : memref<100352x16xf32, #tpu.memory_space<hbm>>) target(%dma_start3A_102 : memref<128x16xf32, #tpu.memory_space<vmem>>) offsets(%dma_start3A_105 : memref<128xi32, #tpu.memory_space<vmem>>) semaphore(%arg24 : memref<!tpu.dma_semaphore, #tpu.memory_space<semaphore_mem>>)
        %dma_start3A_109 = arith.constant 2 : i32
        %dma_start3A_110 = arith.constant 2 : i32
        %dma_start3A_111 = arith.constant 0 : i32
        %dma_start3A_112 = arith.constant 0 : i32
        %dma_start3A_113 = tpu.memref_slice %arg20[%dma_start3A_110, %dma_start3A_111, %dma_start3A_112] : memref<4x128x16xf32, #tpu.memory_space<vmem>> -> memref<1x128x16xf32, #tpu.memory_space<vmem>>
        %dma_start3A_114 = tpu.memref_squeeze %dma_start3A_113 : memref<1x128x16xf32, #tpu.memory_space<vmem>> -> memref<128x16xf32, #tpu.memory_space<vmem>>
        %dma_start3A_115 = arith.constant 0 : i32
        %dma_start3A_116 = tpu.memref_slice %arg15[%dma_start3A_109, %dma_start3A_115] : memref<4x128xi32, #tpu.memory_space<vmem>> -> memref<1x128xi32, #tpu.memory_space<vmem>>
        %dma_start3A_117 = tpu.memref_squeeze %dma_start3A_116 : memref<1x128xi32, #tpu.memory_space<vmem>> -> memref<128xi32, #tpu.memory_space<vmem>>
        %dma_start3A_118 = arith.constant 0 : i32
        %dma_start3A_119 = arith.constant 0 : i32
        %dma_start3A_120 = tpu.memref_slice %arg10[%dma_start3A_118, %dma_start3A_119] : memref<100352x16xf32, #tpu.memory_space<hbm>> -> memref<100352x16xf32, #tpu.memory_space<hbm>>
        tpu.enqueue_indirect_dma source(%dma_start3A_120 : memref<100352x16xf32, #tpu.memory_space<hbm>>) target(%dma_start3A_114 : memref<128x16xf32, #tpu.memory_space<vmem>>) offsets(%dma_start3A_117 : memref<128xi32, #tpu.memory_space<vmem>>) semaphore(%arg24 : memref<!tpu.dma_semaphore, #tpu.memory_space<semaphore_mem>>)
        %dma_start3A_121 = arith.constant 3 : i32
        %dma_start3A_122 = arith.constant 3 : i32
        %dma_start3A_123 = arith.constant 0 : i32
        %dma_start3A_124 = arith.constant 0 : i32
        %dma_start3A_125 = tpu.memref_slice %arg20[%dma_start3A_122, %dma_start3A_123, %dma_start3A_124] : memref<4x128x16xf32, #tpu.memory_space<vmem>> -> memref<1x128x16xf32, #tpu.memory_space<vmem>>
        %dma_start3A_126 = tpu.memref_squeeze %dma_start3A_125 : memref<1x128x16xf32, #tpu.memory_space<vmem>> -> memref<128x16xf32, #tpu.memory_space<vmem>>
        %dma_start3A_127 = arith.constant 0 : i32
        %dma_start3A_128 = tpu.memref_slice %arg15[%dma_start3A_121, %dma_start3A_127] : memref<4x128xi32, #tpu.memory_space<vmem>> -> memref<1x128xi32, #tpu.memory_space<vmem>>
        %dma_start3A_129 = tpu.memref_squeeze %dma_start3A_128 : memref<1x128xi32, #tpu.memory_space<vmem>> -> memref<128xi32, #tpu.memory_space<vmem>>
        %dma_start3A_130 = arith.constant 0 : i32
        %dma_start3A_131 = arith.constant 0 : i32
        %dma_start3A_132 = tpu.memref_slice %arg10[%dma_start3A_130, %dma_start3A_131] : memref<100352x16xf32, #tpu.memory_space<hbm>> -> memref<100352x16xf32, #tpu.memory_space<hbm>>
        tpu.enqueue_indirect_dma source(%dma_start3A_132 : memref<100352x16xf32, #tpu.memory_space<hbm>>) target(%dma_start3A_126 : memref<128x16xf32, #tpu.memory_space<vmem>>) offsets(%dma_start3A_129 : memref<128xi32, #tpu.memory_space<vmem>>) semaphore(%arg24 : memref<!tpu.dma_semaphore, #tpu.memory_space<semaphore_mem>>)
        %dma_wait3A = arith.constant 0 : i32
        %dma_wait3A_133 = arith.constant 0 : i32
        %dma_wait3A_134 = arith.constant 0 : i32
        %dma_wait3A_135 = arith.constant 0 : i32
        %dma_wait3A_136 = tpu.memref_slice %arg20[%dma_wait3A_133, %dma_wait3A_134, %dma_wait3A_135] : memref<4x128x16xf32, #tpu.memory_space<vmem>> -> memref<1x128x16xf32, #tpu.memory_space<vmem>>
        %dma_wait3A_137 = tpu.memref_squeeze %dma_wait3A_136 : memref<1x128x16xf32, #tpu.memory_space<vmem>> -> memref<128x16xf32, #tpu.memory_space<vmem>>
        %dma_wait3A_138 = arith.constant 0 : i32
        %dma_wait3A_139 = tpu.memref_slice %arg15[%dma_wait3A, %dma_wait3A_138] : memref<4x128xi32, #tpu.memory_space<vmem>> -> memref<1x128xi32, #tpu.memory_space<vmem>>
        %dma_wait3A_140 = tpu.memref_squeeze %dma_wait3A_139 : memref<1x128xi32, #tpu.memory_space<vmem>> -> memref<128xi32, #tpu.memory_space<vmem>>
        %dma_wait3A_141 = arith.constant 0 : i32
        %dma_wait3A_142 = arith.constant 0 : i32
        %dma_wait3A_143 = tpu.memref_slice %arg10[%dma_wait3A_141, %dma_wait3A_142] : memref<100352x16xf32, #tpu.memory_space<hbm>> -> memref<100352x16xf32, #tpu.memory_space<hbm>>
        tpu.wait_indirect_dma semaphore(%arg24 : memref<!tpu.dma_semaphore, #tpu.memory_space<semaphore_mem>>) src(%dma_wait3A_143 : memref<100352x16xf32, #tpu.memory_space<hbm>>) dst(%dma_wait3A_137 : memref<128x16xf32, #tpu.memory_space<vmem>>)
        %dma_wait3A_144 = arith.constant 1 : i32
        %dma_wait3A_145 = arith.constant 1 : i32
        %dma_wait3A_146 = arith.constant 0 : i32
        %dma_wait3A_147 = arith.constant 0 : i32
        %dma_wait3A_148 = tpu.memref_slice %arg20[%dma_wait3A_145, %dma_wait3A_146, %dma_wait3A_147] : memref<4x128x16xf32, #tpu.memory_space<vmem>> -> memref<1x128x16xf32, #tpu.memory_space<vmem>>
        %dma_wait3A_149 = tpu.memref_squeeze %dma_wait3A_148 : memref<1x128x16xf32, #tpu.memory_space<vmem>> -> memref<128x16xf32, #tpu.memory_space<vmem>>
        %dma_wait3A_150 = arith.constant 0 : i32
        %dma_wait3A_151 = tpu.memref_slice %arg15[%dma_wait3A_144, %dma_wait3A_150] : memref<4x128xi32, #tpu.memory_space<vmem>> -> memref<1x128xi32, #tpu.memory_space<vmem>>
        %dma_wait3A_152 = tpu.memref_squeeze %dma_wait3A_151 : memref<1x128xi32, #tpu.memory_space<vmem>> -> memref<128xi32, #tpu.memory_space<vmem>>
        %dma_wait3A_153 = arith.constant 0 : i32
        %dma_wait3A_154 = arith.constant 0 : i32
        %dma_wait3A_155 = tpu.memref_slice %arg10[%dma_wait3A_153, %dma_wait3A_154] : memref<100352x16xf32, #tpu.memory_space<hbm>> -> memref<100352x16xf32, #tpu.memory_space<hbm>>
        tpu.wait_indirect_dma semaphore(%arg24 : memref<!tpu.dma_semaphore, #tpu.memory_space<semaphore_mem>>) src(%dma_wait3A_155 : memref<100352x16xf32, #tpu.memory_space<hbm>>) dst(%dma_wait3A_149 : memref<128x16xf32, #tpu.memory_space<vmem>>)
        %dma_wait3A_156 = arith.constant 2 : i32
        %dma_wait3A_157 = arith.constant 2 : i32
        %dma_wait3A_158 = arith.constant 0 : i32
        %dma_wait3A_159 = arith.constant 0 : i32
        %dma_wait3A_160 = tpu.memref_slice %arg20[%dma_wait3A_157, %dma_wait3A_158, %dma_wait3A_159] : memref<4x128x16xf32, #tpu.memory_space<vmem>> -> memref<1x128x16xf32, #tpu.memory_space<vmem>>
        %dma_wait3A_161 = tpu.memref_squeeze %dma_wait3A_160 : memref<1x128x16xf32, #tpu.memory_space<vmem>> -> memref<128x16xf32, #tpu.memory_space<vmem>>
        %dma_wait3A_162 = arith.constant 0 : i32
        %dma_wait3A_163 = tpu.memref_slice %arg15[%dma_wait3A_156, %dma_wait3A_162] : memref<4x128xi32, #tpu.memory_space<vmem>> -> memref<1x128xi32, #tpu.memory_space<vmem>>
        %dma_wait3A_164 = tpu.memref_squeeze %dma_wait3A_163 : memref<1x128xi32, #tpu.memory_space<vmem>> -> memref<128xi32, #tpu.memory_space<vmem>>
        %dma_wait3A_165 = arith.constant 0 : i32
        %dma_wait3A_166 = arith.constant 0 : i32
        %dma_wait3A_167 = tpu.memref_slice %arg10[%dma_wait3A_165, %dma_wait3A_166] : memref<100352x16xf32, #tpu.memory_space<hbm>> -> memref<100352x16xf32, #tpu.memory_space<hbm>>
        tpu.wait_indirect_dma semaphore(%arg24 : memref<!tpu.dma_semaphore, #tpu.memory_space<semaphore_mem>>) src(%dma_wait3A_167 : memref<100352x16xf32, #tpu.memory_space<hbm>>) dst(%dma_wait3A_161 : memref<128x16xf32, #tpu.memory_space<vmem>>)
        %dma_wait3A_168 = arith.constant 3 : i32
        %dma_wait3A_169 = arith.constant 3 : i32
        %dma_wait3A_170 = arith.constant 0 : i32
        %dma_wait3A_171 = arith.constant 0 : i32
        %dma_wait3A_172 = tpu.memref_slice %arg20[%dma_wait3A_169, %dma_wait3A_170, %dma_wait3A_171] : memref<4x128x16xf32, #tpu.memory_space<vmem>> -> memref<1x128x16xf32, #tpu.memory_space<vmem>>
        %dma_wait3A_173 = tpu.memref_squeeze %dma_wait3A_172 : memref<1x128x16xf32, #tpu.memory_space<vmem>> -> memref<128x16xf32, #tpu.memory_space<vmem>>
        %dma_wait3A_174 = arith.constant 0 : i32
        %dma_wait3A_175 = tpu.memref_slice %arg15[%dma_wait3A_168, %dma_wait3A_174] : memref<4x128xi32, #tpu.memory_space<vmem>> -> memref<1x128xi32, #tpu.memory_space<vmem>>
        %dma_wait3A_176 = tpu.memref_squeeze %dma_wait3A_175 : memref<1x128xi32, #tpu.memory_space<vmem>> -> memref<128xi32, #tpu.memory_space<vmem>>
        %dma_wait3A_177 = arith.constant 0 : i32
        %dma_wait3A_178 = arith.constant 0 : i32
        %dma_wait3A_179 = tpu.memref_slice %arg10[%dma_wait3A_177, %dma_wait3A_178] : memref<100352x16xf32, #tpu.memory_space<hbm>> -> memref<100352x16xf32, #tpu.memory_space<hbm>>
        tpu.wait_indirect_dma semaphore(%arg24 : memref<!tpu.dma_semaphore, #tpu.memory_space<semaphore_mem>>) src(%dma_wait3A_179 : memref<100352x16xf32, #tpu.memory_space<hbm>>) dst(%dma_wait3A_173 : memref<128x16xf32, #tpu.memory_space<vmem>>)
        %dma_start3A_180 = arith.constant 0 : i32
        %dma_start3A_181 = arith.constant 0 : i32
        %dma_start3A_182 = arith.constant 0 : i32
        %dma_start3A_183 = tpu.memref_slice %arg20[%dma_start3A_180, %dma_start3A_181, %dma_start3A_182] : memref<4x128x16xf32, #tpu.memory_space<vmem>> -> memref<1x128x16xf32, #tpu.memory_space<vmem>>
        %dma_start3A_184 = tpu.memref_squeeze %dma_start3A_183 : memref<1x128x16xf32, #tpu.memory_space<vmem>> -> memref<128x16xf32, #tpu.memory_space<vmem>>
        %dma_start3A_185 = arith.constant 0 : i32
        %dma_start3A_186 = arith.constant 0 : i32
        %dma_start3A_187 = tpu.memref_slice %arg14[%dma_start3A_185, %dma_start3A_186] : memref<100352x16xf32, #tpu.memory_space<vmem_shared>> -> memref<100352x16xf32, #tpu.memory_space<vmem_shared>>
        tpu.enqueue_indirect_dma source(%dma_start3A_184 : memref<128x16xf32, #tpu.memory_space<vmem>>) target(%dma_start3A_187 : memref<100352x16xf32, #tpu.memory_space<vmem_shared>>) offsets(%arg16 : memref<128xi32, #tpu.memory_space<vmem>>) semaphore(%arg25 : memref<!tpu.dma_semaphore, #tpu.memory_space<semaphore_mem>>) {add = true}
        %dma_start3A_188 = arith.constant 1 : i32
        %dma_start3A_189 = arith.constant 0 : i32
        %dma_start3A_190 = arith.constant 0 : i32
        %dma_start3A_191 = tpu.memref_slice %arg20[%dma_start3A_188, %dma_start3A_189, %dma_start3A_190] : memref<4x128x16xf32, #tpu.memory_space<vmem>> -> memref<1x128x16xf32, #tpu.memory_space<vmem>>
        %dma_start3A_192 = tpu.memref_squeeze %dma_start3A_191 : memref<1x128x16xf32, #tpu.memory_space<vmem>> -> memref<128x16xf32, #tpu.memory_space<vmem>>
        %dma_start3A_193 = arith.constant 0 : i32
        %dma_start3A_194 = arith.constant 0 : i32
        %dma_start3A_195 = tpu.memref_slice %arg14[%dma_start3A_193, %dma_start3A_194] : memref<100352x16xf32, #tpu.memory_space<vmem_shared>> -> memref<100352x16xf32, #tpu.memory_space<vmem_shared>>
        tpu.enqueue_indirect_dma source(%dma_start3A_192 : memref<128x16xf32, #tpu.memory_space<vmem>>) target(%dma_start3A_195 : memref<100352x16xf32, #tpu.memory_space<vmem_shared>>) offsets(%arg17 : memref<128xi32, #tpu.memory_space<vmem>>) semaphore(%arg25 : memref<!tpu.dma_semaphore, #tpu.memory_space<semaphore_mem>>) {add = true}
        %dma_start3A_196 = arith.constant 2 : i32
        %dma_start3A_197 = arith.constant 0 : i32
        %dma_start3A_198 = arith.constant 0 : i32
        %dma_start3A_199 = tpu.memref_slice %arg20[%dma_start3A_196, %dma_start3A_197, %dma_start3A_198] : memref<4x128x16xf32, #tpu.memory_space<vmem>> -> memref<1x128x16xf32, #tpu.memory_space<vmem>>
        %dma_start3A_200 = tpu.memref_squeeze %dma_start3A_199 : memref<1x128x16xf32, #tpu.memory_space<vmem>> -> memref<128x16xf32, #tpu.memory_space<vmem>>
        %dma_start3A_201 = arith.constant 0 : i32
        %dma_start3A_202 = arith.constant 0 : i32
        %dma_start3A_203 = tpu.memref_slice %arg14[%dma_start3A_201, %dma_start3A_202] : memref<100352x16xf32, #tpu.memory_space<vmem_shared>> -> memref<100352x16xf32, #tpu.memory_space<vmem_shared>>
        tpu.enqueue_indirect_dma source(%dma_start3A_200 : memref<128x16xf32, #tpu.memory_space<vmem>>) target(%dma_start3A_203 : memref<100352x16xf32, #tpu.memory_space<vmem_shared>>) offsets(%arg18 : memref<128xi32, #tpu.memory_space<vmem>>) semaphore(%arg25 : memref<!tpu.dma_semaphore, #tpu.memory_space<semaphore_mem>>) {add = true}
        %dma_start3A_204 = arith.constant 3 : i32
        %dma_start3A_205 = arith.constant 0 : i32
        %dma_start3A_206 = arith.constant 0 : i32
        %dma_start3A_207 = tpu.memref_slice %arg20[%dma_start3A_204, %dma_start3A_205, %dma_start3A_206] : memref<4x128x16xf32, #tpu.memory_space<vmem>> -> memref<1x128x16xf32, #tpu.memory_space<vmem>>
        %dma_start3A_208 = tpu.memref_squeeze %dma_start3A_207 : memref<1x128x16xf32, #tpu.memory_space<vmem>> -> memref<128x16xf32, #tpu.memory_space<vmem>>
        %dma_start3A_209 = arith.constant 0 : i32
        %dma_start3A_210 = arith.constant 0 : i32
        %dma_start3A_211 = tpu.memref_slice %arg14[%dma_start3A_209, %dma_start3A_210] : memref<100352x16xf32, #tpu.memory_space<vmem_shared>> -> memref<100352x16xf32, #tpu.memory_space<vmem_shared>>
        tpu.enqueue_indirect_dma source(%dma_start3A_208 : memref<128x16xf32, #tpu.memory_space<vmem>>) target(%dma_start3A_211 : memref<100352x16xf32, #tpu.memory_space<vmem_shared>>) offsets(%arg19 : memref<128xi32, #tpu.memory_space<vmem>>) semaphore(%arg25 : memref<!tpu.dma_semaphore, #tpu.memory_space<semaphore_mem>>) {add = true}
        %dma_wait3A_212 = arith.constant 0 : i32
        %dma_wait3A_213 = arith.constant 0 : i32
        %dma_wait3A_214 = arith.constant 0 : i32
        %dma_wait3A_215 = tpu.memref_slice %arg20[%dma_wait3A_212, %dma_wait3A_213, %dma_wait3A_214] : memref<4x128x16xf32, #tpu.memory_space<vmem>> -> memref<1x128x16xf32, #tpu.memory_space<vmem>>
        %dma_wait3A_216 = tpu.memref_squeeze %dma_wait3A_215 : memref<1x128x16xf32, #tpu.memory_space<vmem>> -> memref<128x16xf32, #tpu.memory_space<vmem>>
        %dma_wait3A_217 = arith.constant 0 : i32
        %dma_wait3A_218 = arith.constant 0 : i32
        %dma_wait3A_219 = tpu.memref_slice %arg14[%dma_wait3A_217, %dma_wait3A_218] : memref<100352x16xf32, #tpu.memory_space<vmem_shared>> -> memref<100352x16xf32, #tpu.memory_space<vmem_shared>>
        tpu.wait_indirect_dma semaphore(%arg25 : memref<!tpu.dma_semaphore, #tpu.memory_space<semaphore_mem>>) src(%dma_wait3A_216 : memref<128x16xf32, #tpu.memory_space<vmem>>) dst(%dma_wait3A_219 : memref<100352x16xf32, #tpu.memory_space<vmem_shared>>)
        %dma_wait3A_220 = arith.constant 1 : i32
        %dma_wait3A_221 = arith.constant 0 : i32
        %dma_wait3A_222 = arith.constant 0 : i32
        %dma_wait3A_223 = tpu.memref_slice %arg20[%dma_wait3A_220, %dma_wait3A_221, %dma_wait3A_222] : memref<4x128x16xf32, #tpu.memory_space<vmem>> -> memref<1x128x16xf32, #tpu.memory_space<vmem>>
        %dma_wait3A_224 = tpu.memref_squeeze %dma_wait3A_223 : memref<1x128x16xf32, #tpu.memory_space<vmem>> -> memref<128x16xf32, #tpu.memory_space<vmem>>
        %dma_wait3A_225 = arith.constant 0 : i32
        %dma_wait3A_226 = arith.constant 0 : i32
        %dma_wait3A_227 = tpu.memref_slice %arg14[%dma_wait3A_225, %dma_wait3A_226] : memref<100352x16xf32, #tpu.memory_space<vmem_shared>> -> memref<100352x16xf32, #tpu.memory_space<vmem_shared>>
        tpu.wait_indirect_dma semaphore(%arg25 : memref<!tpu.dma_semaphore, #tpu.memory_space<semaphore_mem>>) src(%dma_wait3A_224 : memref<128x16xf32, #tpu.memory_space<vmem>>) dst(%dma_wait3A_227 : memref<100352x16xf32, #tpu.memory_space<vmem_shared>>)
        %dma_wait3A_228 = arith.constant 2 : i32
        %dma_wait3A_229 = arith.constant 0 : i32
        %dma_wait3A_230 = arith.constant 0 : i32
        %dma_wait3A_231 = tpu.memref_slice %arg20[%dma_wait3A_228, %dma_wait3A_229, %dma_wait3A_230] : memref<4x128x16xf32, #tpu.memory_space<vmem>> -> memref<1x128x16xf32, #tpu.memory_space<vmem>>
        %dma_wait3A_232 = tpu.memref_squeeze %dma_wait3A_231 : memref<1x128x16xf32, #tpu.memory_space<vmem>> -> memref<128x16xf32, #tpu.memory_space<vmem>>
        %dma_wait3A_233 = arith.constant 0 : i32
        %dma_wait3A_234 = arith.constant 0 : i32
        %dma_wait3A_235 = tpu.memref_slice %arg14[%dma_wait3A_233, %dma_wait3A_234] : memref<100352x16xf32, #tpu.memory_space<vmem_shared>> -> memref<100352x16xf32, #tpu.memory_space<vmem_shared>>
        tpu.wait_indirect_dma semaphore(%arg25 : memref<!tpu.dma_semaphore, #tpu.memory_space<semaphore_mem>>) src(%dma_wait3A_232 : memref<128x16xf32, #tpu.memory_space<vmem>>) dst(%dma_wait3A_235 : memref<100352x16xf32, #tpu.memory_space<vmem_shared>>)
        %dma_wait3A_236 = arith.constant 3 : i32
        %dma_wait3A_237 = arith.constant 0 : i32
        %dma_wait3A_238 = arith.constant 0 : i32
        %dma_wait3A_239 = tpu.memref_slice %arg20[%dma_wait3A_236, %dma_wait3A_237, %dma_wait3A_238] : memref<4x128x16xf32, #tpu.memory_space<vmem>> -> memref<1x128x16xf32, #tpu.memory_space<vmem>>
        %dma_wait3A_240 = tpu.memref_squeeze %dma_wait3A_239 : memref<1x128x16xf32, #tpu.memory_space<vmem>> -> memref<128x16xf32, #tpu.memory_space<vmem>>
        %dma_wait3A_241 = arith.constant 0 : i32
        %dma_wait3A_242 = arith.constant 0 : i32
        %dma_wait3A_243 = tpu.memref_slice %arg14[%dma_wait3A_241, %dma_wait3A_242] : memref<100352x16xf32, #tpu.memory_space<vmem_shared>> -> memref<100352x16xf32, #tpu.memory_space<vmem_shared>>
        tpu.wait_indirect_dma semaphore(%arg25 : memref<!tpu.dma_semaphore, #tpu.memory_space<semaphore_mem>>) src(%dma_wait3A_240 : memref<128x16xf32, #tpu.memory_space<vmem>>) dst(%dma_wait3A_243 : memref<100352x16xf32, #tpu.memory_space<vmem_shared>>)
      }
      %scan3A_48 = arith.constant 200 : i32
      %barrier3A_49 = arith.constant 0 : index
      tpu.barrier barrier_id(%barrier3A_49)
      %scan3A_50 = arith.constant 0 : i32
      %scan3A_51 = arith.constant 0 : i32
      %scan3A_52 = arith.constant 49 : i32
      %scan3A_53 = arith.addi %scan3A_51, %scan3A_52 : i32
      %scan3A_54 = arith.constant 1 : i32
      scf.for %scan3A_70 = %scan3A_51 to %scan3A_53 step %scan3A_54  : i32 {
        %mul3A_71 = arith.constant 128 : i32
        %mul3A_72 = arith.muli %scan3A_70, %mul3A_71 : i32
        %add3A = arith.addi %mul3A_7, %mul3A_72 : i32
        "tpu.region"() ({
          %run_scoped3A_79 = tpu.sem_alloc : memref<!tpu.dma_semaphore, #tpu.memory_space<semaphore_mem>>
          %dma_start3A = arith.constant 0 : i32
          %dma_start3A_80 = tpu.memref_slice %arg14[%add3A, %dma_start3A] : memref<100352x16xf32, #tpu.memory_space<vmem_shared>> -> memref<128x16xf32, #tpu.memory_space<vmem_shared>>
          %dma_start3A_81 = arith.constant 0 : i32
          %dma_start3A_82 = tpu.memref_slice %arg14[%add3A, %dma_start3A_81] : memref<100352x16xf32, #tpu.memory_space<vmem_shared>> -> memref<128x16xf32, #tpu.memory_space<vmem_shared>>
          tpu.enqueue_dma source(%dma_start3A_82 : memref<128x16xf32, #tpu.memory_space<vmem_shared>>) target(%arg22 : memref<128x16xf32, #tpu.memory_space<vmem>>) target_semaphore(%run_scoped3A_79 : memref<!tpu.dma_semaphore, #tpu.memory_space<semaphore_mem>>)
          %dma_wait3A = arith.constant 0 : i32
          %dma_wait3A_83 = tpu.memref_slice %arg14[%add3A, %dma_wait3A] : memref<100352x16xf32, #tpu.memory_space<vmem_shared>> -> memref<128x16xf32, #tpu.memory_space<vmem_shared>>
          %dma_wait3A_84 = arith.constant 0 : i32
          %dma_wait3A_85 = tpu.memref_slice %arg14[%add3A, %dma_wait3A_84] : memref<100352x16xf32, #tpu.memory_space<vmem_shared>> -> memref<128x16xf32, #tpu.memory_space<vmem_shared>>
          tpu.wait_dma2 semaphore(%run_scoped3A_79 : memref<!tpu.dma_semaphore, #tpu.memory_space<semaphore_mem>>) src(%dma_wait3A_85 : memref<128x16xf32, #tpu.memory_space<vmem_shared>>) dst(%arg22 : memref<128x16xf32, #tpu.memory_space<vmem>>)
          tpu.yield
        }) : () -> ()
        "tpu.region"() ({
          %run_scoped3A_79 = tpu.sem_alloc : memref<!tpu.dma_semaphore, #tpu.memory_space<semaphore_mem>>
          %dma_start3A = arith.constant 0 : i32
          %dma_start3A_80 = tpu.memref_slice %arg8[%add3A, %dma_start3A] : memref<100352x16xf32, #tpu.memory_space<hbm>> -> memref<128x16xf32, #tpu.memory_space<hbm>>
          %dma_start3A_81 = arith.constant 0 : i32
          %dma_start3A_82 = tpu.memref_slice %arg8[%add3A, %dma_start3A_81] : memref<100352x16xf32, #tpu.memory_space<hbm>> -> memref<128x16xf32, #tpu.memory_space<hbm>>
          tpu.enqueue_dma source(%dma_start3A_82 : memref<128x16xf32, #tpu.memory_space<hbm>>) target(%arg23 : memref<128x16xf32, #tpu.memory_space<vmem>>) target_semaphore(%run_scoped3A_79 : memref<!tpu.dma_semaphore, #tpu.memory_space<semaphore_mem>>)
          %dma_wait3A = arith.constant 0 : i32
          %dma_wait3A_83 = tpu.memref_slice %arg8[%add3A, %dma_wait3A] : memref<100352x16xf32, #tpu.memory_space<hbm>> -> memref<128x16xf32, #tpu.memory_space<hbm>>
          %dma_wait3A_84 = arith.constant 0 : i32
          %dma_wait3A_85 = tpu.memref_slice %arg8[%add3A, %dma_wait3A_84] : memref<100352x16xf32, #tpu.memory_space<hbm>> -> memref<128x16xf32, #tpu.memory_space<hbm>>
          tpu.wait_dma2 semaphore(%run_scoped3A_79 : memref<!tpu.dma_semaphore, #tpu.memory_space<semaphore_mem>>) src(%dma_wait3A_85 : memref<128x16xf32, #tpu.memory_space<hbm>>) dst(%arg23 : memref<128x16xf32, #tpu.memory_space<vmem>>)
          tpu.yield
        }) : () -> ()
        "tpu.region"() ({
          %run_scoped3A_79 = tpu.sem_alloc : memref<!tpu.dma_semaphore, #tpu.memory_space<semaphore_mem>>
          %dma_start3A = arith.constant 0 : i32
          %dma_start3A_80 = tpu.memref_slice %arg12[%add3A, %dma_start3A] : memref<100352x16xf32, #tpu.memory_space<hbm>> -> memref<128x16xf32, #tpu.memory_space<hbm>>
          %dma_start3A_81 = arith.constant 0 : i32
          %dma_start3A_82 = tpu.memref_slice %arg12[%add3A, %dma_start3A_81] : memref<100352x16xf32, #tpu.memory_space<hbm>> -> memref<128x16xf32, #tpu.memory_space<hbm>>
          tpu.enqueue_dma source(%dma_start3A_82 : memref<128x16xf32, #tpu.memory_space<hbm>>) target(%arg21 : memref<128x16xf32, #tpu.memory_space<vmem>>) target_semaphore(%run_scoped3A_79 : memref<!tpu.dma_semaphore, #tpu.memory_space<semaphore_mem>>)
          %dma_wait3A = arith.constant 0 : i32
          %dma_wait3A_83 = tpu.memref_slice %arg12[%add3A, %dma_wait3A] : memref<100352x16xf32, #tpu.memory_space<hbm>> -> memref<128x16xf32, #tpu.memory_space<hbm>>
          %dma_wait3A_84 = arith.constant 0 : i32
          %dma_wait3A_85 = tpu.memref_slice %arg12[%add3A, %dma_wait3A_84] : memref<100352x16xf32, #tpu.memory_space<hbm>> -> memref<128x16xf32, #tpu.memory_space<hbm>>
          tpu.wait_dma2 semaphore(%run_scoped3A_79 : memref<!tpu.dma_semaphore, #tpu.memory_space<semaphore_mem>>) src(%dma_wait3A_85 : memref<128x16xf32, #tpu.memory_space<hbm>>) dst(%arg21 : memref<128x16xf32, #tpu.memory_space<vmem>>)
          tpu.yield
        }) : () -> ()
        %scan3A_73 = arith.constant 0 : i32
        %scan3A_74 = arith.constant 0 : i32
        %scan3A_75 = arith.constant 128 : i32
        %scan3A_76 = arith.addi %scan3A_74, %scan3A_75 : i32
        %scan3A_77 = arith.constant 1 : i32
        scf.for %scan3A_79 = %scan3A_74 to %scan3A_76 step %scan3A_77  : i32 {
          %get3A = arith.index_cast %scan3A_79 : i32 to index
          %get3A_80 = arith.constant 0 : index
          %get3A_81 = tpu.vector_load %arg22[%get3A, %get3A_80] {strides = array<i32>} : memref<128x16xf32, #tpu.memory_space<vmem>>, vector<1x16xf32>,
          %get3A_82 = vector.shape_cast %get3A_81 : vector<1x16xf32> to vector<16xf32>
          %get3A_83 = arith.index_cast %scan3A_79 : i32 to index
          %get3A_84 = arith.constant 0 : index
          %get3A_85 = tpu.vector_load %arg21[%get3A_83, %get3A_84] {strides = array<i32>} : memref<128x16xf32, #tpu.memory_space<vmem>>, vector<1x16xf32>,
          %get3A_86 = vector.shape_cast %get3A_85 : vector<1x16xf32> to vector<16xf32>
          %get3A_87 = arith.index_cast %scan3A_79 : i32 to index
          %get3A_88 = arith.constant 0 : index
          %get3A_89 = tpu.vector_load %arg23[%get3A_87, %get3A_88] {strides = array<i32>} : memref<128x16xf32, #tpu.memory_space<vmem>>, vector<1x16xf32>,
          %get3A_90 = vector.shape_cast %get3A_89 : vector<1x16xf32> to vector<16xf32>
          %mul3A_91 = arith.constant 2.500000e-01 : f32
          %mul3A_92 = vector.broadcast %mul3A_91 : f32 to vector<16xf32>
          %mul3A_93 = arith.mulf %mul3A_92, %get3A_86 : vector<16xf32>
          %mul3A_94 = arith.mulf %mul3A_93, %get3A_82 : vector<16xf32>
          %add3A_95 = arith.addf %get3A_90, %mul3A_94 : vector<16xf32>
          %swap3A = arith.index_cast %scan3A_79 : i32 to index
          %swap3A_96 = arith.constant 0 : index
          %swap3A_97 = tpu.vector_load %arg23[%swap3A, %swap3A_96] {strides = array<i32>} : memref<128x16xf32, #tpu.memory_space<vmem>>, vector<1x16xf32>,
          %swap3A_98 = vector.shape_cast %swap3A_97 : vector<1x16xf32> to vector<16xf32>
          %swap3A_99 = vector.shape_cast %add3A_95 : vector<16xf32> to vector<1x16xf32>
          tpu.vector_store %arg23[%swap3A, %swap3A_96], %swap3A_99 {strides = array<i32>} : memref<128x16xf32, #tpu.memory_space<vmem>>, vector<1x16xf32>,
          %mul3A_100 = arith.mulf %get3A_86, %get3A_86 : vector<16xf32>
          %mul3A_101 = arith.mulf %mul3A_100, %get3A_82 : vector<16xf32>
          %swap3A_102 = arith.index_cast %scan3A_79 : i32 to index
          %swap3A_103 = arith.constant 0 : index
          %swap3A_104 = tpu.vector_load %arg22[%swap3A_102, %swap3A_103] {strides = array<i32>} : memref<128x16xf32, #tpu.memory_space<vmem>>, vector<1x16xf32>,
          %swap3A_105 = vector.shape_cast %swap3A_104 : vector<1x16xf32> to vector<16xf32>
          %swap3A_106 = vector.shape_cast %mul3A_101 : vector<16xf32> to vector<1x16xf32>
          tpu.vector_store %arg22[%swap3A_102, %swap3A_103], %swap3A_106 {strides = array<i32>} : memref<128x16xf32, #tpu.memory_space<vmem>>, vector<1x16xf32>,
        }
        %scan3A_78 = arith.constant 128 : i32
        "tpu.region"() ({
          %run_scoped3A_79 = tpu.sem_alloc : memref<!tpu.dma_semaphore, #tpu.memory_space<semaphore_mem>>
          %dma_start3A = arith.constant 0 : i32
          %dma_start3A_80 = tpu.memref_slice %arg8[%add3A, %dma_start3A] : memref<100352x16xf32, #tpu.memory_space<hbm>> -> memref<128x16xf32, #tpu.memory_space<hbm>>
          %dma_start3A_81 = arith.constant 0 : i32
          %dma_start3A_82 = tpu.memref_slice %arg8[%add3A, %dma_start3A_81] : memref<100352x16xf32, #tpu.memory_space<hbm>> -> memref<128x16xf32, #tpu.memory_space<hbm>>
          tpu.enqueue_dma source(%arg23 : memref<128x16xf32, #tpu.memory_space<vmem>>) target(%dma_start3A_82 : memref<128x16xf32, #tpu.memory_space<hbm>>) target_semaphore(%run_scoped3A_79 : memref<!tpu.dma_semaphore, #tpu.memory_space<semaphore_mem>>)
          %dma_wait3A = arith.constant 0 : i32
          %dma_wait3A_83 = tpu.memref_slice %arg8[%add3A, %dma_wait3A] : memref<100352x16xf32, #tpu.memory_space<hbm>> -> memref<128x16xf32, #tpu.memory_space<hbm>>
          %dma_wait3A_84 = arith.constant 0 : i32
          %dma_wait3A_85 = tpu.memref_slice %arg8[%add3A, %dma_wait3A_84] : memref<100352x16xf32, #tpu.memory_space<hbm>> -> memref<128x16xf32, #tpu.memory_space<hbm>>
          tpu.wait_dma2 semaphore(%run_scoped3A_79 : memref<!tpu.dma_semaphore, #tpu.memory_space<semaphore_mem>>) src(%arg23 : memref<128x16xf32, #tpu.memory_space<vmem>>) dst(%dma_wait3A_85 : memref<128x16xf32, #tpu.memory_space<hbm>>)
          tpu.yield
        }) : () -> ()
        "tpu.region"() ({
          %run_scoped3A_79 = tpu.sem_alloc : memref<!tpu.dma_semaphore, #tpu.memory_space<semaphore_mem>>
          %dma_start3A = arith.constant 0 : i32
          %dma_start3A_80 = tpu.memref_slice %arg10[%add3A, %dma_start3A] : memref<100352x16xf32, #tpu.memory_space<hbm>> -> memref<128x16xf32, #tpu.memory_space<hbm>>
          %dma_start3A_81 = arith.constant 0 : i32
          %dma_start3A_82 = tpu.memref_slice %arg10[%add3A, %dma_start3A_81] : memref<100352x16xf32, #tpu.memory_space<hbm>> -> memref<128x16xf32, #tpu.memory_space<hbm>>
          tpu.enqueue_dma source(%arg22 : memref<128x16xf32, #tpu.memory_space<vmem>>) target(%dma_start3A_82 : memref<128x16xf32, #tpu.memory_space<hbm>>) target_semaphore(%run_scoped3A_79 : memref<!tpu.dma_semaphore, #tpu.memory_space<semaphore_mem>>)
          %dma_wait3A = arith.constant 0 : i32
          %dma_wait3A_83 = tpu.memref_slice %arg10[%add3A, %dma_wait3A] : memref<100352x16xf32, #tpu.memory_space<hbm>> -> memref<128x16xf32, #tpu.memory_space<hbm>>
          %dma_wait3A_84 = arith.constant 0 : i32
          %dma_wait3A_85 = tpu.memref_slice %arg10[%add3A, %dma_wait3A_84] : memref<100352x16xf32, #tpu.memory_space<hbm>> -> memref<128x16xf32, #tpu.memory_space<hbm>>
          tpu.wait_dma2 semaphore(%run_scoped3A_79 : memref<!tpu.dma_semaphore, #tpu.memory_space<semaphore_mem>>) src(%arg22 : memref<128x16xf32, #tpu.memory_space<vmem>>) dst(%dma_wait3A_85 : memref<128x16xf32, #tpu.memory_space<hbm>>)
          tpu.yield
        }) : () -> ()
      }
      %scan3A_55 = arith.constant 49 : i32
      "tpu.region"() ({
        %run_scoped3A_70 = tpu.sem_alloc : memref<!tpu.dma_semaphore, #tpu.memory_space<semaphore_mem>>
        %dma_start3A = arith.constant 0 : i32
        %dma_start3A_71 = tpu.memref_slice %arg14[%mul3A_7, %dma_start3A] : memref<100352x16xf32, #tpu.memory_space<vmem_shared>> -> memref<6272x16xf32, #tpu.memory_space<vmem_shared>>
        tpu.enqueue_dma source(%arg7 : memref<6272x16xf32, #tpu.memory_space<hbm>>) target(%dma_start3A_71 : memref<6272x16xf32, #tpu.memory_space<vmem_shared>>) target_semaphore(%run_scoped3A_70 : memref<!tpu.dma_semaphore, #tpu.memory_space<semaphore_mem>>)
        %dma_wait3A = arith.constant 0 : i32
        %dma_wait3A_72 = tpu.memref_slice %arg14[%mul3A_7, %dma_wait3A] : memref<100352x16xf32, #tpu.memory_space<vmem_shared>> -> memref<6272x16xf32, #tpu.memory_space<vmem_shared>>
        tpu.wait_dma2 semaphore(%run_scoped3A_70 : memref<!tpu.dma_semaphore, #tpu.memory_space<semaphore_mem>>) src(%arg7 : memref<6272x16xf32, #tpu.memory_space<hbm>>) dst(%dma_wait3A_72 : memref<6272x16xf32, #tpu.memory_space<vmem_shared>>)
        tpu.yield
      }) : () -> ()
      %barrier3A_56 = arith.constant 0 : index
      tpu.barrier barrier_id(%barrier3A_56)
      %scan3A_57 = arith.constant 0 : i32
      %scan3A_58 = arith.constant 0 : i32
      %scan3A_59 = arith.constant 200 : i32
      %scan3A_60 = arith.addi %scan3A_58, %scan3A_59 : i32
      %scan3A_61 = arith.constant 1 : i32
      scf.for %scan3A_70 = %scan3A_58 to %scan3A_60 step %scan3A_61  : i32 {
        %mul3A_71 = arith.constant 4 : i32
        %mul3A_72 = arith.muli %scan3A_70, %mul3A_71 : i32
        %add3A = arith.addi %mul3A_9, %mul3A_72 : i32
        "tpu.region"() ({
          %run_scoped3A_244 = tpu.sem_alloc : memref<!tpu.dma_semaphore, #tpu.memory_space<semaphore_mem>>
          %dma_start3A_245 = arith.constant 0 : i32
          %dma_start3A_246 = arith.constant 0 : i32
          %dma_start3A_247 = tpu.memref_slice %arg15[%dma_start3A_245, %dma_start3A_246] : memref<4x128xi32, #tpu.memory_space<vmem>> -> memref<4x128xi32, #tpu.memory_space<vmem>>
          %dma_start3A_248 = arith.constant 0 : i32
          %dma_start3A_249 = tpu.memref_slice %arg4[%add3A, %dma_start3A_248] : memref<12800x128xi32, #tpu.memory_space<hbm>> -> memref<4x128xi32, #tpu.memory_space<hbm>>
          %dma_start3A_250 = arith.constant 0 : i32
          %dma_start3A_251 = arith.constant 0 : i32
          %dma_start3A_252 = tpu.memref_slice %arg15[%dma_start3A_250, %dma_start3A_251] : memref<4x128xi32, #tpu.memory_space<vmem>> -> memref<4x128xi32, #tpu.memory_space<vmem>>
          %dma_start3A_253 = arith.constant 0 : i32
          %dma_start3A_254 = tpu.memref_slice %arg4[%add3A, %dma_start3A_253] : memref<12800x128xi32, #tpu.memory_space<hbm>> -> memref<4x128xi32, #tpu.memory_space<hbm>>
          tpu.enqueue_dma source(%dma_start3A_254 : memref<4x128xi32, #tpu.memory_space<hbm>>) target(%dma_start3A_252 : memref<4x128xi32, #tpu.memory_space<vmem>>) target_semaphore(%run_scoped3A_244 : memref<!tpu.dma_semaphore, #tpu.memory_space<semaphore_mem>>)
          %dma_wait3A_255 = arith.constant 0 : i32
          %dma_wait3A_256 = arith.constant 0 : i32
          %dma_wait3A_257 = tpu.memref_slice %arg15[%dma_wait3A_255, %dma_wait3A_256] : memref<4x128xi32, #tpu.memory_space<vmem>> -> memref<4x128xi32, #tpu.memory_space<vmem>>
          %dma_wait3A_258 = arith.constant 0 : i32
          %dma_wait3A_259 = tpu.memref_slice %arg4[%add3A, %dma_wait3A_258] : memref<12800x128xi32, #tpu.memory_space<hbm>> -> memref<4x128xi32, #tpu.memory_space<hbm>>
          %dma_wait3A_260 = arith.constant 0 : i32
          %dma_wait3A_261 = arith.constant 0 : i32
          %dma_wait3A_262 = tpu.memref_slice %arg15[%dma_wait3A_260, %dma_wait3A_261] : memref<4x128xi32, #tpu.memory_space<vmem>> -> memref<4x128xi32, #tpu.memory_space<vmem>>
          %dma_wait3A_263 = arith.constant 0 : i32
          %dma_wait3A_264 = tpu.memref_slice %arg4[%add3A, %dma_wait3A_263] : memref<12800x128xi32, #tpu.memory_space<hbm>> -> memref<4x128xi32, #tpu.memory_space<hbm>>
          tpu.wait_dma2 semaphore(%run_scoped3A_244 : memref<!tpu.dma_semaphore, #tpu.memory_space<semaphore_mem>>) src(%dma_wait3A_264 : memref<4x128xi32, #tpu.memory_space<hbm>>) dst(%dma_wait3A_262 : memref<4x128xi32, #tpu.memory_space<vmem>>)
          tpu.yield
        }) : () -> ()
        %mul3A_73 = arith.constant 4 : i32
        %mul3A_74 = arith.muli %scan3A_70, %mul3A_73 : i32
        %add3A_75 = arith.addi %mul3A_9, %mul3A_74 : i32
        %mul3A_76 = arith.constant 128 : i32
        %mul3A_77 = arith.muli %add3A_75, %mul3A_76 : i32
        %add3A_78 = arith.constant 0 : i32
        %add3A_79 = arith.addi %mul3A_77, %add3A_78 : i32
        "tpu.region"() ({
          %run_scoped3A_244 = tpu.sem_alloc : memref<!tpu.dma_semaphore, #tpu.memory_space<semaphore_mem>>
          %dma_start3A_245 = tpu.memref_slice %arg5[%add3A_79] : memref<1638400xi32, #tpu.memory_space<hbm>> -> memref<128xi32, #tpu.memory_space<hbm>>
          %dma_start3A_246 = tpu.memref_slice %arg5[%add3A_79] : memref<1638400xi32, #tpu.memory_space<hbm>> -> memref<128xi32, #tpu.memory_space<hbm>>
          tpu.enqueue_dma source(%dma_start3A_246 : memref<128xi32, #tpu.memory_space<hbm>>) target(%arg16 : memref<128xi32, #tpu.memory_space<vmem>>) target_semaphore(%run_scoped3A_244 : memref<!tpu.dma_semaphore, #tpu.memory_space<semaphore_mem>>)
          %dma_wait3A_247 = tpu.memref_slice %arg5[%add3A_79] : memref<1638400xi32, #tpu.memory_space<hbm>> -> memref<128xi32, #tpu.memory_space<hbm>>
          %dma_wait3A_248 = tpu.memref_slice %arg5[%add3A_79] : memref<1638400xi32, #tpu.memory_space<hbm>> -> memref<128xi32, #tpu.memory_space<hbm>>
          tpu.wait_dma2 semaphore(%run_scoped3A_244 : memref<!tpu.dma_semaphore, #tpu.memory_space<semaphore_mem>>) src(%dma_wait3A_248 : memref<128xi32, #tpu.memory_space<hbm>>) dst(%arg16 : memref<128xi32, #tpu.memory_space<vmem>>)
          tpu.yield
        }) : () -> ()
        %add3A_80 = arith.constant 128 : i32
        %add3A_81 = arith.addi %mul3A_77, %add3A_80 : i32
        "tpu.region"() ({
          %run_scoped3A_244 = tpu.sem_alloc : memref<!tpu.dma_semaphore, #tpu.memory_space<semaphore_mem>>
          %dma_start3A_245 = tpu.memref_slice %arg5[%add3A_81] : memref<1638400xi32, #tpu.memory_space<hbm>> -> memref<128xi32, #tpu.memory_space<hbm>>
          %dma_start3A_246 = tpu.memref_slice %arg5[%add3A_81] : memref<1638400xi32, #tpu.memory_space<hbm>> -> memref<128xi32, #tpu.memory_space<hbm>>
          tpu.enqueue_dma source(%dma_start3A_246 : memref<128xi32, #tpu.memory_space<hbm>>) target(%arg17 : memref<128xi32, #tpu.memory_space<vmem>>) target_semaphore(%run_scoped3A_244 : memref<!tpu.dma_semaphore, #tpu.memory_space<semaphore_mem>>)
          %dma_wait3A_247 = tpu.memref_slice %arg5[%add3A_81] : memref<1638400xi32, #tpu.memory_space<hbm>> -> memref<128xi32, #tpu.memory_space<hbm>>
          %dma_wait3A_248 = tpu.memref_slice %arg5[%add3A_81] : memref<1638400xi32, #tpu.memory_space<hbm>> -> memref<128xi32, #tpu.memory_space<hbm>>
          tpu.wait_dma2 semaphore(%run_scoped3A_244 : memref<!tpu.dma_semaphore, #tpu.memory_space<semaphore_mem>>) src(%dma_wait3A_248 : memref<128xi32, #tpu.memory_space<hbm>>) dst(%arg17 : memref<128xi32, #tpu.memory_space<vmem>>)
          tpu.yield
        }) : () -> ()
        %add3A_82 = arith.constant 256 : i32
        %add3A_83 = arith.addi %mul3A_77, %add3A_82 : i32
        "tpu.region"() ({
          %run_scoped3A_244 = tpu.sem_alloc : memref<!tpu.dma_semaphore, #tpu.memory_space<semaphore_mem>>
          %dma_start3A_245 = tpu.memref_slice %arg5[%add3A_83] : memref<1638400xi32, #tpu.memory_space<hbm>> -> memref<128xi32, #tpu.memory_space<hbm>>
          %dma_start3A_246 = tpu.memref_slice %arg5[%add3A_83] : memref<1638400xi32, #tpu.memory_space<hbm>> -> memref<128xi32, #tpu.memory_space<hbm>>
          tpu.enqueue_dma source(%dma_start3A_246 : memref<128xi32, #tpu.memory_space<hbm>>) target(%arg18 : memref<128xi32, #tpu.memory_space<vmem>>) target_semaphore(%run_scoped3A_244 : memref<!tpu.dma_semaphore, #tpu.memory_space<semaphore_mem>>)
          %dma_wait3A_247 = tpu.memref_slice %arg5[%add3A_83] : memref<1638400xi32, #tpu.memory_space<hbm>> -> memref<128xi32, #tpu.memory_space<hbm>>
          %dma_wait3A_248 = tpu.memref_slice %arg5[%add3A_83] : memref<1638400xi32, #tpu.memory_space<hbm>> -> memref<128xi32, #tpu.memory_space<hbm>>
          tpu.wait_dma2 semaphore(%run_scoped3A_244 : memref<!tpu.dma_semaphore, #tpu.memory_space<semaphore_mem>>) src(%dma_wait3A_248 : memref<128xi32, #tpu.memory_space<hbm>>) dst(%arg18 : memref<128xi32, #tpu.memory_space<vmem>>)
          tpu.yield
        }) : () -> ()
        %add3A_84 = arith.constant 384 : i32
        %add3A_85 = arith.addi %mul3A_77, %add3A_84 : i32
        "tpu.region"() ({
          %run_scoped3A_244 = tpu.sem_alloc : memref<!tpu.dma_semaphore, #tpu.memory_space<semaphore_mem>>
          %dma_start3A_245 = tpu.memref_slice %arg5[%add3A_85] : memref<1638400xi32, #tpu.memory_space<hbm>> -> memref<128xi32, #tpu.memory_space<hbm>>
          %dma_start3A_246 = tpu.memref_slice %arg5[%add3A_85] : memref<1638400xi32, #tpu.memory_space<hbm>> -> memref<128xi32, #tpu.memory_space<hbm>>
          tpu.enqueue_dma source(%dma_start3A_246 : memref<128xi32, #tpu.memory_space<hbm>>) target(%arg19 : memref<128xi32, #tpu.memory_space<vmem>>) target_semaphore(%run_scoped3A_244 : memref<!tpu.dma_semaphore, #tpu.memory_space<semaphore_mem>>)
          %dma_wait3A_247 = tpu.memref_slice %arg5[%add3A_85] : memref<1638400xi32, #tpu.memory_space<hbm>> -> memref<128xi32, #tpu.memory_space<hbm>>
          %dma_wait3A_248 = tpu.memref_slice %arg5[%add3A_85] : memref<1638400xi32, #tpu.memory_space<hbm>> -> memref<128xi32, #tpu.memory_space<hbm>>
          tpu.wait_dma2 semaphore(%run_scoped3A_244 : memref<!tpu.dma_semaphore, #tpu.memory_space<semaphore_mem>>) src(%dma_wait3A_248 : memref<128xi32, #tpu.memory_space<hbm>>) dst(%arg19 : memref<128xi32, #tpu.memory_space<vmem>>)
          tpu.yield
        }) : () -> ()
        %dma_start3A = arith.constant 0 : i32
        %dma_start3A_86 = arith.constant 0 : i32
        %dma_start3A_87 = arith.constant 0 : i32
        %dma_start3A_88 = arith.constant 0 : i32
        %dma_start3A_89 = tpu.memref_slice %arg20[%dma_start3A_86, %dma_start3A_87, %dma_start3A_88] : memref<4x128x16xf32, #tpu.memory_space<vmem>> -> memref<1x128x16xf32, #tpu.memory_space<vmem>>
        %dma_start3A_90 = tpu.memref_squeeze %dma_start3A_89 : memref<1x128x16xf32, #tpu.memory_space<vmem>> -> memref<128x16xf32, #tpu.memory_space<vmem>>
        %dma_start3A_91 = arith.constant 0 : i32
        %dma_start3A_92 = tpu.memref_slice %arg15[%dma_start3A, %dma_start3A_91] : memref<4x128xi32, #tpu.memory_space<vmem>> -> memref<1x128xi32, #tpu.memory_space<vmem>>
        %dma_start3A_93 = tpu.memref_squeeze %dma_start3A_92 : memref<1x128xi32, #tpu.memory_space<vmem>> -> memref<128xi32, #tpu.memory_space<vmem>>
        %dma_start3A_94 = arith.constant 0 : i32
        %dma_start3A_95 = arith.constant 0 : i32
        %dma_start3A_96 = tpu.memref_slice %arg10[%dma_start3A_94, %dma_start3A_95] : memref<100352x16xf32, #tpu.memory_space<hbm>> -> memref<100352x16xf32, #tpu.memory_space<hbm>>
        tpu.enqueue_indirect_dma source(%dma_start3A_96 : memref<100352x16xf32, #tpu.memory_space<hbm>>) target(%dma_start3A_90 : memref<128x16xf32, #tpu.memory_space<vmem>>) offsets(%dma_start3A_93 : memref<128xi32, #tpu.memory_space<vmem>>) semaphore(%arg24 : memref<!tpu.dma_semaphore, #tpu.memory_space<semaphore_mem>>)
        %dma_start3A_97 = arith.constant 1 : i32
        %dma_start3A_98 = arith.constant 1 : i32
        %dma_start3A_99 = arith.constant 0 : i32
        %dma_start3A_100 = arith.constant 0 : i32
        %dma_start3A_101 = tpu.memref_slice %arg20[%dma_start3A_98, %dma_start3A_99, %dma_start3A_100] : memref<4x128x16xf32, #tpu.memory_space<vmem>> -> memref<1x128x16xf32, #tpu.memory_space<vmem>>
        %dma_start3A_102 = tpu.memref_squeeze %dma_start3A_101 : memref<1x128x16xf32, #tpu.memory_space<vmem>> -> memref<128x16xf32, #tpu.memory_space<vmem>>
        %dma_start3A_103 = arith.constant 0 : i32
        %dma_start3A_104 = tpu.memref_slice %arg15[%dma_start3A_97, %dma_start3A_103] : memref<4x128xi32, #tpu.memory_space<vmem>> -> memref<1x128xi32, #tpu.memory_space<vmem>>
        %dma_start3A_105 = tpu.memref_squeeze %dma_start3A_104 : memref<1x128xi32, #tpu.memory_space<vmem>> -> memref<128xi32, #tpu.memory_space<vmem>>
        %dma_start3A_106 = arith.constant 0 : i32
        %dma_start3A_107 = arith.constant 0 : i32
        %dma_start3A_108 = tpu.memref_slice %arg10[%dma_start3A_106, %dma_start3A_107] : memref<100352x16xf32, #tpu.memory_space<hbm>> -> memref<100352x16xf32, #tpu.memory_space<hbm>>
        tpu.enqueue_indirect_dma source(%dma_start3A_108 : memref<100352x16xf32, #tpu.memory_space<hbm>>) target(%dma_start3A_102 : memref<128x16xf32, #tpu.memory_space<vmem>>) offsets(%dma_start3A_105 : memref<128xi32, #tpu.memory_space<vmem>>) semaphore(%arg24 : memref<!tpu.dma_semaphore, #tpu.memory_space<semaphore_mem>>)
        %dma_start3A_109 = arith.constant 2 : i32
        %dma_start3A_110 = arith.constant 2 : i32
        %dma_start3A_111 = arith.constant 0 : i32
        %dma_start3A_112 = arith.constant 0 : i32
        %dma_start3A_113 = tpu.memref_slice %arg20[%dma_start3A_110, %dma_start3A_111, %dma_start3A_112] : memref<4x128x16xf32, #tpu.memory_space<vmem>> -> memref<1x128x16xf32, #tpu.memory_space<vmem>>
        %dma_start3A_114 = tpu.memref_squeeze %dma_start3A_113 : memref<1x128x16xf32, #tpu.memory_space<vmem>> -> memref<128x16xf32, #tpu.memory_space<vmem>>
        %dma_start3A_115 = arith.constant 0 : i32
        %dma_start3A_116 = tpu.memref_slice %arg15[%dma_start3A_109, %dma_start3A_115] : memref<4x128xi32, #tpu.memory_space<vmem>> -> memref<1x128xi32, #tpu.memory_space<vmem>>
        %dma_start3A_117 = tpu.memref_squeeze %dma_start3A_116 : memref<1x128xi32, #tpu.memory_space<vmem>> -> memref<128xi32, #tpu.memory_space<vmem>>
        %dma_start3A_118 = arith.constant 0 : i32
        %dma_start3A_119 = arith.constant 0 : i32
        %dma_start3A_120 = tpu.memref_slice %arg10[%dma_start3A_118, %dma_start3A_119] : memref<100352x16xf32, #tpu.memory_space<hbm>> -> memref<100352x16xf32, #tpu.memory_space<hbm>>
        tpu.enqueue_indirect_dma source(%dma_start3A_120 : memref<100352x16xf32, #tpu.memory_space<hbm>>) target(%dma_start3A_114 : memref<128x16xf32, #tpu.memory_space<vmem>>) offsets(%dma_start3A_117 : memref<128xi32, #tpu.memory_space<vmem>>) semaphore(%arg24 : memref<!tpu.dma_semaphore, #tpu.memory_space<semaphore_mem>>)
        %dma_start3A_121 = arith.constant 3 : i32
        %dma_start3A_122 = arith.constant 3 : i32
        %dma_start3A_123 = arith.constant 0 : i32
        %dma_start3A_124 = arith.constant 0 : i32
        %dma_start3A_125 = tpu.memref_slice %arg20[%dma_start3A_122, %dma_start3A_123, %dma_start3A_124] : memref<4x128x16xf32, #tpu.memory_space<vmem>> -> memref<1x128x16xf32, #tpu.memory_space<vmem>>
        %dma_start3A_126 = tpu.memref_squeeze %dma_start3A_125 : memref<1x128x16xf32, #tpu.memory_space<vmem>> -> memref<128x16xf32, #tpu.memory_space<vmem>>
        %dma_start3A_127 = arith.constant 0 : i32
        %dma_start3A_128 = tpu.memref_slice %arg15[%dma_start3A_121, %dma_start3A_127] : memref<4x128xi32, #tpu.memory_space<vmem>> -> memref<1x128xi32, #tpu.memory_space<vmem>>
        %dma_start3A_129 = tpu.memref_squeeze %dma_start3A_128 : memref<1x128xi32, #tpu.memory_space<vmem>> -> memref<128xi32, #tpu.memory_space<vmem>>
        %dma_start3A_130 = arith.constant 0 : i32
        %dma_start3A_131 = arith.constant 0 : i32
        %dma_start3A_132 = tpu.memref_slice %arg10[%dma_start3A_130, %dma_start3A_131] : memref<100352x16xf32, #tpu.memory_space<hbm>> -> memref<100352x16xf32, #tpu.memory_space<hbm>>
        tpu.enqueue_indirect_dma source(%dma_start3A_132 : memref<100352x16xf32, #tpu.memory_space<hbm>>) target(%dma_start3A_126 : memref<128x16xf32, #tpu.memory_space<vmem>>) offsets(%dma_start3A_129 : memref<128xi32, #tpu.memory_space<vmem>>) semaphore(%arg24 : memref<!tpu.dma_semaphore, #tpu.memory_space<semaphore_mem>>)
        %dma_wait3A = arith.constant 0 : i32
        %dma_wait3A_133 = arith.constant 0 : i32
        %dma_wait3A_134 = arith.constant 0 : i32
        %dma_wait3A_135 = arith.constant 0 : i32
        %dma_wait3A_136 = tpu.memref_slice %arg20[%dma_wait3A_133, %dma_wait3A_134, %dma_wait3A_135] : memref<4x128x16xf32, #tpu.memory_space<vmem>> -> memref<1x128x16xf32, #tpu.memory_space<vmem>>
        %dma_wait3A_137 = tpu.memref_squeeze %dma_wait3A_136 : memref<1x128x16xf32, #tpu.memory_space<vmem>> -> memref<128x16xf32, #tpu.memory_space<vmem>>
        %dma_wait3A_138 = arith.constant 0 : i32
        %dma_wait3A_139 = tpu.memref_slice %arg15[%dma_wait3A, %dma_wait3A_138] : memref<4x128xi32, #tpu.memory_space<vmem>> -> memref<1x128xi32, #tpu.memory_space<vmem>>
        %dma_wait3A_140 = tpu.memref_squeeze %dma_wait3A_139 : memref<1x128xi32, #tpu.memory_space<vmem>> -> memref<128xi32, #tpu.memory_space<vmem>>
        %dma_wait3A_141 = arith.constant 0 : i32
        %dma_wait3A_142 = arith.constant 0 : i32
        %dma_wait3A_143 = tpu.memref_slice %arg10[%dma_wait3A_141, %dma_wait3A_142] : memref<100352x16xf32, #tpu.memory_space<hbm>> -> memref<100352x16xf32, #tpu.memory_space<hbm>>
        tpu.wait_indirect_dma semaphore(%arg24 : memref<!tpu.dma_semaphore, #tpu.memory_space<semaphore_mem>>) src(%dma_wait3A_143 : memref<100352x16xf32, #tpu.memory_space<hbm>>) dst(%dma_wait3A_137 : memref<128x16xf32, #tpu.memory_space<vmem>>)
        %dma_wait3A_144 = arith.constant 1 : i32
        %dma_wait3A_145 = arith.constant 1 : i32
        %dma_wait3A_146 = arith.constant 0 : i32
        %dma_wait3A_147 = arith.constant 0 : i32
        %dma_wait3A_148 = tpu.memref_slice %arg20[%dma_wait3A_145, %dma_wait3A_146, %dma_wait3A_147] : memref<4x128x16xf32, #tpu.memory_space<vmem>> -> memref<1x128x16xf32, #tpu.memory_space<vmem>>
        %dma_wait3A_149 = tpu.memref_squeeze %dma_wait3A_148 : memref<1x128x16xf32, #tpu.memory_space<vmem>> -> memref<128x16xf32, #tpu.memory_space<vmem>>
        %dma_wait3A_150 = arith.constant 0 : i32
        %dma_wait3A_151 = tpu.memref_slice %arg15[%dma_wait3A_144, %dma_wait3A_150] : memref<4x128xi32, #tpu.memory_space<vmem>> -> memref<1x128xi32, #tpu.memory_space<vmem>>
        %dma_wait3A_152 = tpu.memref_squeeze %dma_wait3A_151 : memref<1x128xi32, #tpu.memory_space<vmem>> -> memref<128xi32, #tpu.memory_space<vmem>>
        %dma_wait3A_153 = arith.constant 0 : i32
        %dma_wait3A_154 = arith.constant 0 : i32
        %dma_wait3A_155 = tpu.memref_slice %arg10[%dma_wait3A_153, %dma_wait3A_154] : memref<100352x16xf32, #tpu.memory_space<hbm>> -> memref<100352x16xf32, #tpu.memory_space<hbm>>
        tpu.wait_indirect_dma semaphore(%arg24 : memref<!tpu.dma_semaphore, #tpu.memory_space<semaphore_mem>>) src(%dma_wait3A_155 : memref<100352x16xf32, #tpu.memory_space<hbm>>) dst(%dma_wait3A_149 : memref<128x16xf32, #tpu.memory_space<vmem>>)
        %dma_wait3A_156 = arith.constant 2 : i32
        %dma_wait3A_157 = arith.constant 2 : i32
        %dma_wait3A_158 = arith.constant 0 : i32
        %dma_wait3A_159 = arith.constant 0 : i32
        %dma_wait3A_160 = tpu.memref_slice %arg20[%dma_wait3A_157, %dma_wait3A_158, %dma_wait3A_159] : memref<4x128x16xf32, #tpu.memory_space<vmem>> -> memref<1x128x16xf32, #tpu.memory_space<vmem>>
        %dma_wait3A_161 = tpu.memref_squeeze %dma_wait3A_160 : memref<1x128x16xf32, #tpu.memory_space<vmem>> -> memref<128x16xf32, #tpu.memory_space<vmem>>
        %dma_wait3A_162 = arith.constant 0 : i32
        %dma_wait3A_163 = tpu.memref_slice %arg15[%dma_wait3A_156, %dma_wait3A_162] : memref<4x128xi32, #tpu.memory_space<vmem>> -> memref<1x128xi32, #tpu.memory_space<vmem>>
        %dma_wait3A_164 = tpu.memref_squeeze %dma_wait3A_163 : memref<1x128xi32, #tpu.memory_space<vmem>> -> memref<128xi32, #tpu.memory_space<vmem>>
        %dma_wait3A_165 = arith.constant 0 : i32
        %dma_wait3A_166 = arith.constant 0 : i32
        %dma_wait3A_167 = tpu.memref_slice %arg10[%dma_wait3A_165, %dma_wait3A_166] : memref<100352x16xf32, #tpu.memory_space<hbm>> -> memref<100352x16xf32, #tpu.memory_space<hbm>>
        tpu.wait_indirect_dma semaphore(%arg24 : memref<!tpu.dma_semaphore, #tpu.memory_space<semaphore_mem>>) src(%dma_wait3A_167 : memref<100352x16xf32, #tpu.memory_space<hbm>>) dst(%dma_wait3A_161 : memref<128x16xf32, #tpu.memory_space<vmem>>)
        %dma_wait3A_168 = arith.constant 3 : i32
        %dma_wait3A_169 = arith.constant 3 : i32
        %dma_wait3A_170 = arith.constant 0 : i32
        %dma_wait3A_171 = arith.constant 0 : i32
        %dma_wait3A_172 = tpu.memref_slice %arg20[%dma_wait3A_169, %dma_wait3A_170, %dma_wait3A_171] : memref<4x128x16xf32, #tpu.memory_space<vmem>> -> memref<1x128x16xf32, #tpu.memory_space<vmem>>
        %dma_wait3A_173 = tpu.memref_squeeze %dma_wait3A_172 : memref<1x128x16xf32, #tpu.memory_space<vmem>> -> memref<128x16xf32, #tpu.memory_space<vmem>>
        %dma_wait3A_174 = arith.constant 0 : i32
        %dma_wait3A_175 = tpu.memref_slice %arg15[%dma_wait3A_168, %dma_wait3A_174] : memref<4x128xi32, #tpu.memory_space<vmem>> -> memref<1x128xi32, #tpu.memory_space<vmem>>
        %dma_wait3A_176 = tpu.memref_squeeze %dma_wait3A_175 : memref<1x128xi32, #tpu.memory_space<vmem>> -> memref<128xi32, #tpu.memory_space<vmem>>
        %dma_wait3A_177 = arith.constant 0 : i32
        %dma_wait3A_178 = arith.constant 0 : i32
        %dma_wait3A_179 = tpu.memref_slice %arg10[%dma_wait3A_177, %dma_wait3A_178] : memref<100352x16xf32, #tpu.memory_space<hbm>> -> memref<100352x16xf32, #tpu.memory_space<hbm>>
        tpu.wait_indirect_dma semaphore(%arg24 : memref<!tpu.dma_semaphore, #tpu.memory_space<semaphore_mem>>) src(%dma_wait3A_179 : memref<100352x16xf32, #tpu.memory_space<hbm>>) dst(%dma_wait3A_173 : memref<128x16xf32, #tpu.memory_space<vmem>>)
        %dma_start3A_180 = arith.constant 0 : i32
        %dma_start3A_181 = arith.constant 0 : i32
        %dma_start3A_182 = arith.constant 0 : i32
        %dma_start3A_183 = tpu.memref_slice %arg20[%dma_start3A_180, %dma_start3A_181, %dma_start3A_182] : memref<4x128x16xf32, #tpu.memory_space<vmem>> -> memref<1x128x16xf32, #tpu.memory_space<vmem>>
        %dma_start3A_184 = tpu.memref_squeeze %dma_start3A_183 : memref<1x128x16xf32, #tpu.memory_space<vmem>> -> memref<128x16xf32, #tpu.memory_space<vmem>>
        %dma_start3A_185 = arith.constant 0 : i32
        %dma_start3A_186 = arith.constant 0 : i32
        %dma_start3A_187 = tpu.memref_slice %arg14[%dma_start3A_185, %dma_start3A_186] : memref<100352x16xf32, #tpu.memory_space<vmem_shared>> -> memref<100352x16xf32, #tpu.memory_space<vmem_shared>>
        tpu.enqueue_indirect_dma source(%dma_start3A_184 : memref<128x16xf32, #tpu.memory_space<vmem>>) target(%dma_start3A_187 : memref<100352x16xf32, #tpu.memory_space<vmem_shared>>) offsets(%arg16 : memref<128xi32, #tpu.memory_space<vmem>>) semaphore(%arg25 : memref<!tpu.dma_semaphore, #tpu.memory_space<semaphore_mem>>) {add = true}
        %dma_start3A_188 = arith.constant 1 : i32
        %dma_start3A_189 = arith.constant 0 : i32
        %dma_start3A_190 = arith.constant 0 : i32
        %dma_start3A_191 = tpu.memref_slice %arg20[%dma_start3A_188, %dma_start3A_189, %dma_start3A_190] : memref<4x128x16xf32, #tpu.memory_space<vmem>> -> memref<1x128x16xf32, #tpu.memory_space<vmem>>
        %dma_start3A_192 = tpu.memref_squeeze %dma_start3A_191 : memref<1x128x16xf32, #tpu.memory_space<vmem>> -> memref<128x16xf32, #tpu.memory_space<vmem>>
        %dma_start3A_193 = arith.constant 0 : i32
        %dma_start3A_194 = arith.constant 0 : i32
        %dma_start3A_195 = tpu.memref_slice %arg14[%dma_start3A_193, %dma_start3A_194] : memref<100352x16xf32, #tpu.memory_space<vmem_shared>> -> memref<100352x16xf32, #tpu.memory_space<vmem_shared>>
        tpu.enqueue_indirect_dma source(%dma_start3A_192 : memref<128x16xf32, #tpu.memory_space<vmem>>) target(%dma_start3A_195 : memref<100352x16xf32, #tpu.memory_space<vmem_shared>>) offsets(%arg17 : memref<128xi32, #tpu.memory_space<vmem>>) semaphore(%arg25 : memref<!tpu.dma_semaphore, #tpu.memory_space<semaphore_mem>>) {add = true}
        %dma_start3A_196 = arith.constant 2 : i32
        %dma_start3A_197 = arith.constant 0 : i32
        %dma_start3A_198 = arith.constant 0 : i32
        %dma_start3A_199 = tpu.memref_slice %arg20[%dma_start3A_196, %dma_start3A_197, %dma_start3A_198] : memref<4x128x16xf32, #tpu.memory_space<vmem>> -> memref<1x128x16xf32, #tpu.memory_space<vmem>>
        %dma_start3A_200 = tpu.memref_squeeze %dma_start3A_199 : memref<1x128x16xf32, #tpu.memory_space<vmem>> -> memref<128x16xf32, #tpu.memory_space<vmem>>
        %dma_start3A_201 = arith.constant 0 : i32
        %dma_start3A_202 = arith.constant 0 : i32
        %dma_start3A_203 = tpu.memref_slice %arg14[%dma_start3A_201, %dma_start3A_202] : memref<100352x16xf32, #tpu.memory_space<vmem_shared>> -> memref<100352x16xf32, #tpu.memory_space<vmem_shared>>
        tpu.enqueue_indirect_dma source(%dma_start3A_200 : memref<128x16xf32, #tpu.memory_space<vmem>>) target(%dma_start3A_203 : memref<100352x16xf32, #tpu.memory_space<vmem_shared>>) offsets(%arg18 : memref<128xi32, #tpu.memory_space<vmem>>) semaphore(%arg25 : memref<!tpu.dma_semaphore, #tpu.memory_space<semaphore_mem>>) {add = true}
        %dma_start3A_204 = arith.constant 3 : i32
        %dma_start3A_205 = arith.constant 0 : i32
        %dma_start3A_206 = arith.constant 0 : i32
        %dma_start3A_207 = tpu.memref_slice %arg20[%dma_start3A_204, %dma_start3A_205, %dma_start3A_206] : memref<4x128x16xf32, #tpu.memory_space<vmem>> -> memref<1x128x16xf32, #tpu.memory_space<vmem>>
        %dma_start3A_208 = tpu.memref_squeeze %dma_start3A_207 : memref<1x128x16xf32, #tpu.memory_space<vmem>> -> memref<128x16xf32, #tpu.memory_space<vmem>>
        %dma_start3A_209 = arith.constant 0 : i32
        %dma_start3A_210 = arith.constant 0 : i32
        %dma_start3A_211 = tpu.memref_slice %arg14[%dma_start3A_209, %dma_start3A_210] : memref<100352x16xf32, #tpu.memory_space<vmem_shared>> -> memref<100352x16xf32, #tpu.memory_space<vmem_shared>>
        tpu.enqueue_indirect_dma source(%dma_start3A_208 : memref<128x16xf32, #tpu.memory_space<vmem>>) target(%dma_start3A_211 : memref<100352x16xf32, #tpu.memory_space<vmem_shared>>) offsets(%arg19 : memref<128xi32, #tpu.memory_space<vmem>>) semaphore(%arg25 : memref<!tpu.dma_semaphore, #tpu.memory_space<semaphore_mem>>) {add = true}
        %dma_wait3A_212 = arith.constant 0 : i32
        %dma_wait3A_213 = arith.constant 0 : i32
        %dma_wait3A_214 = arith.constant 0 : i32
        %dma_wait3A_215 = tpu.memref_slice %arg20[%dma_wait3A_212, %dma_wait3A_213, %dma_wait3A_214] : memref<4x128x16xf32, #tpu.memory_space<vmem>> -> memref<1x128x16xf32, #tpu.memory_space<vmem>>
        %dma_wait3A_216 = tpu.memref_squeeze %dma_wait3A_215 : memref<1x128x16xf32, #tpu.memory_space<vmem>> -> memref<128x16xf32, #tpu.memory_space<vmem>>
        %dma_wait3A_217 = arith.constant 0 : i32
        %dma_wait3A_218 = arith.constant 0 : i32
        %dma_wait3A_219 = tpu.memref_slice %arg14[%dma_wait3A_217, %dma_wait3A_218] : memref<100352x16xf32, #tpu.memory_space<vmem_shared>> -> memref<100352x16xf32, #tpu.memory_space<vmem_shared>>
        tpu.wait_indirect_dma semaphore(%arg25 : memref<!tpu.dma_semaphore, #tpu.memory_space<semaphore_mem>>) src(%dma_wait3A_216 : memref<128x16xf32, #tpu.memory_space<vmem>>) dst(%dma_wait3A_219 : memref<100352x16xf32, #tpu.memory_space<vmem_shared>>)
        %dma_wait3A_220 = arith.constant 1 : i32
        %dma_wait3A_221 = arith.constant 0 : i32
        %dma_wait3A_222 = arith.constant 0 : i32
        %dma_wait3A_223 = tpu.memref_slice %arg20[%dma_wait3A_220, %dma_wait3A_221, %dma_wait3A_222] : memref<4x128x16xf32, #tpu.memory_space<vmem>> -> memref<1x128x16xf32, #tpu.memory_space<vmem>>
        %dma_wait3A_224 = tpu.memref_squeeze %dma_wait3A_223 : memref<1x128x16xf32, #tpu.memory_space<vmem>> -> memref<128x16xf32, #tpu.memory_space<vmem>>
        %dma_wait3A_225 = arith.constant 0 : i32
        %dma_wait3A_226 = arith.constant 0 : i32
        %dma_wait3A_227 = tpu.memref_slice %arg14[%dma_wait3A_225, %dma_wait3A_226] : memref<100352x16xf32, #tpu.memory_space<vmem_shared>> -> memref<100352x16xf32, #tpu.memory_space<vmem_shared>>
        tpu.wait_indirect_dma semaphore(%arg25 : memref<!tpu.dma_semaphore, #tpu.memory_space<semaphore_mem>>) src(%dma_wait3A_224 : memref<128x16xf32, #tpu.memory_space<vmem>>) dst(%dma_wait3A_227 : memref<100352x16xf32, #tpu.memory_space<vmem_shared>>)
        %dma_wait3A_228 = arith.constant 2 : i32
        %dma_wait3A_229 = arith.constant 0 : i32
        %dma_wait3A_230 = arith.constant 0 : i32
        %dma_wait3A_231 = tpu.memref_slice %arg20[%dma_wait3A_228, %dma_wait3A_229, %dma_wait3A_230] : memref<4x128x16xf32, #tpu.memory_space<vmem>> -> memref<1x128x16xf32, #tpu.memory_space<vmem>>
        %dma_wait3A_232 = tpu.memref_squeeze %dma_wait3A_231 : memref<1x128x16xf32, #tpu.memory_space<vmem>> -> memref<128x16xf32, #tpu.memory_space<vmem>>
        %dma_wait3A_233 = arith.constant 0 : i32
        %dma_wait3A_234 = arith.constant 0 : i32
        %dma_wait3A_235 = tpu.memref_slice %arg14[%dma_wait3A_233, %dma_wait3A_234] : memref<100352x16xf32, #tpu.memory_space<vmem_shared>> -> memref<100352x16xf32, #tpu.memory_space<vmem_shared>>
        tpu.wait_indirect_dma semaphore(%arg25 : memref<!tpu.dma_semaphore, #tpu.memory_space<semaphore_mem>>) src(%dma_wait3A_232 : memref<128x16xf32, #tpu.memory_space<vmem>>) dst(%dma_wait3A_235 : memref<100352x16xf32, #tpu.memory_space<vmem_shared>>)
        %dma_wait3A_236 = arith.constant 3 : i32
        %dma_wait3A_237 = arith.constant 0 : i32
        %dma_wait3A_238 = arith.constant 0 : i32
        %dma_wait3A_239 = tpu.memref_slice %arg20[%dma_wait3A_236, %dma_wait3A_237, %dma_wait3A_238] : memref<4x128x16xf32, #tpu.memory_space<vmem>> -> memref<1x128x16xf32, #tpu.memory_space<vmem>>
        %dma_wait3A_240 = tpu.memref_squeeze %dma_wait3A_239 : memref<1x128x16xf32, #tpu.memory_space<vmem>> -> memref<128x16xf32, #tpu.memory_space<vmem>>
        %dma_wait3A_241 = arith.constant 0 : i32
        %dma_wait3A_242 = arith.constant 0 : i32
        %dma_wait3A_243 = tpu.memref_slice %arg14[%dma_wait3A_241, %dma_wait3A_242] : memref<100352x16xf32, #tpu.memory_space<vmem_shared>> -> memref<100352x16xf32, #tpu.memory_space<vmem_shared>>
        tpu.wait_indirect_dma semaphore(%arg25 : memref<!tpu.dma_semaphore, #tpu.memory_space<semaphore_mem>>) src(%dma_wait3A_240 : memref<128x16xf32, #tpu.memory_space<vmem>>) dst(%dma_wait3A_243 : memref<100352x16xf32, #tpu.memory_space<vmem_shared>>)
      }
      %scan3A_62 = arith.constant 200 : i32
      %barrier3A_63 = arith.constant 0 : index
      tpu.barrier barrier_id(%barrier3A_63)
      %scan3A_64 = arith.constant 0 : i32
      %scan3A_65 = arith.constant 0 : i32
      %scan3A_66 = arith.constant 49 : i32
      %scan3A_67 = arith.addi %scan3A_65, %scan3A_66 : i32
      %scan3A_68 = arith.constant 1 : i32
      scf.for %scan3A_70 = %scan3A_65 to %scan3A_67 step %scan3A_68  : i32 {
        %mul3A_71 = arith.constant 128 : i32
        %mul3A_72 = arith.muli %scan3A_70, %mul3A_71 : i32
        %add3A = arith.addi %mul3A_7, %mul3A_72 : i32
        "tpu.region"() ({
          %run_scoped3A_79 = tpu.sem_alloc : memref<!tpu.dma_semaphore, #tpu.memory_space<semaphore_mem>>
          %dma_start3A = arith.constant 0 : i32
          %dma_start3A_80 = tpu.memref_slice %arg14[%add3A, %dma_start3A] : memref<100352x16xf32, #tpu.memory_space<vmem_shared>> -> memref<128x16xf32, #tpu.memory_space<vmem_shared>>
          %dma_start3A_81 = arith.constant 0 : i32
          %dma_start3A_82 = tpu.memref_slice %arg14[%add3A, %dma_start3A_81] : memref<100352x16xf32, #tpu.memory_space<vmem_shared>> -> memref<128x16xf32, #tpu.memory_space<vmem_shared>>
          tpu.enqueue_dma source(%dma_start3A_82 : memref<128x16xf32, #tpu.memory_space<vmem_shared>>) target(%arg22 : memref<128x16xf32, #tpu.memory_space<vmem>>) target_semaphore(%run_scoped3A_79 : memref<!tpu.dma_semaphore, #tpu.memory_space<semaphore_mem>>)
          %dma_wait3A = arith.constant 0 : i32
          %dma_wait3A_83 = tpu.memref_slice %arg14[%add3A, %dma_wait3A] : memref<100352x16xf32, #tpu.memory_space<vmem_shared>> -> memref<128x16xf32, #tpu.memory_space<vmem_shared>>
          %dma_wait3A_84 = arith.constant 0 : i32
          %dma_wait3A_85 = tpu.memref_slice %arg14[%add3A, %dma_wait3A_84] : memref<100352x16xf32, #tpu.memory_space<vmem_shared>> -> memref<128x16xf32, #tpu.memory_space<vmem_shared>>
          tpu.wait_dma2 semaphore(%run_scoped3A_79 : memref<!tpu.dma_semaphore, #tpu.memory_space<semaphore_mem>>) src(%dma_wait3A_85 : memref<128x16xf32, #tpu.memory_space<vmem_shared>>) dst(%arg22 : memref<128x16xf32, #tpu.memory_space<vmem>>)
          tpu.yield
        }) : () -> ()
        "tpu.region"() ({
          %run_scoped3A_79 = tpu.sem_alloc : memref<!tpu.dma_semaphore, #tpu.memory_space<semaphore_mem>>
          %dma_start3A = arith.constant 0 : i32
          %dma_start3A_80 = tpu.memref_slice %arg8[%add3A, %dma_start3A] : memref<100352x16xf32, #tpu.memory_space<hbm>> -> memref<128x16xf32, #tpu.memory_space<hbm>>
          %dma_start3A_81 = arith.constant 0 : i32
          %dma_start3A_82 = tpu.memref_slice %arg8[%add3A, %dma_start3A_81] : memref<100352x16xf32, #tpu.memory_space<hbm>> -> memref<128x16xf32, #tpu.memory_space<hbm>>
          tpu.enqueue_dma source(%dma_start3A_82 : memref<128x16xf32, #tpu.memory_space<hbm>>) target(%arg23 : memref<128x16xf32, #tpu.memory_space<vmem>>) target_semaphore(%run_scoped3A_79 : memref<!tpu.dma_semaphore, #tpu.memory_space<semaphore_mem>>)
          %dma_wait3A = arith.constant 0 : i32
          %dma_wait3A_83 = tpu.memref_slice %arg8[%add3A, %dma_wait3A] : memref<100352x16xf32, #tpu.memory_space<hbm>> -> memref<128x16xf32, #tpu.memory_space<hbm>>
          %dma_wait3A_84 = arith.constant 0 : i32
          %dma_wait3A_85 = tpu.memref_slice %arg8[%add3A, %dma_wait3A_84] : memref<100352x16xf32, #tpu.memory_space<hbm>> -> memref<128x16xf32, #tpu.memory_space<hbm>>
          tpu.wait_dma2 semaphore(%run_scoped3A_79 : memref<!tpu.dma_semaphore, #tpu.memory_space<semaphore_mem>>) src(%dma_wait3A_85 : memref<128x16xf32, #tpu.memory_space<hbm>>) dst(%arg23 : memref<128x16xf32, #tpu.memory_space<vmem>>)
          tpu.yield
        }) : () -> ()
        "tpu.region"() ({
          %run_scoped3A_79 = tpu.sem_alloc : memref<!tpu.dma_semaphore, #tpu.memory_space<semaphore_mem>>
          %dma_start3A = arith.constant 0 : i32
          %dma_start3A_80 = tpu.memref_slice %arg12[%add3A, %dma_start3A] : memref<100352x16xf32, #tpu.memory_space<hbm>> -> memref<128x16xf32, #tpu.memory_space<hbm>>
          %dma_start3A_81 = arith.constant 0 : i32
          %dma_start3A_82 = tpu.memref_slice %arg12[%add3A, %dma_start3A_81] : memref<100352x16xf32, #tpu.memory_space<hbm>> -> memref<128x16xf32, #tpu.memory_space<hbm>>
          tpu.enqueue_dma source(%dma_start3A_82 : memref<128x16xf32, #tpu.memory_space<hbm>>) target(%arg21 : memref<128x16xf32, #tpu.memory_space<vmem>>) target_semaphore(%run_scoped3A_79 : memref<!tpu.dma_semaphore, #tpu.memory_space<semaphore_mem>>)
          %dma_wait3A = arith.constant 0 : i32
          %dma_wait3A_83 = tpu.memref_slice %arg12[%add3A, %dma_wait3A] : memref<100352x16xf32, #tpu.memory_space<hbm>> -> memref<128x16xf32, #tpu.memory_space<hbm>>
          %dma_wait3A_84 = arith.constant 0 : i32
          %dma_wait3A_85 = tpu.memref_slice %arg12[%add3A, %dma_wait3A_84] : memref<100352x16xf32, #tpu.memory_space<hbm>> -> memref<128x16xf32, #tpu.memory_space<hbm>>
          tpu.wait_dma2 semaphore(%run_scoped3A_79 : memref<!tpu.dma_semaphore, #tpu.memory_space<semaphore_mem>>) src(%dma_wait3A_85 : memref<128x16xf32, #tpu.memory_space<hbm>>) dst(%arg21 : memref<128x16xf32, #tpu.memory_space<vmem>>)
          tpu.yield
        }) : () -> ()
        %scan3A_73 = arith.constant 0 : i32
        %scan3A_74 = arith.constant 0 : i32
        %scan3A_75 = arith.constant 128 : i32
        %scan3A_76 = arith.addi %scan3A_74, %scan3A_75 : i32
        %scan3A_77 = arith.constant 1 : i32
        scf.for %scan3A_79 = %scan3A_74 to %scan3A_76 step %scan3A_77  : i32 {
          %get3A = arith.index_cast %scan3A_79 : i32 to index
          %get3A_80 = arith.constant 0 : index
          %get3A_81 = tpu.vector_load %arg22[%get3A, %get3A_80] {strides = array<i32>} : memref<128x16xf32, #tpu.memory_space<vmem>>, vector<1x16xf32>,
          %get3A_82 = vector.shape_cast %get3A_81 : vector<1x16xf32> to vector<16xf32>
          %get3A_83 = arith.index_cast %scan3A_79 : i32 to index
          %get3A_84 = arith.constant 0 : index
          %get3A_85 = tpu.vector_load %arg21[%get3A_83, %get3A_84] {strides = array<i32>} : memref<128x16xf32, #tpu.memory_space<vmem>>, vector<1x16xf32>,
          %get3A_86 = vector.shape_cast %get3A_85 : vector<1x16xf32> to vector<16xf32>
          %get3A_87 = arith.index_cast %scan3A_79 : i32 to index
          %get3A_88 = arith.constant 0 : index
          %get3A_89 = tpu.vector_load %arg23[%get3A_87, %get3A_88] {strides = array<i32>} : memref<128x16xf32, #tpu.memory_space<vmem>>, vector<1x16xf32>,
          %get3A_90 = vector.shape_cast %get3A_89 : vector<1x16xf32> to vector<16xf32>
          %mul3A_91 = arith.constant 2.500000e-01 : f32
          %mul3A_92 = vector.broadcast %mul3A_91 : f32 to vector<16xf32>
          %mul3A_93 = arith.mulf %mul3A_92, %get3A_86 : vector<16xf32>
          %mul3A_94 = arith.mulf %mul3A_93, %get3A_82 : vector<16xf32>
          %add3A_95 = arith.addf %get3A_90, %mul3A_94 : vector<16xf32>
          %swap3A = arith.index_cast %scan3A_79 : i32 to index
          %swap3A_96 = arith.constant 0 : index
          %swap3A_97 = tpu.vector_load %arg23[%swap3A, %swap3A_96] {strides = array<i32>} : memref<128x16xf32, #tpu.memory_space<vmem>>, vector<1x16xf32>,
          %swap3A_98 = vector.shape_cast %swap3A_97 : vector<1x16xf32> to vector<16xf32>
          %swap3A_99 = vector.shape_cast %add3A_95 : vector<16xf32> to vector<1x16xf32>
          tpu.vector_store %arg23[%swap3A, %swap3A_96], %swap3A_99 {strides = array<i32>} : memref<128x16xf32, #tpu.memory_space<vmem>>, vector<1x16xf32>,
        }
        %scan3A_78 = arith.constant 128 : i32
        "tpu.region"() ({
          %run_scoped3A_79 = tpu.sem_alloc : memref<!tpu.dma_semaphore, #tpu.memory_space<semaphore_mem>>
          %dma_start3A = arith.constant 0 : i32
          %dma_start3A_80 = tpu.memref_slice %arg8[%add3A, %dma_start3A] : memref<100352x16xf32, #tpu.memory_space<hbm>> -> memref<128x16xf32, #tpu.memory_space<hbm>>
          %dma_start3A_81 = arith.constant 0 : i32
          %dma_start3A_82 = tpu.memref_slice %arg8[%add3A, %dma_start3A_81] : memref<100352x16xf32, #tpu.memory_space<hbm>> -> memref<128x16xf32, #tpu.memory_space<hbm>>
          tpu.enqueue_dma source(%arg23 : memref<128x16xf32, #tpu.memory_space<vmem>>) target(%dma_start3A_82 : memref<128x16xf32, #tpu.memory_space<hbm>>) target_semaphore(%run_scoped3A_79 : memref<!tpu.dma_semaphore, #tpu.memory_space<semaphore_mem>>)
          %dma_wait3A = arith.constant 0 : i32
          %dma_wait3A_83 = tpu.memref_slice %arg8[%add3A, %dma_wait3A] : memref<100352x16xf32, #tpu.memory_space<hbm>> -> memref<128x16xf32, #tpu.memory_space<hbm>>
          %dma_wait3A_84 = arith.constant 0 : i32
          %dma_wait3A_85 = tpu.memref_slice %arg8[%add3A, %dma_wait3A_84] : memref<100352x16xf32, #tpu.memory_space<hbm>> -> memref<128x16xf32, #tpu.memory_space<hbm>>
          tpu.wait_dma2 semaphore(%run_scoped3A_79 : memref<!tpu.dma_semaphore, #tpu.memory_space<semaphore_mem>>) src(%arg23 : memref<128x16xf32, #tpu.memory_space<vmem>>) dst(%dma_wait3A_85 : memref<128x16xf32, #tpu.memory_space<hbm>>)
          tpu.yield
        }) : () -> ()
      }
      %scan3A_69 = arith.constant 49 : i32
    } else {
    }
    %eq3A_2 = arith.constant 1 : i32
    %eq3A_3 = arith.cmpi eq, %arg0, %eq3A_2 : i32
    %convert_element_type3A_4 = arith.extui %eq3A_3 : i1 to i32
    %cond3A_5 = arith.constant 0 : i32
    %cond3A_6 = arith.cmpi ne, %convert_element_type3A_4, %cond3A_5 : i32
    scf.if %cond3A_6 {
      %mul3A = arith.constant 6272 : i32
      %mul3A_7 = arith.muli %arg1, %mul3A : i32
      %mul3A_8 = arith.constant 800 : i32
      %mul3A_9 = arith.muli %arg1, %mul3A_8 : i32
      "tpu.region"() ({
        %run_scoped3A_70 = tpu.sem_alloc : memref<!tpu.dma_semaphore, #tpu.memory_space<semaphore_mem>>
        %dma_start3A = arith.constant 0 : i32
        %dma_start3A_71 = tpu.memref_slice %arg14[%mul3A_7, %dma_start3A] : memref<100352x16xf32, #tpu.memory_space<vmem_shared>> -> memref<6272x16xf32, #tpu.memory_space<vmem_shared>>
        tpu.enqueue_dma source(%arg7 : memref<6272x16xf32, #tpu.memory_space<hbm>>) target(%dma_start3A_71 : memref<6272x16xf32, #tpu.memory_space<vmem_shared>>) target_semaphore(%run_scoped3A_70 : memref<!tpu.dma_semaphore, #tpu.memory_space<semaphore_mem>>)
        %dma_wait3A = arith.constant 0 : i32
        %dma_wait3A_72 = tpu.memref_slice %arg14[%mul3A_7, %dma_wait3A] : memref<100352x16xf32, #tpu.memory_space<vmem_shared>> -> memref<6272x16xf32, #tpu.memory_space<vmem_shared>>
        tpu.wait_dma2 semaphore(%run_scoped3A_70 : memref<!tpu.dma_semaphore, #tpu.memory_space<semaphore_mem>>) src(%arg7 : memref<6272x16xf32, #tpu.memory_space<hbm>>) dst(%dma_wait3A_72 : memref<6272x16xf32, #tpu.memory_space<vmem_shared>>)
        tpu.yield
      }) : () -> ()
      %barrier3A = arith.constant 0 : index
      tpu.barrier barrier_id(%barrier3A)
      %run_scoped3A = arith.constant 0 : i32
      "tpu.region"() ({
        %run_scoped3A_70 = tpu.sem_alloc : memref<!tpu.dma_semaphore, #tpu.memory_space<semaphore_mem>>
        %dma_start3A = arith.constant 0 : i32
        %dma_start3A_71 = arith.constant 0 : i32
        %dma_start3A_72 = tpu.memref_slice %arg20[%run_scoped3A, %dma_start3A, %dma_start3A_71] : memref<4x128x16xf32, #tpu.memory_space<vmem>> -> memref<1x128x16xf32, #tpu.memory_space<vmem>>
        %dma_start3A_73 = tpu.memref_squeeze %dma_start3A_72 : memref<1x128x16xf32, #tpu.memory_space<vmem>> -> memref<128x16xf32, #tpu.memory_space<vmem>>
        %dma_start3A_74 = arith.constant 0 : i32
        %dma_start3A_75 = arith.constant 0 : i32
        %dma_start3A_76 = tpu.memref_slice %arg20[%run_scoped3A, %dma_start3A_74, %dma_start3A_75] : memref<4x128x16xf32, #tpu.memory_space<vmem>> -> memref<1x128x16xf32, #tpu.memory_space<vmem>>
        %dma_start3A_77 = tpu.memref_squeeze %dma_start3A_76 : memref<1x128x16xf32, #tpu.memory_space<vmem>> -> memref<128x16xf32, #tpu.memory_space<vmem>>
        tpu.enqueue_dma source(%arg6 : memref<128x16xf32, #tpu.memory_space<hbm>>) target(%dma_start3A_77 : memref<128x16xf32, #tpu.memory_space<vmem>>) target_semaphore(%run_scoped3A_70 : memref<!tpu.dma_semaphore, #tpu.memory_space<semaphore_mem>>)
        %dma_wait3A = arith.constant 0 : i32
        %dma_wait3A_78 = arith.constant 0 : i32
        %dma_wait3A_79 = tpu.memref_slice %arg20[%run_scoped3A, %dma_wait3A, %dma_wait3A_78] : memref<4x128x16xf32, #tpu.memory_space<vmem>> -> memref<1x128x16xf32, #tpu.memory_space<vmem>>
        %dma_wait3A_80 = tpu.memref_squeeze %dma_wait3A_79 : memref<1x128x16xf32, #tpu.memory_space<vmem>> -> memref<128x16xf32, #tpu.memory_space<vmem>>
        %dma_wait3A_81 = arith.constant 0 : i32
        %dma_wait3A_82 = arith.constant 0 : i32
        %dma_wait3A_83 = tpu.memref_slice %arg20[%run_scoped3A, %dma_wait3A_81, %dma_wait3A_82] : memref<4x128x16xf32, #tpu.memory_space<vmem>> -> memref<1x128x16xf32, #tpu.memory_space<vmem>>
        %dma_wait3A_84 = tpu.memref_squeeze %dma_wait3A_83 : memref<1x128x16xf32, #tpu.memory_space<vmem>> -> memref<128x16xf32, #tpu.memory_space<vmem>>
        tpu.wait_dma2 semaphore(%run_scoped3A_70 : memref<!tpu.dma_semaphore, #tpu.memory_space<semaphore_mem>>) src(%arg6 : memref<128x16xf32, #tpu.memory_space<hbm>>) dst(%dma_wait3A_84 : memref<128x16xf32, #tpu.memory_space<vmem>>)
        tpu.yield
      }) : () -> ()
      %scan3A = arith.constant 0 : i32
      %scan3A_10 = arith.constant 0 : i32
      %scan3A_11 = arith.constant 200 : i32
      %scan3A_12 = arith.addi %scan3A_10, %scan3A_11 : i32
      %scan3A_13 = arith.constant 1 : i32
      scf.for %scan3A_70 = %scan3A_10 to %scan3A_12 step %scan3A_13  : i32 {
        %mul3A_71 = arith.constant 4 : i32
        %mul3A_72 = arith.muli %scan3A_70, %mul3A_71 : i32
        %add3A = arith.addi %mul3A_9, %mul3A_72 : i32
        %mul3A_73 = arith.constant 128 : i32
        %mul3A_74 = arith.muli %add3A, %mul3A_73 : i32
        %add3A_75 = arith.constant 0 : i32
        %add3A_76 = arith.addi %mul3A_74, %add3A_75 : i32
        "tpu.region"() ({
          %run_scoped3A_145 = tpu.sem_alloc : memref<!tpu.dma_semaphore, #tpu.memory_space<semaphore_mem>>
          %dma_start3A_146 = tpu.memref_slice %arg5[%add3A_76] : memref<1638400xi32, #tpu.memory_space<hbm>> -> memref<128xi32, #tpu.memory_space<hbm>>
          %dma_start3A_147 = tpu.memref_slice %arg5[%add3A_76] : memref<1638400xi32, #tpu.memory_space<hbm>> -> memref<128xi32, #tpu.memory_space<hbm>>
          tpu.enqueue_dma source(%dma_start3A_147 : memref<128xi32, #tpu.memory_space<hbm>>) target(%arg16 : memref<128xi32, #tpu.memory_space<vmem>>) target_semaphore(%run_scoped3A_145 : memref<!tpu.dma_semaphore, #tpu.memory_space<semaphore_mem>>)
          %dma_wait3A_148 = tpu.memref_slice %arg5[%add3A_76] : memref<1638400xi32, #tpu.memory_space<hbm>> -> memref<128xi32, #tpu.memory_space<hbm>>
          %dma_wait3A_149 = tpu.memref_slice %arg5[%add3A_76] : memref<1638400xi32, #tpu.memory_space<hbm>> -> memref<128xi32, #tpu.memory_space<hbm>>
          tpu.wait_dma2 semaphore(%run_scoped3A_145 : memref<!tpu.dma_semaphore, #tpu.memory_space<semaphore_mem>>) src(%dma_wait3A_149 : memref<128xi32, #tpu.memory_space<hbm>>) dst(%arg16 : memref<128xi32, #tpu.memory_space<vmem>>)
          tpu.yield
        }) : () -> ()
        %add3A_77 = arith.constant 128 : i32
        %add3A_78 = arith.addi %mul3A_74, %add3A_77 : i32
        "tpu.region"() ({
          %run_scoped3A_145 = tpu.sem_alloc : memref<!tpu.dma_semaphore, #tpu.memory_space<semaphore_mem>>
          %dma_start3A_146 = tpu.memref_slice %arg5[%add3A_78] : memref<1638400xi32, #tpu.memory_space<hbm>> -> memref<128xi32, #tpu.memory_space<hbm>>
          %dma_start3A_147 = tpu.memref_slice %arg5[%add3A_78] : memref<1638400xi32, #tpu.memory_space<hbm>> -> memref<128xi32, #tpu.memory_space<hbm>>
          tpu.enqueue_dma source(%dma_start3A_147 : memref<128xi32, #tpu.memory_space<hbm>>) target(%arg17 : memref<128xi32, #tpu.memory_space<vmem>>) target_semaphore(%run_scoped3A_145 : memref<!tpu.dma_semaphore, #tpu.memory_space<semaphore_mem>>)
          %dma_wait3A_148 = tpu.memref_slice %arg5[%add3A_78] : memref<1638400xi32, #tpu.memory_space<hbm>> -> memref<128xi32, #tpu.memory_space<hbm>>
          %dma_wait3A_149 = tpu.memref_slice %arg5[%add3A_78] : memref<1638400xi32, #tpu.memory_space<hbm>> -> memref<128xi32, #tpu.memory_space<hbm>>
          tpu.wait_dma2 semaphore(%run_scoped3A_145 : memref<!tpu.dma_semaphore, #tpu.memory_space<semaphore_mem>>) src(%dma_wait3A_149 : memref<128xi32, #tpu.memory_space<hbm>>) dst(%arg17 : memref<128xi32, #tpu.memory_space<vmem>>)
          tpu.yield
        }) : () -> ()
        %add3A_79 = arith.constant 256 : i32
        %add3A_80 = arith.addi %mul3A_74, %add3A_79 : i32
        "tpu.region"() ({
          %run_scoped3A_145 = tpu.sem_alloc : memref<!tpu.dma_semaphore, #tpu.memory_space<semaphore_mem>>
          %dma_start3A_146 = tpu.memref_slice %arg5[%add3A_80] : memref<1638400xi32, #tpu.memory_space<hbm>> -> memref<128xi32, #tpu.memory_space<hbm>>
          %dma_start3A_147 = tpu.memref_slice %arg5[%add3A_80] : memref<1638400xi32, #tpu.memory_space<hbm>> -> memref<128xi32, #tpu.memory_space<hbm>>
          tpu.enqueue_dma source(%dma_start3A_147 : memref<128xi32, #tpu.memory_space<hbm>>) target(%arg18 : memref<128xi32, #tpu.memory_space<vmem>>) target_semaphore(%run_scoped3A_145 : memref<!tpu.dma_semaphore, #tpu.memory_space<semaphore_mem>>)
          %dma_wait3A_148 = tpu.memref_slice %arg5[%add3A_80] : memref<1638400xi32, #tpu.memory_space<hbm>> -> memref<128xi32, #tpu.memory_space<hbm>>
          %dma_wait3A_149 = tpu.memref_slice %arg5[%add3A_80] : memref<1638400xi32, #tpu.memory_space<hbm>> -> memref<128xi32, #tpu.memory_space<hbm>>
          tpu.wait_dma2 semaphore(%run_scoped3A_145 : memref<!tpu.dma_semaphore, #tpu.memory_space<semaphore_mem>>) src(%dma_wait3A_149 : memref<128xi32, #tpu.memory_space<hbm>>) dst(%arg18 : memref<128xi32, #tpu.memory_space<vmem>>)
          tpu.yield
        }) : () -> ()
        %add3A_81 = arith.constant 384 : i32
        %add3A_82 = arith.addi %mul3A_74, %add3A_81 : i32
        "tpu.region"() ({
          %run_scoped3A_145 = tpu.sem_alloc : memref<!tpu.dma_semaphore, #tpu.memory_space<semaphore_mem>>
          %dma_start3A_146 = tpu.memref_slice %arg5[%add3A_82] : memref<1638400xi32, #tpu.memory_space<hbm>> -> memref<128xi32, #tpu.memory_space<hbm>>
          %dma_start3A_147 = tpu.memref_slice %arg5[%add3A_82] : memref<1638400xi32, #tpu.memory_space<hbm>> -> memref<128xi32, #tpu.memory_space<hbm>>
          tpu.enqueue_dma source(%dma_start3A_147 : memref<128xi32, #tpu.memory_space<hbm>>) target(%arg19 : memref<128xi32, #tpu.memory_space<vmem>>) target_semaphore(%run_scoped3A_145 : memref<!tpu.dma_semaphore, #tpu.memory_space<semaphore_mem>>)
          %dma_wait3A_148 = tpu.memref_slice %arg5[%add3A_82] : memref<1638400xi32, #tpu.memory_space<hbm>> -> memref<128xi32, #tpu.memory_space<hbm>>
          %dma_wait3A_149 = tpu.memref_slice %arg5[%add3A_82] : memref<1638400xi32, #tpu.memory_space<hbm>> -> memref<128xi32, #tpu.memory_space<hbm>>
          tpu.wait_dma2 semaphore(%run_scoped3A_145 : memref<!tpu.dma_semaphore, #tpu.memory_space<semaphore_mem>>) src(%dma_wait3A_149 : memref<128xi32, #tpu.memory_space<hbm>>) dst(%arg19 : memref<128xi32, #tpu.memory_space<vmem>>)
          tpu.yield
        }) : () -> ()
        %dma_start3A = arith.constant 0 : i32
        %dma_start3A_83 = arith.constant 0 : i32
        %dma_start3A_84 = arith.constant 0 : i32
        %dma_start3A_85 = tpu.memref_slice %arg20[%dma_start3A, %dma_start3A_83, %dma_start3A_84] : memref<4x128x16xf32, #tpu.memory_space<vmem>> -> memref<1x128x16xf32, #tpu.memory_space<vmem>>
        %dma_start3A_86 = tpu.memref_squeeze %dma_start3A_85 : memref<1x128x16xf32, #tpu.memory_space<vmem>> -> memref<128x16xf32, #tpu.memory_space<vmem>>
        %dma_start3A_87 = arith.constant 0 : i32
        %dma_start3A_88 = arith.constant 0 : i32
        %dma_start3A_89 = tpu.memref_slice %arg14[%dma_start3A_87, %dma_start3A_88] : memref<100352x16xf32, #tpu.memory_space<vmem_shared>> -> memref<100352x16xf32, #tpu.memory_space<vmem_shared>>
        tpu.enqueue_indirect_dma source(%dma_start3A_86 : memref<128x16xf32, #tpu.memory_space<vmem>>) target(%dma_start3A_89 : memref<100352x16xf32, #tpu.memory_space<vmem_shared>>) offsets(%arg16 : memref<128xi32, #tpu.memory_space<vmem>>) semaphore(%arg25 : memref<!tpu.dma_semaphore, #tpu.memory_space<semaphore_mem>>) {add = true}
        %dma_start3A_90 = arith.constant 0 : i32
        %dma_start3A_91 = arith.constant 0 : i32
        %dma_start3A_92 = arith.constant 0 : i32
        %dma_start3A_93 = tpu.memref_slice %arg20[%dma_start3A_90, %dma_start3A_91, %dma_start3A_92] : memref<4x128x16xf32, #tpu.memory_space<vmem>> -> memref<1x128x16xf32, #tpu.memory_space<vmem>>
        %dma_start3A_94 = tpu.memref_squeeze %dma_start3A_93 : memref<1x128x16xf32, #tpu.memory_space<vmem>> -> memref<128x16xf32, #tpu.memory_space<vmem>>
        %dma_start3A_95 = arith.constant 0 : i32
        %dma_start3A_96 = arith.constant 0 : i32
        %dma_start3A_97 = tpu.memref_slice %arg14[%dma_start3A_95, %dma_start3A_96] : memref<100352x16xf32, #tpu.memory_space<vmem_shared>> -> memref<100352x16xf32, #tpu.memory_space<vmem_shared>>
        tpu.enqueue_indirect_dma source(%dma_start3A_94 : memref<128x16xf32, #tpu.memory_space<vmem>>) target(%dma_start3A_97 : memref<100352x16xf32, #tpu.memory_space<vmem_shared>>) offsets(%arg17 : memref<128xi32, #tpu.memory_space<vmem>>) semaphore(%arg25 : memref<!tpu.dma_semaphore, #tpu.memory_space<semaphore_mem>>) {add = true}
        %dma_start3A_98 = arith.constant 0 : i32
        %dma_start3A_99 = arith.constant 0 : i32
        %dma_start3A_100 = arith.constant 0 : i32
        %dma_start3A_101 = tpu.memref_slice %arg20[%dma_start3A_98, %dma_start3A_99, %dma_start3A_100] : memref<4x128x16xf32, #tpu.memory_space<vmem>> -> memref<1x128x16xf32, #tpu.memory_space<vmem>>
        %dma_start3A_102 = tpu.memref_squeeze %dma_start3A_101 : memref<1x128x16xf32, #tpu.memory_space<vmem>> -> memref<128x16xf32, #tpu.memory_space<vmem>>
        %dma_start3A_103 = arith.constant 0 : i32
        %dma_start3A_104 = arith.constant 0 : i32
        %dma_start3A_105 = tpu.memref_slice %arg14[%dma_start3A_103, %dma_start3A_104] : memref<100352x16xf32, #tpu.memory_space<vmem_shared>> -> memref<100352x16xf32, #tpu.memory_space<vmem_shared>>
        tpu.enqueue_indirect_dma source(%dma_start3A_102 : memref<128x16xf32, #tpu.memory_space<vmem>>) target(%dma_start3A_105 : memref<100352x16xf32, #tpu.memory_space<vmem_shared>>) offsets(%arg18 : memref<128xi32, #tpu.memory_space<vmem>>) semaphore(%arg25 : memref<!tpu.dma_semaphore, #tpu.memory_space<semaphore_mem>>) {add = true}
        %dma_start3A_106 = arith.constant 0 : i32
        %dma_start3A_107 = arith.constant 0 : i32
        %dma_start3A_108 = arith.constant 0 : i32
        %dma_start3A_109 = tpu.memref_slice %arg20[%dma_start3A_106, %dma_start3A_107, %dma_start3A_108] : memref<4x128x16xf32, #tpu.memory_space<vmem>> -> memref<1x128x16xf32, #tpu.memory_space<vmem>>
        %dma_start3A_110 = tpu.memref_squeeze %dma_start3A_109 : memref<1x128x16xf32, #tpu.memory_space<vmem>> -> memref<128x16xf32, #tpu.memory_space<vmem>>
        %dma_start3A_111 = arith.constant 0 : i32
        %dma_start3A_112 = arith.constant 0 : i32
        %dma_start3A_113 = tpu.memref_slice %arg14[%dma_start3A_111, %dma_start3A_112] : memref<100352x16xf32, #tpu.memory_space<vmem_shared>> -> memref<100352x16xf32, #tpu.memory_space<vmem_shared>>
        tpu.enqueue_indirect_dma source(%dma_start3A_110 : memref<128x16xf32, #tpu.memory_space<vmem>>) target(%dma_start3A_113 : memref<100352x16xf32, #tpu.memory_space<vmem_shared>>) offsets(%arg19 : memref<128xi32, #tpu.memory_space<vmem>>) semaphore(%arg25 : memref<!tpu.dma_semaphore, #tpu.memory_space<semaphore_mem>>) {add = true}
        %dma_wait3A = arith.constant 0 : i32
        %dma_wait3A_114 = arith.constant 0 : i32
        %dma_wait3A_115 = arith.constant 0 : i32
        %dma_wait3A_116 = tpu.memref_slice %arg20[%dma_wait3A, %dma_wait3A_114, %dma_wait3A_115] : memref<4x128x16xf32, #tpu.memory_space<vmem>> -> memref<1x128x16xf32, #tpu.memory_space<vmem>>
        %dma_wait3A_117 = tpu.memref_squeeze %dma_wait3A_116 : memref<1x128x16xf32, #tpu.memory_space<vmem>> -> memref<128x16xf32, #tpu.memory_space<vmem>>
        %dma_wait3A_118 = arith.constant 0 : i32
        %dma_wait3A_119 = arith.constant 0 : i32
        %dma_wait3A_120 = tpu.memref_slice %arg14[%dma_wait3A_118, %dma_wait3A_119] : memref<100352x16xf32, #tpu.memory_space<vmem_shared>> -> memref<100352x16xf32, #tpu.memory_space<vmem_shared>>
        tpu.wait_indirect_dma semaphore(%arg25 : memref<!tpu.dma_semaphore, #tpu.memory_space<semaphore_mem>>) src(%dma_wait3A_117 : memref<128x16xf32, #tpu.memory_space<vmem>>) dst(%dma_wait3A_120 : memref<100352x16xf32, #tpu.memory_space<vmem_shared>>)
        %dma_wait3A_121 = arith.constant 0 : i32
        %dma_wait3A_122 = arith.constant 0 : i32
        %dma_wait3A_123 = arith.constant 0 : i32
        %dma_wait3A_124 = tpu.memref_slice %arg20[%dma_wait3A_121, %dma_wait3A_122, %dma_wait3A_123] : memref<4x128x16xf32, #tpu.memory_space<vmem>> -> memref<1x128x16xf32, #tpu.memory_space<vmem>>
        %dma_wait3A_125 = tpu.memref_squeeze %dma_wait3A_124 : memref<1x128x16xf32, #tpu.memory_space<vmem>> -> memref<128x16xf32, #tpu.memory_space<vmem>>
        %dma_wait3A_126 = arith.constant 0 : i32
        %dma_wait3A_127 = arith.constant 0 : i32
        %dma_wait3A_128 = tpu.memref_slice %arg14[%dma_wait3A_126, %dma_wait3A_127] : memref<100352x16xf32, #tpu.memory_space<vmem_shared>> -> memref<100352x16xf32, #tpu.memory_space<vmem_shared>>
        tpu.wait_indirect_dma semaphore(%arg25 : memref<!tpu.dma_semaphore, #tpu.memory_space<semaphore_mem>>) src(%dma_wait3A_125 : memref<128x16xf32, #tpu.memory_space<vmem>>) dst(%dma_wait3A_128 : memref<100352x16xf32, #tpu.memory_space<vmem_shared>>)
        %dma_wait3A_129 = arith.constant 0 : i32
        %dma_wait3A_130 = arith.constant 0 : i32
        %dma_wait3A_131 = arith.constant 0 : i32
        %dma_wait3A_132 = tpu.memref_slice %arg20[%dma_wait3A_129, %dma_wait3A_130, %dma_wait3A_131] : memref<4x128x16xf32, #tpu.memory_space<vmem>> -> memref<1x128x16xf32, #tpu.memory_space<vmem>>
        %dma_wait3A_133 = tpu.memref_squeeze %dma_wait3A_132 : memref<1x128x16xf32, #tpu.memory_space<vmem>> -> memref<128x16xf32, #tpu.memory_space<vmem>>
        %dma_wait3A_134 = arith.constant 0 : i32
        %dma_wait3A_135 = arith.constant 0 : i32
        %dma_wait3A_136 = tpu.memref_slice %arg14[%dma_wait3A_134, %dma_wait3A_135] : memref<100352x16xf32, #tpu.memory_space<vmem_shared>> -> memref<100352x16xf32, #tpu.memory_space<vmem_shared>>
        tpu.wait_indirect_dma semaphore(%arg25 : memref<!tpu.dma_semaphore, #tpu.memory_space<semaphore_mem>>) src(%dma_wait3A_133 : memref<128x16xf32, #tpu.memory_space<vmem>>) dst(%dma_wait3A_136 : memref<100352x16xf32, #tpu.memory_space<vmem_shared>>)
        %dma_wait3A_137 = arith.constant 0 : i32
        %dma_wait3A_138 = arith.constant 0 : i32
        %dma_wait3A_139 = arith.constant 0 : i32
        %dma_wait3A_140 = tpu.memref_slice %arg20[%dma_wait3A_137, %dma_wait3A_138, %dma_wait3A_139] : memref<4x128x16xf32, #tpu.memory_space<vmem>> -> memref<1x128x16xf32, #tpu.memory_space<vmem>>
        %dma_wait3A_141 = tpu.memref_squeeze %dma_wait3A_140 : memref<1x128x16xf32, #tpu.memory_space<vmem>> -> memref<128x16xf32, #tpu.memory_space<vmem>>
        %dma_wait3A_142 = arith.constant 0 : i32
        %dma_wait3A_143 = arith.constant 0 : i32
        %dma_wait3A_144 = tpu.memref_slice %arg14[%dma_wait3A_142, %dma_wait3A_143] : memref<100352x16xf32, #tpu.memory_space<vmem_shared>> -> memref<100352x16xf32, #tpu.memory_space<vmem_shared>>
        tpu.wait_indirect_dma semaphore(%arg25 : memref<!tpu.dma_semaphore, #tpu.memory_space<semaphore_mem>>) src(%dma_wait3A_141 : memref<128x16xf32, #tpu.memory_space<vmem>>) dst(%dma_wait3A_144 : memref<100352x16xf32, #tpu.memory_space<vmem_shared>>)
      }
      %scan3A_14 = arith.constant 200 : i32
      %barrier3A_15 = arith.constant 0 : index
      tpu.barrier barrier_id(%barrier3A_15)
      %scan3A_16 = arith.constant 0 : i32
      %scan3A_17 = arith.constant 0 : i32
      %scan3A_18 = arith.constant 49 : i32
      %scan3A_19 = arith.addi %scan3A_17, %scan3A_18 : i32
      %scan3A_20 = arith.constant 1 : i32
      scf.for %scan3A_70 = %scan3A_17 to %scan3A_19 step %scan3A_20  : i32 {
        %mul3A_71 = arith.constant 128 : i32
        %mul3A_72 = arith.muli %scan3A_70, %mul3A_71 : i32
        %add3A = arith.addi %mul3A_7, %mul3A_72 : i32
        "tpu.region"() ({
          %run_scoped3A_79 = tpu.sem_alloc : memref<!tpu.dma_semaphore, #tpu.memory_space<semaphore_mem>>
          %dma_start3A = arith.constant 0 : i32
          %dma_start3A_80 = tpu.memref_slice %arg14[%add3A, %dma_start3A] : memref<100352x16xf32, #tpu.memory_space<vmem_shared>> -> memref<128x16xf32, #tpu.memory_space<vmem_shared>>
          %dma_start3A_81 = arith.constant 0 : i32
          %dma_start3A_82 = tpu.memref_slice %arg14[%add3A, %dma_start3A_81] : memref<100352x16xf32, #tpu.memory_space<vmem_shared>> -> memref<128x16xf32, #tpu.memory_space<vmem_shared>>
          tpu.enqueue_dma source(%dma_start3A_82 : memref<128x16xf32, #tpu.memory_space<vmem_shared>>) target(%arg22 : memref<128x16xf32, #tpu.memory_space<vmem>>) target_semaphore(%run_scoped3A_79 : memref<!tpu.dma_semaphore, #tpu.memory_space<semaphore_mem>>)
          %dma_wait3A = arith.constant 0 : i32
          %dma_wait3A_83 = tpu.memref_slice %arg14[%add3A, %dma_wait3A] : memref<100352x16xf32, #tpu.memory_space<vmem_shared>> -> memref<128x16xf32, #tpu.memory_space<vmem_shared>>
          %dma_wait3A_84 = arith.constant 0 : i32
          %dma_wait3A_85 = tpu.memref_slice %arg14[%add3A, %dma_wait3A_84] : memref<100352x16xf32, #tpu.memory_space<vmem_shared>> -> memref<128x16xf32, #tpu.memory_space<vmem_shared>>
          tpu.wait_dma2 semaphore(%run_scoped3A_79 : memref<!tpu.dma_semaphore, #tpu.memory_space<semaphore_mem>>) src(%dma_wait3A_85 : memref<128x16xf32, #tpu.memory_space<vmem_shared>>) dst(%arg22 : memref<128x16xf32, #tpu.memory_space<vmem>>)
          tpu.yield
        }) : () -> ()
        %scan3A_73 = arith.constant 0 : i32
        %scan3A_74 = arith.constant 0 : i32
        %scan3A_75 = arith.constant 128 : i32
        %scan3A_76 = arith.addi %scan3A_74, %scan3A_75 : i32
        %scan3A_77 = arith.constant 1 : i32
        scf.for %scan3A_79 = %scan3A_74 to %scan3A_76 step %scan3A_77  : i32 {
          %get3A = arith.index_cast %scan3A_79 : i32 to index
          %get3A_80 = arith.constant 0 : index
          %get3A_81 = tpu.vector_load %arg22[%get3A, %get3A_80] {strides = array<i32>} : memref<128x16xf32, #tpu.memory_space<vmem>>, vector<1x16xf32>,
          %get3A_82 = vector.shape_cast %get3A_81 : vector<1x16xf32> to vector<16xf32>
          %max3A = arith.constant 1.000000e+00 : f32
          %max3A_83 = vector.broadcast %max3A : f32 to vector<16xf32>
          %max3A_84 = arith.maximumf %get3A_82, %max3A_83 : vector<16xf32>
          %bitcast_convert_type3A = tpu.bitcast %max3A_84 : vector<16xf32> -> vector<16xi32>
          %shift_right_logical3A = arith.constant 1 : i32
          %shift_right_logical3A_85 = vector.broadcast %shift_right_logical3A : i32 to vector<16xi32>
          %shift_right_logical3A_86 = arith.shrui %bitcast_convert_type3A, %shift_right_logical3A_85 : vector<16xi32>
          %sub3A = arith.constant 1597463007 : i32
          %sub3A_87 = vector.broadcast %sub3A : i32 to vector<16xi32>
          %sub3A_88 = arith.subi %sub3A_87, %shift_right_logical3A_86 : vector<16xi32>
          %bitcast_convert_type3A_89 = tpu.bitcast %sub3A_88 : vector<16xi32> -> vector<16xf32>
          %mul3A_90 = arith.constant 5.000000e-01 : f32
          %mul3A_91 = vector.broadcast %mul3A_90 : f32 to vector<16xf32>
          %mul3A_92 = arith.mulf %mul3A_91, %max3A_84 : vector<16xf32>
          %mul3A_93 = arith.mulf %mul3A_92, %bitcast_convert_type3A_89 : vector<16xf32>
          %mul3A_94 = arith.mulf %mul3A_93, %bitcast_convert_type3A_89 : vector<16xf32>
          %sub3A_95 = arith.constant 1.500000e+00 : f32
          %sub3A_96 = vector.broadcast %sub3A_95 : f32 to vector<16xf32>
          %sub3A_97 = arith.subf %sub3A_96, %mul3A_94 : vector<16xf32>
          %mul3A_98 = arith.mulf %bitcast_convert_type3A_89, %sub3A_97 : vector<16xf32>
          %mul3A_99 = arith.constant 5.000000e-01 : f32
          %mul3A_100 = vector.broadcast %mul3A_99 : f32 to vector<16xf32>
          %mul3A_101 = arith.mulf %mul3A_100, %max3A_84 : vector<16xf32>
          %mul3A_102 = arith.mulf %mul3A_101, %mul3A_98 : vector<16xf32>
          %mul3A_103 = arith.mulf %mul3A_102, %mul3A_98 : vector<16xf32>
          %sub3A_104 = arith.constant 1.500000e+00 : f32
          %sub3A_105 = vector.broadcast %sub3A_104 : f32 to vector<16xf32>
          %sub3A_106 = arith.subf %sub3A_105, %mul3A_103 : vector<16xf32>
          %mul3A_107 = arith.mulf %mul3A_98, %sub3A_106 : vector<16xf32>
          %mul3A_108 = arith.constant 5.000000e-01 : f32
          %mul3A_109 = vector.broadcast %mul3A_108 : f32 to vector<16xf32>
          %mul3A_110 = arith.mulf %mul3A_109, %max3A_84 : vector<16xf32>
          %mul3A_111 = arith.mulf %mul3A_110, %mul3A_107 : vector<16xf32>
          %mul3A_112 = arith.mulf %mul3A_111, %mul3A_107 : vector<16xf32>
          %sub3A_113 = arith.constant 1.500000e+00 : f32
          %sub3A_114 = vector.broadcast %sub3A_113 : f32 to vector<16xf32>
          %sub3A_115 = arith.subf %sub3A_114, %mul3A_112 : vector<16xf32>
          %mul3A_116 = arith.mulf %mul3A_107, %sub3A_115 : vector<16xf32>
          %gt3A = arith.constant 0.000000e+00 : f32
          %gt3A_117 = vector.broadcast %gt3A : f32 to vector<16xf32>
          %gt3A_118 = arith.cmpf ogt, %get3A_82, %gt3A_117 : vector<16xf32>
          %jit3A = arith.constant 0.000000e+00 : f32
          %broadcast_in_dim3A = vector.broadcast %jit3A : f32 to vector<16xf32>
          %select_n3A = arith.select %gt3A_118, %mul3A_116, %broadcast_in_dim3A : vector<16xi1>, vector<16xf32>
          %swap3A = arith.index_cast %scan3A_79 : i32 to index
          %swap3A_119 = arith.constant 0 : index
          %swap3A_120 = tpu.vector_load %arg22[%swap3A, %swap3A_119] {strides = array<i32>} : memref<128x16xf32, #tpu.memory_space<vmem>>, vector<1x16xf32>,
          %swap3A_121 = vector.shape_cast %swap3A_120 : vector<1x16xf32> to vector<16xf32>
          %swap3A_122 = vector.shape_cast %select_n3A : vector<16xf32> to vector<1x16xf32>
          tpu.vector_store %arg22[%swap3A, %swap3A_119], %swap3A_122 {strides = array<i32>} : memref<128x16xf32, #tpu.memory_space<vmem>>, vector<1x16xf32>,
        }
        %scan3A_78 = arith.constant 128 : i32
        "tpu.region"() ({
          %run_scoped3A_79 = tpu.sem_alloc : memref<!tpu.dma_semaphore, #tpu.memory_space<semaphore_mem>>
          %dma_start3A = arith.constant 0 : i32
          %dma_start3A_80 = tpu.memref_slice %arg13[%add3A, %dma_start3A] : memref<100352x16xf32, #tpu.memory_space<hbm>> -> memref<128x16xf32, #tpu.memory_space<hbm>>
          %dma_start3A_81 = arith.constant 0 : i32
          %dma_start3A_82 = tpu.memref_slice %arg13[%add3A, %dma_start3A_81] : memref<100352x16xf32, #tpu.memory_space<hbm>> -> memref<128x16xf32, #tpu.memory_space<hbm>>
          tpu.enqueue_dma source(%arg22 : memref<128x16xf32, #tpu.memory_space<vmem>>) target(%dma_start3A_82 : memref<128x16xf32, #tpu.memory_space<hbm>>) target_semaphore(%run_scoped3A_79 : memref<!tpu.dma_semaphore, #tpu.memory_space<semaphore_mem>>)
          %dma_wait3A = arith.constant 0 : i32
          %dma_wait3A_83 = tpu.memref_slice %arg13[%add3A, %dma_wait3A] : memref<100352x16xf32, #tpu.memory_space<hbm>> -> memref<128x16xf32, #tpu.memory_space<hbm>>
          %dma_wait3A_84 = arith.constant 0 : i32
          %dma_wait3A_85 = tpu.memref_slice %arg13[%add3A, %dma_wait3A_84] : memref<100352x16xf32, #tpu.memory_space<hbm>> -> memref<128x16xf32, #tpu.memory_space<hbm>>
          tpu.wait_dma2 semaphore(%run_scoped3A_79 : memref<!tpu.dma_semaphore, #tpu.memory_space<semaphore_mem>>) src(%arg22 : memref<128x16xf32, #tpu.memory_space<vmem>>) dst(%dma_wait3A_85 : memref<128x16xf32, #tpu.memory_space<hbm>>)
          tpu.yield
        }) : () -> ()
      }
      %scan3A_21 = arith.constant 49 : i32
      "tpu.region"() ({
        %run_scoped3A_70 = tpu.sem_alloc : memref<!tpu.dma_semaphore, #tpu.memory_space<semaphore_mem>>
        %dma_start3A = arith.constant 0 : i32
        %dma_start3A_71 = tpu.memref_slice %arg14[%mul3A_7, %dma_start3A] : memref<100352x16xf32, #tpu.memory_space<vmem_shared>> -> memref<6272x16xf32, #tpu.memory_space<vmem_shared>>
        tpu.enqueue_dma source(%arg7 : memref<6272x16xf32, #tpu.memory_space<hbm>>) target(%dma_start3A_71 : memref<6272x16xf32, #tpu.memory_space<vmem_shared>>) target_semaphore(%run_scoped3A_70 : memref<!tpu.dma_semaphore, #tpu.memory_space<semaphore_mem>>)
        %dma_wait3A = arith.constant 0 : i32
        %dma_wait3A_72 = tpu.memref_slice %arg14[%mul3A_7, %dma_wait3A] : memref<100352x16xf32, #tpu.memory_space<vmem_shared>> -> memref<6272x16xf32, #tpu.memory_space<vmem_shared>>
        tpu.wait_dma2 semaphore(%run_scoped3A_70 : memref<!tpu.dma_semaphore, #tpu.memory_space<semaphore_mem>>) src(%arg7 : memref<6272x16xf32, #tpu.memory_space<hbm>>) dst(%dma_wait3A_72 : memref<6272x16xf32, #tpu.memory_space<vmem_shared>>)
        tpu.yield
      }) : () -> ()
      %scan3A_22 = arith.constant 0 : i32
      %scan3A_23 = arith.constant 0 : i32
      %scan3A_24 = arith.constant 49 : i32
      %scan3A_25 = arith.addi %scan3A_23, %scan3A_24 : i32
      %scan3A_26 = arith.constant 1 : i32
      scf.for %scan3A_70 = %scan3A_23 to %scan3A_25 step %scan3A_26  : i32 {
        %mul3A_71 = arith.constant 128 : i32
        %mul3A_72 = arith.muli %scan3A_70, %mul3A_71 : i32
        %add3A = arith.addi %mul3A_7, %mul3A_72 : i32
        "tpu.region"() ({
          %run_scoped3A_79 = tpu.sem_alloc : memref<!tpu.dma_semaphore, #tpu.memory_space<semaphore_mem>>
          %dma_start3A = arith.constant 0 : i32
          %dma_start3A_80 = tpu.memref_slice %arg3[%add3A, %dma_start3A] : memref<100352x16xf32, #tpu.memory_space<hbm>> -> memref<128x16xf32, #tpu.memory_space<hbm>>
          %dma_start3A_81 = arith.constant 0 : i32
          %dma_start3A_82 = tpu.memref_slice %arg3[%add3A, %dma_start3A_81] : memref<100352x16xf32, #tpu.memory_space<hbm>> -> memref<128x16xf32, #tpu.memory_space<hbm>>
          tpu.enqueue_dma source(%dma_start3A_82 : memref<128x16xf32, #tpu.memory_space<hbm>>) target(%arg22 : memref<128x16xf32, #tpu.memory_space<vmem>>) target_semaphore(%run_scoped3A_79 : memref<!tpu.dma_semaphore, #tpu.memory_space<semaphore_mem>>)
          %dma_wait3A = arith.constant 0 : i32
          %dma_wait3A_83 = tpu.memref_slice %arg3[%add3A, %dma_wait3A] : memref<100352x16xf32, #tpu.memory_space<hbm>> -> memref<128x16xf32, #tpu.memory_space<hbm>>
          %dma_wait3A_84 = arith.constant 0 : i32
          %dma_wait3A_85 = tpu.memref_slice %arg3[%add3A, %dma_wait3A_84] : memref<100352x16xf32, #tpu.memory_space<hbm>> -> memref<128x16xf32, #tpu.memory_space<hbm>>
          tpu.wait_dma2 semaphore(%run_scoped3A_79 : memref<!tpu.dma_semaphore, #tpu.memory_space<semaphore_mem>>) src(%dma_wait3A_85 : memref<128x16xf32, #tpu.memory_space<hbm>>) dst(%arg22 : memref<128x16xf32, #tpu.memory_space<vmem>>)
          tpu.yield
        }) : () -> ()
        "tpu.region"() ({
          %run_scoped3A_79 = tpu.sem_alloc : memref<!tpu.dma_semaphore, #tpu.memory_space<semaphore_mem>>
          %dma_start3A = arith.constant 0 : i32
          %dma_start3A_80 = tpu.memref_slice %arg13[%add3A, %dma_start3A] : memref<100352x16xf32, #tpu.memory_space<hbm>> -> memref<128x16xf32, #tpu.memory_space<hbm>>
          %dma_start3A_81 = arith.constant 0 : i32
          %dma_start3A_82 = tpu.memref_slice %arg13[%add3A, %dma_start3A_81] : memref<100352x16xf32, #tpu.memory_space<hbm>> -> memref<128x16xf32, #tpu.memory_space<hbm>>
          tpu.enqueue_dma source(%dma_start3A_82 : memref<128x16xf32, #tpu.memory_space<hbm>>) target(%arg21 : memref<128x16xf32, #tpu.memory_space<vmem>>) target_semaphore(%run_scoped3A_79 : memref<!tpu.dma_semaphore, #tpu.memory_space<semaphore_mem>>)
          %dma_wait3A = arith.constant 0 : i32
          %dma_wait3A_83 = tpu.memref_slice %arg13[%add3A, %dma_wait3A] : memref<100352x16xf32, #tpu.memory_space<hbm>> -> memref<128x16xf32, #tpu.memory_space<hbm>>
          %dma_wait3A_84 = arith.constant 0 : i32
          %dma_wait3A_85 = tpu.memref_slice %arg13[%add3A, %dma_wait3A_84] : memref<100352x16xf32, #tpu.memory_space<hbm>> -> memref<128x16xf32, #tpu.memory_space<hbm>>
          tpu.wait_dma2 semaphore(%run_scoped3A_79 : memref<!tpu.dma_semaphore, #tpu.memory_space<semaphore_mem>>) src(%dma_wait3A_85 : memref<128x16xf32, #tpu.memory_space<hbm>>) dst(%arg21 : memref<128x16xf32, #tpu.memory_space<vmem>>)
          tpu.yield
        }) : () -> ()
        %scan3A_73 = arith.constant 0 : i32
        %scan3A_74 = arith.constant 0 : i32
        %scan3A_75 = arith.constant 128 : i32
        %scan3A_76 = arith.addi %scan3A_74, %scan3A_75 : i32
        %scan3A_77 = arith.constant 1 : i32
        scf.for %scan3A_79 = %scan3A_74 to %scan3A_76 step %scan3A_77  : i32 {
          %get3A = arith.index_cast %scan3A_79 : i32 to index
          %get3A_80 = arith.constant 0 : index
          %get3A_81 = tpu.vector_load %arg22[%get3A, %get3A_80] {strides = array<i32>} : memref<128x16xf32, #tpu.memory_space<vmem>>, vector<1x16xf32>,
          %get3A_82 = vector.shape_cast %get3A_81 : vector<1x16xf32> to vector<16xf32>
          %mul3A_83 = arith.constant 2.500000e-01 : f32
          %mul3A_84 = vector.broadcast %mul3A_83 : f32 to vector<16xf32>
          %mul3A_85 = arith.mulf %mul3A_84, %get3A_82 : vector<16xf32>
          %swap3A = arith.index_cast %scan3A_79 : i32 to index
          %swap3A_86 = arith.constant 0 : index
          %swap3A_87 = tpu.vector_load %arg23[%swap3A, %swap3A_86] {strides = array<i32>} : memref<128x16xf32, #tpu.memory_space<vmem>>, vector<1x16xf32>,
          %swap3A_88 = vector.shape_cast %swap3A_87 : vector<1x16xf32> to vector<16xf32>
          %swap3A_89 = vector.shape_cast %mul3A_85 : vector<16xf32> to vector<1x16xf32>
          tpu.vector_store %arg23[%swap3A, %swap3A_86], %swap3A_89 {strides = array<i32>} : memref<128x16xf32, #tpu.memory_space<vmem>>, vector<1x16xf32>,
          %get3A_90 = arith.index_cast %scan3A_79 : i32 to index
          %get3A_91 = arith.constant 0 : index
          %get3A_92 = tpu.vector_load %arg21[%get3A_90, %get3A_91] {strides = array<i32>} : memref<128x16xf32, #tpu.memory_space<vmem>>, vector<1x16xf32>,
          %get3A_93 = vector.shape_cast %get3A_92 : vector<1x16xf32> to vector<16xf32>
          %mul3A_94 = arith.mulf %get3A_93, %get3A_82 : vector<16xf32>
          %swap3A_95 = arith.index_cast %scan3A_79 : i32 to index
          %swap3A_96 = arith.constant 0 : index
          %swap3A_97 = tpu.vector_load %arg22[%swap3A_95, %swap3A_96] {strides = array<i32>} : memref<128x16xf32, #tpu.memory_space<vmem>>, vector<1x16xf32>,
          %swap3A_98 = vector.shape_cast %swap3A_97 : vector<1x16xf32> to vector<16xf32>
          %swap3A_99 = vector.shape_cast %mul3A_94 : vector<16xf32> to vector<1x16xf32>
          tpu.vector_store %arg22[%swap3A_95, %swap3A_96], %swap3A_99 {strides = array<i32>} : memref<128x16xf32, #tpu.memory_space<vmem>>, vector<1x16xf32>,
        }
        %scan3A_78 = arith.constant 128 : i32
        "tpu.region"() ({
          %run_scoped3A_79 = tpu.sem_alloc : memref<!tpu.dma_semaphore, #tpu.memory_space<semaphore_mem>>
          %dma_start3A = arith.constant 0 : i32
          %dma_start3A_80 = tpu.memref_slice %arg9[%add3A, %dma_start3A] : memref<100352x16xf32, #tpu.memory_space<hbm>> -> memref<128x16xf32, #tpu.memory_space<hbm>>
          %dma_start3A_81 = arith.constant 0 : i32
          %dma_start3A_82 = tpu.memref_slice %arg9[%add3A, %dma_start3A_81] : memref<100352x16xf32, #tpu.memory_space<hbm>> -> memref<128x16xf32, #tpu.memory_space<hbm>>
          tpu.enqueue_dma source(%arg23 : memref<128x16xf32, #tpu.memory_space<vmem>>) target(%dma_start3A_82 : memref<128x16xf32, #tpu.memory_space<hbm>>) target_semaphore(%run_scoped3A_79 : memref<!tpu.dma_semaphore, #tpu.memory_space<semaphore_mem>>)
          %dma_wait3A = arith.constant 0 : i32
          %dma_wait3A_83 = tpu.memref_slice %arg9[%add3A, %dma_wait3A] : memref<100352x16xf32, #tpu.memory_space<hbm>> -> memref<128x16xf32, #tpu.memory_space<hbm>>
          %dma_wait3A_84 = arith.constant 0 : i32
          %dma_wait3A_85 = tpu.memref_slice %arg9[%add3A, %dma_wait3A_84] : memref<100352x16xf32, #tpu.memory_space<hbm>> -> memref<128x16xf32, #tpu.memory_space<hbm>>
          tpu.wait_dma2 semaphore(%run_scoped3A_79 : memref<!tpu.dma_semaphore, #tpu.memory_space<semaphore_mem>>) src(%arg23 : memref<128x16xf32, #tpu.memory_space<vmem>>) dst(%dma_wait3A_85 : memref<128x16xf32, #tpu.memory_space<hbm>>)
          tpu.yield
        }) : () -> ()
        "tpu.region"() ({
          %run_scoped3A_79 = tpu.sem_alloc : memref<!tpu.dma_semaphore, #tpu.memory_space<semaphore_mem>>
          %dma_start3A = arith.constant 0 : i32
          %dma_start3A_80 = tpu.memref_slice %arg11[%add3A, %dma_start3A] : memref<100352x16xf32, #tpu.memory_space<hbm>> -> memref<128x16xf32, #tpu.memory_space<hbm>>
          %dma_start3A_81 = arith.constant 0 : i32
          %dma_start3A_82 = tpu.memref_slice %arg11[%add3A, %dma_start3A_81] : memref<100352x16xf32, #tpu.memory_space<hbm>> -> memref<128x16xf32, #tpu.memory_space<hbm>>
          tpu.enqueue_dma source(%arg22 : memref<128x16xf32, #tpu.memory_space<vmem>>) target(%dma_start3A_82 : memref<128x16xf32, #tpu.memory_space<hbm>>) target_semaphore(%run_scoped3A_79 : memref<!tpu.dma_semaphore, #tpu.memory_space<semaphore_mem>>)
          %dma_wait3A = arith.constant 0 : i32
          %dma_wait3A_83 = tpu.memref_slice %arg11[%add3A, %dma_wait3A] : memref<100352x16xf32, #tpu.memory_space<hbm>> -> memref<128x16xf32, #tpu.memory_space<hbm>>
          %dma_wait3A_84 = arith.constant 0 : i32
          %dma_wait3A_85 = tpu.memref_slice %arg11[%add3A, %dma_wait3A_84] : memref<100352x16xf32, #tpu.memory_space<hbm>> -> memref<128x16xf32, #tpu.memory_space<hbm>>
          tpu.wait_dma2 semaphore(%run_scoped3A_79 : memref<!tpu.dma_semaphore, #tpu.memory_space<semaphore_mem>>) src(%arg22 : memref<128x16xf32, #tpu.memory_space<vmem>>) dst(%dma_wait3A_85 : memref<128x16xf32, #tpu.memory_space<hbm>>)
          tpu.yield
        }) : () -> ()
      }
      %scan3A_27 = arith.constant 49 : i32
      %barrier3A_28 = arith.constant 0 : index
      tpu.barrier barrier_id(%barrier3A_28)
      %scan3A_29 = arith.constant 0 : i32
      %scan3A_30 = arith.constant 0 : i32
      %scan3A_31 = arith.constant 200 : i32
      %scan3A_32 = arith.addi %scan3A_30, %scan3A_31 : i32
      %scan3A_33 = arith.constant 1 : i32
      scf.for %scan3A_70 = %scan3A_30 to %scan3A_32 step %scan3A_33  : i32 {
        %mul3A_71 = arith.constant 4 : i32
        %mul3A_72 = arith.muli %scan3A_70, %mul3A_71 : i32
        %add3A = arith.addi %mul3A_9, %mul3A_72 : i32
        "tpu.region"() ({
          %run_scoped3A_244 = tpu.sem_alloc : memref<!tpu.dma_semaphore, #tpu.memory_space<semaphore_mem>>
          %dma_start3A_245 = arith.constant 0 : i32
          %dma_start3A_246 = arith.constant 0 : i32
          %dma_start3A_247 = tpu.memref_slice %arg15[%dma_start3A_245, %dma_start3A_246] : memref<4x128xi32, #tpu.memory_space<vmem>> -> memref<4x128xi32, #tpu.memory_space<vmem>>
          %dma_start3A_248 = arith.constant 0 : i32
          %dma_start3A_249 = tpu.memref_slice %arg4[%add3A, %dma_start3A_248] : memref<12800x128xi32, #tpu.memory_space<hbm>> -> memref<4x128xi32, #tpu.memory_space<hbm>>
          %dma_start3A_250 = arith.constant 0 : i32
          %dma_start3A_251 = arith.constant 0 : i32
          %dma_start3A_252 = tpu.memref_slice %arg15[%dma_start3A_250, %dma_start3A_251] : memref<4x128xi32, #tpu.memory_space<vmem>> -> memref<4x128xi32, #tpu.memory_space<vmem>>
          %dma_start3A_253 = arith.constant 0 : i32
          %dma_start3A_254 = tpu.memref_slice %arg4[%add3A, %dma_start3A_253] : memref<12800x128xi32, #tpu.memory_space<hbm>> -> memref<4x128xi32, #tpu.memory_space<hbm>>
          tpu.enqueue_dma source(%dma_start3A_254 : memref<4x128xi32, #tpu.memory_space<hbm>>) target(%dma_start3A_252 : memref<4x128xi32, #tpu.memory_space<vmem>>) target_semaphore(%run_scoped3A_244 : memref<!tpu.dma_semaphore, #tpu.memory_space<semaphore_mem>>)
          %dma_wait3A_255 = arith.constant 0 : i32
          %dma_wait3A_256 = arith.constant 0 : i32
          %dma_wait3A_257 = tpu.memref_slice %arg15[%dma_wait3A_255, %dma_wait3A_256] : memref<4x128xi32, #tpu.memory_space<vmem>> -> memref<4x128xi32, #tpu.memory_space<vmem>>
          %dma_wait3A_258 = arith.constant 0 : i32
          %dma_wait3A_259 = tpu.memref_slice %arg4[%add3A, %dma_wait3A_258] : memref<12800x128xi32, #tpu.memory_space<hbm>> -> memref<4x128xi32, #tpu.memory_space<hbm>>
          %dma_wait3A_260 = arith.constant 0 : i32
          %dma_wait3A_261 = arith.constant 0 : i32
          %dma_wait3A_262 = tpu.memref_slice %arg15[%dma_wait3A_260, %dma_wait3A_261] : memref<4x128xi32, #tpu.memory_space<vmem>> -> memref<4x128xi32, #tpu.memory_space<vmem>>
          %dma_wait3A_263 = arith.constant 0 : i32
          %dma_wait3A_264 = tpu.memref_slice %arg4[%add3A, %dma_wait3A_263] : memref<12800x128xi32, #tpu.memory_space<hbm>> -> memref<4x128xi32, #tpu.memory_space<hbm>>
          tpu.wait_dma2 semaphore(%run_scoped3A_244 : memref<!tpu.dma_semaphore, #tpu.memory_space<semaphore_mem>>) src(%dma_wait3A_264 : memref<4x128xi32, #tpu.memory_space<hbm>>) dst(%dma_wait3A_262 : memref<4x128xi32, #tpu.memory_space<vmem>>)
          tpu.yield
        }) : () -> ()
        %mul3A_73 = arith.constant 4 : i32
        %mul3A_74 = arith.muli %scan3A_70, %mul3A_73 : i32
        %add3A_75 = arith.addi %mul3A_9, %mul3A_74 : i32
        %mul3A_76 = arith.constant 128 : i32
        %mul3A_77 = arith.muli %add3A_75, %mul3A_76 : i32
        %add3A_78 = arith.constant 0 : i32
        %add3A_79 = arith.addi %mul3A_77, %add3A_78 : i32
        "tpu.region"() ({
          %run_scoped3A_244 = tpu.sem_alloc : memref<!tpu.dma_semaphore, #tpu.memory_space<semaphore_mem>>
          %dma_start3A_245 = tpu.memref_slice %arg5[%add3A_79] : memref<1638400xi32, #tpu.memory_space<hbm>> -> memref<128xi32, #tpu.memory_space<hbm>>
          %dma_start3A_246 = tpu.memref_slice %arg5[%add3A_79] : memref<1638400xi32, #tpu.memory_space<hbm>> -> memref<128xi32, #tpu.memory_space<hbm>>
          tpu.enqueue_dma source(%dma_start3A_246 : memref<128xi32, #tpu.memory_space<hbm>>) target(%arg16 : memref<128xi32, #tpu.memory_space<vmem>>) target_semaphore(%run_scoped3A_244 : memref<!tpu.dma_semaphore, #tpu.memory_space<semaphore_mem>>)
          %dma_wait3A_247 = tpu.memref_slice %arg5[%add3A_79] : memref<1638400xi32, #tpu.memory_space<hbm>> -> memref<128xi32, #tpu.memory_space<hbm>>
          %dma_wait3A_248 = tpu.memref_slice %arg5[%add3A_79] : memref<1638400xi32, #tpu.memory_space<hbm>> -> memref<128xi32, #tpu.memory_space<hbm>>
          tpu.wait_dma2 semaphore(%run_scoped3A_244 : memref<!tpu.dma_semaphore, #tpu.memory_space<semaphore_mem>>) src(%dma_wait3A_248 : memref<128xi32, #tpu.memory_space<hbm>>) dst(%arg16 : memref<128xi32, #tpu.memory_space<vmem>>)
          tpu.yield
        }) : () -> ()
        %add3A_80 = arith.constant 128 : i32
        %add3A_81 = arith.addi %mul3A_77, %add3A_80 : i32
        "tpu.region"() ({
          %run_scoped3A_244 = tpu.sem_alloc : memref<!tpu.dma_semaphore, #tpu.memory_space<semaphore_mem>>
          %dma_start3A_245 = tpu.memref_slice %arg5[%add3A_81] : memref<1638400xi32, #tpu.memory_space<hbm>> -> memref<128xi32, #tpu.memory_space<hbm>>
          %dma_start3A_246 = tpu.memref_slice %arg5[%add3A_81] : memref<1638400xi32, #tpu.memory_space<hbm>> -> memref<128xi32, #tpu.memory_space<hbm>>
          tpu.enqueue_dma source(%dma_start3A_246 : memref<128xi32, #tpu.memory_space<hbm>>) target(%arg17 : memref<128xi32, #tpu.memory_space<vmem>>) target_semaphore(%run_scoped3A_244 : memref<!tpu.dma_semaphore, #tpu.memory_space<semaphore_mem>>)
          %dma_wait3A_247 = tpu.memref_slice %arg5[%add3A_81] : memref<1638400xi32, #tpu.memory_space<hbm>> -> memref<128xi32, #tpu.memory_space<hbm>>
          %dma_wait3A_248 = tpu.memref_slice %arg5[%add3A_81] : memref<1638400xi32, #tpu.memory_space<hbm>> -> memref<128xi32, #tpu.memory_space<hbm>>
          tpu.wait_dma2 semaphore(%run_scoped3A_244 : memref<!tpu.dma_semaphore, #tpu.memory_space<semaphore_mem>>) src(%dma_wait3A_248 : memref<128xi32, #tpu.memory_space<hbm>>) dst(%arg17 : memref<128xi32, #tpu.memory_space<vmem>>)
          tpu.yield
        }) : () -> ()
        %add3A_82 = arith.constant 256 : i32
        %add3A_83 = arith.addi %mul3A_77, %add3A_82 : i32
        "tpu.region"() ({
          %run_scoped3A_244 = tpu.sem_alloc : memref<!tpu.dma_semaphore, #tpu.memory_space<semaphore_mem>>
          %dma_start3A_245 = tpu.memref_slice %arg5[%add3A_83] : memref<1638400xi32, #tpu.memory_space<hbm>> -> memref<128xi32, #tpu.memory_space<hbm>>
          %dma_start3A_246 = tpu.memref_slice %arg5[%add3A_83] : memref<1638400xi32, #tpu.memory_space<hbm>> -> memref<128xi32, #tpu.memory_space<hbm>>
          tpu.enqueue_dma source(%dma_start3A_246 : memref<128xi32, #tpu.memory_space<hbm>>) target(%arg18 : memref<128xi32, #tpu.memory_space<vmem>>) target_semaphore(%run_scoped3A_244 : memref<!tpu.dma_semaphore, #tpu.memory_space<semaphore_mem>>)
          %dma_wait3A_247 = tpu.memref_slice %arg5[%add3A_83] : memref<1638400xi32, #tpu.memory_space<hbm>> -> memref<128xi32, #tpu.memory_space<hbm>>
          %dma_wait3A_248 = tpu.memref_slice %arg5[%add3A_83] : memref<1638400xi32, #tpu.memory_space<hbm>> -> memref<128xi32, #tpu.memory_space<hbm>>
          tpu.wait_dma2 semaphore(%run_scoped3A_244 : memref<!tpu.dma_semaphore, #tpu.memory_space<semaphore_mem>>) src(%dma_wait3A_248 : memref<128xi32, #tpu.memory_space<hbm>>) dst(%arg18 : memref<128xi32, #tpu.memory_space<vmem>>)
          tpu.yield
        }) : () -> ()
        %add3A_84 = arith.constant 384 : i32
        %add3A_85 = arith.addi %mul3A_77, %add3A_84 : i32
        "tpu.region"() ({
          %run_scoped3A_244 = tpu.sem_alloc : memref<!tpu.dma_semaphore, #tpu.memory_space<semaphore_mem>>
          %dma_start3A_245 = tpu.memref_slice %arg5[%add3A_85] : memref<1638400xi32, #tpu.memory_space<hbm>> -> memref<128xi32, #tpu.memory_space<hbm>>
          %dma_start3A_246 = tpu.memref_slice %arg5[%add3A_85] : memref<1638400xi32, #tpu.memory_space<hbm>> -> memref<128xi32, #tpu.memory_space<hbm>>
          tpu.enqueue_dma source(%dma_start3A_246 : memref<128xi32, #tpu.memory_space<hbm>>) target(%arg19 : memref<128xi32, #tpu.memory_space<vmem>>) target_semaphore(%run_scoped3A_244 : memref<!tpu.dma_semaphore, #tpu.memory_space<semaphore_mem>>)
          %dma_wait3A_247 = tpu.memref_slice %arg5[%add3A_85] : memref<1638400xi32, #tpu.memory_space<hbm>> -> memref<128xi32, #tpu.memory_space<hbm>>
          %dma_wait3A_248 = tpu.memref_slice %arg5[%add3A_85] : memref<1638400xi32, #tpu.memory_space<hbm>> -> memref<128xi32, #tpu.memory_space<hbm>>
          tpu.wait_dma2 semaphore(%run_scoped3A_244 : memref<!tpu.dma_semaphore, #tpu.memory_space<semaphore_mem>>) src(%dma_wait3A_248 : memref<128xi32, #tpu.memory_space<hbm>>) dst(%arg19 : memref<128xi32, #tpu.memory_space<vmem>>)
          tpu.yield
        }) : () -> ()
        %dma_start3A = arith.constant 0 : i32
        %dma_start3A_86 = arith.constant 0 : i32
        %dma_start3A_87 = arith.constant 0 : i32
        %dma_start3A_88 = arith.constant 0 : i32
        %dma_start3A_89 = tpu.memref_slice %arg20[%dma_start3A_86, %dma_start3A_87, %dma_start3A_88] : memref<4x128x16xf32, #tpu.memory_space<vmem>> -> memref<1x128x16xf32, #tpu.memory_space<vmem>>
        %dma_start3A_90 = tpu.memref_squeeze %dma_start3A_89 : memref<1x128x16xf32, #tpu.memory_space<vmem>> -> memref<128x16xf32, #tpu.memory_space<vmem>>
        %dma_start3A_91 = arith.constant 0 : i32
        %dma_start3A_92 = tpu.memref_slice %arg15[%dma_start3A, %dma_start3A_91] : memref<4x128xi32, #tpu.memory_space<vmem>> -> memref<1x128xi32, #tpu.memory_space<vmem>>
        %dma_start3A_93 = tpu.memref_squeeze %dma_start3A_92 : memref<1x128xi32, #tpu.memory_space<vmem>> -> memref<128xi32, #tpu.memory_space<vmem>>
        %dma_start3A_94 = arith.constant 0 : i32
        %dma_start3A_95 = arith.constant 0 : i32
        %dma_start3A_96 = tpu.memref_slice %arg11[%dma_start3A_94, %dma_start3A_95] : memref<100352x16xf32, #tpu.memory_space<hbm>> -> memref<100352x16xf32, #tpu.memory_space<hbm>>
        tpu.enqueue_indirect_dma source(%dma_start3A_96 : memref<100352x16xf32, #tpu.memory_space<hbm>>) target(%dma_start3A_90 : memref<128x16xf32, #tpu.memory_space<vmem>>) offsets(%dma_start3A_93 : memref<128xi32, #tpu.memory_space<vmem>>) semaphore(%arg24 : memref<!tpu.dma_semaphore, #tpu.memory_space<semaphore_mem>>)
        %dma_start3A_97 = arith.constant 1 : i32
        %dma_start3A_98 = arith.constant 1 : i32
        %dma_start3A_99 = arith.constant 0 : i32
        %dma_start3A_100 = arith.constant 0 : i32
        %dma_start3A_101 = tpu.memref_slice %arg20[%dma_start3A_98, %dma_start3A_99, %dma_start3A_100] : memref<4x128x16xf32, #tpu.memory_space<vmem>> -> memref<1x128x16xf32, #tpu.memory_space<vmem>>
        %dma_start3A_102 = tpu.memref_squeeze %dma_start3A_101 : memref<1x128x16xf32, #tpu.memory_space<vmem>> -> memref<128x16xf32, #tpu.memory_space<vmem>>
        %dma_start3A_103 = arith.constant 0 : i32
        %dma_start3A_104 = tpu.memref_slice %arg15[%dma_start3A_97, %dma_start3A_103] : memref<4x128xi32, #tpu.memory_space<vmem>> -> memref<1x128xi32, #tpu.memory_space<vmem>>
        %dma_start3A_105 = tpu.memref_squeeze %dma_start3A_104 : memref<1x128xi32, #tpu.memory_space<vmem>> -> memref<128xi32, #tpu.memory_space<vmem>>
        %dma_start3A_106 = arith.constant 0 : i32
        %dma_start3A_107 = arith.constant 0 : i32
        %dma_start3A_108 = tpu.memref_slice %arg11[%dma_start3A_106, %dma_start3A_107] : memref<100352x16xf32, #tpu.memory_space<hbm>> -> memref<100352x16xf32, #tpu.memory_space<hbm>>
        tpu.enqueue_indirect_dma source(%dma_start3A_108 : memref<100352x16xf32, #tpu.memory_space<hbm>>) target(%dma_start3A_102 : memref<128x16xf32, #tpu.memory_space<vmem>>) offsets(%dma_start3A_105 : memref<128xi32, #tpu.memory_space<vmem>>) semaphore(%arg24 : memref<!tpu.dma_semaphore, #tpu.memory_space<semaphore_mem>>)
        %dma_start3A_109 = arith.constant 2 : i32
        %dma_start3A_110 = arith.constant 2 : i32
        %dma_start3A_111 = arith.constant 0 : i32
        %dma_start3A_112 = arith.constant 0 : i32
        %dma_start3A_113 = tpu.memref_slice %arg20[%dma_start3A_110, %dma_start3A_111, %dma_start3A_112] : memref<4x128x16xf32, #tpu.memory_space<vmem>> -> memref<1x128x16xf32, #tpu.memory_space<vmem>>
        %dma_start3A_114 = tpu.memref_squeeze %dma_start3A_113 : memref<1x128x16xf32, #tpu.memory_space<vmem>> -> memref<128x16xf32, #tpu.memory_space<vmem>>
        %dma_start3A_115 = arith.constant 0 : i32
        %dma_start3A_116 = tpu.memref_slice %arg15[%dma_start3A_109, %dma_start3A_115] : memref<4x128xi32, #tpu.memory_space<vmem>> -> memref<1x128xi32, #tpu.memory_space<vmem>>
        %dma_start3A_117 = tpu.memref_squeeze %dma_start3A_116 : memref<1x128xi32, #tpu.memory_space<vmem>> -> memref<128xi32, #tpu.memory_space<vmem>>
        %dma_start3A_118 = arith.constant 0 : i32
        %dma_start3A_119 = arith.constant 0 : i32
        %dma_start3A_120 = tpu.memref_slice %arg11[%dma_start3A_118, %dma_start3A_119] : memref<100352x16xf32, #tpu.memory_space<hbm>> -> memref<100352x16xf32, #tpu.memory_space<hbm>>
        tpu.enqueue_indirect_dma source(%dma_start3A_120 : memref<100352x16xf32, #tpu.memory_space<hbm>>) target(%dma_start3A_114 : memref<128x16xf32, #tpu.memory_space<vmem>>) offsets(%dma_start3A_117 : memref<128xi32, #tpu.memory_space<vmem>>) semaphore(%arg24 : memref<!tpu.dma_semaphore, #tpu.memory_space<semaphore_mem>>)
        %dma_start3A_121 = arith.constant 3 : i32
        %dma_start3A_122 = arith.constant 3 : i32
        %dma_start3A_123 = arith.constant 0 : i32
        %dma_start3A_124 = arith.constant 0 : i32
        %dma_start3A_125 = tpu.memref_slice %arg20[%dma_start3A_122, %dma_start3A_123, %dma_start3A_124] : memref<4x128x16xf32, #tpu.memory_space<vmem>> -> memref<1x128x16xf32, #tpu.memory_space<vmem>>
        %dma_start3A_126 = tpu.memref_squeeze %dma_start3A_125 : memref<1x128x16xf32, #tpu.memory_space<vmem>> -> memref<128x16xf32, #tpu.memory_space<vmem>>
        %dma_start3A_127 = arith.constant 0 : i32
        %dma_start3A_128 = tpu.memref_slice %arg15[%dma_start3A_121, %dma_start3A_127] : memref<4x128xi32, #tpu.memory_space<vmem>> -> memref<1x128xi32, #tpu.memory_space<vmem>>
        %dma_start3A_129 = tpu.memref_squeeze %dma_start3A_128 : memref<1x128xi32, #tpu.memory_space<vmem>> -> memref<128xi32, #tpu.memory_space<vmem>>
        %dma_start3A_130 = arith.constant 0 : i32
        %dma_start3A_131 = arith.constant 0 : i32
        %dma_start3A_132 = tpu.memref_slice %arg11[%dma_start3A_130, %dma_start3A_131] : memref<100352x16xf32, #tpu.memory_space<hbm>> -> memref<100352x16xf32, #tpu.memory_space<hbm>>
        tpu.enqueue_indirect_dma source(%dma_start3A_132 : memref<100352x16xf32, #tpu.memory_space<hbm>>) target(%dma_start3A_126 : memref<128x16xf32, #tpu.memory_space<vmem>>) offsets(%dma_start3A_129 : memref<128xi32, #tpu.memory_space<vmem>>) semaphore(%arg24 : memref<!tpu.dma_semaphore, #tpu.memory_space<semaphore_mem>>)
        %dma_wait3A = arith.constant 0 : i32
        %dma_wait3A_133 = arith.constant 0 : i32
        %dma_wait3A_134 = arith.constant 0 : i32
        %dma_wait3A_135 = arith.constant 0 : i32
        %dma_wait3A_136 = tpu.memref_slice %arg20[%dma_wait3A_133, %dma_wait3A_134, %dma_wait3A_135] : memref<4x128x16xf32, #tpu.memory_space<vmem>> -> memref<1x128x16xf32, #tpu.memory_space<vmem>>
        %dma_wait3A_137 = tpu.memref_squeeze %dma_wait3A_136 : memref<1x128x16xf32, #tpu.memory_space<vmem>> -> memref<128x16xf32, #tpu.memory_space<vmem>>
        %dma_wait3A_138 = arith.constant 0 : i32
        %dma_wait3A_139 = tpu.memref_slice %arg15[%dma_wait3A, %dma_wait3A_138] : memref<4x128xi32, #tpu.memory_space<vmem>> -> memref<1x128xi32, #tpu.memory_space<vmem>>
        %dma_wait3A_140 = tpu.memref_squeeze %dma_wait3A_139 : memref<1x128xi32, #tpu.memory_space<vmem>> -> memref<128xi32, #tpu.memory_space<vmem>>
        %dma_wait3A_141 = arith.constant 0 : i32
        %dma_wait3A_142 = arith.constant 0 : i32
        %dma_wait3A_143 = tpu.memref_slice %arg11[%dma_wait3A_141, %dma_wait3A_142] : memref<100352x16xf32, #tpu.memory_space<hbm>> -> memref<100352x16xf32, #tpu.memory_space<hbm>>
        tpu.wait_indirect_dma semaphore(%arg24 : memref<!tpu.dma_semaphore, #tpu.memory_space<semaphore_mem>>) src(%dma_wait3A_143 : memref<100352x16xf32, #tpu.memory_space<hbm>>) dst(%dma_wait3A_137 : memref<128x16xf32, #tpu.memory_space<vmem>>)
        %dma_wait3A_144 = arith.constant 1 : i32
        %dma_wait3A_145 = arith.constant 1 : i32
        %dma_wait3A_146 = arith.constant 0 : i32
        %dma_wait3A_147 = arith.constant 0 : i32
        %dma_wait3A_148 = tpu.memref_slice %arg20[%dma_wait3A_145, %dma_wait3A_146, %dma_wait3A_147] : memref<4x128x16xf32, #tpu.memory_space<vmem>> -> memref<1x128x16xf32, #tpu.memory_space<vmem>>
        %dma_wait3A_149 = tpu.memref_squeeze %dma_wait3A_148 : memref<1x128x16xf32, #tpu.memory_space<vmem>> -> memref<128x16xf32, #tpu.memory_space<vmem>>
        %dma_wait3A_150 = arith.constant 0 : i32
        %dma_wait3A_151 = tpu.memref_slice %arg15[%dma_wait3A_144, %dma_wait3A_150] : memref<4x128xi32, #tpu.memory_space<vmem>> -> memref<1x128xi32, #tpu.memory_space<vmem>>
        %dma_wait3A_152 = tpu.memref_squeeze %dma_wait3A_151 : memref<1x128xi32, #tpu.memory_space<vmem>> -> memref<128xi32, #tpu.memory_space<vmem>>
        %dma_wait3A_153 = arith.constant 0 : i32
        %dma_wait3A_154 = arith.constant 0 : i32
        %dma_wait3A_155 = tpu.memref_slice %arg11[%dma_wait3A_153, %dma_wait3A_154] : memref<100352x16xf32, #tpu.memory_space<hbm>> -> memref<100352x16xf32, #tpu.memory_space<hbm>>
        tpu.wait_indirect_dma semaphore(%arg24 : memref<!tpu.dma_semaphore, #tpu.memory_space<semaphore_mem>>) src(%dma_wait3A_155 : memref<100352x16xf32, #tpu.memory_space<hbm>>) dst(%dma_wait3A_149 : memref<128x16xf32, #tpu.memory_space<vmem>>)
        %dma_wait3A_156 = arith.constant 2 : i32
        %dma_wait3A_157 = arith.constant 2 : i32
        %dma_wait3A_158 = arith.constant 0 : i32
        %dma_wait3A_159 = arith.constant 0 : i32
        %dma_wait3A_160 = tpu.memref_slice %arg20[%dma_wait3A_157, %dma_wait3A_158, %dma_wait3A_159] : memref<4x128x16xf32, #tpu.memory_space<vmem>> -> memref<1x128x16xf32, #tpu.memory_space<vmem>>
        %dma_wait3A_161 = tpu.memref_squeeze %dma_wait3A_160 : memref<1x128x16xf32, #tpu.memory_space<vmem>> -> memref<128x16xf32, #tpu.memory_space<vmem>>
        %dma_wait3A_162 = arith.constant 0 : i32
        %dma_wait3A_163 = tpu.memref_slice %arg15[%dma_wait3A_156, %dma_wait3A_162] : memref<4x128xi32, #tpu.memory_space<vmem>> -> memref<1x128xi32, #tpu.memory_space<vmem>>
        %dma_wait3A_164 = tpu.memref_squeeze %dma_wait3A_163 : memref<1x128xi32, #tpu.memory_space<vmem>> -> memref<128xi32, #tpu.memory_space<vmem>>
        %dma_wait3A_165 = arith.constant 0 : i32
        %dma_wait3A_166 = arith.constant 0 : i32
        %dma_wait3A_167 = tpu.memref_slice %arg11[%dma_wait3A_165, %dma_wait3A_166] : memref<100352x16xf32, #tpu.memory_space<hbm>> -> memref<100352x16xf32, #tpu.memory_space<hbm>>
        tpu.wait_indirect_dma semaphore(%arg24 : memref<!tpu.dma_semaphore, #tpu.memory_space<semaphore_mem>>) src(%dma_wait3A_167 : memref<100352x16xf32, #tpu.memory_space<hbm>>) dst(%dma_wait3A_161 : memref<128x16xf32, #tpu.memory_space<vmem>>)
        %dma_wait3A_168 = arith.constant 3 : i32
        %dma_wait3A_169 = arith.constant 3 : i32
        %dma_wait3A_170 = arith.constant 0 : i32
        %dma_wait3A_171 = arith.constant 0 : i32
        %dma_wait3A_172 = tpu.memref_slice %arg20[%dma_wait3A_169, %dma_wait3A_170, %dma_wait3A_171] : memref<4x128x16xf32, #tpu.memory_space<vmem>> -> memref<1x128x16xf32, #tpu.memory_space<vmem>>
        %dma_wait3A_173 = tpu.memref_squeeze %dma_wait3A_172 : memref<1x128x16xf32, #tpu.memory_space<vmem>> -> memref<128x16xf32, #tpu.memory_space<vmem>>
        %dma_wait3A_174 = arith.constant 0 : i32
        %dma_wait3A_175 = tpu.memref_slice %arg15[%dma_wait3A_168, %dma_wait3A_174] : memref<4x128xi32, #tpu.memory_space<vmem>> -> memref<1x128xi32, #tpu.memory_space<vmem>>
        %dma_wait3A_176 = tpu.memref_squeeze %dma_wait3A_175 : memref<1x128xi32, #tpu.memory_space<vmem>> -> memref<128xi32, #tpu.memory_space<vmem>>
        %dma_wait3A_177 = arith.constant 0 : i32
        %dma_wait3A_178 = arith.constant 0 : i32
        %dma_wait3A_179 = tpu.memref_slice %arg11[%dma_wait3A_177, %dma_wait3A_178] : memref<100352x16xf32, #tpu.memory_space<hbm>> -> memref<100352x16xf32, #tpu.memory_space<hbm>>
        tpu.wait_indirect_dma semaphore(%arg24 : memref<!tpu.dma_semaphore, #tpu.memory_space<semaphore_mem>>) src(%dma_wait3A_179 : memref<100352x16xf32, #tpu.memory_space<hbm>>) dst(%dma_wait3A_173 : memref<128x16xf32, #tpu.memory_space<vmem>>)
        %dma_start3A_180 = arith.constant 0 : i32
        %dma_start3A_181 = arith.constant 0 : i32
        %dma_start3A_182 = arith.constant 0 : i32
        %dma_start3A_183 = tpu.memref_slice %arg20[%dma_start3A_180, %dma_start3A_181, %dma_start3A_182] : memref<4x128x16xf32, #tpu.memory_space<vmem>> -> memref<1x128x16xf32, #tpu.memory_space<vmem>>
        %dma_start3A_184 = tpu.memref_squeeze %dma_start3A_183 : memref<1x128x16xf32, #tpu.memory_space<vmem>> -> memref<128x16xf32, #tpu.memory_space<vmem>>
        %dma_start3A_185 = arith.constant 0 : i32
        %dma_start3A_186 = arith.constant 0 : i32
        %dma_start3A_187 = tpu.memref_slice %arg14[%dma_start3A_185, %dma_start3A_186] : memref<100352x16xf32, #tpu.memory_space<vmem_shared>> -> memref<100352x16xf32, #tpu.memory_space<vmem_shared>>
        tpu.enqueue_indirect_dma source(%dma_start3A_184 : memref<128x16xf32, #tpu.memory_space<vmem>>) target(%dma_start3A_187 : memref<100352x16xf32, #tpu.memory_space<vmem_shared>>) offsets(%arg16 : memref<128xi32, #tpu.memory_space<vmem>>) semaphore(%arg25 : memref<!tpu.dma_semaphore, #tpu.memory_space<semaphore_mem>>) {add = true}
        %dma_start3A_188 = arith.constant 1 : i32
        %dma_start3A_189 = arith.constant 0 : i32
        %dma_start3A_190 = arith.constant 0 : i32
        %dma_start3A_191 = tpu.memref_slice %arg20[%dma_start3A_188, %dma_start3A_189, %dma_start3A_190] : memref<4x128x16xf32, #tpu.memory_space<vmem>> -> memref<1x128x16xf32, #tpu.memory_space<vmem>>
        %dma_start3A_192 = tpu.memref_squeeze %dma_start3A_191 : memref<1x128x16xf32, #tpu.memory_space<vmem>> -> memref<128x16xf32, #tpu.memory_space<vmem>>
        %dma_start3A_193 = arith.constant 0 : i32
        %dma_start3A_194 = arith.constant 0 : i32
        %dma_start3A_195 = tpu.memref_slice %arg14[%dma_start3A_193, %dma_start3A_194] : memref<100352x16xf32, #tpu.memory_space<vmem_shared>> -> memref<100352x16xf32, #tpu.memory_space<vmem_shared>>
        tpu.enqueue_indirect_dma source(%dma_start3A_192 : memref<128x16xf32, #tpu.memory_space<vmem>>) target(%dma_start3A_195 : memref<100352x16xf32, #tpu.memory_space<vmem_shared>>) offsets(%arg17 : memref<128xi32, #tpu.memory_space<vmem>>) semaphore(%arg25 : memref<!tpu.dma_semaphore, #tpu.memory_space<semaphore_mem>>) {add = true}
        %dma_start3A_196 = arith.constant 2 : i32
        %dma_start3A_197 = arith.constant 0 : i32
        %dma_start3A_198 = arith.constant 0 : i32
        %dma_start3A_199 = tpu.memref_slice %arg20[%dma_start3A_196, %dma_start3A_197, %dma_start3A_198] : memref<4x128x16xf32, #tpu.memory_space<vmem>> -> memref<1x128x16xf32, #tpu.memory_space<vmem>>
        %dma_start3A_200 = tpu.memref_squeeze %dma_start3A_199 : memref<1x128x16xf32, #tpu.memory_space<vmem>> -> memref<128x16xf32, #tpu.memory_space<vmem>>
        %dma_start3A_201 = arith.constant 0 : i32
        %dma_start3A_202 = arith.constant 0 : i32
        %dma_start3A_203 = tpu.memref_slice %arg14[%dma_start3A_201, %dma_start3A_202] : memref<100352x16xf32, #tpu.memory_space<vmem_shared>> -> memref<100352x16xf32, #tpu.memory_space<vmem_shared>>
        tpu.enqueue_indirect_dma source(%dma_start3A_200 : memref<128x16xf32, #tpu.memory_space<vmem>>) target(%dma_start3A_203 : memref<100352x16xf32, #tpu.memory_space<vmem_shared>>) offsets(%arg18 : memref<128xi32, #tpu.memory_space<vmem>>) semaphore(%arg25 : memref<!tpu.dma_semaphore, #tpu.memory_space<semaphore_mem>>) {add = true}
        %dma_start3A_204 = arith.constant 3 : i32
        %dma_start3A_205 = arith.constant 0 : i32
        %dma_start3A_206 = arith.constant 0 : i32
        %dma_start3A_207 = tpu.memref_slice %arg20[%dma_start3A_204, %dma_start3A_205, %dma_start3A_206] : memref<4x128x16xf32, #tpu.memory_space<vmem>> -> memref<1x128x16xf32, #tpu.memory_space<vmem>>
        %dma_start3A_208 = tpu.memref_squeeze %dma_start3A_207 : memref<1x128x16xf32, #tpu.memory_space<vmem>> -> memref<128x16xf32, #tpu.memory_space<vmem>>
        %dma_start3A_209 = arith.constant 0 : i32
        %dma_start3A_210 = arith.constant 0 : i32
        %dma_start3A_211 = tpu.memref_slice %arg14[%dma_start3A_209, %dma_start3A_210] : memref<100352x16xf32, #tpu.memory_space<vmem_shared>> -> memref<100352x16xf32, #tpu.memory_space<vmem_shared>>
        tpu.enqueue_indirect_dma source(%dma_start3A_208 : memref<128x16xf32, #tpu.memory_space<vmem>>) target(%dma_start3A_211 : memref<100352x16xf32, #tpu.memory_space<vmem_shared>>) offsets(%arg19 : memref<128xi32, #tpu.memory_space<vmem>>) semaphore(%arg25 : memref<!tpu.dma_semaphore, #tpu.memory_space<semaphore_mem>>) {add = true}
        %dma_wait3A_212 = arith.constant 0 : i32
        %dma_wait3A_213 = arith.constant 0 : i32
        %dma_wait3A_214 = arith.constant 0 : i32
        %dma_wait3A_215 = tpu.memref_slice %arg20[%dma_wait3A_212, %dma_wait3A_213, %dma_wait3A_214] : memref<4x128x16xf32, #tpu.memory_space<vmem>> -> memref<1x128x16xf32, #tpu.memory_space<vmem>>
        %dma_wait3A_216 = tpu.memref_squeeze %dma_wait3A_215 : memref<1x128x16xf32, #tpu.memory_space<vmem>> -> memref<128x16xf32, #tpu.memory_space<vmem>>
        %dma_wait3A_217 = arith.constant 0 : i32
        %dma_wait3A_218 = arith.constant 0 : i32
        %dma_wait3A_219 = tpu.memref_slice %arg14[%dma_wait3A_217, %dma_wait3A_218] : memref<100352x16xf32, #tpu.memory_space<vmem_shared>> -> memref<100352x16xf32, #tpu.memory_space<vmem_shared>>
        tpu.wait_indirect_dma semaphore(%arg25 : memref<!tpu.dma_semaphore, #tpu.memory_space<semaphore_mem>>) src(%dma_wait3A_216 : memref<128x16xf32, #tpu.memory_space<vmem>>) dst(%dma_wait3A_219 : memref<100352x16xf32, #tpu.memory_space<vmem_shared>>)
        %dma_wait3A_220 = arith.constant 1 : i32
        %dma_wait3A_221 = arith.constant 0 : i32
        %dma_wait3A_222 = arith.constant 0 : i32
        %dma_wait3A_223 = tpu.memref_slice %arg20[%dma_wait3A_220, %dma_wait3A_221, %dma_wait3A_222] : memref<4x128x16xf32, #tpu.memory_space<vmem>> -> memref<1x128x16xf32, #tpu.memory_space<vmem>>
        %dma_wait3A_224 = tpu.memref_squeeze %dma_wait3A_223 : memref<1x128x16xf32, #tpu.memory_space<vmem>> -> memref<128x16xf32, #tpu.memory_space<vmem>>
        %dma_wait3A_225 = arith.constant 0 : i32
        %dma_wait3A_226 = arith.constant 0 : i32
        %dma_wait3A_227 = tpu.memref_slice %arg14[%dma_wait3A_225, %dma_wait3A_226] : memref<100352x16xf32, #tpu.memory_space<vmem_shared>> -> memref<100352x16xf32, #tpu.memory_space<vmem_shared>>
        tpu.wait_indirect_dma semaphore(%arg25 : memref<!tpu.dma_semaphore, #tpu.memory_space<semaphore_mem>>) src(%dma_wait3A_224 : memref<128x16xf32, #tpu.memory_space<vmem>>) dst(%dma_wait3A_227 : memref<100352x16xf32, #tpu.memory_space<vmem_shared>>)
        %dma_wait3A_228 = arith.constant 2 : i32
        %dma_wait3A_229 = arith.constant 0 : i32
        %dma_wait3A_230 = arith.constant 0 : i32
        %dma_wait3A_231 = tpu.memref_slice %arg20[%dma_wait3A_228, %dma_wait3A_229, %dma_wait3A_230] : memref<4x128x16xf32, #tpu.memory_space<vmem>> -> memref<1x128x16xf32, #tpu.memory_space<vmem>>
        %dma_wait3A_232 = tpu.memref_squeeze %dma_wait3A_231 : memref<1x128x16xf32, #tpu.memory_space<vmem>> -> memref<128x16xf32, #tpu.memory_space<vmem>>
        %dma_wait3A_233 = arith.constant 0 : i32
        %dma_wait3A_234 = arith.constant 0 : i32
        %dma_wait3A_235 = tpu.memref_slice %arg14[%dma_wait3A_233, %dma_wait3A_234] : memref<100352x16xf32, #tpu.memory_space<vmem_shared>> -> memref<100352x16xf32, #tpu.memory_space<vmem_shared>>
        tpu.wait_indirect_dma semaphore(%arg25 : memref<!tpu.dma_semaphore, #tpu.memory_space<semaphore_mem>>) src(%dma_wait3A_232 : memref<128x16xf32, #tpu.memory_space<vmem>>) dst(%dma_wait3A_235 : memref<100352x16xf32, #tpu.memory_space<vmem_shared>>)
        %dma_wait3A_236 = arith.constant 3 : i32
        %dma_wait3A_237 = arith.constant 0 : i32
        %dma_wait3A_238 = arith.constant 0 : i32
        %dma_wait3A_239 = tpu.memref_slice %arg20[%dma_wait3A_236, %dma_wait3A_237, %dma_wait3A_238] : memref<4x128x16xf32, #tpu.memory_space<vmem>> -> memref<1x128x16xf32, #tpu.memory_space<vmem>>
        %dma_wait3A_240 = tpu.memref_squeeze %dma_wait3A_239 : memref<1x128x16xf32, #tpu.memory_space<vmem>> -> memref<128x16xf32, #tpu.memory_space<vmem>>
        %dma_wait3A_241 = arith.constant 0 : i32
        %dma_wait3A_242 = arith.constant 0 : i32
        %dma_wait3A_243 = tpu.memref_slice %arg14[%dma_wait3A_241, %dma_wait3A_242] : memref<100352x16xf32, #tpu.memory_space<vmem_shared>> -> memref<100352x16xf32, #tpu.memory_space<vmem_shared>>
        tpu.wait_indirect_dma semaphore(%arg25 : memref<!tpu.dma_semaphore, #tpu.memory_space<semaphore_mem>>) src(%dma_wait3A_240 : memref<128x16xf32, #tpu.memory_space<vmem>>) dst(%dma_wait3A_243 : memref<100352x16xf32, #tpu.memory_space<vmem_shared>>)
      }
      %scan3A_34 = arith.constant 200 : i32
      %barrier3A_35 = arith.constant 0 : index
      tpu.barrier barrier_id(%barrier3A_35)
      %scan3A_36 = arith.constant 0 : i32
      %scan3A_37 = arith.constant 0 : i32
      %scan3A_38 = arith.constant 49 : i32
      %scan3A_39 = arith.addi %scan3A_37, %scan3A_38 : i32
      %scan3A_40 = arith.constant 1 : i32
      scf.for %scan3A_70 = %scan3A_37 to %scan3A_39 step %scan3A_40  : i32 {
        %mul3A_71 = arith.constant 128 : i32
        %mul3A_72 = arith.muli %scan3A_70, %mul3A_71 : i32
        %add3A = arith.addi %mul3A_7, %mul3A_72 : i32
        "tpu.region"() ({
          %run_scoped3A_79 = tpu.sem_alloc : memref<!tpu.dma_semaphore, #tpu.memory_space<semaphore_mem>>
          %dma_start3A = arith.constant 0 : i32
          %dma_start3A_80 = tpu.memref_slice %arg14[%add3A, %dma_start3A] : memref<100352x16xf32, #tpu.memory_space<vmem_shared>> -> memref<128x16xf32, #tpu.memory_space<vmem_shared>>
          %dma_start3A_81 = arith.constant 0 : i32
          %dma_start3A_82 = tpu.memref_slice %arg14[%add3A, %dma_start3A_81] : memref<100352x16xf32, #tpu.memory_space<vmem_shared>> -> memref<128x16xf32, #tpu.memory_space<vmem_shared>>
          tpu.enqueue_dma source(%dma_start3A_82 : memref<128x16xf32, #tpu.memory_space<vmem_shared>>) target(%arg22 : memref<128x16xf32, #tpu.memory_space<vmem>>) target_semaphore(%run_scoped3A_79 : memref<!tpu.dma_semaphore, #tpu.memory_space<semaphore_mem>>)
          %dma_wait3A = arith.constant 0 : i32
          %dma_wait3A_83 = tpu.memref_slice %arg14[%add3A, %dma_wait3A] : memref<100352x16xf32, #tpu.memory_space<vmem_shared>> -> memref<128x16xf32, #tpu.memory_space<vmem_shared>>
          %dma_wait3A_84 = arith.constant 0 : i32
          %dma_wait3A_85 = tpu.memref_slice %arg14[%add3A, %dma_wait3A_84] : memref<100352x16xf32, #tpu.memory_space<vmem_shared>> -> memref<128x16xf32, #tpu.memory_space<vmem_shared>>
          tpu.wait_dma2 semaphore(%run_scoped3A_79 : memref<!tpu.dma_semaphore, #tpu.memory_space<semaphore_mem>>) src(%dma_wait3A_85 : memref<128x16xf32, #tpu.memory_space<vmem_shared>>) dst(%arg22 : memref<128x16xf32, #tpu.memory_space<vmem>>)
          tpu.yield
        }) : () -> ()
        "tpu.region"() ({
          %run_scoped3A_79 = tpu.sem_alloc : memref<!tpu.dma_semaphore, #tpu.memory_space<semaphore_mem>>
          %dma_start3A = arith.constant 0 : i32
          %dma_start3A_80 = tpu.memref_slice %arg9[%add3A, %dma_start3A] : memref<100352x16xf32, #tpu.memory_space<hbm>> -> memref<128x16xf32, #tpu.memory_space<hbm>>
          %dma_start3A_81 = arith.constant 0 : i32
          %dma_start3A_82 = tpu.memref_slice %arg9[%add3A, %dma_start3A_81] : memref<100352x16xf32, #tpu.memory_space<hbm>> -> memref<128x16xf32, #tpu.memory_space<hbm>>
          tpu.enqueue_dma source(%dma_start3A_82 : memref<128x16xf32, #tpu.memory_space<hbm>>) target(%arg23 : memref<128x16xf32, #tpu.memory_space<vmem>>) target_semaphore(%run_scoped3A_79 : memref<!tpu.dma_semaphore, #tpu.memory_space<semaphore_mem>>)
          %dma_wait3A = arith.constant 0 : i32
          %dma_wait3A_83 = tpu.memref_slice %arg9[%add3A, %dma_wait3A] : memref<100352x16xf32, #tpu.memory_space<hbm>> -> memref<128x16xf32, #tpu.memory_space<hbm>>
          %dma_wait3A_84 = arith.constant 0 : i32
          %dma_wait3A_85 = tpu.memref_slice %arg9[%add3A, %dma_wait3A_84] : memref<100352x16xf32, #tpu.memory_space<hbm>> -> memref<128x16xf32, #tpu.memory_space<hbm>>
          tpu.wait_dma2 semaphore(%run_scoped3A_79 : memref<!tpu.dma_semaphore, #tpu.memory_space<semaphore_mem>>) src(%dma_wait3A_85 : memref<128x16xf32, #tpu.memory_space<hbm>>) dst(%arg23 : memref<128x16xf32, #tpu.memory_space<vmem>>)
          tpu.yield
        }) : () -> ()
        "tpu.region"() ({
          %run_scoped3A_79 = tpu.sem_alloc : memref<!tpu.dma_semaphore, #tpu.memory_space<semaphore_mem>>
          %dma_start3A = arith.constant 0 : i32
          %dma_start3A_80 = tpu.memref_slice %arg13[%add3A, %dma_start3A] : memref<100352x16xf32, #tpu.memory_space<hbm>> -> memref<128x16xf32, #tpu.memory_space<hbm>>
          %dma_start3A_81 = arith.constant 0 : i32
          %dma_start3A_82 = tpu.memref_slice %arg13[%add3A, %dma_start3A_81] : memref<100352x16xf32, #tpu.memory_space<hbm>> -> memref<128x16xf32, #tpu.memory_space<hbm>>
          tpu.enqueue_dma source(%dma_start3A_82 : memref<128x16xf32, #tpu.memory_space<hbm>>) target(%arg21 : memref<128x16xf32, #tpu.memory_space<vmem>>) target_semaphore(%run_scoped3A_79 : memref<!tpu.dma_semaphore, #tpu.memory_space<semaphore_mem>>)
          %dma_wait3A = arith.constant 0 : i32
          %dma_wait3A_83 = tpu.memref_slice %arg13[%add3A, %dma_wait3A] : memref<100352x16xf32, #tpu.memory_space<hbm>> -> memref<128x16xf32, #tpu.memory_space<hbm>>
          %dma_wait3A_84 = arith.constant 0 : i32
          %dma_wait3A_85 = tpu.memref_slice %arg13[%add3A, %dma_wait3A_84] : memref<100352x16xf32, #tpu.memory_space<hbm>> -> memref<128x16xf32, #tpu.memory_space<hbm>>
          tpu.wait_dma2 semaphore(%run_scoped3A_79 : memref<!tpu.dma_semaphore, #tpu.memory_space<semaphore_mem>>) src(%dma_wait3A_85 : memref<128x16xf32, #tpu.memory_space<hbm>>) dst(%arg21 : memref<128x16xf32, #tpu.memory_space<vmem>>)
          tpu.yield
        }) : () -> ()
        %scan3A_73 = arith.constant 0 : i32
        %scan3A_74 = arith.constant 0 : i32
        %scan3A_75 = arith.constant 128 : i32
        %scan3A_76 = arith.addi %scan3A_74, %scan3A_75 : i32
        %scan3A_77 = arith.constant 1 : i32
        scf.for %scan3A_79 = %scan3A_74 to %scan3A_76 step %scan3A_77  : i32 {
          %get3A = arith.index_cast %scan3A_79 : i32 to index
          %get3A_80 = arith.constant 0 : index
          %get3A_81 = tpu.vector_load %arg22[%get3A, %get3A_80] {strides = array<i32>} : memref<128x16xf32, #tpu.memory_space<vmem>>, vector<1x16xf32>,
          %get3A_82 = vector.shape_cast %get3A_81 : vector<1x16xf32> to vector<16xf32>
          %get3A_83 = arith.index_cast %scan3A_79 : i32 to index
          %get3A_84 = arith.constant 0 : index
          %get3A_85 = tpu.vector_load %arg21[%get3A_83, %get3A_84] {strides = array<i32>} : memref<128x16xf32, #tpu.memory_space<vmem>>, vector<1x16xf32>,
          %get3A_86 = vector.shape_cast %get3A_85 : vector<1x16xf32> to vector<16xf32>
          %get3A_87 = arith.index_cast %scan3A_79 : i32 to index
          %get3A_88 = arith.constant 0 : index
          %get3A_89 = tpu.vector_load %arg23[%get3A_87, %get3A_88] {strides = array<i32>} : memref<128x16xf32, #tpu.memory_space<vmem>>, vector<1x16xf32>,
          %get3A_90 = vector.shape_cast %get3A_89 : vector<1x16xf32> to vector<16xf32>
          %mul3A_91 = arith.constant 2.500000e-01 : f32
          %mul3A_92 = vector.broadcast %mul3A_91 : f32 to vector<16xf32>
          %mul3A_93 = arith.mulf %mul3A_92, %get3A_86 : vector<16xf32>
          %mul3A_94 = arith.mulf %mul3A_93, %get3A_82 : vector<16xf32>
          %add3A_95 = arith.addf %get3A_90, %mul3A_94 : vector<16xf32>
          %swap3A = arith.index_cast %scan3A_79 : i32 to index
          %swap3A_96 = arith.constant 0 : index
          %swap3A_97 = tpu.vector_load %arg23[%swap3A, %swap3A_96] {strides = array<i32>} : memref<128x16xf32, #tpu.memory_space<vmem>>, vector<1x16xf32>,
          %swap3A_98 = vector.shape_cast %swap3A_97 : vector<1x16xf32> to vector<16xf32>
          %swap3A_99 = vector.shape_cast %add3A_95 : vector<16xf32> to vector<1x16xf32>
          tpu.vector_store %arg23[%swap3A, %swap3A_96], %swap3A_99 {strides = array<i32>} : memref<128x16xf32, #tpu.memory_space<vmem>>, vector<1x16xf32>,
          %mul3A_100 = arith.mulf %get3A_86, %get3A_86 : vector<16xf32>
          %mul3A_101 = arith.mulf %mul3A_100, %get3A_82 : vector<16xf32>
          %swap3A_102 = arith.index_cast %scan3A_79 : i32 to index
          %swap3A_103 = arith.constant 0 : index
          %swap3A_104 = tpu.vector_load %arg22[%swap3A_102, %swap3A_103] {strides = array<i32>} : memref<128x16xf32, #tpu.memory_space<vmem>>, vector<1x16xf32>,
          %swap3A_105 = vector.shape_cast %swap3A_104 : vector<1x16xf32> to vector<16xf32>
          %swap3A_106 = vector.shape_cast %mul3A_101 : vector<16xf32> to vector<1x16xf32>
          tpu.vector_store %arg22[%swap3A_102, %swap3A_103], %swap3A_106 {strides = array<i32>} : memref<128x16xf32, #tpu.memory_space<vmem>>, vector<1x16xf32>,
        }
        %scan3A_78 = arith.constant 128 : i32
        "tpu.region"() ({
          %run_scoped3A_79 = tpu.sem_alloc : memref<!tpu.dma_semaphore, #tpu.memory_space<semaphore_mem>>
          %dma_start3A = arith.constant 0 : i32
          %dma_start3A_80 = tpu.memref_slice %arg9[%add3A, %dma_start3A] : memref<100352x16xf32, #tpu.memory_space<hbm>> -> memref<128x16xf32, #tpu.memory_space<hbm>>
          %dma_start3A_81 = arith.constant 0 : i32
          %dma_start3A_82 = tpu.memref_slice %arg9[%add3A, %dma_start3A_81] : memref<100352x16xf32, #tpu.memory_space<hbm>> -> memref<128x16xf32, #tpu.memory_space<hbm>>
          tpu.enqueue_dma source(%arg23 : memref<128x16xf32, #tpu.memory_space<vmem>>) target(%dma_start3A_82 : memref<128x16xf32, #tpu.memory_space<hbm>>) target_semaphore(%run_scoped3A_79 : memref<!tpu.dma_semaphore, #tpu.memory_space<semaphore_mem>>)
          %dma_wait3A = arith.constant 0 : i32
          %dma_wait3A_83 = tpu.memref_slice %arg9[%add3A, %dma_wait3A] : memref<100352x16xf32, #tpu.memory_space<hbm>> -> memref<128x16xf32, #tpu.memory_space<hbm>>
          %dma_wait3A_84 = arith.constant 0 : i32
          %dma_wait3A_85 = tpu.memref_slice %arg9[%add3A, %dma_wait3A_84] : memref<100352x16xf32, #tpu.memory_space<hbm>> -> memref<128x16xf32, #tpu.memory_space<hbm>>
          tpu.wait_dma2 semaphore(%run_scoped3A_79 : memref<!tpu.dma_semaphore, #tpu.memory_space<semaphore_mem>>) src(%arg23 : memref<128x16xf32, #tpu.memory_space<vmem>>) dst(%dma_wait3A_85 : memref<128x16xf32, #tpu.memory_space<hbm>>)
          tpu.yield
        }) : () -> ()
        "tpu.region"() ({
          %run_scoped3A_79 = tpu.sem_alloc : memref<!tpu.dma_semaphore, #tpu.memory_space<semaphore_mem>>
          %dma_start3A = arith.constant 0 : i32
          %dma_start3A_80 = tpu.memref_slice %arg11[%add3A, %dma_start3A] : memref<100352x16xf32, #tpu.memory_space<hbm>> -> memref<128x16xf32, #tpu.memory_space<hbm>>
          %dma_start3A_81 = arith.constant 0 : i32
          %dma_start3A_82 = tpu.memref_slice %arg11[%add3A, %dma_start3A_81] : memref<100352x16xf32, #tpu.memory_space<hbm>> -> memref<128x16xf32, #tpu.memory_space<hbm>>
          tpu.enqueue_dma source(%arg22 : memref<128x16xf32, #tpu.memory_space<vmem>>) target(%dma_start3A_82 : memref<128x16xf32, #tpu.memory_space<hbm>>) target_semaphore(%run_scoped3A_79 : memref<!tpu.dma_semaphore, #tpu.memory_space<semaphore_mem>>)
          %dma_wait3A = arith.constant 0 : i32
          %dma_wait3A_83 = tpu.memref_slice %arg11[%add3A, %dma_wait3A] : memref<100352x16xf32, #tpu.memory_space<hbm>> -> memref<128x16xf32, #tpu.memory_space<hbm>>
          %dma_wait3A_84 = arith.constant 0 : i32
          %dma_wait3A_85 = tpu.memref_slice %arg11[%add3A, %dma_wait3A_84] : memref<100352x16xf32, #tpu.memory_space<hbm>> -> memref<128x16xf32, #tpu.memory_space<hbm>>
          tpu.wait_dma2 semaphore(%run_scoped3A_79 : memref<!tpu.dma_semaphore, #tpu.memory_space<semaphore_mem>>) src(%arg22 : memref<128x16xf32, #tpu.memory_space<vmem>>) dst(%dma_wait3A_85 : memref<128x16xf32, #tpu.memory_space<hbm>>)
          tpu.yield
        }) : () -> ()
      }
      %scan3A_41 = arith.constant 49 : i32
      "tpu.region"() ({
        %run_scoped3A_70 = tpu.sem_alloc : memref<!tpu.dma_semaphore, #tpu.memory_space<semaphore_mem>>
        %dma_start3A = arith.constant 0 : i32
        %dma_start3A_71 = tpu.memref_slice %arg14[%mul3A_7, %dma_start3A] : memref<100352x16xf32, #tpu.memory_space<vmem_shared>> -> memref<6272x16xf32, #tpu.memory_space<vmem_shared>>
        tpu.enqueue_dma source(%arg7 : memref<6272x16xf32, #tpu.memory_space<hbm>>) target(%dma_start3A_71 : memref<6272x16xf32, #tpu.memory_space<vmem_shared>>) target_semaphore(%run_scoped3A_70 : memref<!tpu.dma_semaphore, #tpu.memory_space<semaphore_mem>>)
        %dma_wait3A = arith.constant 0 : i32
        %dma_wait3A_72 = tpu.memref_slice %arg14[%mul3A_7, %dma_wait3A] : memref<100352x16xf32, #tpu.memory_space<vmem_shared>> -> memref<6272x16xf32, #tpu.memory_space<vmem_shared>>
        tpu.wait_dma2 semaphore(%run_scoped3A_70 : memref<!tpu.dma_semaphore, #tpu.memory_space<semaphore_mem>>) src(%arg7 : memref<6272x16xf32, #tpu.memory_space<hbm>>) dst(%dma_wait3A_72 : memref<6272x16xf32, #tpu.memory_space<vmem_shared>>)
        tpu.yield
      }) : () -> ()
      %barrier3A_42 = arith.constant 0 : index
      tpu.barrier barrier_id(%barrier3A_42)
      %scan3A_43 = arith.constant 0 : i32
      %scan3A_44 = arith.constant 0 : i32
      %scan3A_45 = arith.constant 200 : i32
      %scan3A_46 = arith.addi %scan3A_44, %scan3A_45 : i32
      %scan3A_47 = arith.constant 1 : i32
      scf.for %scan3A_70 = %scan3A_44 to %scan3A_46 step %scan3A_47  : i32 {
        %mul3A_71 = arith.constant 4 : i32
        %mul3A_72 = arith.muli %scan3A_70, %mul3A_71 : i32
        %add3A = arith.addi %mul3A_9, %mul3A_72 : i32
        "tpu.region"() ({
          %run_scoped3A_244 = tpu.sem_alloc : memref<!tpu.dma_semaphore, #tpu.memory_space<semaphore_mem>>
          %dma_start3A_245 = arith.constant 0 : i32
          %dma_start3A_246 = arith.constant 0 : i32
          %dma_start3A_247 = tpu.memref_slice %arg15[%dma_start3A_245, %dma_start3A_246] : memref<4x128xi32, #tpu.memory_space<vmem>> -> memref<4x128xi32, #tpu.memory_space<vmem>>
          %dma_start3A_248 = arith.constant 0 : i32
          %dma_start3A_249 = tpu.memref_slice %arg4[%add3A, %dma_start3A_248] : memref<12800x128xi32, #tpu.memory_space<hbm>> -> memref<4x128xi32, #tpu.memory_space<hbm>>
          %dma_start3A_250 = arith.constant 0 : i32
          %dma_start3A_251 = arith.constant 0 : i32
          %dma_start3A_252 = tpu.memref_slice %arg15[%dma_start3A_250, %dma_start3A_251] : memref<4x128xi32, #tpu.memory_space<vmem>> -> memref<4x128xi32, #tpu.memory_space<vmem>>
          %dma_start3A_253 = arith.constant 0 : i32
          %dma_start3A_254 = tpu.memref_slice %arg4[%add3A, %dma_start3A_253] : memref<12800x128xi32, #tpu.memory_space<hbm>> -> memref<4x128xi32, #tpu.memory_space<hbm>>
          tpu.enqueue_dma source(%dma_start3A_254 : memref<4x128xi32, #tpu.memory_space<hbm>>) target(%dma_start3A_252 : memref<4x128xi32, #tpu.memory_space<vmem>>) target_semaphore(%run_scoped3A_244 : memref<!tpu.dma_semaphore, #tpu.memory_space<semaphore_mem>>)
          %dma_wait3A_255 = arith.constant 0 : i32
          %dma_wait3A_256 = arith.constant 0 : i32
          %dma_wait3A_257 = tpu.memref_slice %arg15[%dma_wait3A_255, %dma_wait3A_256] : memref<4x128xi32, #tpu.memory_space<vmem>> -> memref<4x128xi32, #tpu.memory_space<vmem>>
          %dma_wait3A_258 = arith.constant 0 : i32
          %dma_wait3A_259 = tpu.memref_slice %arg4[%add3A, %dma_wait3A_258] : memref<12800x128xi32, #tpu.memory_space<hbm>> -> memref<4x128xi32, #tpu.memory_space<hbm>>
          %dma_wait3A_260 = arith.constant 0 : i32
          %dma_wait3A_261 = arith.constant 0 : i32
          %dma_wait3A_262 = tpu.memref_slice %arg15[%dma_wait3A_260, %dma_wait3A_261] : memref<4x128xi32, #tpu.memory_space<vmem>> -> memref<4x128xi32, #tpu.memory_space<vmem>>
          %dma_wait3A_263 = arith.constant 0 : i32
          %dma_wait3A_264 = tpu.memref_slice %arg4[%add3A, %dma_wait3A_263] : memref<12800x128xi32, #tpu.memory_space<hbm>> -> memref<4x128xi32, #tpu.memory_space<hbm>>
          tpu.wait_dma2 semaphore(%run_scoped3A_244 : memref<!tpu.dma_semaphore, #tpu.memory_space<semaphore_mem>>) src(%dma_wait3A_264 : memref<4x128xi32, #tpu.memory_space<hbm>>) dst(%dma_wait3A_262 : memref<4x128xi32, #tpu.memory_space<vmem>>)
          tpu.yield
        }) : () -> ()
        %mul3A_73 = arith.constant 4 : i32
        %mul3A_74 = arith.muli %scan3A_70, %mul3A_73 : i32
        %add3A_75 = arith.addi %mul3A_9, %mul3A_74 : i32
        %mul3A_76 = arith.constant 128 : i32
        %mul3A_77 = arith.muli %add3A_75, %mul3A_76 : i32
        %add3A_78 = arith.constant 0 : i32
        %add3A_79 = arith.addi %mul3A_77, %add3A_78 : i32
        "tpu.region"() ({
          %run_scoped3A_244 = tpu.sem_alloc : memref<!tpu.dma_semaphore, #tpu.memory_space<semaphore_mem>>
          %dma_start3A_245 = tpu.memref_slice %arg5[%add3A_79] : memref<1638400xi32, #tpu.memory_space<hbm>> -> memref<128xi32, #tpu.memory_space<hbm>>
          %dma_start3A_246 = tpu.memref_slice %arg5[%add3A_79] : memref<1638400xi32, #tpu.memory_space<hbm>> -> memref<128xi32, #tpu.memory_space<hbm>>
          tpu.enqueue_dma source(%dma_start3A_246 : memref<128xi32, #tpu.memory_space<hbm>>) target(%arg16 : memref<128xi32, #tpu.memory_space<vmem>>) target_semaphore(%run_scoped3A_244 : memref<!tpu.dma_semaphore, #tpu.memory_space<semaphore_mem>>)
          %dma_wait3A_247 = tpu.memref_slice %arg5[%add3A_79] : memref<1638400xi32, #tpu.memory_space<hbm>> -> memref<128xi32, #tpu.memory_space<hbm>>
          %dma_wait3A_248 = tpu.memref_slice %arg5[%add3A_79] : memref<1638400xi32, #tpu.memory_space<hbm>> -> memref<128xi32, #tpu.memory_space<hbm>>
          tpu.wait_dma2 semaphore(%run_scoped3A_244 : memref<!tpu.dma_semaphore, #tpu.memory_space<semaphore_mem>>) src(%dma_wait3A_248 : memref<128xi32, #tpu.memory_space<hbm>>) dst(%arg16 : memref<128xi32, #tpu.memory_space<vmem>>)
          tpu.yield
        }) : () -> ()
        %add3A_80 = arith.constant 128 : i32
        %add3A_81 = arith.addi %mul3A_77, %add3A_80 : i32
        "tpu.region"() ({
          %run_scoped3A_244 = tpu.sem_alloc : memref<!tpu.dma_semaphore, #tpu.memory_space<semaphore_mem>>
          %dma_start3A_245 = tpu.memref_slice %arg5[%add3A_81] : memref<1638400xi32, #tpu.memory_space<hbm>> -> memref<128xi32, #tpu.memory_space<hbm>>
          %dma_start3A_246 = tpu.memref_slice %arg5[%add3A_81] : memref<1638400xi32, #tpu.memory_space<hbm>> -> memref<128xi32, #tpu.memory_space<hbm>>
          tpu.enqueue_dma source(%dma_start3A_246 : memref<128xi32, #tpu.memory_space<hbm>>) target(%arg17 : memref<128xi32, #tpu.memory_space<vmem>>) target_semaphore(%run_scoped3A_244 : memref<!tpu.dma_semaphore, #tpu.memory_space<semaphore_mem>>)
          %dma_wait3A_247 = tpu.memref_slice %arg5[%add3A_81] : memref<1638400xi32, #tpu.memory_space<hbm>> -> memref<128xi32, #tpu.memory_space<hbm>>
          %dma_wait3A_248 = tpu.memref_slice %arg5[%add3A_81] : memref<1638400xi32, #tpu.memory_space<hbm>> -> memref<128xi32, #tpu.memory_space<hbm>>
          tpu.wait_dma2 semaphore(%run_scoped3A_244 : memref<!tpu.dma_semaphore, #tpu.memory_space<semaphore_mem>>) src(%dma_wait3A_248 : memref<128xi32, #tpu.memory_space<hbm>>) dst(%arg17 : memref<128xi32, #tpu.memory_space<vmem>>)
          tpu.yield
        }) : () -> ()
        %add3A_82 = arith.constant 256 : i32
        %add3A_83 = arith.addi %mul3A_77, %add3A_82 : i32
        "tpu.region"() ({
          %run_scoped3A_244 = tpu.sem_alloc : memref<!tpu.dma_semaphore, #tpu.memory_space<semaphore_mem>>
          %dma_start3A_245 = tpu.memref_slice %arg5[%add3A_83] : memref<1638400xi32, #tpu.memory_space<hbm>> -> memref<128xi32, #tpu.memory_space<hbm>>
          %dma_start3A_246 = tpu.memref_slice %arg5[%add3A_83] : memref<1638400xi32, #tpu.memory_space<hbm>> -> memref<128xi32, #tpu.memory_space<hbm>>
          tpu.enqueue_dma source(%dma_start3A_246 : memref<128xi32, #tpu.memory_space<hbm>>) target(%arg18 : memref<128xi32, #tpu.memory_space<vmem>>) target_semaphore(%run_scoped3A_244 : memref<!tpu.dma_semaphore, #tpu.memory_space<semaphore_mem>>)
          %dma_wait3A_247 = tpu.memref_slice %arg5[%add3A_83] : memref<1638400xi32, #tpu.memory_space<hbm>> -> memref<128xi32, #tpu.memory_space<hbm>>
          %dma_wait3A_248 = tpu.memref_slice %arg5[%add3A_83] : memref<1638400xi32, #tpu.memory_space<hbm>> -> memref<128xi32, #tpu.memory_space<hbm>>
          tpu.wait_dma2 semaphore(%run_scoped3A_244 : memref<!tpu.dma_semaphore, #tpu.memory_space<semaphore_mem>>) src(%dma_wait3A_248 : memref<128xi32, #tpu.memory_space<hbm>>) dst(%arg18 : memref<128xi32, #tpu.memory_space<vmem>>)
          tpu.yield
        }) : () -> ()
        %add3A_84 = arith.constant 384 : i32
        %add3A_85 = arith.addi %mul3A_77, %add3A_84 : i32
        "tpu.region"() ({
          %run_scoped3A_244 = tpu.sem_alloc : memref<!tpu.dma_semaphore, #tpu.memory_space<semaphore_mem>>
          %dma_start3A_245 = tpu.memref_slice %arg5[%add3A_85] : memref<1638400xi32, #tpu.memory_space<hbm>> -> memref<128xi32, #tpu.memory_space<hbm>>
          %dma_start3A_246 = tpu.memref_slice %arg5[%add3A_85] : memref<1638400xi32, #tpu.memory_space<hbm>> -> memref<128xi32, #tpu.memory_space<hbm>>
          tpu.enqueue_dma source(%dma_start3A_246 : memref<128xi32, #tpu.memory_space<hbm>>) target(%arg19 : memref<128xi32, #tpu.memory_space<vmem>>) target_semaphore(%run_scoped3A_244 : memref<!tpu.dma_semaphore, #tpu.memory_space<semaphore_mem>>)
          %dma_wait3A_247 = tpu.memref_slice %arg5[%add3A_85] : memref<1638400xi32, #tpu.memory_space<hbm>> -> memref<128xi32, #tpu.memory_space<hbm>>
          %dma_wait3A_248 = tpu.memref_slice %arg5[%add3A_85] : memref<1638400xi32, #tpu.memory_space<hbm>> -> memref<128xi32, #tpu.memory_space<hbm>>
          tpu.wait_dma2 semaphore(%run_scoped3A_244 : memref<!tpu.dma_semaphore, #tpu.memory_space<semaphore_mem>>) src(%dma_wait3A_248 : memref<128xi32, #tpu.memory_space<hbm>>) dst(%arg19 : memref<128xi32, #tpu.memory_space<vmem>>)
          tpu.yield
        }) : () -> ()
        %dma_start3A = arith.constant 0 : i32
        %dma_start3A_86 = arith.constant 0 : i32
        %dma_start3A_87 = arith.constant 0 : i32
        %dma_start3A_88 = arith.constant 0 : i32
        %dma_start3A_89 = tpu.memref_slice %arg20[%dma_start3A_86, %dma_start3A_87, %dma_start3A_88] : memref<4x128x16xf32, #tpu.memory_space<vmem>> -> memref<1x128x16xf32, #tpu.memory_space<vmem>>
        %dma_start3A_90 = tpu.memref_squeeze %dma_start3A_89 : memref<1x128x16xf32, #tpu.memory_space<vmem>> -> memref<128x16xf32, #tpu.memory_space<vmem>>
        %dma_start3A_91 = arith.constant 0 : i32
        %dma_start3A_92 = tpu.memref_slice %arg15[%dma_start3A, %dma_start3A_91] : memref<4x128xi32, #tpu.memory_space<vmem>> -> memref<1x128xi32, #tpu.memory_space<vmem>>
        %dma_start3A_93 = tpu.memref_squeeze %dma_start3A_92 : memref<1x128xi32, #tpu.memory_space<vmem>> -> memref<128xi32, #tpu.memory_space<vmem>>
        %dma_start3A_94 = arith.constant 0 : i32
        %dma_start3A_95 = arith.constant 0 : i32
        %dma_start3A_96 = tpu.memref_slice %arg11[%dma_start3A_94, %dma_start3A_95] : memref<100352x16xf32, #tpu.memory_space<hbm>> -> memref<100352x16xf32, #tpu.memory_space<hbm>>
        tpu.enqueue_indirect_dma source(%dma_start3A_96 : memref<100352x16xf32, #tpu.memory_space<hbm>>) target(%dma_start3A_90 : memref<128x16xf32, #tpu.memory_space<vmem>>) offsets(%dma_start3A_93 : memref<128xi32, #tpu.memory_space<vmem>>) semaphore(%arg24 : memref<!tpu.dma_semaphore, #tpu.memory_space<semaphore_mem>>)
        %dma_start3A_97 = arith.constant 1 : i32
        %dma_start3A_98 = arith.constant 1 : i32
        %dma_start3A_99 = arith.constant 0 : i32
        %dma_start3A_100 = arith.constant 0 : i32
        %dma_start3A_101 = tpu.memref_slice %arg20[%dma_start3A_98, %dma_start3A_99, %dma_start3A_100] : memref<4x128x16xf32, #tpu.memory_space<vmem>> -> memref<1x128x16xf32, #tpu.memory_space<vmem>>
        %dma_start3A_102 = tpu.memref_squeeze %dma_start3A_101 : memref<1x128x16xf32, #tpu.memory_space<vmem>> -> memref<128x16xf32, #tpu.memory_space<vmem>>
        %dma_start3A_103 = arith.constant 0 : i32
        %dma_start3A_104 = tpu.memref_slice %arg15[%dma_start3A_97, %dma_start3A_103] : memref<4x128xi32, #tpu.memory_space<vmem>> -> memref<1x128xi32, #tpu.memory_space<vmem>>
        %dma_start3A_105 = tpu.memref_squeeze %dma_start3A_104 : memref<1x128xi32, #tpu.memory_space<vmem>> -> memref<128xi32, #tpu.memory_space<vmem>>
        %dma_start3A_106 = arith.constant 0 : i32
        %dma_start3A_107 = arith.constant 0 : i32
        %dma_start3A_108 = tpu.memref_slice %arg11[%dma_start3A_106, %dma_start3A_107] : memref<100352x16xf32, #tpu.memory_space<hbm>> -> memref<100352x16xf32, #tpu.memory_space<hbm>>
        tpu.enqueue_indirect_dma source(%dma_start3A_108 : memref<100352x16xf32, #tpu.memory_space<hbm>>) target(%dma_start3A_102 : memref<128x16xf32, #tpu.memory_space<vmem>>) offsets(%dma_start3A_105 : memref<128xi32, #tpu.memory_space<vmem>>) semaphore(%arg24 : memref<!tpu.dma_semaphore, #tpu.memory_space<semaphore_mem>>)
        %dma_start3A_109 = arith.constant 2 : i32
        %dma_start3A_110 = arith.constant 2 : i32
        %dma_start3A_111 = arith.constant 0 : i32
        %dma_start3A_112 = arith.constant 0 : i32
        %dma_start3A_113 = tpu.memref_slice %arg20[%dma_start3A_110, %dma_start3A_111, %dma_start3A_112] : memref<4x128x16xf32, #tpu.memory_space<vmem>> -> memref<1x128x16xf32, #tpu.memory_space<vmem>>
        %dma_start3A_114 = tpu.memref_squeeze %dma_start3A_113 : memref<1x128x16xf32, #tpu.memory_space<vmem>> -> memref<128x16xf32, #tpu.memory_space<vmem>>
        %dma_start3A_115 = arith.constant 0 : i32
        %dma_start3A_116 = tpu.memref_slice %arg15[%dma_start3A_109, %dma_start3A_115] : memref<4x128xi32, #tpu.memory_space<vmem>> -> memref<1x128xi32, #tpu.memory_space<vmem>>
        %dma_start3A_117 = tpu.memref_squeeze %dma_start3A_116 : memref<1x128xi32, #tpu.memory_space<vmem>> -> memref<128xi32, #tpu.memory_space<vmem>>
        %dma_start3A_118 = arith.constant 0 : i32
        %dma_start3A_119 = arith.constant 0 : i32
        %dma_start3A_120 = tpu.memref_slice %arg11[%dma_start3A_118, %dma_start3A_119] : memref<100352x16xf32, #tpu.memory_space<hbm>> -> memref<100352x16xf32, #tpu.memory_space<hbm>>
        tpu.enqueue_indirect_dma source(%dma_start3A_120 : memref<100352x16xf32, #tpu.memory_space<hbm>>) target(%dma_start3A_114 : memref<128x16xf32, #tpu.memory_space<vmem>>) offsets(%dma_start3A_117 : memref<128xi32, #tpu.memory_space<vmem>>) semaphore(%arg24 : memref<!tpu.dma_semaphore, #tpu.memory_space<semaphore_mem>>)
        %dma_start3A_121 = arith.constant 3 : i32
        %dma_start3A_122 = arith.constant 3 : i32
        %dma_start3A_123 = arith.constant 0 : i32
        %dma_start3A_124 = arith.constant 0 : i32
        %dma_start3A_125 = tpu.memref_slice %arg20[%dma_start3A_122, %dma_start3A_123, %dma_start3A_124] : memref<4x128x16xf32, #tpu.memory_space<vmem>> -> memref<1x128x16xf32, #tpu.memory_space<vmem>>
        %dma_start3A_126 = tpu.memref_squeeze %dma_start3A_125 : memref<1x128x16xf32, #tpu.memory_space<vmem>> -> memref<128x16xf32, #tpu.memory_space<vmem>>
        %dma_start3A_127 = arith.constant 0 : i32
        %dma_start3A_128 = tpu.memref_slice %arg15[%dma_start3A_121, %dma_start3A_127] : memref<4x128xi32, #tpu.memory_space<vmem>> -> memref<1x128xi32, #tpu.memory_space<vmem>>
        %dma_start3A_129 = tpu.memref_squeeze %dma_start3A_128 : memref<1x128xi32, #tpu.memory_space<vmem>> -> memref<128xi32, #tpu.memory_space<vmem>>
        %dma_start3A_130 = arith.constant 0 : i32
        %dma_start3A_131 = arith.constant 0 : i32
        %dma_start3A_132 = tpu.memref_slice %arg11[%dma_start3A_130, %dma_start3A_131] : memref<100352x16xf32, #tpu.memory_space<hbm>> -> memref<100352x16xf32, #tpu.memory_space<hbm>>
        tpu.enqueue_indirect_dma source(%dma_start3A_132 : memref<100352x16xf32, #tpu.memory_space<hbm>>) target(%dma_start3A_126 : memref<128x16xf32, #tpu.memory_space<vmem>>) offsets(%dma_start3A_129 : memref<128xi32, #tpu.memory_space<vmem>>) semaphore(%arg24 : memref<!tpu.dma_semaphore, #tpu.memory_space<semaphore_mem>>)
        %dma_wait3A = arith.constant 0 : i32
        %dma_wait3A_133 = arith.constant 0 : i32
        %dma_wait3A_134 = arith.constant 0 : i32
        %dma_wait3A_135 = arith.constant 0 : i32
        %dma_wait3A_136 = tpu.memref_slice %arg20[%dma_wait3A_133, %dma_wait3A_134, %dma_wait3A_135] : memref<4x128x16xf32, #tpu.memory_space<vmem>> -> memref<1x128x16xf32, #tpu.memory_space<vmem>>
        %dma_wait3A_137 = tpu.memref_squeeze %dma_wait3A_136 : memref<1x128x16xf32, #tpu.memory_space<vmem>> -> memref<128x16xf32, #tpu.memory_space<vmem>>
        %dma_wait3A_138 = arith.constant 0 : i32
        %dma_wait3A_139 = tpu.memref_slice %arg15[%dma_wait3A, %dma_wait3A_138] : memref<4x128xi32, #tpu.memory_space<vmem>> -> memref<1x128xi32, #tpu.memory_space<vmem>>
        %dma_wait3A_140 = tpu.memref_squeeze %dma_wait3A_139 : memref<1x128xi32, #tpu.memory_space<vmem>> -> memref<128xi32, #tpu.memory_space<vmem>>
        %dma_wait3A_141 = arith.constant 0 : i32
        %dma_wait3A_142 = arith.constant 0 : i32
        %dma_wait3A_143 = tpu.memref_slice %arg11[%dma_wait3A_141, %dma_wait3A_142] : memref<100352x16xf32, #tpu.memory_space<hbm>> -> memref<100352x16xf32, #tpu.memory_space<hbm>>
        tpu.wait_indirect_dma semaphore(%arg24 : memref<!tpu.dma_semaphore, #tpu.memory_space<semaphore_mem>>) src(%dma_wait3A_143 : memref<100352x16xf32, #tpu.memory_space<hbm>>) dst(%dma_wait3A_137 : memref<128x16xf32, #tpu.memory_space<vmem>>)
        %dma_wait3A_144 = arith.constant 1 : i32
        %dma_wait3A_145 = arith.constant 1 : i32
        %dma_wait3A_146 = arith.constant 0 : i32
        %dma_wait3A_147 = arith.constant 0 : i32
        %dma_wait3A_148 = tpu.memref_slice %arg20[%dma_wait3A_145, %dma_wait3A_146, %dma_wait3A_147] : memref<4x128x16xf32, #tpu.memory_space<vmem>> -> memref<1x128x16xf32, #tpu.memory_space<vmem>>
        %dma_wait3A_149 = tpu.memref_squeeze %dma_wait3A_148 : memref<1x128x16xf32, #tpu.memory_space<vmem>> -> memref<128x16xf32, #tpu.memory_space<vmem>>
        %dma_wait3A_150 = arith.constant 0 : i32
        %dma_wait3A_151 = tpu.memref_slice %arg15[%dma_wait3A_144, %dma_wait3A_150] : memref<4x128xi32, #tpu.memory_space<vmem>> -> memref<1x128xi32, #tpu.memory_space<vmem>>
        %dma_wait3A_152 = tpu.memref_squeeze %dma_wait3A_151 : memref<1x128xi32, #tpu.memory_space<vmem>> -> memref<128xi32, #tpu.memory_space<vmem>>
        %dma_wait3A_153 = arith.constant 0 : i32
        %dma_wait3A_154 = arith.constant 0 : i32
        %dma_wait3A_155 = tpu.memref_slice %arg11[%dma_wait3A_153, %dma_wait3A_154] : memref<100352x16xf32, #tpu.memory_space<hbm>> -> memref<100352x16xf32, #tpu.memory_space<hbm>>
        tpu.wait_indirect_dma semaphore(%arg24 : memref<!tpu.dma_semaphore, #tpu.memory_space<semaphore_mem>>) src(%dma_wait3A_155 : memref<100352x16xf32, #tpu.memory_space<hbm>>) dst(%dma_wait3A_149 : memref<128x16xf32, #tpu.memory_space<vmem>>)
        %dma_wait3A_156 = arith.constant 2 : i32
        %dma_wait3A_157 = arith.constant 2 : i32
        %dma_wait3A_158 = arith.constant 0 : i32
        %dma_wait3A_159 = arith.constant 0 : i32
        %dma_wait3A_160 = tpu.memref_slice %arg20[%dma_wait3A_157, %dma_wait3A_158, %dma_wait3A_159] : memref<4x128x16xf32, #tpu.memory_space<vmem>> -> memref<1x128x16xf32, #tpu.memory_space<vmem>>
        %dma_wait3A_161 = tpu.memref_squeeze %dma_wait3A_160 : memref<1x128x16xf32, #tpu.memory_space<vmem>> -> memref<128x16xf32, #tpu.memory_space<vmem>>
        %dma_wait3A_162 = arith.constant 0 : i32
        %dma_wait3A_163 = tpu.memref_slice %arg15[%dma_wait3A_156, %dma_wait3A_162] : memref<4x128xi32, #tpu.memory_space<vmem>> -> memref<1x128xi32, #tpu.memory_space<vmem>>
        %dma_wait3A_164 = tpu.memref_squeeze %dma_wait3A_163 : memref<1x128xi32, #tpu.memory_space<vmem>> -> memref<128xi32, #tpu.memory_space<vmem>>
        %dma_wait3A_165 = arith.constant 0 : i32
        %dma_wait3A_166 = arith.constant 0 : i32
        %dma_wait3A_167 = tpu.memref_slice %arg11[%dma_wait3A_165, %dma_wait3A_166] : memref<100352x16xf32, #tpu.memory_space<hbm>> -> memref<100352x16xf32, #tpu.memory_space<hbm>>
        tpu.wait_indirect_dma semaphore(%arg24 : memref<!tpu.dma_semaphore, #tpu.memory_space<semaphore_mem>>) src(%dma_wait3A_167 : memref<100352x16xf32, #tpu.memory_space<hbm>>) dst(%dma_wait3A_161 : memref<128x16xf32, #tpu.memory_space<vmem>>)
        %dma_wait3A_168 = arith.constant 3 : i32
        %dma_wait3A_169 = arith.constant 3 : i32
        %dma_wait3A_170 = arith.constant 0 : i32
        %dma_wait3A_171 = arith.constant 0 : i32
        %dma_wait3A_172 = tpu.memref_slice %arg20[%dma_wait3A_169, %dma_wait3A_170, %dma_wait3A_171] : memref<4x128x16xf32, #tpu.memory_space<vmem>> -> memref<1x128x16xf32, #tpu.memory_space<vmem>>
        %dma_wait3A_173 = tpu.memref_squeeze %dma_wait3A_172 : memref<1x128x16xf32, #tpu.memory_space<vmem>> -> memref<128x16xf32, #tpu.memory_space<vmem>>
        %dma_wait3A_174 = arith.constant 0 : i32
        %dma_wait3A_175 = tpu.memref_slice %arg15[%dma_wait3A_168, %dma_wait3A_174] : memref<4x128xi32, #tpu.memory_space<vmem>> -> memref<1x128xi32, #tpu.memory_space<vmem>>
        %dma_wait3A_176 = tpu.memref_squeeze %dma_wait3A_175 : memref<1x128xi32, #tpu.memory_space<vmem>> -> memref<128xi32, #tpu.memory_space<vmem>>
        %dma_wait3A_177 = arith.constant 0 : i32
        %dma_wait3A_178 = arith.constant 0 : i32
        %dma_wait3A_179 = tpu.memref_slice %arg11[%dma_wait3A_177, %dma_wait3A_178] : memref<100352x16xf32, #tpu.memory_space<hbm>> -> memref<100352x16xf32, #tpu.memory_space<hbm>>
        tpu.wait_indirect_dma semaphore(%arg24 : memref<!tpu.dma_semaphore, #tpu.memory_space<semaphore_mem>>) src(%dma_wait3A_179 : memref<100352x16xf32, #tpu.memory_space<hbm>>) dst(%dma_wait3A_173 : memref<128x16xf32, #tpu.memory_space<vmem>>)
        %dma_start3A_180 = arith.constant 0 : i32
        %dma_start3A_181 = arith.constant 0 : i32
        %dma_start3A_182 = arith.constant 0 : i32
        %dma_start3A_183 = tpu.memref_slice %arg20[%dma_start3A_180, %dma_start3A_181, %dma_start3A_182] : memref<4x128x16xf32, #tpu.memory_space<vmem>> -> memref<1x128x16xf32, #tpu.memory_space<vmem>>
        %dma_start3A_184 = tpu.memref_squeeze %dma_start3A_183 : memref<1x128x16xf32, #tpu.memory_space<vmem>> -> memref<128x16xf32, #tpu.memory_space<vmem>>
        %dma_start3A_185 = arith.constant 0 : i32
        %dma_start3A_186 = arith.constant 0 : i32
        %dma_start3A_187 = tpu.memref_slice %arg14[%dma_start3A_185, %dma_start3A_186] : memref<100352x16xf32, #tpu.memory_space<vmem_shared>> -> memref<100352x16xf32, #tpu.memory_space<vmem_shared>>
        tpu.enqueue_indirect_dma source(%dma_start3A_184 : memref<128x16xf32, #tpu.memory_space<vmem>>) target(%dma_start3A_187 : memref<100352x16xf32, #tpu.memory_space<vmem_shared>>) offsets(%arg16 : memref<128xi32, #tpu.memory_space<vmem>>) semaphore(%arg25 : memref<!tpu.dma_semaphore, #tpu.memory_space<semaphore_mem>>) {add = true}
        %dma_start3A_188 = arith.constant 1 : i32
        %dma_start3A_189 = arith.constant 0 : i32
        %dma_start3A_190 = arith.constant 0 : i32
        %dma_start3A_191 = tpu.memref_slice %arg20[%dma_start3A_188, %dma_start3A_189, %dma_start3A_190] : memref<4x128x16xf32, #tpu.memory_space<vmem>> -> memref<1x128x16xf32, #tpu.memory_space<vmem>>
        %dma_start3A_192 = tpu.memref_squeeze %dma_start3A_191 : memref<1x128x16xf32, #tpu.memory_space<vmem>> -> memref<128x16xf32, #tpu.memory_space<vmem>>
        %dma_start3A_193 = arith.constant 0 : i32
        %dma_start3A_194 = arith.constant 0 : i32
        %dma_start3A_195 = tpu.memref_slice %arg14[%dma_start3A_193, %dma_start3A_194] : memref<100352x16xf32, #tpu.memory_space<vmem_shared>> -> memref<100352x16xf32, #tpu.memory_space<vmem_shared>>
        tpu.enqueue_indirect_dma source(%dma_start3A_192 : memref<128x16xf32, #tpu.memory_space<vmem>>) target(%dma_start3A_195 : memref<100352x16xf32, #tpu.memory_space<vmem_shared>>) offsets(%arg17 : memref<128xi32, #tpu.memory_space<vmem>>) semaphore(%arg25 : memref<!tpu.dma_semaphore, #tpu.memory_space<semaphore_mem>>) {add = true}
        %dma_start3A_196 = arith.constant 2 : i32
        %dma_start3A_197 = arith.constant 0 : i32
        %dma_start3A_198 = arith.constant 0 : i32
        %dma_start3A_199 = tpu.memref_slice %arg20[%dma_start3A_196, %dma_start3A_197, %dma_start3A_198] : memref<4x128x16xf32, #tpu.memory_space<vmem>> -> memref<1x128x16xf32, #tpu.memory_space<vmem>>
        %dma_start3A_200 = tpu.memref_squeeze %dma_start3A_199 : memref<1x128x16xf32, #tpu.memory_space<vmem>> -> memref<128x16xf32, #tpu.memory_space<vmem>>
        %dma_start3A_201 = arith.constant 0 : i32
        %dma_start3A_202 = arith.constant 0 : i32
        %dma_start3A_203 = tpu.memref_slice %arg14[%dma_start3A_201, %dma_start3A_202] : memref<100352x16xf32, #tpu.memory_space<vmem_shared>> -> memref<100352x16xf32, #tpu.memory_space<vmem_shared>>
        tpu.enqueue_indirect_dma source(%dma_start3A_200 : memref<128x16xf32, #tpu.memory_space<vmem>>) target(%dma_start3A_203 : memref<100352x16xf32, #tpu.memory_space<vmem_shared>>) offsets(%arg18 : memref<128xi32, #tpu.memory_space<vmem>>) semaphore(%arg25 : memref<!tpu.dma_semaphore, #tpu.memory_space<semaphore_mem>>) {add = true}
        %dma_start3A_204 = arith.constant 3 : i32
        %dma_start3A_205 = arith.constant 0 : i32
        %dma_start3A_206 = arith.constant 0 : i32
        %dma_start3A_207 = tpu.memref_slice %arg20[%dma_start3A_204, %dma_start3A_205, %dma_start3A_206] : memref<4x128x16xf32, #tpu.memory_space<vmem>> -> memref<1x128x16xf32, #tpu.memory_space<vmem>>
        %dma_start3A_208 = tpu.memref_squeeze %dma_start3A_207 : memref<1x128x16xf32, #tpu.memory_space<vmem>> -> memref<128x16xf32, #tpu.memory_space<vmem>>
        %dma_start3A_209 = arith.constant 0 : i32
        %dma_start3A_210 = arith.constant 0 : i32
        %dma_start3A_211 = tpu.memref_slice %arg14[%dma_start3A_209, %dma_start3A_210] : memref<100352x16xf32, #tpu.memory_space<vmem_shared>> -> memref<100352x16xf32, #tpu.memory_space<vmem_shared>>
        tpu.enqueue_indirect_dma source(%dma_start3A_208 : memref<128x16xf32, #tpu.memory_space<vmem>>) target(%dma_start3A_211 : memref<100352x16xf32, #tpu.memory_space<vmem_shared>>) offsets(%arg19 : memref<128xi32, #tpu.memory_space<vmem>>) semaphore(%arg25 : memref<!tpu.dma_semaphore, #tpu.memory_space<semaphore_mem>>) {add = true}
        %dma_wait3A_212 = arith.constant 0 : i32
        %dma_wait3A_213 = arith.constant 0 : i32
        %dma_wait3A_214 = arith.constant 0 : i32
        %dma_wait3A_215 = tpu.memref_slice %arg20[%dma_wait3A_212, %dma_wait3A_213, %dma_wait3A_214] : memref<4x128x16xf32, #tpu.memory_space<vmem>> -> memref<1x128x16xf32, #tpu.memory_space<vmem>>
        %dma_wait3A_216 = tpu.memref_squeeze %dma_wait3A_215 : memref<1x128x16xf32, #tpu.memory_space<vmem>> -> memref<128x16xf32, #tpu.memory_space<vmem>>
        %dma_wait3A_217 = arith.constant 0 : i32
        %dma_wait3A_218 = arith.constant 0 : i32
        %dma_wait3A_219 = tpu.memref_slice %arg14[%dma_wait3A_217, %dma_wait3A_218] : memref<100352x16xf32, #tpu.memory_space<vmem_shared>> -> memref<100352x16xf32, #tpu.memory_space<vmem_shared>>
        tpu.wait_indirect_dma semaphore(%arg25 : memref<!tpu.dma_semaphore, #tpu.memory_space<semaphore_mem>>) src(%dma_wait3A_216 : memref<128x16xf32, #tpu.memory_space<vmem>>) dst(%dma_wait3A_219 : memref<100352x16xf32, #tpu.memory_space<vmem_shared>>)
        %dma_wait3A_220 = arith.constant 1 : i32
        %dma_wait3A_221 = arith.constant 0 : i32
        %dma_wait3A_222 = arith.constant 0 : i32
        %dma_wait3A_223 = tpu.memref_slice %arg20[%dma_wait3A_220, %dma_wait3A_221, %dma_wait3A_222] : memref<4x128x16xf32, #tpu.memory_space<vmem>> -> memref<1x128x16xf32, #tpu.memory_space<vmem>>
        %dma_wait3A_224 = tpu.memref_squeeze %dma_wait3A_223 : memref<1x128x16xf32, #tpu.memory_space<vmem>> -> memref<128x16xf32, #tpu.memory_space<vmem>>
        %dma_wait3A_225 = arith.constant 0 : i32
        %dma_wait3A_226 = arith.constant 0 : i32
        %dma_wait3A_227 = tpu.memref_slice %arg14[%dma_wait3A_225, %dma_wait3A_226] : memref<100352x16xf32, #tpu.memory_space<vmem_shared>> -> memref<100352x16xf32, #tpu.memory_space<vmem_shared>>
        tpu.wait_indirect_dma semaphore(%arg25 : memref<!tpu.dma_semaphore, #tpu.memory_space<semaphore_mem>>) src(%dma_wait3A_224 : memref<128x16xf32, #tpu.memory_space<vmem>>) dst(%dma_wait3A_227 : memref<100352x16xf32, #tpu.memory_space<vmem_shared>>)
        %dma_wait3A_228 = arith.constant 2 : i32
        %dma_wait3A_229 = arith.constant 0 : i32
        %dma_wait3A_230 = arith.constant 0 : i32
        %dma_wait3A_231 = tpu.memref_slice %arg20[%dma_wait3A_228, %dma_wait3A_229, %dma_wait3A_230] : memref<4x128x16xf32, #tpu.memory_space<vmem>> -> memref<1x128x16xf32, #tpu.memory_space<vmem>>
        %dma_wait3A_232 = tpu.memref_squeeze %dma_wait3A_231 : memref<1x128x16xf32, #tpu.memory_space<vmem>> -> memref<128x16xf32, #tpu.memory_space<vmem>>
        %dma_wait3A_233 = arith.constant 0 : i32
        %dma_wait3A_234 = arith.constant 0 : i32
        %dma_wait3A_235 = tpu.memref_slice %arg14[%dma_wait3A_233, %dma_wait3A_234] : memref<100352x16xf32, #tpu.memory_space<vmem_shared>> -> memref<100352x16xf32, #tpu.memory_space<vmem_shared>>
        tpu.wait_indirect_dma semaphore(%arg25 : memref<!tpu.dma_semaphore, #tpu.memory_space<semaphore_mem>>) src(%dma_wait3A_232 : memref<128x16xf32, #tpu.memory_space<vmem>>) dst(%dma_wait3A_235 : memref<100352x16xf32, #tpu.memory_space<vmem_shared>>)
        %dma_wait3A_236 = arith.constant 3 : i32
        %dma_wait3A_237 = arith.constant 0 : i32
        %dma_wait3A_238 = arith.constant 0 : i32
        %dma_wait3A_239 = tpu.memref_slice %arg20[%dma_wait3A_236, %dma_wait3A_237, %dma_wait3A_238] : memref<4x128x16xf32, #tpu.memory_space<vmem>> -> memref<1x128x16xf32, #tpu.memory_space<vmem>>
        %dma_wait3A_240 = tpu.memref_squeeze %dma_wait3A_239 : memref<1x128x16xf32, #tpu.memory_space<vmem>> -> memref<128x16xf32, #tpu.memory_space<vmem>>
        %dma_wait3A_241 = arith.constant 0 : i32
        %dma_wait3A_242 = arith.constant 0 : i32
        %dma_wait3A_243 = tpu.memref_slice %arg14[%dma_wait3A_241, %dma_wait3A_242] : memref<100352x16xf32, #tpu.memory_space<vmem_shared>> -> memref<100352x16xf32, #tpu.memory_space<vmem_shared>>
        tpu.wait_indirect_dma semaphore(%arg25 : memref<!tpu.dma_semaphore, #tpu.memory_space<semaphore_mem>>) src(%dma_wait3A_240 : memref<128x16xf32, #tpu.memory_space<vmem>>) dst(%dma_wait3A_243 : memref<100352x16xf32, #tpu.memory_space<vmem_shared>>)
      }
      %scan3A_48 = arith.constant 200 : i32
      %barrier3A_49 = arith.constant 0 : index
      tpu.barrier barrier_id(%barrier3A_49)
      %scan3A_50 = arith.constant 0 : i32
      %scan3A_51 = arith.constant 0 : i32
      %scan3A_52 = arith.constant 49 : i32
      %scan3A_53 = arith.addi %scan3A_51, %scan3A_52 : i32
      %scan3A_54 = arith.constant 1 : i32
      scf.for %scan3A_70 = %scan3A_51 to %scan3A_53 step %scan3A_54  : i32 {
        %mul3A_71 = arith.constant 128 : i32
        %mul3A_72 = arith.muli %scan3A_70, %mul3A_71 : i32
        %add3A = arith.addi %mul3A_7, %mul3A_72 : i32
        "tpu.region"() ({
          %run_scoped3A_79 = tpu.sem_alloc : memref<!tpu.dma_semaphore, #tpu.memory_space<semaphore_mem>>
          %dma_start3A = arith.constant 0 : i32
          %dma_start3A_80 = tpu.memref_slice %arg14[%add3A, %dma_start3A] : memref<100352x16xf32, #tpu.memory_space<vmem_shared>> -> memref<128x16xf32, #tpu.memory_space<vmem_shared>>
          %dma_start3A_81 = arith.constant 0 : i32
          %dma_start3A_82 = tpu.memref_slice %arg14[%add3A, %dma_start3A_81] : memref<100352x16xf32, #tpu.memory_space<vmem_shared>> -> memref<128x16xf32, #tpu.memory_space<vmem_shared>>
          tpu.enqueue_dma source(%dma_start3A_82 : memref<128x16xf32, #tpu.memory_space<vmem_shared>>) target(%arg22 : memref<128x16xf32, #tpu.memory_space<vmem>>) target_semaphore(%run_scoped3A_79 : memref<!tpu.dma_semaphore, #tpu.memory_space<semaphore_mem>>)
          %dma_wait3A = arith.constant 0 : i32
          %dma_wait3A_83 = tpu.memref_slice %arg14[%add3A, %dma_wait3A] : memref<100352x16xf32, #tpu.memory_space<vmem_shared>> -> memref<128x16xf32, #tpu.memory_space<vmem_shared>>
          %dma_wait3A_84 = arith.constant 0 : i32
          %dma_wait3A_85 = tpu.memref_slice %arg14[%add3A, %dma_wait3A_84] : memref<100352x16xf32, #tpu.memory_space<vmem_shared>> -> memref<128x16xf32, #tpu.memory_space<vmem_shared>>
          tpu.wait_dma2 semaphore(%run_scoped3A_79 : memref<!tpu.dma_semaphore, #tpu.memory_space<semaphore_mem>>) src(%dma_wait3A_85 : memref<128x16xf32, #tpu.memory_space<vmem_shared>>) dst(%arg22 : memref<128x16xf32, #tpu.memory_space<vmem>>)
          tpu.yield
        }) : () -> ()
        "tpu.region"() ({
          %run_scoped3A_79 = tpu.sem_alloc : memref<!tpu.dma_semaphore, #tpu.memory_space<semaphore_mem>>
          %dma_start3A = arith.constant 0 : i32
          %dma_start3A_80 = tpu.memref_slice %arg9[%add3A, %dma_start3A] : memref<100352x16xf32, #tpu.memory_space<hbm>> -> memref<128x16xf32, #tpu.memory_space<hbm>>
          %dma_start3A_81 = arith.constant 0 : i32
          %dma_start3A_82 = tpu.memref_slice %arg9[%add3A, %dma_start3A_81] : memref<100352x16xf32, #tpu.memory_space<hbm>> -> memref<128x16xf32, #tpu.memory_space<hbm>>
          tpu.enqueue_dma source(%dma_start3A_82 : memref<128x16xf32, #tpu.memory_space<hbm>>) target(%arg23 : memref<128x16xf32, #tpu.memory_space<vmem>>) target_semaphore(%run_scoped3A_79 : memref<!tpu.dma_semaphore, #tpu.memory_space<semaphore_mem>>)
          %dma_wait3A = arith.constant 0 : i32
          %dma_wait3A_83 = tpu.memref_slice %arg9[%add3A, %dma_wait3A] : memref<100352x16xf32, #tpu.memory_space<hbm>> -> memref<128x16xf32, #tpu.memory_space<hbm>>
          %dma_wait3A_84 = arith.constant 0 : i32
          %dma_wait3A_85 = tpu.memref_slice %arg9[%add3A, %dma_wait3A_84] : memref<100352x16xf32, #tpu.memory_space<hbm>> -> memref<128x16xf32, #tpu.memory_space<hbm>>
          tpu.wait_dma2 semaphore(%run_scoped3A_79 : memref<!tpu.dma_semaphore, #tpu.memory_space<semaphore_mem>>) src(%dma_wait3A_85 : memref<128x16xf32, #tpu.memory_space<hbm>>) dst(%arg23 : memref<128x16xf32, #tpu.memory_space<vmem>>)
          tpu.yield
        }) : () -> ()
        "tpu.region"() ({
          %run_scoped3A_79 = tpu.sem_alloc : memref<!tpu.dma_semaphore, #tpu.memory_space<semaphore_mem>>
          %dma_start3A = arith.constant 0 : i32
          %dma_start3A_80 = tpu.memref_slice %arg13[%add3A, %dma_start3A] : memref<100352x16xf32, #tpu.memory_space<hbm>> -> memref<128x16xf32, #tpu.memory_space<hbm>>
          %dma_start3A_81 = arith.constant 0 : i32
          %dma_start3A_82 = tpu.memref_slice %arg13[%add3A, %dma_start3A_81] : memref<100352x16xf32, #tpu.memory_space<hbm>> -> memref<128x16xf32, #tpu.memory_space<hbm>>
          tpu.enqueue_dma source(%dma_start3A_82 : memref<128x16xf32, #tpu.memory_space<hbm>>) target(%arg21 : memref<128x16xf32, #tpu.memory_space<vmem>>) target_semaphore(%run_scoped3A_79 : memref<!tpu.dma_semaphore, #tpu.memory_space<semaphore_mem>>)
          %dma_wait3A = arith.constant 0 : i32
          %dma_wait3A_83 = tpu.memref_slice %arg13[%add3A, %dma_wait3A] : memref<100352x16xf32, #tpu.memory_space<hbm>> -> memref<128x16xf32, #tpu.memory_space<hbm>>
          %dma_wait3A_84 = arith.constant 0 : i32
          %dma_wait3A_85 = tpu.memref_slice %arg13[%add3A, %dma_wait3A_84] : memref<100352x16xf32, #tpu.memory_space<hbm>> -> memref<128x16xf32, #tpu.memory_space<hbm>>
          tpu.wait_dma2 semaphore(%run_scoped3A_79 : memref<!tpu.dma_semaphore, #tpu.memory_space<semaphore_mem>>) src(%dma_wait3A_85 : memref<128x16xf32, #tpu.memory_space<hbm>>) dst(%arg21 : memref<128x16xf32, #tpu.memory_space<vmem>>)
          tpu.yield
        }) : () -> ()
        %scan3A_73 = arith.constant 0 : i32
        %scan3A_74 = arith.constant 0 : i32
        %scan3A_75 = arith.constant 128 : i32
        %scan3A_76 = arith.addi %scan3A_74, %scan3A_75 : i32
        %scan3A_77 = arith.constant 1 : i32
        scf.for %scan3A_79 = %scan3A_74 to %scan3A_76 step %scan3A_77  : i32 {
          %get3A = arith.index_cast %scan3A_79 : i32 to index
          %get3A_80 = arith.constant 0 : index
          %get3A_81 = tpu.vector_load %arg22[%get3A, %get3A_80] {strides = array<i32>} : memref<128x16xf32, #tpu.memory_space<vmem>>, vector<1x16xf32>,
          %get3A_82 = vector.shape_cast %get3A_81 : vector<1x16xf32> to vector<16xf32>
          %get3A_83 = arith.index_cast %scan3A_79 : i32 to index
          %get3A_84 = arith.constant 0 : index
          %get3A_85 = tpu.vector_load %arg21[%get3A_83, %get3A_84] {strides = array<i32>} : memref<128x16xf32, #tpu.memory_space<vmem>>, vector<1x16xf32>,
          %get3A_86 = vector.shape_cast %get3A_85 : vector<1x16xf32> to vector<16xf32>
          %get3A_87 = arith.index_cast %scan3A_79 : i32 to index
          %get3A_88 = arith.constant 0 : index
          %get3A_89 = tpu.vector_load %arg23[%get3A_87, %get3A_88] {strides = array<i32>} : memref<128x16xf32, #tpu.memory_space<vmem>>, vector<1x16xf32>,
          %get3A_90 = vector.shape_cast %get3A_89 : vector<1x16xf32> to vector<16xf32>
          %mul3A_91 = arith.constant 2.500000e-01 : f32
          %mul3A_92 = vector.broadcast %mul3A_91 : f32 to vector<16xf32>
          %mul3A_93 = arith.mulf %mul3A_92, %get3A_86 : vector<16xf32>
          %mul3A_94 = arith.mulf %mul3A_93, %get3A_82 : vector<16xf32>
          %add3A_95 = arith.addf %get3A_90, %mul3A_94 : vector<16xf32>
          %swap3A = arith.index_cast %scan3A_79 : i32 to index
          %swap3A_96 = arith.constant 0 : index
          %swap3A_97 = tpu.vector_load %arg23[%swap3A, %swap3A_96] {strides = array<i32>} : memref<128x16xf32, #tpu.memory_space<vmem>>, vector<1x16xf32>,
          %swap3A_98 = vector.shape_cast %swap3A_97 : vector<1x16xf32> to vector<16xf32>
          %swap3A_99 = vector.shape_cast %add3A_95 : vector<16xf32> to vector<1x16xf32>
          tpu.vector_store %arg23[%swap3A, %swap3A_96], %swap3A_99 {strides = array<i32>} : memref<128x16xf32, #tpu.memory_space<vmem>>, vector<1x16xf32>,
          %mul3A_100 = arith.mulf %get3A_86, %get3A_86 : vector<16xf32>
          %mul3A_101 = arith.mulf %mul3A_100, %get3A_82 : vector<16xf32>
          %swap3A_102 = arith.index_cast %scan3A_79 : i32 to index
          %swap3A_103 = arith.constant 0 : index
          %swap3A_104 = tpu.vector_load %arg22[%swap3A_102, %swap3A_103] {strides = array<i32>} : memref<128x16xf32, #tpu.memory_space<vmem>>, vector<1x16xf32>,
          %swap3A_105 = vector.shape_cast %swap3A_104 : vector<1x16xf32> to vector<16xf32>
          %swap3A_106 = vector.shape_cast %mul3A_101 : vector<16xf32> to vector<1x16xf32>
          tpu.vector_store %arg22[%swap3A_102, %swap3A_103], %swap3A_106 {strides = array<i32>} : memref<128x16xf32, #tpu.memory_space<vmem>>, vector<1x16xf32>,
        }
        %scan3A_78 = arith.constant 128 : i32
        "tpu.region"() ({
          %run_scoped3A_79 = tpu.sem_alloc : memref<!tpu.dma_semaphore, #tpu.memory_space<semaphore_mem>>
          %dma_start3A = arith.constant 0 : i32
          %dma_start3A_80 = tpu.memref_slice %arg9[%add3A, %dma_start3A] : memref<100352x16xf32, #tpu.memory_space<hbm>> -> memref<128x16xf32, #tpu.memory_space<hbm>>
          %dma_start3A_81 = arith.constant 0 : i32
          %dma_start3A_82 = tpu.memref_slice %arg9[%add3A, %dma_start3A_81] : memref<100352x16xf32, #tpu.memory_space<hbm>> -> memref<128x16xf32, #tpu.memory_space<hbm>>
          tpu.enqueue_dma source(%arg23 : memref<128x16xf32, #tpu.memory_space<vmem>>) target(%dma_start3A_82 : memref<128x16xf32, #tpu.memory_space<hbm>>) target_semaphore(%run_scoped3A_79 : memref<!tpu.dma_semaphore, #tpu.memory_space<semaphore_mem>>)
          %dma_wait3A = arith.constant 0 : i32
          %dma_wait3A_83 = tpu.memref_slice %arg9[%add3A, %dma_wait3A] : memref<100352x16xf32, #tpu.memory_space<hbm>> -> memref<128x16xf32, #tpu.memory_space<hbm>>
          %dma_wait3A_84 = arith.constant 0 : i32
          %dma_wait3A_85 = tpu.memref_slice %arg9[%add3A, %dma_wait3A_84] : memref<100352x16xf32, #tpu.memory_space<hbm>> -> memref<128x16xf32, #tpu.memory_space<hbm>>
          tpu.wait_dma2 semaphore(%run_scoped3A_79 : memref<!tpu.dma_semaphore, #tpu.memory_space<semaphore_mem>>) src(%arg23 : memref<128x16xf32, #tpu.memory_space<vmem>>) dst(%dma_wait3A_85 : memref<128x16xf32, #tpu.memory_space<hbm>>)
          tpu.yield
        }) : () -> ()
        "tpu.region"() ({
          %run_scoped3A_79 = tpu.sem_alloc : memref<!tpu.dma_semaphore, #tpu.memory_space<semaphore_mem>>
          %dma_start3A = arith.constant 0 : i32
          %dma_start3A_80 = tpu.memref_slice %arg11[%add3A, %dma_start3A] : memref<100352x16xf32, #tpu.memory_space<hbm>> -> memref<128x16xf32, #tpu.memory_space<hbm>>
          %dma_start3A_81 = arith.constant 0 : i32
          %dma_start3A_82 = tpu.memref_slice %arg11[%add3A, %dma_start3A_81] : memref<100352x16xf32, #tpu.memory_space<hbm>> -> memref<128x16xf32, #tpu.memory_space<hbm>>
          tpu.enqueue_dma source(%arg22 : memref<128x16xf32, #tpu.memory_space<vmem>>) target(%dma_start3A_82 : memref<128x16xf32, #tpu.memory_space<hbm>>) target_semaphore(%run_scoped3A_79 : memref<!tpu.dma_semaphore, #tpu.memory_space<semaphore_mem>>)
          %dma_wait3A = arith.constant 0 : i32
          %dma_wait3A_83 = tpu.memref_slice %arg11[%add3A, %dma_wait3A] : memref<100352x16xf32, #tpu.memory_space<hbm>> -> memref<128x16xf32, #tpu.memory_space<hbm>>
          %dma_wait3A_84 = arith.constant 0 : i32
          %dma_wait3A_85 = tpu.memref_slice %arg11[%add3A, %dma_wait3A_84] : memref<100352x16xf32, #tpu.memory_space<hbm>> -> memref<128x16xf32, #tpu.memory_space<hbm>>
          tpu.wait_dma2 semaphore(%run_scoped3A_79 : memref<!tpu.dma_semaphore, #tpu.memory_space<semaphore_mem>>) src(%arg22 : memref<128x16xf32, #tpu.memory_space<vmem>>) dst(%dma_wait3A_85 : memref<128x16xf32, #tpu.memory_space<hbm>>)
          tpu.yield
        }) : () -> ()
      }
      %scan3A_55 = arith.constant 49 : i32
      "tpu.region"() ({
        %run_scoped3A_70 = tpu.sem_alloc : memref<!tpu.dma_semaphore, #tpu.memory_space<semaphore_mem>>
        %dma_start3A = arith.constant 0 : i32
        %dma_start3A_71 = tpu.memref_slice %arg14[%mul3A_7, %dma_start3A] : memref<100352x16xf32, #tpu.memory_space<vmem_shared>> -> memref<6272x16xf32, #tpu.memory_space<vmem_shared>>
        tpu.enqueue_dma source(%arg7 : memref<6272x16xf32, #tpu.memory_space<hbm>>) target(%dma_start3A_71 : memref<6272x16xf32, #tpu.memory_space<vmem_shared>>) target_semaphore(%run_scoped3A_70 : memref<!tpu.dma_semaphore, #tpu.memory_space<semaphore_mem>>)
        %dma_wait3A = arith.constant 0 : i32
        %dma_wait3A_72 = tpu.memref_slice %arg14[%mul3A_7, %dma_wait3A] : memref<100352x16xf32, #tpu.memory_space<vmem_shared>> -> memref<6272x16xf32, #tpu.memory_space<vmem_shared>>
        tpu.wait_dma2 semaphore(%run_scoped3A_70 : memref<!tpu.dma_semaphore, #tpu.memory_space<semaphore_mem>>) src(%arg7 : memref<6272x16xf32, #tpu.memory_space<hbm>>) dst(%dma_wait3A_72 : memref<6272x16xf32, #tpu.memory_space<vmem_shared>>)
        tpu.yield
      }) : () -> ()
      %barrier3A_56 = arith.constant 0 : index
      tpu.barrier barrier_id(%barrier3A_56)
      %scan3A_57 = arith.constant 0 : i32
      %scan3A_58 = arith.constant 0 : i32
      %scan3A_59 = arith.constant 200 : i32
      %scan3A_60 = arith.addi %scan3A_58, %scan3A_59 : i32
      %scan3A_61 = arith.constant 1 : i32
      scf.for %scan3A_70 = %scan3A_58 to %scan3A_60 step %scan3A_61  : i32 {
        %mul3A_71 = arith.constant 4 : i32
        %mul3A_72 = arith.muli %scan3A_70, %mul3A_71 : i32
        %add3A = arith.addi %mul3A_9, %mul3A_72 : i32
        "tpu.region"() ({
          %run_scoped3A_244 = tpu.sem_alloc : memref<!tpu.dma_semaphore, #tpu.memory_space<semaphore_mem>>
          %dma_start3A_245 = arith.constant 0 : i32
          %dma_start3A_246 = arith.constant 0 : i32
          %dma_start3A_247 = tpu.memref_slice %arg15[%dma_start3A_245, %dma_start3A_246] : memref<4x128xi32, #tpu.memory_space<vmem>> -> memref<4x128xi32, #tpu.memory_space<vmem>>
          %dma_start3A_248 = arith.constant 0 : i32
          %dma_start3A_249 = tpu.memref_slice %arg4[%add3A, %dma_start3A_248] : memref<12800x128xi32, #tpu.memory_space<hbm>> -> memref<4x128xi32, #tpu.memory_space<hbm>>
          %dma_start3A_250 = arith.constant 0 : i32
          %dma_start3A_251 = arith.constant 0 : i32
          %dma_start3A_252 = tpu.memref_slice %arg15[%dma_start3A_250, %dma_start3A_251] : memref<4x128xi32, #tpu.memory_space<vmem>> -> memref<4x128xi32, #tpu.memory_space<vmem>>
          %dma_start3A_253 = arith.constant 0 : i32
          %dma_start3A_254 = tpu.memref_slice %arg4[%add3A, %dma_start3A_253] : memref<12800x128xi32, #tpu.memory_space<hbm>> -> memref<4x128xi32, #tpu.memory_space<hbm>>
          tpu.enqueue_dma source(%dma_start3A_254 : memref<4x128xi32, #tpu.memory_space<hbm>>) target(%dma_start3A_252 : memref<4x128xi32, #tpu.memory_space<vmem>>) target_semaphore(%run_scoped3A_244 : memref<!tpu.dma_semaphore, #tpu.memory_space<semaphore_mem>>)
          %dma_wait3A_255 = arith.constant 0 : i32
          %dma_wait3A_256 = arith.constant 0 : i32
          %dma_wait3A_257 = tpu.memref_slice %arg15[%dma_wait3A_255, %dma_wait3A_256] : memref<4x128xi32, #tpu.memory_space<vmem>> -> memref<4x128xi32, #tpu.memory_space<vmem>>
          %dma_wait3A_258 = arith.constant 0 : i32
          %dma_wait3A_259 = tpu.memref_slice %arg4[%add3A, %dma_wait3A_258] : memref<12800x128xi32, #tpu.memory_space<hbm>> -> memref<4x128xi32, #tpu.memory_space<hbm>>
          %dma_wait3A_260 = arith.constant 0 : i32
          %dma_wait3A_261 = arith.constant 0 : i32
          %dma_wait3A_262 = tpu.memref_slice %arg15[%dma_wait3A_260, %dma_wait3A_261] : memref<4x128xi32, #tpu.memory_space<vmem>> -> memref<4x128xi32, #tpu.memory_space<vmem>>
          %dma_wait3A_263 = arith.constant 0 : i32
          %dma_wait3A_264 = tpu.memref_slice %arg4[%add3A, %dma_wait3A_263] : memref<12800x128xi32, #tpu.memory_space<hbm>> -> memref<4x128xi32, #tpu.memory_space<hbm>>
          tpu.wait_dma2 semaphore(%run_scoped3A_244 : memref<!tpu.dma_semaphore, #tpu.memory_space<semaphore_mem>>) src(%dma_wait3A_264 : memref<4x128xi32, #tpu.memory_space<hbm>>) dst(%dma_wait3A_262 : memref<4x128xi32, #tpu.memory_space<vmem>>)
          tpu.yield
        }) : () -> ()
        %mul3A_73 = arith.constant 4 : i32
        %mul3A_74 = arith.muli %scan3A_70, %mul3A_73 : i32
        %add3A_75 = arith.addi %mul3A_9, %mul3A_74 : i32
        %mul3A_76 = arith.constant 128 : i32
        %mul3A_77 = arith.muli %add3A_75, %mul3A_76 : i32
        %add3A_78 = arith.constant 0 : i32
        %add3A_79 = arith.addi %mul3A_77, %add3A_78 : i32
        "tpu.region"() ({
          %run_scoped3A_244 = tpu.sem_alloc : memref<!tpu.dma_semaphore, #tpu.memory_space<semaphore_mem>>
          %dma_start3A_245 = tpu.memref_slice %arg5[%add3A_79] : memref<1638400xi32, #tpu.memory_space<hbm>> -> memref<128xi32, #tpu.memory_space<hbm>>
          %dma_start3A_246 = tpu.memref_slice %arg5[%add3A_79] : memref<1638400xi32, #tpu.memory_space<hbm>> -> memref<128xi32, #tpu.memory_space<hbm>>
          tpu.enqueue_dma source(%dma_start3A_246 : memref<128xi32, #tpu.memory_space<hbm>>) target(%arg16 : memref<128xi32, #tpu.memory_space<vmem>>) target_semaphore(%run_scoped3A_244 : memref<!tpu.dma_semaphore, #tpu.memory_space<semaphore_mem>>)
          %dma_wait3A_247 = tpu.memref_slice %arg5[%add3A_79] : memref<1638400xi32, #tpu.memory_space<hbm>> -> memref<128xi32, #tpu.memory_space<hbm>>
          %dma_wait3A_248 = tpu.memref_slice %arg5[%add3A_79] : memref<1638400xi32, #tpu.memory_space<hbm>> -> memref<128xi32, #tpu.memory_space<hbm>>
          tpu.wait_dma2 semaphore(%run_scoped3A_244 : memref<!tpu.dma_semaphore, #tpu.memory_space<semaphore_mem>>) src(%dma_wait3A_248 : memref<128xi32, #tpu.memory_space<hbm>>) dst(%arg16 : memref<128xi32, #tpu.memory_space<vmem>>)
          tpu.yield
        }) : () -> ()
        %add3A_80 = arith.constant 128 : i32
        %add3A_81 = arith.addi %mul3A_77, %add3A_80 : i32
        "tpu.region"() ({
          %run_scoped3A_244 = tpu.sem_alloc : memref<!tpu.dma_semaphore, #tpu.memory_space<semaphore_mem>>
          %dma_start3A_245 = tpu.memref_slice %arg5[%add3A_81] : memref<1638400xi32, #tpu.memory_space<hbm>> -> memref<128xi32, #tpu.memory_space<hbm>>
          %dma_start3A_246 = tpu.memref_slice %arg5[%add3A_81] : memref<1638400xi32, #tpu.memory_space<hbm>> -> memref<128xi32, #tpu.memory_space<hbm>>
          tpu.enqueue_dma source(%dma_start3A_246 : memref<128xi32, #tpu.memory_space<hbm>>) target(%arg17 : memref<128xi32, #tpu.memory_space<vmem>>) target_semaphore(%run_scoped3A_244 : memref<!tpu.dma_semaphore, #tpu.memory_space<semaphore_mem>>)
          %dma_wait3A_247 = tpu.memref_slice %arg5[%add3A_81] : memref<1638400xi32, #tpu.memory_space<hbm>> -> memref<128xi32, #tpu.memory_space<hbm>>
          %dma_wait3A_248 = tpu.memref_slice %arg5[%add3A_81] : memref<1638400xi32, #tpu.memory_space<hbm>> -> memref<128xi32, #tpu.memory_space<hbm>>
          tpu.wait_dma2 semaphore(%run_scoped3A_244 : memref<!tpu.dma_semaphore, #tpu.memory_space<semaphore_mem>>) src(%dma_wait3A_248 : memref<128xi32, #tpu.memory_space<hbm>>) dst(%arg17 : memref<128xi32, #tpu.memory_space<vmem>>)
          tpu.yield
        }) : () -> ()
        %add3A_82 = arith.constant 256 : i32
        %add3A_83 = arith.addi %mul3A_77, %add3A_82 : i32
        "tpu.region"() ({
          %run_scoped3A_244 = tpu.sem_alloc : memref<!tpu.dma_semaphore, #tpu.memory_space<semaphore_mem>>
          %dma_start3A_245 = tpu.memref_slice %arg5[%add3A_83] : memref<1638400xi32, #tpu.memory_space<hbm>> -> memref<128xi32, #tpu.memory_space<hbm>>
          %dma_start3A_246 = tpu.memref_slice %arg5[%add3A_83] : memref<1638400xi32, #tpu.memory_space<hbm>> -> memref<128xi32, #tpu.memory_space<hbm>>
          tpu.enqueue_dma source(%dma_start3A_246 : memref<128xi32, #tpu.memory_space<hbm>>) target(%arg18 : memref<128xi32, #tpu.memory_space<vmem>>) target_semaphore(%run_scoped3A_244 : memref<!tpu.dma_semaphore, #tpu.memory_space<semaphore_mem>>)
          %dma_wait3A_247 = tpu.memref_slice %arg5[%add3A_83] : memref<1638400xi32, #tpu.memory_space<hbm>> -> memref<128xi32, #tpu.memory_space<hbm>>
          %dma_wait3A_248 = tpu.memref_slice %arg5[%add3A_83] : memref<1638400xi32, #tpu.memory_space<hbm>> -> memref<128xi32, #tpu.memory_space<hbm>>
          tpu.wait_dma2 semaphore(%run_scoped3A_244 : memref<!tpu.dma_semaphore, #tpu.memory_space<semaphore_mem>>) src(%dma_wait3A_248 : memref<128xi32, #tpu.memory_space<hbm>>) dst(%arg18 : memref<128xi32, #tpu.memory_space<vmem>>)
          tpu.yield
        }) : () -> ()
        %add3A_84 = arith.constant 384 : i32
        %add3A_85 = arith.addi %mul3A_77, %add3A_84 : i32
        "tpu.region"() ({
          %run_scoped3A_244 = tpu.sem_alloc : memref<!tpu.dma_semaphore, #tpu.memory_space<semaphore_mem>>
          %dma_start3A_245 = tpu.memref_slice %arg5[%add3A_85] : memref<1638400xi32, #tpu.memory_space<hbm>> -> memref<128xi32, #tpu.memory_space<hbm>>
          %dma_start3A_246 = tpu.memref_slice %arg5[%add3A_85] : memref<1638400xi32, #tpu.memory_space<hbm>> -> memref<128xi32, #tpu.memory_space<hbm>>
          tpu.enqueue_dma source(%dma_start3A_246 : memref<128xi32, #tpu.memory_space<hbm>>) target(%arg19 : memref<128xi32, #tpu.memory_space<vmem>>) target_semaphore(%run_scoped3A_244 : memref<!tpu.dma_semaphore, #tpu.memory_space<semaphore_mem>>)
          %dma_wait3A_247 = tpu.memref_slice %arg5[%add3A_85] : memref<1638400xi32, #tpu.memory_space<hbm>> -> memref<128xi32, #tpu.memory_space<hbm>>
          %dma_wait3A_248 = tpu.memref_slice %arg5[%add3A_85] : memref<1638400xi32, #tpu.memory_space<hbm>> -> memref<128xi32, #tpu.memory_space<hbm>>
          tpu.wait_dma2 semaphore(%run_scoped3A_244 : memref<!tpu.dma_semaphore, #tpu.memory_space<semaphore_mem>>) src(%dma_wait3A_248 : memref<128xi32, #tpu.memory_space<hbm>>) dst(%arg19 : memref<128xi32, #tpu.memory_space<vmem>>)
          tpu.yield
        }) : () -> ()
        %dma_start3A = arith.constant 0 : i32
        %dma_start3A_86 = arith.constant 0 : i32
        %dma_start3A_87 = arith.constant 0 : i32
        %dma_start3A_88 = arith.constant 0 : i32
        %dma_start3A_89 = tpu.memref_slice %arg20[%dma_start3A_86, %dma_start3A_87, %dma_start3A_88] : memref<4x128x16xf32, #tpu.memory_space<vmem>> -> memref<1x128x16xf32, #tpu.memory_space<vmem>>
        %dma_start3A_90 = tpu.memref_squeeze %dma_start3A_89 : memref<1x128x16xf32, #tpu.memory_space<vmem>> -> memref<128x16xf32, #tpu.memory_space<vmem>>
        %dma_start3A_91 = arith.constant 0 : i32
        %dma_start3A_92 = tpu.memref_slice %arg15[%dma_start3A, %dma_start3A_91] : memref<4x128xi32, #tpu.memory_space<vmem>> -> memref<1x128xi32, #tpu.memory_space<vmem>>
        %dma_start3A_93 = tpu.memref_squeeze %dma_start3A_92 : memref<1x128xi32, #tpu.memory_space<vmem>> -> memref<128xi32, #tpu.memory_space<vmem>>
        %dma_start3A_94 = arith.constant 0 : i32
        %dma_start3A_95 = arith.constant 0 : i32
        %dma_start3A_96 = tpu.memref_slice %arg11[%dma_start3A_94, %dma_start3A_95] : memref<100352x16xf32, #tpu.memory_space<hbm>> -> memref<100352x16xf32, #tpu.memory_space<hbm>>
        tpu.enqueue_indirect_dma source(%dma_start3A_96 : memref<100352x16xf32, #tpu.memory_space<hbm>>) target(%dma_start3A_90 : memref<128x16xf32, #tpu.memory_space<vmem>>) offsets(%dma_start3A_93 : memref<128xi32, #tpu.memory_space<vmem>>) semaphore(%arg24 : memref<!tpu.dma_semaphore, #tpu.memory_space<semaphore_mem>>)
        %dma_start3A_97 = arith.constant 1 : i32
        %dma_start3A_98 = arith.constant 1 : i32
        %dma_start3A_99 = arith.constant 0 : i32
        %dma_start3A_100 = arith.constant 0 : i32
        %dma_start3A_101 = tpu.memref_slice %arg20[%dma_start3A_98, %dma_start3A_99, %dma_start3A_100] : memref<4x128x16xf32, #tpu.memory_space<vmem>> -> memref<1x128x16xf32, #tpu.memory_space<vmem>>
        %dma_start3A_102 = tpu.memref_squeeze %dma_start3A_101 : memref<1x128x16xf32, #tpu.memory_space<vmem>> -> memref<128x16xf32, #tpu.memory_space<vmem>>
        %dma_start3A_103 = arith.constant 0 : i32
        %dma_start3A_104 = tpu.memref_slice %arg15[%dma_start3A_97, %dma_start3A_103] : memref<4x128xi32, #tpu.memory_space<vmem>> -> memref<1x128xi32, #tpu.memory_space<vmem>>
        %dma_start3A_105 = tpu.memref_squeeze %dma_start3A_104 : memref<1x128xi32, #tpu.memory_space<vmem>> -> memref<128xi32, #tpu.memory_space<vmem>>
        %dma_start3A_106 = arith.constant 0 : i32
        %dma_start3A_107 = arith.constant 0 : i32
        %dma_start3A_108 = tpu.memref_slice %arg11[%dma_start3A_106, %dma_start3A_107] : memref<100352x16xf32, #tpu.memory_space<hbm>> -> memref<100352x16xf32, #tpu.memory_space<hbm>>
        tpu.enqueue_indirect_dma source(%dma_start3A_108 : memref<100352x16xf32, #tpu.memory_space<hbm>>) target(%dma_start3A_102 : memref<128x16xf32, #tpu.memory_space<vmem>>) offsets(%dma_start3A_105 : memref<128xi32, #tpu.memory_space<vmem>>) semaphore(%arg24 : memref<!tpu.dma_semaphore, #tpu.memory_space<semaphore_mem>>)
        %dma_start3A_109 = arith.constant 2 : i32
        %dma_start3A_110 = arith.constant 2 : i32
        %dma_start3A_111 = arith.constant 0 : i32
        %dma_start3A_112 = arith.constant 0 : i32
        %dma_start3A_113 = tpu.memref_slice %arg20[%dma_start3A_110, %dma_start3A_111, %dma_start3A_112] : memref<4x128x16xf32, #tpu.memory_space<vmem>> -> memref<1x128x16xf32, #tpu.memory_space<vmem>>
        %dma_start3A_114 = tpu.memref_squeeze %dma_start3A_113 : memref<1x128x16xf32, #tpu.memory_space<vmem>> -> memref<128x16xf32, #tpu.memory_space<vmem>>
        %dma_start3A_115 = arith.constant 0 : i32
        %dma_start3A_116 = tpu.memref_slice %arg15[%dma_start3A_109, %dma_start3A_115] : memref<4x128xi32, #tpu.memory_space<vmem>> -> memref<1x128xi32, #tpu.memory_space<vmem>>
        %dma_start3A_117 = tpu.memref_squeeze %dma_start3A_116 : memref<1x128xi32, #tpu.memory_space<vmem>> -> memref<128xi32, #tpu.memory_space<vmem>>
        %dma_start3A_118 = arith.constant 0 : i32
        %dma_start3A_119 = arith.constant 0 : i32
        %dma_start3A_120 = tpu.memref_slice %arg11[%dma_start3A_118, %dma_start3A_119] : memref<100352x16xf32, #tpu.memory_space<hbm>> -> memref<100352x16xf32, #tpu.memory_space<hbm>>
        tpu.enqueue_indirect_dma source(%dma_start3A_120 : memref<100352x16xf32, #tpu.memory_space<hbm>>) target(%dma_start3A_114 : memref<128x16xf32, #tpu.memory_space<vmem>>) offsets(%dma_start3A_117 : memref<128xi32, #tpu.memory_space<vmem>>) semaphore(%arg24 : memref<!tpu.dma_semaphore, #tpu.memory_space<semaphore_mem>>)
        %dma_start3A_121 = arith.constant 3 : i32
        %dma_start3A_122 = arith.constant 3 : i32
        %dma_start3A_123 = arith.constant 0 : i32
        %dma_start3A_124 = arith.constant 0 : i32
        %dma_start3A_125 = tpu.memref_slice %arg20[%dma_start3A_122, %dma_start3A_123, %dma_start3A_124] : memref<4x128x16xf32, #tpu.memory_space<vmem>> -> memref<1x128x16xf32, #tpu.memory_space<vmem>>
        %dma_start3A_126 = tpu.memref_squeeze %dma_start3A_125 : memref<1x128x16xf32, #tpu.memory_space<vmem>> -> memref<128x16xf32, #tpu.memory_space<vmem>>
        %dma_start3A_127 = arith.constant 0 : i32
        %dma_start3A_128 = tpu.memref_slice %arg15[%dma_start3A_121, %dma_start3A_127] : memref<4x128xi32, #tpu.memory_space<vmem>> -> memref<1x128xi32, #tpu.memory_space<vmem>>
        %dma_start3A_129 = tpu.memref_squeeze %dma_start3A_128 : memref<1x128xi32, #tpu.memory_space<vmem>> -> memref<128xi32, #tpu.memory_space<vmem>>
        %dma_start3A_130 = arith.constant 0 : i32
        %dma_start3A_131 = arith.constant 0 : i32
        %dma_start3A_132 = tpu.memref_slice %arg11[%dma_start3A_130, %dma_start3A_131] : memref<100352x16xf32, #tpu.memory_space<hbm>> -> memref<100352x16xf32, #tpu.memory_space<hbm>>
        tpu.enqueue_indirect_dma source(%dma_start3A_132 : memref<100352x16xf32, #tpu.memory_space<hbm>>) target(%dma_start3A_126 : memref<128x16xf32, #tpu.memory_space<vmem>>) offsets(%dma_start3A_129 : memref<128xi32, #tpu.memory_space<vmem>>) semaphore(%arg24 : memref<!tpu.dma_semaphore, #tpu.memory_space<semaphore_mem>>)
        %dma_wait3A = arith.constant 0 : i32
        %dma_wait3A_133 = arith.constant 0 : i32
        %dma_wait3A_134 = arith.constant 0 : i32
        %dma_wait3A_135 = arith.constant 0 : i32
        %dma_wait3A_136 = tpu.memref_slice %arg20[%dma_wait3A_133, %dma_wait3A_134, %dma_wait3A_135] : memref<4x128x16xf32, #tpu.memory_space<vmem>> -> memref<1x128x16xf32, #tpu.memory_space<vmem>>
        %dma_wait3A_137 = tpu.memref_squeeze %dma_wait3A_136 : memref<1x128x16xf32, #tpu.memory_space<vmem>> -> memref<128x16xf32, #tpu.memory_space<vmem>>
        %dma_wait3A_138 = arith.constant 0 : i32
        %dma_wait3A_139 = tpu.memref_slice %arg15[%dma_wait3A, %dma_wait3A_138] : memref<4x128xi32, #tpu.memory_space<vmem>> -> memref<1x128xi32, #tpu.memory_space<vmem>>
        %dma_wait3A_140 = tpu.memref_squeeze %dma_wait3A_139 : memref<1x128xi32, #tpu.memory_space<vmem>> -> memref<128xi32, #tpu.memory_space<vmem>>
        %dma_wait3A_141 = arith.constant 0 : i32
        %dma_wait3A_142 = arith.constant 0 : i32
        %dma_wait3A_143 = tpu.memref_slice %arg11[%dma_wait3A_141, %dma_wait3A_142] : memref<100352x16xf32, #tpu.memory_space<hbm>> -> memref<100352x16xf32, #tpu.memory_space<hbm>>
        tpu.wait_indirect_dma semaphore(%arg24 : memref<!tpu.dma_semaphore, #tpu.memory_space<semaphore_mem>>) src(%dma_wait3A_143 : memref<100352x16xf32, #tpu.memory_space<hbm>>) dst(%dma_wait3A_137 : memref<128x16xf32, #tpu.memory_space<vmem>>)
        %dma_wait3A_144 = arith.constant 1 : i32
        %dma_wait3A_145 = arith.constant 1 : i32
        %dma_wait3A_146 = arith.constant 0 : i32
        %dma_wait3A_147 = arith.constant 0 : i32
        %dma_wait3A_148 = tpu.memref_slice %arg20[%dma_wait3A_145, %dma_wait3A_146, %dma_wait3A_147] : memref<4x128x16xf32, #tpu.memory_space<vmem>> -> memref<1x128x16xf32, #tpu.memory_space<vmem>>
        %dma_wait3A_149 = tpu.memref_squeeze %dma_wait3A_148 : memref<1x128x16xf32, #tpu.memory_space<vmem>> -> memref<128x16xf32, #tpu.memory_space<vmem>>
        %dma_wait3A_150 = arith.constant 0 : i32
        %dma_wait3A_151 = tpu.memref_slice %arg15[%dma_wait3A_144, %dma_wait3A_150] : memref<4x128xi32, #tpu.memory_space<vmem>> -> memref<1x128xi32, #tpu.memory_space<vmem>>
        %dma_wait3A_152 = tpu.memref_squeeze %dma_wait3A_151 : memref<1x128xi32, #tpu.memory_space<vmem>> -> memref<128xi32, #tpu.memory_space<vmem>>
        %dma_wait3A_153 = arith.constant 0 : i32
        %dma_wait3A_154 = arith.constant 0 : i32
        %dma_wait3A_155 = tpu.memref_slice %arg11[%dma_wait3A_153, %dma_wait3A_154] : memref<100352x16xf32, #tpu.memory_space<hbm>> -> memref<100352x16xf32, #tpu.memory_space<hbm>>
        tpu.wait_indirect_dma semaphore(%arg24 : memref<!tpu.dma_semaphore, #tpu.memory_space<semaphore_mem>>) src(%dma_wait3A_155 : memref<100352x16xf32, #tpu.memory_space<hbm>>) dst(%dma_wait3A_149 : memref<128x16xf32, #tpu.memory_space<vmem>>)
        %dma_wait3A_156 = arith.constant 2 : i32
        %dma_wait3A_157 = arith.constant 2 : i32
        %dma_wait3A_158 = arith.constant 0 : i32
        %dma_wait3A_159 = arith.constant 0 : i32
        %dma_wait3A_160 = tpu.memref_slice %arg20[%dma_wait3A_157, %dma_wait3A_158, %dma_wait3A_159] : memref<4x128x16xf32, #tpu.memory_space<vmem>> -> memref<1x128x16xf32, #tpu.memory_space<vmem>>
        %dma_wait3A_161 = tpu.memref_squeeze %dma_wait3A_160 : memref<1x128x16xf32, #tpu.memory_space<vmem>> -> memref<128x16xf32, #tpu.memory_space<vmem>>
        %dma_wait3A_162 = arith.constant 0 : i32
        %dma_wait3A_163 = tpu.memref_slice %arg15[%dma_wait3A_156, %dma_wait3A_162] : memref<4x128xi32, #tpu.memory_space<vmem>> -> memref<1x128xi32, #tpu.memory_space<vmem>>
        %dma_wait3A_164 = tpu.memref_squeeze %dma_wait3A_163 : memref<1x128xi32, #tpu.memory_space<vmem>> -> memref<128xi32, #tpu.memory_space<vmem>>
        %dma_wait3A_165 = arith.constant 0 : i32
        %dma_wait3A_166 = arith.constant 0 : i32
        %dma_wait3A_167 = tpu.memref_slice %arg11[%dma_wait3A_165, %dma_wait3A_166] : memref<100352x16xf32, #tpu.memory_space<hbm>> -> memref<100352x16xf32, #tpu.memory_space<hbm>>
        tpu.wait_indirect_dma semaphore(%arg24 : memref<!tpu.dma_semaphore, #tpu.memory_space<semaphore_mem>>) src(%dma_wait3A_167 : memref<100352x16xf32, #tpu.memory_space<hbm>>) dst(%dma_wait3A_161 : memref<128x16xf32, #tpu.memory_space<vmem>>)
        %dma_wait3A_168 = arith.constant 3 : i32
        %dma_wait3A_169 = arith.constant 3 : i32
        %dma_wait3A_170 = arith.constant 0 : i32
        %dma_wait3A_171 = arith.constant 0 : i32
        %dma_wait3A_172 = tpu.memref_slice %arg20[%dma_wait3A_169, %dma_wait3A_170, %dma_wait3A_171] : memref<4x128x16xf32, #tpu.memory_space<vmem>> -> memref<1x128x16xf32, #tpu.memory_space<vmem>>
        %dma_wait3A_173 = tpu.memref_squeeze %dma_wait3A_172 : memref<1x128x16xf32, #tpu.memory_space<vmem>> -> memref<128x16xf32, #tpu.memory_space<vmem>>
        %dma_wait3A_174 = arith.constant 0 : i32
        %dma_wait3A_175 = tpu.memref_slice %arg15[%dma_wait3A_168, %dma_wait3A_174] : memref<4x128xi32, #tpu.memory_space<vmem>> -> memref<1x128xi32, #tpu.memory_space<vmem>>
        %dma_wait3A_176 = tpu.memref_squeeze %dma_wait3A_175 : memref<1x128xi32, #tpu.memory_space<vmem>> -> memref<128xi32, #tpu.memory_space<vmem>>
        %dma_wait3A_177 = arith.constant 0 : i32
        %dma_wait3A_178 = arith.constant 0 : i32
        %dma_wait3A_179 = tpu.memref_slice %arg11[%dma_wait3A_177, %dma_wait3A_178] : memref<100352x16xf32, #tpu.memory_space<hbm>> -> memref<100352x16xf32, #tpu.memory_space<hbm>>
        tpu.wait_indirect_dma semaphore(%arg24 : memref<!tpu.dma_semaphore, #tpu.memory_space<semaphore_mem>>) src(%dma_wait3A_179 : memref<100352x16xf32, #tpu.memory_space<hbm>>) dst(%dma_wait3A_173 : memref<128x16xf32, #tpu.memory_space<vmem>>)
        %dma_start3A_180 = arith.constant 0 : i32
        %dma_start3A_181 = arith.constant 0 : i32
        %dma_start3A_182 = arith.constant 0 : i32
        %dma_start3A_183 = tpu.memref_slice %arg20[%dma_start3A_180, %dma_start3A_181, %dma_start3A_182] : memref<4x128x16xf32, #tpu.memory_space<vmem>> -> memref<1x128x16xf32, #tpu.memory_space<vmem>>
        %dma_start3A_184 = tpu.memref_squeeze %dma_start3A_183 : memref<1x128x16xf32, #tpu.memory_space<vmem>> -> memref<128x16xf32, #tpu.memory_space<vmem>>
        %dma_start3A_185 = arith.constant 0 : i32
        %dma_start3A_186 = arith.constant 0 : i32
        %dma_start3A_187 = tpu.memref_slice %arg14[%dma_start3A_185, %dma_start3A_186] : memref<100352x16xf32, #tpu.memory_space<vmem_shared>> -> memref<100352x16xf32, #tpu.memory_space<vmem_shared>>
        tpu.enqueue_indirect_dma source(%dma_start3A_184 : memref<128x16xf32, #tpu.memory_space<vmem>>) target(%dma_start3A_187 : memref<100352x16xf32, #tpu.memory_space<vmem_shared>>) offsets(%arg16 : memref<128xi32, #tpu.memory_space<vmem>>) semaphore(%arg25 : memref<!tpu.dma_semaphore, #tpu.memory_space<semaphore_mem>>) {add = true}
        %dma_start3A_188 = arith.constant 1 : i32
        %dma_start3A_189 = arith.constant 0 : i32
        %dma_start3A_190 = arith.constant 0 : i32
        %dma_start3A_191 = tpu.memref_slice %arg20[%dma_start3A_188, %dma_start3A_189, %dma_start3A_190] : memref<4x128x16xf32, #tpu.memory_space<vmem>> -> memref<1x128x16xf32, #tpu.memory_space<vmem>>
        %dma_start3A_192 = tpu.memref_squeeze %dma_start3A_191 : memref<1x128x16xf32, #tpu.memory_space<vmem>> -> memref<128x16xf32, #tpu.memory_space<vmem>>
        %dma_start3A_193 = arith.constant 0 : i32
        %dma_start3A_194 = arith.constant 0 : i32
        %dma_start3A_195 = tpu.memref_slice %arg14[%dma_start3A_193, %dma_start3A_194] : memref<100352x16xf32, #tpu.memory_space<vmem_shared>> -> memref<100352x16xf32, #tpu.memory_space<vmem_shared>>
        tpu.enqueue_indirect_dma source(%dma_start3A_192 : memref<128x16xf32, #tpu.memory_space<vmem>>) target(%dma_start3A_195 : memref<100352x16xf32, #tpu.memory_space<vmem_shared>>) offsets(%arg17 : memref<128xi32, #tpu.memory_space<vmem>>) semaphore(%arg25 : memref<!tpu.dma_semaphore, #tpu.memory_space<semaphore_mem>>) {add = true}
        %dma_start3A_196 = arith.constant 2 : i32
        %dma_start3A_197 = arith.constant 0 : i32
        %dma_start3A_198 = arith.constant 0 : i32
        %dma_start3A_199 = tpu.memref_slice %arg20[%dma_start3A_196, %dma_start3A_197, %dma_start3A_198] : memref<4x128x16xf32, #tpu.memory_space<vmem>> -> memref<1x128x16xf32, #tpu.memory_space<vmem>>
        %dma_start3A_200 = tpu.memref_squeeze %dma_start3A_199 : memref<1x128x16xf32, #tpu.memory_space<vmem>> -> memref<128x16xf32, #tpu.memory_space<vmem>>
        %dma_start3A_201 = arith.constant 0 : i32
        %dma_start3A_202 = arith.constant 0 : i32
        %dma_start3A_203 = tpu.memref_slice %arg14[%dma_start3A_201, %dma_start3A_202] : memref<100352x16xf32, #tpu.memory_space<vmem_shared>> -> memref<100352x16xf32, #tpu.memory_space<vmem_shared>>
        tpu.enqueue_indirect_dma source(%dma_start3A_200 : memref<128x16xf32, #tpu.memory_space<vmem>>) target(%dma_start3A_203 : memref<100352x16xf32, #tpu.memory_space<vmem_shared>>) offsets(%arg18 : memref<128xi32, #tpu.memory_space<vmem>>) semaphore(%arg25 : memref<!tpu.dma_semaphore, #tpu.memory_space<semaphore_mem>>) {add = true}
        %dma_start3A_204 = arith.constant 3 : i32
        %dma_start3A_205 = arith.constant 0 : i32
        %dma_start3A_206 = arith.constant 0 : i32
        %dma_start3A_207 = tpu.memref_slice %arg20[%dma_start3A_204, %dma_start3A_205, %dma_start3A_206] : memref<4x128x16xf32, #tpu.memory_space<vmem>> -> memref<1x128x16xf32, #tpu.memory_space<vmem>>
        %dma_start3A_208 = tpu.memref_squeeze %dma_start3A_207 : memref<1x128x16xf32, #tpu.memory_space<vmem>> -> memref<128x16xf32, #tpu.memory_space<vmem>>
        %dma_start3A_209 = arith.constant 0 : i32
        %dma_start3A_210 = arith.constant 0 : i32
        %dma_start3A_211 = tpu.memref_slice %arg14[%dma_start3A_209, %dma_start3A_210] : memref<100352x16xf32, #tpu.memory_space<vmem_shared>> -> memref<100352x16xf32, #tpu.memory_space<vmem_shared>>
        tpu.enqueue_indirect_dma source(%dma_start3A_208 : memref<128x16xf32, #tpu.memory_space<vmem>>) target(%dma_start3A_211 : memref<100352x16xf32, #tpu.memory_space<vmem_shared>>) offsets(%arg19 : memref<128xi32, #tpu.memory_space<vmem>>) semaphore(%arg25 : memref<!tpu.dma_semaphore, #tpu.memory_space<semaphore_mem>>) {add = true}
        %dma_wait3A_212 = arith.constant 0 : i32
        %dma_wait3A_213 = arith.constant 0 : i32
        %dma_wait3A_214 = arith.constant 0 : i32
        %dma_wait3A_215 = tpu.memref_slice %arg20[%dma_wait3A_212, %dma_wait3A_213, %dma_wait3A_214] : memref<4x128x16xf32, #tpu.memory_space<vmem>> -> memref<1x128x16xf32, #tpu.memory_space<vmem>>
        %dma_wait3A_216 = tpu.memref_squeeze %dma_wait3A_215 : memref<1x128x16xf32, #tpu.memory_space<vmem>> -> memref<128x16xf32, #tpu.memory_space<vmem>>
        %dma_wait3A_217 = arith.constant 0 : i32
        %dma_wait3A_218 = arith.constant 0 : i32
        %dma_wait3A_219 = tpu.memref_slice %arg14[%dma_wait3A_217, %dma_wait3A_218] : memref<100352x16xf32, #tpu.memory_space<vmem_shared>> -> memref<100352x16xf32, #tpu.memory_space<vmem_shared>>
        tpu.wait_indirect_dma semaphore(%arg25 : memref<!tpu.dma_semaphore, #tpu.memory_space<semaphore_mem>>) src(%dma_wait3A_216 : memref<128x16xf32, #tpu.memory_space<vmem>>) dst(%dma_wait3A_219 : memref<100352x16xf32, #tpu.memory_space<vmem_shared>>)
        %dma_wait3A_220 = arith.constant 1 : i32
        %dma_wait3A_221 = arith.constant 0 : i32
        %dma_wait3A_222 = arith.constant 0 : i32
        %dma_wait3A_223 = tpu.memref_slice %arg20[%dma_wait3A_220, %dma_wait3A_221, %dma_wait3A_222] : memref<4x128x16xf32, #tpu.memory_space<vmem>> -> memref<1x128x16xf32, #tpu.memory_space<vmem>>
        %dma_wait3A_224 = tpu.memref_squeeze %dma_wait3A_223 : memref<1x128x16xf32, #tpu.memory_space<vmem>> -> memref<128x16xf32, #tpu.memory_space<vmem>>
        %dma_wait3A_225 = arith.constant 0 : i32
        %dma_wait3A_226 = arith.constant 0 : i32
        %dma_wait3A_227 = tpu.memref_slice %arg14[%dma_wait3A_225, %dma_wait3A_226] : memref<100352x16xf32, #tpu.memory_space<vmem_shared>> -> memref<100352x16xf32, #tpu.memory_space<vmem_shared>>
        tpu.wait_indirect_dma semaphore(%arg25 : memref<!tpu.dma_semaphore, #tpu.memory_space<semaphore_mem>>) src(%dma_wait3A_224 : memref<128x16xf32, #tpu.memory_space<vmem>>) dst(%dma_wait3A_227 : memref<100352x16xf32, #tpu.memory_space<vmem_shared>>)
        %dma_wait3A_228 = arith.constant 2 : i32
        %dma_wait3A_229 = arith.constant 0 : i32
        %dma_wait3A_230 = arith.constant 0 : i32
        %dma_wait3A_231 = tpu.memref_slice %arg20[%dma_wait3A_228, %dma_wait3A_229, %dma_wait3A_230] : memref<4x128x16xf32, #tpu.memory_space<vmem>> -> memref<1x128x16xf32, #tpu.memory_space<vmem>>
        %dma_wait3A_232 = tpu.memref_squeeze %dma_wait3A_231 : memref<1x128x16xf32, #tpu.memory_space<vmem>> -> memref<128x16xf32, #tpu.memory_space<vmem>>
        %dma_wait3A_233 = arith.constant 0 : i32
        %dma_wait3A_234 = arith.constant 0 : i32
        %dma_wait3A_235 = tpu.memref_slice %arg14[%dma_wait3A_233, %dma_wait3A_234] : memref<100352x16xf32, #tpu.memory_space<vmem_shared>> -> memref<100352x16xf32, #tpu.memory_space<vmem_shared>>
        tpu.wait_indirect_dma semaphore(%arg25 : memref<!tpu.dma_semaphore, #tpu.memory_space<semaphore_mem>>) src(%dma_wait3A_232 : memref<128x16xf32, #tpu.memory_space<vmem>>) dst(%dma_wait3A_235 : memref<100352x16xf32, #tpu.memory_space<vmem_shared>>)
        %dma_wait3A_236 = arith.constant 3 : i32
        %dma_wait3A_237 = arith.constant 0 : i32
        %dma_wait3A_238 = arith.constant 0 : i32
        %dma_wait3A_239 = tpu.memref_slice %arg20[%dma_wait3A_236, %dma_wait3A_237, %dma_wait3A_238] : memref<4x128x16xf32, #tpu.memory_space<vmem>> -> memref<1x128x16xf32, #tpu.memory_space<vmem>>
        %dma_wait3A_240 = tpu.memref_squeeze %dma_wait3A_239 : memref<1x128x16xf32, #tpu.memory_space<vmem>> -> memref<128x16xf32, #tpu.memory_space<vmem>>
        %dma_wait3A_241 = arith.constant 0 : i32
        %dma_wait3A_242 = arith.constant 0 : i32
        %dma_wait3A_243 = tpu.memref_slice %arg14[%dma_wait3A_241, %dma_wait3A_242] : memref<100352x16xf32, #tpu.memory_space<vmem_shared>> -> memref<100352x16xf32, #tpu.memory_space<vmem_shared>>
        tpu.wait_indirect_dma semaphore(%arg25 : memref<!tpu.dma_semaphore, #tpu.memory_space<semaphore_mem>>) src(%dma_wait3A_240 : memref<128x16xf32, #tpu.memory_space<vmem>>) dst(%dma_wait3A_243 : memref<100352x16xf32, #tpu.memory_space<vmem_shared>>)
      }
      %scan3A_62 = arith.constant 200 : i32
      %barrier3A_63 = arith.constant 0 : index
      tpu.barrier barrier_id(%barrier3A_63)
      %scan3A_64 = arith.constant 0 : i32
      %scan3A_65 = arith.constant 0 : i32
      %scan3A_66 = arith.constant 49 : i32
      %scan3A_67 = arith.addi %scan3A_65, %scan3A_66 : i32
      %scan3A_68 = arith.constant 1 : i32
      scf.for %scan3A_70 = %scan3A_65 to %scan3A_67 step %scan3A_68  : i32 {
        %mul3A_71 = arith.constant 128 : i32
        %mul3A_72 = arith.muli %scan3A_70, %mul3A_71 : i32
        %add3A = arith.addi %mul3A_7, %mul3A_72 : i32
        "tpu.region"() ({
          %run_scoped3A_79 = tpu.sem_alloc : memref<!tpu.dma_semaphore, #tpu.memory_space<semaphore_mem>>
          %dma_start3A = arith.constant 0 : i32
          %dma_start3A_80 = tpu.memref_slice %arg14[%add3A, %dma_start3A] : memref<100352x16xf32, #tpu.memory_space<vmem_shared>> -> memref<128x16xf32, #tpu.memory_space<vmem_shared>>
          %dma_start3A_81 = arith.constant 0 : i32
          %dma_start3A_82 = tpu.memref_slice %arg14[%add3A, %dma_start3A_81] : memref<100352x16xf32, #tpu.memory_space<vmem_shared>> -> memref<128x16xf32, #tpu.memory_space<vmem_shared>>
          tpu.enqueue_dma source(%dma_start3A_82 : memref<128x16xf32, #tpu.memory_space<vmem_shared>>) target(%arg22 : memref<128x16xf32, #tpu.memory_space<vmem>>) target_semaphore(%run_scoped3A_79 : memref<!tpu.dma_semaphore, #tpu.memory_space<semaphore_mem>>)
          %dma_wait3A = arith.constant 0 : i32
          %dma_wait3A_83 = tpu.memref_slice %arg14[%add3A, %dma_wait3A] : memref<100352x16xf32, #tpu.memory_space<vmem_shared>> -> memref<128x16xf32, #tpu.memory_space<vmem_shared>>
          %dma_wait3A_84 = arith.constant 0 : i32
          %dma_wait3A_85 = tpu.memref_slice %arg14[%add3A, %dma_wait3A_84] : memref<100352x16xf32, #tpu.memory_space<vmem_shared>> -> memref<128x16xf32, #tpu.memory_space<vmem_shared>>
          tpu.wait_dma2 semaphore(%run_scoped3A_79 : memref<!tpu.dma_semaphore, #tpu.memory_space<semaphore_mem>>) src(%dma_wait3A_85 : memref<128x16xf32, #tpu.memory_space<vmem_shared>>) dst(%arg22 : memref<128x16xf32, #tpu.memory_space<vmem>>)
          tpu.yield
        }) : () -> ()
        "tpu.region"() ({
          %run_scoped3A_79 = tpu.sem_alloc : memref<!tpu.dma_semaphore, #tpu.memory_space<semaphore_mem>>
          %dma_start3A = arith.constant 0 : i32
          %dma_start3A_80 = tpu.memref_slice %arg9[%add3A, %dma_start3A] : memref<100352x16xf32, #tpu.memory_space<hbm>> -> memref<128x16xf32, #tpu.memory_space<hbm>>
          %dma_start3A_81 = arith.constant 0 : i32
          %dma_start3A_82 = tpu.memref_slice %arg9[%add3A, %dma_start3A_81] : memref<100352x16xf32, #tpu.memory_space<hbm>> -> memref<128x16xf32, #tpu.memory_space<hbm>>
          tpu.enqueue_dma source(%dma_start3A_82 : memref<128x16xf32, #tpu.memory_space<hbm>>) target(%arg23 : memref<128x16xf32, #tpu.memory_space<vmem>>) target_semaphore(%run_scoped3A_79 : memref<!tpu.dma_semaphore, #tpu.memory_space<semaphore_mem>>)
          %dma_wait3A = arith.constant 0 : i32
          %dma_wait3A_83 = tpu.memref_slice %arg9[%add3A, %dma_wait3A] : memref<100352x16xf32, #tpu.memory_space<hbm>> -> memref<128x16xf32, #tpu.memory_space<hbm>>
          %dma_wait3A_84 = arith.constant 0 : i32
          %dma_wait3A_85 = tpu.memref_slice %arg9[%add3A, %dma_wait3A_84] : memref<100352x16xf32, #tpu.memory_space<hbm>> -> memref<128x16xf32, #tpu.memory_space<hbm>>
          tpu.wait_dma2 semaphore(%run_scoped3A_79 : memref<!tpu.dma_semaphore, #tpu.memory_space<semaphore_mem>>) src(%dma_wait3A_85 : memref<128x16xf32, #tpu.memory_space<hbm>>) dst(%arg23 : memref<128x16xf32, #tpu.memory_space<vmem>>)
          tpu.yield
        }) : () -> ()
        "tpu.region"() ({
          %run_scoped3A_79 = tpu.sem_alloc : memref<!tpu.dma_semaphore, #tpu.memory_space<semaphore_mem>>
          %dma_start3A = arith.constant 0 : i32
          %dma_start3A_80 = tpu.memref_slice %arg13[%add3A, %dma_start3A] : memref<100352x16xf32, #tpu.memory_space<hbm>> -> memref<128x16xf32, #tpu.memory_space<hbm>>
          %dma_start3A_81 = arith.constant 0 : i32
          %dma_start3A_82 = tpu.memref_slice %arg13[%add3A, %dma_start3A_81] : memref<100352x16xf32, #tpu.memory_space<hbm>> -> memref<128x16xf32, #tpu.memory_space<hbm>>
          tpu.enqueue_dma source(%dma_start3A_82 : memref<128x16xf32, #tpu.memory_space<hbm>>) target(%arg21 : memref<128x16xf32, #tpu.memory_space<vmem>>) target_semaphore(%run_scoped3A_79 : memref<!tpu.dma_semaphore, #tpu.memory_space<semaphore_mem>>)
          %dma_wait3A = arith.constant 0 : i32
          %dma_wait3A_83 = tpu.memref_slice %arg13[%add3A, %dma_wait3A] : memref<100352x16xf32, #tpu.memory_space<hbm>> -> memref<128x16xf32, #tpu.memory_space<hbm>>
          %dma_wait3A_84 = arith.constant 0 : i32
          %dma_wait3A_85 = tpu.memref_slice %arg13[%add3A, %dma_wait3A_84] : memref<100352x16xf32, #tpu.memory_space<hbm>> -> memref<128x16xf32, #tpu.memory_space<hbm>>
          tpu.wait_dma2 semaphore(%run_scoped3A_79 : memref<!tpu.dma_semaphore, #tpu.memory_space<semaphore_mem>>) src(%dma_wait3A_85 : memref<128x16xf32, #tpu.memory_space<hbm>>) dst(%arg21 : memref<128x16xf32, #tpu.memory_space<vmem>>)
          tpu.yield
        }) : () -> ()
        %scan3A_73 = arith.constant 0 : i32
        %scan3A_74 = arith.constant 0 : i32
        %scan3A_75 = arith.constant 128 : i32
        %scan3A_76 = arith.addi %scan3A_74, %scan3A_75 : i32
        %scan3A_77 = arith.constant 1 : i32
        scf.for %scan3A_79 = %scan3A_74 to %scan3A_76 step %scan3A_77  : i32 {
          %get3A = arith.index_cast %scan3A_79 : i32 to index
          %get3A_80 = arith.constant 0 : index
          %get3A_81 = tpu.vector_load %arg22[%get3A, %get3A_80] {strides = array<i32>} : memref<128x16xf32, #tpu.memory_space<vmem>>, vector<1x16xf32>,
          %get3A_82 = vector.shape_cast %get3A_81 : vector<1x16xf32> to vector<16xf32>
          %get3A_83 = arith.index_cast %scan3A_79 : i32 to index
          %get3A_84 = arith.constant 0 : index
          %get3A_85 = tpu.vector_load %arg21[%get3A_83, %get3A_84] {strides = array<i32>} : memref<128x16xf32, #tpu.memory_space<vmem>>, vector<1x16xf32>,
          %get3A_86 = vector.shape_cast %get3A_85 : vector<1x16xf32> to vector<16xf32>
          %get3A_87 = arith.index_cast %scan3A_79 : i32 to index
          %get3A_88 = arith.constant 0 : index
          %get3A_89 = tpu.vector_load %arg23[%get3A_87, %get3A_88] {strides = array<i32>} : memref<128x16xf32, #tpu.memory_space<vmem>>, vector<1x16xf32>,
          %get3A_90 = vector.shape_cast %get3A_89 : vector<1x16xf32> to vector<16xf32>
          %mul3A_91 = arith.constant 2.500000e-01 : f32
          %mul3A_92 = vector.broadcast %mul3A_91 : f32 to vector<16xf32>
          %mul3A_93 = arith.mulf %mul3A_92, %get3A_86 : vector<16xf32>
          %mul3A_94 = arith.mulf %mul3A_93, %get3A_82 : vector<16xf32>
          %add3A_95 = arith.addf %get3A_90, %mul3A_94 : vector<16xf32>
          %swap3A = arith.index_cast %scan3A_79 : i32 to index
          %swap3A_96 = arith.constant 0 : index
          %swap3A_97 = tpu.vector_load %arg23[%swap3A, %swap3A_96] {strides = array<i32>} : memref<128x16xf32, #tpu.memory_space<vmem>>, vector<1x16xf32>,
          %swap3A_98 = vector.shape_cast %swap3A_97 : vector<1x16xf32> to vector<16xf32>
          %swap3A_99 = vector.shape_cast %add3A_95 : vector<16xf32> to vector<1x16xf32>
          tpu.vector_store %arg23[%swap3A, %swap3A_96], %swap3A_99 {strides = array<i32>} : memref<128x16xf32, #tpu.memory_space<vmem>>, vector<1x16xf32>,
        }
        %scan3A_78 = arith.constant 128 : i32
        "tpu.region"() ({
          %run_scoped3A_79 = tpu.sem_alloc : memref<!tpu.dma_semaphore, #tpu.memory_space<semaphore_mem>>
          %dma_start3A = arith.constant 0 : i32
          %dma_start3A_80 = tpu.memref_slice %arg9[%add3A, %dma_start3A] : memref<100352x16xf32, #tpu.memory_space<hbm>> -> memref<128x16xf32, #tpu.memory_space<hbm>>
          %dma_start3A_81 = arith.constant 0 : i32
          %dma_start3A_82 = tpu.memref_slice %arg9[%add3A, %dma_start3A_81] : memref<100352x16xf32, #tpu.memory_space<hbm>> -> memref<128x16xf32, #tpu.memory_space<hbm>>
          tpu.enqueue_dma source(%arg23 : memref<128x16xf32, #tpu.memory_space<vmem>>) target(%dma_start3A_82 : memref<128x16xf32, #tpu.memory_space<hbm>>) target_semaphore(%run_scoped3A_79 : memref<!tpu.dma_semaphore, #tpu.memory_space<semaphore_mem>>)
          %dma_wait3A = arith.constant 0 : i32
          %dma_wait3A_83 = tpu.memref_slice %arg9[%add3A, %dma_wait3A] : memref<100352x16xf32, #tpu.memory_space<hbm>> -> memref<128x16xf32, #tpu.memory_space<hbm>>
          %dma_wait3A_84 = arith.constant 0 : i32
          %dma_wait3A_85 = tpu.memref_slice %arg9[%add3A, %dma_wait3A_84] : memref<100352x16xf32, #tpu.memory_space<hbm>> -> memref<128x16xf32, #tpu.memory_space<hbm>>
          tpu.wait_dma2 semaphore(%run_scoped3A_79 : memref<!tpu.dma_semaphore, #tpu.memory_space<semaphore_mem>>) src(%arg23 : memref<128x16xf32, #tpu.memory_space<vmem>>) dst(%dma_wait3A_85 : memref<128x16xf32, #tpu.memory_space<hbm>>)
          tpu.yield
        }) : () -> ()
      }
      %scan3A_69 = arith.constant 49 : i32
    } else {
    }
    return
  }
}

</mosaic_0001>

<sc_bundles>
// kernel: kernel.3.cloned.1.call-start
scs
__scs_entry_jumppad:
0x0: {  	(pc) =	sbr.rel $0x88, $3  }
0x1: {  	(tag) =	ssettag $0x0;
	lr =	simm.s32 $0x1  }
0x2: {  	[smem:$0x3F9C] =	sst lr;
	_ =	strace $0xD0000000  }
0x3: {  	_ = 	snop  }
0x4: {  	_ = 	snop  }
0x5: {  	_ = 	snop  }
0x6: {  	_ = 	snop  }
0x7: {  	_ = 	snop  }
__scs_overlays_trampoline_lowered:
0x8: {  	[smem:$0x3FAB] =	sst s0  }
0x9: {  	[smem:$0x3FAC] =	sst s1  }
0xa: {  	[smem:$0x3FAD] =	sst s2  }
0xb: {  	[smem:$0x3FAE] =	sst s3  }
0xc: {  	[smem:$0x3FAF] =	sst s4  }
0xd: {  	[smem:$0x3FB0] =	sst s5  }
0xe: {  	[smem:$0x3FB1] =	sst s6  }
0xf: {  	[smem:$0x3FB2] =	sst s7  }
0x10: {  	[smem:$0x3FB3] =	sst s8  }
0x11: {  	[smem:$0x3FB4] =	sst s9;
	s0 =	simm.s32 @!p0 $0x0  }
0x12: {  	s1 =	sld [smem:$0x3F9A];
	s0 =	simm.s32 @p0 $0x1  }
0x13: {  	[smem:$0x3FB5] =	sst s0;
	s0 =	simm.s32 @!p1 $0x0  }
0x14: {  	s2 =	sld [smem:$0x3F99];
	s0 =	simm.s32 @p1 $0x1  }
0x15: {  	[smem:$0x3FB6] =	sst s0;
	s0 =	simm.s32 @!p2 $0x0  }
0x16: {  	s3 =	sld [smem:$0x3FDB];
	s0 =	simm.s32 @p2 $0x1  }
0x17: {  	s4 =	simm.s32 $0x1BF5;
	[smem:$0x3FB8] =	sst s0  }
0x18: {  	s0 =	sld [smem:$0x3F9B];
	_ =	swait.ge [sflag:s4], $0x0  }
0x19: {  	s7 =	sld [smem:$0x3F9C]  }
0x1a: {  	s8 =	sadd.s32 $0xFFFFE003, lr  }
0x1b: {  	s9 =	sadd.s32 $0xFFFFFEF7, lr;
	s5 =	simm.s32 $0xFFFFFFFF;
	p2 =	slt.u32 s8, $0xFFFFF086  }
0x1c: {  	p1 =	slt.u32 s9, $0xF7A;
	s5 =	simm.s32 @!p2 $0x0  }
0x1d: {  	s5 =	simm.s32 @p1 $0x1;
	p0 =	seq.s32 s7, s2  }
0x1e: {  	s7 =	smul.u32 @!p0 $0xF7A, s2;
	p2 =	seq.s32 @!p0 s5, $0x0  }
0x1f: {  	s9 =	smul.u32 $0xF7A, s1;
	s8 =	simm.s32 @!p0 $0x1BF5;
	p2 =	por !p2, p0  }
0x20: {  	[sflag:s8] =	ssyncset.s32 @!p0 $0xFFFFF086;
	s6 =	sadd.s32 @!p0 s3, s7;
	s7 =	simm.s32 @!p0 $0x108  }
0x21: {  	s3 =	sadd.s32 s3, s9;
	s6 =	sadd.s32 @!p0 $0x88, s6;
	s7 =	simm.s32 @p2 $0x1082  }
0x22: {  	[simem:s7], [sflag:s8] =	dma.local @!p0 [hbm:s6], $0xF7A  }
0x23: {  	s9 =	sor.u32 $0xD0000000, s2;
	s6 =	simm.s32 $0x108;
	_ =	swait.ge @!p0 [sflag:s8], $0x0  }
0x24: {  	s3 =	sadd.s32 $0x88, s3;
	s6 =	simm.s32 @!p1 $0x1082;
	[sflag:s4] =	ssyncset.s32 $0xFFFFF086  }
0x25: {  	[simem:s6], [sflag:s4] =	dma.local [hbm:s3], $0xF7A  }
0x26: {  	[smem:$0x3F9C] =	sst s1;
	(tag) =	ssettag s2;
	_ =	strace s9  }
0x27: {  	s1 =	sld [smem:$0x3FAC]  }
0x28: {  	s2 =	sld [smem:$0x3FAD]  }
0x29: {  	s4 =	sld [smem:$0x3FAF]  }
0x2a: {  	p0 =	seq.s32 s5, $0x0;
	s5 =	sld [smem:$0x3FB0]  }
0x2b: {  	s6 =	sld [smem:$0x3FB1]  }
0x2c: {  	s7 =	sld [smem:$0x3FB2]  }
0x2d: {  	s3 =	simm.s32 $0x108;
	s8 =	sld [smem:$0x3FB3]  }
0x2e: {  	s3 =	simm.s32 @!p0 $0x1082;
	s9 =	sld [smem:$0x3FB4]  }
0x2f: {  	lr =	sadd.s32 s0, s3;
	s0 =	sld [smem:$0x3FAB]  }
0x30: {  	s3 =	sld [smem:$0x3FAE]  }
0x31: {  	[smem:$0x3FB7] =	sst s10  }
0x32: {  	s10 =	sld [smem:$0x3FB5];
	_ =	sdelay $0x3  }
0x33: {  	p0 =	seq.s32 s10, $0x1;
	s10 =	sld [smem:$0x3FB7];
	_ =	sdelay $0x3  }
0x34: {  	[smem:$0x3FB7] =	sst s10  }
0x35: {  	s10 =	sld [smem:$0x3FB6];
	_ =	sdelay $0x3  }
0x36: {  	p1 =	seq.s32 s10, $0x1;
	s10 =	sld [smem:$0x3FB7];
	_ =	sdelay $0x3  }
0x37: {  	[smem:$0x3FB7] =	sst s10  }
0x38: {  	s10 =	sld [smem:$0x3FB8]  }
0x39: {  	_ = 	snop;
	(pc) =	sbr.ind lr, $3  }
0x3a: {  	_ = 	snop  }
0x3b: {  	_ = 	snop  }
0x3c: {  	p2 =	seq.s32 s10, $0x1;
	s10 =	sld [smem:$0x3FB7]  }
0x3d: {  	_ =	shalt  }
0x3e: {  	_ =	shalt  }
0x3f: {  	_ =	shalt  }
0x40: {  	_ =	shalt  }
0x41: {  	_ =	shalt  }
0x42: {  	_ =	shalt  }
0x43: {  	_ =	shalt  }
0x44: {  	_ =	shalt  }
0x45: {  	_ =	shalt  }
0x46: {  	_ =	shalt  }
0x47: {  	_ =	shalt  }
0x48: {  	_ =	shalt  }
0x49: {  	_ =	shalt  }
0x4a: {  	_ =	shalt  }
0x4b: {  	_ =	shalt  }
0x4c: {  	_ =	shalt  }
0x4d: {  	_ =	shalt  }
0x4e: {  	_ =	shalt  }
0x4f: {  	_ =	shalt  }
0x50: {  	_ =	shalt  }
0x51: {  	_ =	shalt  }
0x52: {  	_ =	shalt  }
0x53: {  	_ =	shalt  }
0x54: {  	_ =	shalt  }
0x55: {  	_ =	shalt  }
0x56: {  	_ =	shalt  }
0x57: {  	_ =	shalt  }
0x58: {  	_ =	shalt  }
0x59: {  	_ =	shalt  }
0x5a: {  	_ =	shalt  }
0x5b: {  	_ =	shalt  }
0x5c: {  	_ =	shalt  }
0x5d: {  	_ =	shalt  }
0x5e: {  	_ =	shalt  }
0x5f: {  	_ =	shalt  }
0x60: {  	_ =	shalt  }
0x61: {  	_ =	shalt  }
0x62: {  	_ =	shalt  }
0x63: {  	_ =	shalt  }
0x64: {  	_ =	shalt  }
0x65: {  	_ =	shalt  }
0x66: {  	_ =	shalt  }
0x67: {  	_ =	shalt  }
0x68: {  	_ =	shalt  }
0x69: {  	_ =	shalt  }
0x6a: {  	_ =	shalt  }
0x6b: {  	_ =	shalt  }
0x6c: {  	_ =	shalt  }
0x6d: {  	_ =	shalt  }
0x6e: {  	_ =	shalt  }
0x6f: {  	_ =	shalt  }
0x70: {  	_ =	shalt  }
0x71: {  	_ =	shalt  }
0x72: {  	_ =	shalt  }
0x73: {  	_ =	shalt  }
0x74: {  	_ =	shalt  }
0x75: {  	_ =	shalt  }
0x76: {  	_ =	shalt  }
0x77: {  	_ =	shalt  }
0x78: {  	_ =	shalt  }
0x79: {  	_ =	shalt  }
0x7a: {  	_ =	shalt  }
0x7b: {  	_ =	shalt  }
0x7c: {  	_ =	shalt  }
0x7d: {  	_ =	shalt  }
0x7e: {  	_ =	shalt  }
0x7f: {  	_ =	shalt  }
0x80: {  	_ =	shalt  }
0x81: {  	_ =	shalt  }
0x82: {  	_ =	shalt  }
0x83: {  	_ =	shalt  }
0x84: {  	_ =	shalt  }
0x85: {  	_ =	shalt  }
0x86: {  	_ =	shalt  }
0x87: {  	_ =	shalt  }
.Lfunc_end0:
.L_simem_size_0:
called_computation_lowered:
.L_overlay_start_0:
0x88: {  	s2 =	sld [smem:$0x3FD9]  }
0x89: {  	s3 =	sld [smem:$0x3FFE];
	_ =	sdelay $0x1  }
0x8a: {  	s1 =	srdreg.scid  }
0x8b: {  	s0 =	sand.u32 $0x1, s1  }
0x8c: {  	s17 =	sshll.u32 s0, $0xA;
	s2 =	sadd.s32 s3, s2  }
0x8d: {  	s2 =	sadd.s32 s2, s17  }
0x8e: {  	[smem:$0x3FC3] =	sst s2  }
0x8f: {  	_ = 	snop  }
0x90: {  	s2 =	sld [smem:$0x3FD0];
	(tm) =	ssettm $0x1  }
0x91: {  	s18 =	sld [smem:$0x3FFB];
	_ =	sdelay $0x3  }
0x92: {  	_ =	strace s18  }
0x93: {  	s3 =	sld [smem:$0x3FFC];
	_ =	sdelay $0x3  }
0x94: {  	_ =	strace s3  }
0x95: {  	s3 =	sld [smem:$0x3FFD];
	_ =	sdelay $0x3  }
0x96: {  	_ =	strace s3  }
0x97: {  	_ =	strace $0x8FFFFFFF  }
0x98: {  	s19 =	sld [smem:$0x3FDB];
	_ =	sdelay $0x1  }
0x99: {  	s4 =	simm.s32 $_scs_section_size  }
0x9a: {  	s5 =	simm.s32 $_size__tile_overlayer_lowered;
	s6 =	simm.s32 $_tile_overlayer_lowered  }
0x9b: {  	s22 =	simm.s32 $0x1BFF;
	s21 =	sshll.u32 s6, $0x1;
	s3 =	sadd.s32 s4, s19  }
0x9c: {  	s7 =	simm.s32 $0x0;
	s20 =	sshll.u32 s5, $0x1;
	s5 =	sadd.s32 s21, s3  }
0x9d: {  	[timem:s7], [sflag:s22] =	dma.local [hbm:s5], s20  }
0x9e: {  	_ =	swait.ge [sflag:s22], s20  }
0x9f: {  	s4 =	ssub.s32 $0x0, s20;
	[sflag:s22] =	ssyncset.done $0x0  }
0xa0: {  	[sflag:s22] =	ssyncadd.s32 s4;
	_ =	sdelay $0x1  }
0xa1: {  	s23 =	simm.s32 $0x1B8B  }
0xa2: {  	_ =	swait.ge [sflag:s23], $0x1  }
0xa3: {  	[sflag:s23] =	ssyncset.done $0x0  }
0xa4: {  	s25 =	simm.s32 $0x1B8E;
	s24 =	sld [smem:$0x3FFE];
	[sflag:s23] =	ssyncadd.s32 $0xFFFFFFFF  }
0xa5: {  	s26 =	simm.s32 $execute0_lowered;
	[smem:$0x3FD2] =	sst s25  }
0xa6: {  	s5 =	sshll.u32 s26, $0x1;
	_ =	strace $0x80000046;
	[dreg:$0x1] =	wrdreg $0xFFFFFFFF  }
0xa7: {  	s28 =	simm.s32 $_size_execute0_lowered;
	s3 =	sadd.s32 s3, s5;
	[dreg:$0x0] =	wrdreg $0x0  }
0xa8: {  	s5 =	sshll.u32 s28, $0x1;
	[dreg:$0x2] =	wrdreg s3  }
0xa9: {  	[dreg:$0x3] =	wrdreg s5  }
0xaa: {  	[dreg:$0x4] =	wrdreg $0xC0  }
0xab: {  	_ =	task [dreg:s7], $0x5FFFF  }
0xac: {  	[dreg:$0x1] =	wrdreg $0xFFFFFFFF  }
0xad: {  	[dreg:$0x0] =	wrdreg $0x60  }
0xae: {  	[dreg:$0x2] =	wrdreg s24  }
0xaf: {  	[dreg:$0x3] =	wrdreg s2  }
0xb0: {  	[dreg:$0x4] =	wrdreg $0x0  }
0xb1: {  	[dreg:$0x5] =	wrdreg $0x9  }
0xb2: {  	_ =	task.clear_ibuf [dreg:s7], $0x6FFFF;
	_ =	strace $0x90000046  }
0xb3: {  	s29 =	simm.s32 $0x9;
	_ =	strace $0x80000048  }
0xb4: {  	_ =	swait.ge [sflag:s29], $0x1  }
0xb5: {  	[sflag:s29] =	ssyncadd.s32 $0xFFFFFFFF  }
0xb6: {  	_ =	strace $0x90000048  }
0xb7: {  	_ =	sfence  }
0xb8: {  	s30 =	sld [smem:$0x0];
	_ =	sdelay $0x2  }
0xb9: {  	s31 =	sshll.u32 s1, $0xD;
	s1 =	sshrl.u32 s1, $0x2  }
0xba: {  	s3 =	sand.u32 $0x4000, s31;
	s1 =	sadd.s32 s1, s30  }
0xbb: {  	s0 =	sor.u32 s3, s0;
	s1 =	sshll.u32 s1, $0x11  }
0xbc: {  	s0 =	sor.u32 s1, s0  }
0xbd: {  	s0 =	sadd.s32 $0x8F2B, s0  }
0xbe: {  	[sflag:s0] =	ssyncadd.remote.s32 $0x1  }
0xbf: {  	_ =	sfence.sel $0xFFFF  }
0xc0: {  	[dreg:$0x0] =	wrdreg $0xFFFFFFFF;
	(pc) =	sbr.abs _section_cstart, $3  }
0xc1: {  	[dreg:$0x1] =	wrdreg $0xFFFFFFFF  }
0xc2: {  	_ =	task.clear_ibuf [dreg:s7], $0x2FFFF;
	_ =	strace $0x9FFFFFFF  }
0xc3: {  	(tm) =	ssettm $0x7FFFFFFF  }
tec
execute0_lowered:
.L_overlay_start_1:
0x0: {  	(tag) =	ssettag $0x1  }
0x1: {  	s0 =	rddreg [dreg:$0x0]  }
0x2: {  	s1 =	rddreg [dreg:$0x1]  }
0x3: {  	s2 =	rddreg [dreg:$0x2]  }
0x4: {  	s3 =	simm.s32 $0x0;
	s9 =	stileid.u32;
	s22 =	srdreg.scid  }
0x5: {  	s28 =	simm.s32 $0x2;
	s13 =	simm.s32 $0x1B400;
	s31 =	simm.s32 $0x1BC00  }
0x6: {  	s15 =	simm.s32 $0x18900;
	s16 =	simm.s32 $0x18980;
	[smem:$0x7FF] =	sst s3  }
0x7: {  	s4 =	smul.u32 $0x3200, s9;
	s29 =	sadd.s32 $0x32800, s0;
	s5 =	sadd.s32 $0x1800, s0  }
0x8: {  	s6 =	sadd.s32 $0x98A00, s0;
	s12 =	sadd.s32 $0x95800, s0;
	s20 =	sadd.s32 $0x15CC00, s0  }
0x9: {  	s21 =	sadd.s32 $0x18DC00, s0;
	_ =	strace $0x80000047;
	[dreg:$0x5] =	wrdreg s5  }
0xa: {  	s10 =	sadd.s32 $0x98C00, s0;
	s7 =	smul.u32 $0x62000, s9;
	[dreg:$0x6] =	wrdreg s6  }
0xb: {  	s11 =	sadd.s32 $0xC9C00, s0;
	s8 =	sadd.s32 $0xFAC00, s0;
	[dreg:$0x8] =	wrdreg s20  }
0xc: {  	s14 =	smul.u32 $0x18800, s9;
	s26 =	sshll.u32 s9, $0x6;
	[dreg:$0x9] =	wrdreg s21  }
0xd: {  	s6 =	sand.u32 $0x1, s22;
	[dreg:$0xa] =	wrdreg s8;
	s20 =	simm.s32 $0x3  }
0xe: {  	s21 =	simm.s32 $0x18C00;
	s22 =	simm.s32 $0x18A00;
	[dreg:$0x4] =	wrdreg s29  }
0xf: {  	s8 =	simm.s32 $0x0;
	[dreg:$0x7] =	wrdreg s12;
	s19 =	sadd.s32 s4, s0  }
0x10: {  	s23 =	ssub.s32 $0x2, s6;
	s0 =	sadd.s32 $0x12BC00, s0;
	s7 =	sshrl.u32 s7, $0x2  }
0x11: {  	p0 =	seq.s32 s6, $0x1;
	s18 =	sadd.s32 s4, s1;
	s1 =	simm.s32 $0x18880  }
0x12: {  	s6 =	simm.s32 $0x19400;
	s4 =	simm.s32 $0x1;
	[dreg:$0xb] =	wrdreg s0  }
0x13: {  	s24 =	sshrl.u32 s23, $0x1;
	s25 =	sadd.s32 s7, s2;
	s17 =	sadd.s32 $0x63800, s19  }
.Ltmp0:
0x14: {  	s7 =	simm.s32 $0x19C00;
	s19 =	simm.s32 $0x1A400;
	(pc) =	sbr.rel .LBB2_1-.Ltmp0, $4  }
0x15: {  	s0 =	ssub.s32 s23, s24;
	s30 =	sshrl.u32 s25, $0x3;
	s23 =	simm.s32 $0x18A80  }
0x16: {  	s24 =	simm.s32 $0x18B00;
	s0 =	smax.u32 s0, $0x1;
	[dreg:$0xe] =	wrdreg s30  }
0x17: {  	s25 =	simm.s32 $0x18B80;
	[dreg:$0xc] =	wrdreg s0;
	s0 =	sor.u32 $0x1C03, s26  }
0x18: {  	s26 =	simm.s32 $0x80;
	[dreg:$0xd] =	wrdreg s0;
	s0 =	simm.s32 $0x18800  }
.LBB2_58:
0x19: {  	s8 =	rddreg [dreg:$0xf]  }
0x1a: {  	s5 =	rddreg [dreg:$0xc];
	s8 =	sadd.s32 $0x1, s8  }
0x1b: {  	p1 =	sne.s32 s8, s5  }
.Ltmp1:
0x1c: {  	_ = 	snop;
	(pc) =	sbr.rel @!p1 .LBB2_59-.Ltmp1, $2  }
0x1d: {  	_ =	sdelay $0x2  }
0x1e: {  	s13 =	simm.s32 $0x1B400;
	s31 =	simm.s32 $0x1BC00  }
.LBB2_1:
0x1f: {  	[dreg:$0xf] =	wrdreg s8  }
0x20: {  	s5 =	rddreg [dreg:$0xd]  }
0x21: {  	s12 =	rddreg [dreg:$0xe]  }
0x22: {  	s9 =	rddreg [dreg:$0x7]  }
0x23: {  	[spmem:s12], [sflag:s5] =	dma.local [hbm:s9], $0x3100  }
0x24: {  	_ =	swait.ge [sflag:s20], $0x3100  }
0x25: {  	[sflag:s20] =	ssyncset.done $0x0  }
0x26: {  	[sflag:s20] =	ssyncadd.s32 $0xFFFFCF00  }
0x27: {  	[bflag:$0x0] =	sbarrier.arrive $0xFFFF  }
.Ltmp2:
0x28: {  	s30 =	rddreg [dreg:$0x6];
	(pc) =	sbr.rel @!p0 .LBB2_2-.Ltmp2, $4  }
0x29: {  	[tilespmem:s21], [sflag:$0x3] =	stream.linear.gather [hbm4b:s30+s3], $0x800, $0x38;
	[tilespmem:$0x1C400] =	vst v63  }
0x2a: {  	_ =	swait.ge [sflag:s20], $0x800  }
0x2b: {  	[sflag:s20] =	ssyncset.done $0x0  }
0x2c: {  	s5 =	sadd.s32 $0x0, s17;
	[sflag:s20] =	ssyncadd.s32 $0xFFFFF800  }
0x2d: {  	[tilespmem:s22], [sflag:$0x3] =	stream.linear.gather [hbm4b:s5+s3], $0x80, $0x38;
	[tilespmem:$0x1C400] =	vst v63  }
0x2e: {  	_ =	swait.ge [sflag:s20], $0x80  }
0x2f: {  	[sflag:s20] =	ssyncset.done $0x0  }
0x30: {  	s8 =	sadd.s32 $0x10, s5;
	[sflag:s20] =	ssyncadd.s32 $0xFFFFFF80  }
0x31: {  	[tilespmem:s23], [sflag:$0x3] =	stream.linear.gather [hbm4b:s8+s3], $0x80, $0x38;
	[tilespmem:$0x1C400] =	vst v63  }
0x32: {  	_ =	swait.ge [sflag:s20], $0x80  }
0x33: {  	[sflag:s20] =	ssyncset.done $0x0  }
0x34: {  	s29 =	sadd.s32 $0x20, s5;
	[sflag:s20] =	ssyncadd.s32 $0xFFFFFF80  }
0x35: {  	[tilespmem:s24], [sflag:$0x3] =	stream.linear.gather [hbm4b:s29+s3], $0x80, $0x38;
	[tilespmem:$0x1C400] =	vst v63  }
0x36: {  	_ =	swait.ge [sflag:s20], $0x80  }
0x37: {  	[sflag:s20] =	ssyncset.done $0x0  }
0x38: {  	s30 =	sadd.s32 $0x30, s5;
	[sflag:s20] =	ssyncadd.s32 $0xFFFFFF80  }
0x39: {  	[tilespmem:s25], [sflag:$0x3] =	stream.linear.gather [hbm4b:s30+s3], $0x80, $0x38;
	[tilespmem:$0x1C400] =	vst v63  }
0x3a: {  	_ =	swait.ge [sflag:s20], $0x80  }
0x3b: {  	[sflag:s20] =	ssyncset.done $0x0  }
0x3c: {  	[sflag:s20] =	ssyncadd.s32 $0xFFFFFF80  }
0x3d: {  	[spmem:s2] =	stream.indirect.scatter.add.f32 [tilespmem:s21], [sflag:$0x2], $0x10, s22, s26, $0xb8;
	[tilespmem:$0x1C400] =	vst v63  }
0x3e: {  	_ = 	snop  }
0x3f: {  	[spmem:s2] =	stream.indirect.scatter.add.f32 [tilespmem:s21], [sflag:$0x2], $0x10, s23, s26, $0xb8;
	[tilespmem:$0x1C400] =	vst v63  }
0x40: {  	_ = 	snop  }
0x41: {  	[spmem:s2] =	stream.indirect.scatter.add.f32 [tilespmem:s21], [sflag:$0x2], $0x10, s24, s26, $0xb8;
	[tilespmem:$0x1C400] =	vst v63  }
0x42: {  	_ = 	snop  }
0x43: {  	[spmem:s2] =	stream.indirect.scatter.add.f32 [tilespmem:s21], [sflag:$0x2], $0x10, s25, s26, $0xb8;
	[tilespmem:$0x1C400] =	vst v63  }
0x44: {  	_ =	swait.ge [sflag:s28], $0x800  }
0x45: {  	[sflag:s28] =	ssyncset.done $0x0  }
0x46: {  	[sflag:s28] =	ssyncadd.s32 $0xFFFFF800  }
0x47: {  	_ =	swait.ge [sflag:s28], $0x800  }
0x48: {  	[sflag:s28] =	ssyncset.done $0x0  }
0x49: {  	[sflag:s28] =	ssyncadd.s32 $0xFFFFF800  }
0x4a: {  	_ =	swait.ge [sflag:s28], $0x800  }
0x4b: {  	[sflag:s28] =	ssyncset.done $0x0  }
0x4c: {  	[sflag:s28] =	ssyncadd.s32 $0xFFFFF800  }
0x4d: {  	_ =	swait.ge [sflag:s28], $0x800  }
0x4e: {  	s5 =	simm.s32 $0x40;
	s9 =	simm.s32 $0x80;
	[sflag:s28] =	ssyncset.done $0x0  }
.LBB2_31:
0x4f: {  	s12 =	sadd.s32 s5, s17  }
0x50: {  	[sflag:s28] =	ssyncadd.s32 $0xFFFFF800;
	s5 =	smov.u32 s9;
	s8 =	sadd.s32 $0x40, s9  }
0x51: {  	[tilespmem:s22], [sflag:$0x3] =	stream.linear.gather [hbm4b:s12+s3], $0x80, $0x38;
	[tilespmem:$0x1C400] =	vst v63  }
0x52: {  	p1 =	sne.s32 s9, $0x31C0;
	_ =	swait.ge [sflag:s20], $0x80  }
0x53: {  	[sflag:s20] =	ssyncset.done $0x0  }
0x54: {  	s9 =	sadd.s32 $0x10, s12;
	[sflag:s20] =	ssyncadd.s32 $0xFFFFFF80  }
0x55: {  	[tilespmem:s23], [sflag:$0x3] =	stream.linear.gather [hbm4b:s9+s3], $0x80, $0x38;
	[tilespmem:$0x1C400] =	vst v63  }
0x56: {  	_ =	swait.ge [sflag:s20], $0x80  }
0x57: {  	[sflag:s20] =	ssyncset.done $0x0  }
0x58: {  	s9 =	sadd.s32 $0x20, s12;
	[sflag:s20] =	ssyncadd.s32 $0xFFFFFF80  }
0x59: {  	[tilespmem:s24], [sflag:$0x3] =	stream.linear.gather [hbm4b:s9+s3], $0x80, $0x38;
	[tilespmem:$0x1C400] =	vst v63  }
0x5a: {  	_ =	swait.ge [sflag:s20], $0x80  }
0x5b: {  	[sflag:s20] =	ssyncset.done $0x0  }
0x5c: {  	s9 =	sadd.s32 $0x30, s12;
	[sflag:s20] =	ssyncadd.s32 $0xFFFFFF80  }
0x5d: {  	[tilespmem:s25], [sflag:$0x3] =	stream.linear.gather [hbm4b:s9+s3], $0x80, $0x38;
	[tilespmem:$0x1C400] =	vst v63  }
0x5e: {  	_ =	swait.ge [sflag:s20], $0x80  }
0x5f: {  	[sflag:s20] =	ssyncset.done $0x0  }
0x60: {  	[sflag:s20] =	ssyncadd.s32 $0xFFFFFF80  }
0x61: {  	[spmem:s2] =	stream.indirect.scatter.add.f32 [tilespmem:s21], [sflag:$0x2], $0x10, s22, s26, $0xb8;
	[tilespmem:$0x1C400] =	vst v63  }
0x62: {  	_ = 	snop  }
0x63: {  	[spmem:s2] =	stream.indirect.scatter.add.f32 [tilespmem:s21], [sflag:$0x2], $0x10, s23, s26, $0xb8;
	[tilespmem:$0x1C400] =	vst v63  }
0x64: {  	_ = 	snop  }
0x65: {  	[spmem:s2] =	stream.indirect.scatter.add.f32 [tilespmem:s21], [sflag:$0x2], $0x10, s24, s26, $0xb8;
	[tilespmem:$0x1C400] =	vst v63  }
0x66: {  	_ = 	snop  }
0x67: {  	[spmem:s2] =	stream.indirect.scatter.add.f32 [tilespmem:s21], [sflag:$0x2], $0x10, s25, s26, $0xb8;
	[tilespmem:$0x1C400] =	vst v63  }
0x68: {  	_ =	swait.ge [sflag:s28], $0x800  }
0x69: {  	[sflag:s28] =	ssyncset.done $0x0  }
0x6a: {  	[sflag:s28] =	ssyncadd.s32 $0xFFFFF800  }
0x6b: {  	_ =	swait.ge [sflag:s28], $0x800  }
0x6c: {  	[sflag:s28] =	ssyncset.done $0x0  }
0x6d: {  	[sflag:s28] =	ssyncadd.s32 $0xFFFFF800  }
.Ltmp3:
0x6e: {  	_ =	swait.ge [sflag:s28], $0x800;
	(pc) =	sbr.rel @p1 .LBB2_31-.Ltmp3, $4  }
0x6f: {  	[sflag:s28] =	ssyncset.done $0x0  }
0x70: {  	[sflag:s28] =	ssyncadd.s32 $0xFFFFF800  }
0x71: {  	_ =	swait.ge [sflag:s28], $0x800  }
0x72: {  	s9 =	smov.u32 s8;
	[sflag:s28] =	ssyncset.done $0x0  }
0x73: {  	s5 =	sadd.s32 s5, s17;
	[sflag:s28] =	ssyncadd.s32 $0xFFFFF800  }
0x74: {  	[tilespmem:s22], [sflag:$0x3] =	stream.linear.gather [hbm4b:s5+s3], $0x80, $0x38;
	[tilespmem:$0x1C400] =	vst v63  }
0x75: {  	_ =	swait.ge [sflag:s20], $0x80  }
0x76: {  	[sflag:s20] =	ssyncset.done $0x0  }
0x77: {  	s8 =	sadd.s32 $0x10, s5;
	[sflag:s20] =	ssyncadd.s32 $0xFFFFFF80  }
0x78: {  	[tilespmem:s23], [sflag:$0x3] =	stream.linear.gather [hbm4b:s8+s3], $0x80, $0x38;
	[tilespmem:$0x1C400] =	vst v63  }
0x79: {  	_ =	swait.ge [sflag:s20], $0x80  }
0x7a: {  	[sflag:s20] =	ssyncset.done $0x0  }
0x7b: {  	s30 =	sadd.s32 $0x20, s5;
	[sflag:s20] =	ssyncadd.s32 $0xFFFFFF80  }
0x7c: {  	[tilespmem:s24], [sflag:$0x3] =	stream.linear.gather [hbm4b:s30+s3], $0x80, $0x38;
	[tilespmem:$0x1C400] =	vst v63  }
0x7d: {  	_ =	swait.ge [sflag:s20], $0x80  }
0x7e: {  	[sflag:s20] =	ssyncset.done $0x0  }
0x7f: {  	s5 =	sadd.s32 $0x30, s5;
	[sflag:s20] =	ssyncadd.s32 $0xFFFFFF80  }
0x80: {  	[tilespmem:s25], [sflag:$0x3] =	stream.linear.gather [hbm4b:s5+s3], $0x80, $0x38;
	[tilespmem:$0x1C400] =	vst v63  }
0x81: {  	_ =	swait.ge [sflag:s20], $0x80  }
0x82: {  	[sflag:s20] =	ssyncset.done $0x0  }
0x83: {  	[sflag:s20] =	ssyncadd.s32 $0xFFFFFF80  }
0x84: {  	[spmem:s2] =	stream.indirect.scatter.add.f32 [tilespmem:s21], [sflag:$0x2], $0x10, s22, s26, $0xb8;
	[tilespmem:$0x1C400] =	vst v63  }
0x85: {  	_ = 	snop  }
0x86: {  	[spmem:s2] =	stream.indirect.scatter.add.f32 [tilespmem:s21], [sflag:$0x2], $0x10, s23, s26, $0xb8;
	[tilespmem:$0x1C400] =	vst v63  }
0x87: {  	_ = 	snop  }
0x88: {  	[spmem:s2] =	stream.indirect.scatter.add.f32 [tilespmem:s21], [sflag:$0x2], $0x10, s24, s26, $0xb8;
	[tilespmem:$0x1C400] =	vst v63  }
0x89: {  	_ = 	snop  }
0x8a: {  	[spmem:s2] =	stream.indirect.scatter.add.f32 [tilespmem:s21], [sflag:$0x2], $0x10, s25, s26, $0xb8;
	[tilespmem:$0x1C400] =	vst v63  }
0x8b: {  	_ =	swait.ge [sflag:s28], $0x800  }
0x8c: {  	[sflag:s28] =	ssyncset.done $0x0  }
0x8d: {  	[sflag:s28] =	ssyncadd.s32 $0xFFFFF800  }
0x8e: {  	_ =	swait.ge [sflag:s28], $0x800  }
0x8f: {  	[sflag:s28] =	ssyncset.done $0x0  }
0x90: {  	[sflag:s28] =	ssyncadd.s32 $0xFFFFF800  }
0x91: {  	_ =	swait.ge [sflag:s28], $0x800  }
0x92: {  	[sflag:s28] =	ssyncset.done $0x0  }
0x93: {  	[sflag:s28] =	ssyncadd.s32 $0xFFFFF800  }
0x94: {  	_ =	swait.ge [sflag:s28], $0x800  }
0x95: {  	[sflag:s28] =	ssyncset.done $0x0  }
0x96: {  	[sflag:s28] =	ssyncadd.s32 $0xFFFFF800  }
0x97: {  	[bflag:$0x0] =	sbarrier.arrive $0xFFFF  }
0x98: {  	s5 =	simm.s32 $0x0;
	s29 =	rddreg [dreg:$0x5]  }
.LBB2_33:
0x99: {  	s8 =	sshll.u32 s5, $0xB  }
0x9a: {  	s8 =	sadd.s32 s14, s8  }
0x9b: {  	s9 =	sadd.s32 s8, s2  }
0x9c: {  	[tilespmem:s13], [sflag:$0x3] =	stream.linear.gather [spmem:s9], $0x800, $0x38;
	[tilespmem:$0x1C400] =	vst v63  }
0x9d: {  	_ =	swait.ge [sflag:s20], $0x800  }
0x9e: {  	[sflag:s20] =	ssyncset.done $0x0  }
0x9f: {  	s30 =	simm.s32 $0x40;
	s9 =	simm.s32 $0x0;
	[sflag:s20] =	ssyncadd.s32 $0xFFFFF800  }
.LBB2_34:
0xa0: {  	p1 =	sne.s32 s30, $0x1FC0;
	v0 =	vld [tilespmem:s9+$0x1B400];
	_ =	sdelay $0x4  }
0xa1: {  	v1 =	vmax.f32 v0, $1.000000000e+00  }
0xa2: {  	v2 =	vshrl.u32 v1, $0x1;
	v1 =	vmul.f32 $5.000000000e-01, v1  }
0xa3: {  	v2 =	vsub.s32 $0x5F3759DF, v2  }
0xa4: {  	v3 =	vmul.f32 v2, v1;
	_ =	sdelay $0x1  }
0xa5: {  	v3 =	vmul.f32 v2, v3;
	_ =	sdelay $0x1  }
0xa6: {  	v3 =	vsub.f32 $1.500000000e+00, v3;
	_ =	sdelay $0x1  }
0xa7: {  	v2 =	vmul.f32 v2, v3;
	_ =	sdelay $0x1  }
0xa8: {  	v3 =	vmul.f32 v2, v1;
	_ =	sdelay $0x1  }
0xa9: {  	v3 =	vmul.f32 v3, v2;
	_ =	sdelay $0x1  }
0xaa: {  	v3 =	vsub.f32 $1.500000000e+00, v3;
	_ =	sdelay $0x1  }
0xab: {  	v2 =	vmul.f32 v3, v2;
	_ =	sdelay $0x1  }
0xac: {  	v1 =	vmul.f32 v2, v1;
	_ =	sdelay $0x1  }
0xad: {  	v1 =	vmul.f32 v1, v2;
	_ =	sdelay $0x1  }
0xae: {  	v1 =	vsub.f32 $1.500000000e+00, v1  }
.Ltmp4:
0xaf: {  	(pc) =	sbr.rel @p1 .LBB2_34-.Ltmp4, $4  }
0xb0: {  	v1 =	vmul.f32 v1, v2  }
0xb1: {  	vm0 =	vgt.f32 v0, $0.0e+00  }
0xb2: {  	v0 =	vnsel vm0, $0x0, v1  }
0xb3: {  	[tilespmem:s9+$0x1B400] =	vst v0;
	s9 =	sshra.s32 s30, $0x2;
	s30 =	sadd.s32 $0x40, s30  }
0xb4: {  	v0 =	vld [tilespmem:s9+$0x1B400];
	_ =	sdelay $0x4  }
0xb5: {  	v1 =	vmax.f32 v0, $1.000000000e+00  }
0xb6: {  	v2 =	vshrl.u32 v1, $0x1;
	v1 =	vmul.f32 $5.000000000e-01, v1  }
0xb7: {  	v2 =	vsub.s32 $0x5F3759DF, v2  }
0xb8: {  	v3 =	vmul.f32 v2, v1;
	_ =	sdelay $0x1  }
0xb9: {  	v3 =	vmul.f32 v2, v3;
	_ =	sdelay $0x1  }
0xba: {  	v3 =	vsub.f32 $1.500000000e+00, v3;
	_ =	sdelay $0x1  }
0xbb: {  	v2 =	vmul.f32 v2, v3;
	_ =	sdelay $0x1  }
0xbc: {  	v3 =	vmul.f32 v2, v1;
	_ =	sdelay $0x1  }
0xbd: {  	v3 =	vmul.f32 v3, v2;
	_ =	sdelay $0x1  }
0xbe: {  	v3 =	vsub.f32 $1.500000000e+00, v3;
	_ =	sdelay $0x1  }
0xbf: {  	v2 =	vmul.f32 v3, v2;
	_ =	sdelay $0x1  }
0xc0: {  	v1 =	vmul.f32 v2, v1;
	_ =	sdelay $0x1  }
0xc1: {  	v1 =	vmul.f32 v1, v2;
	_ =	sdelay $0x1  }
0xc2: {  	v1 =	vsub.f32 $1.500000000e+00, v1;
	_ =	sdelay $0x1  }
0xc3: {  	v1 =	vmul.f32 v1, v2  }
0xc4: {  	s5 =	sadd.s32 $0x1, s5;
	vm0 =	vgt.f32 v0, $0.0e+00  }
0xc5: {  	s8 =	sshrl.u32 s8, $0x3;
	s30 =	rddreg [dreg:$0xb];
	p1 =	sne.s32 s5, $0x31;
	v0 =	vnsel vm0, $0x0, v1  }
.Ltmp5:
0xc6: {  	s8 =	sadd.s32 s30, s8;
	[tilespmem:s9+$0x1B400] =	vst v0;
	(pc) =	sbr.rel @p1 .LBB2_33-.Ltmp5, $4  }
0xc7: {  	[hbm4b:s8+s3] =	stream.linear.scatter [tilespmem:s13], [sflag:$0x3], $0x800, $0x38;
	[tilespmem:$0x1C400] =	vst v63  }
0xc8: {  	_ =	swait.ge [sflag:s20], $0x800  }
0xc9: {  	[sflag:s20] =	ssyncset.done $0x0  }
0xca: {  	[sflag:s20] =	ssyncadd.s32 $0xFFFFF800  }
0xcb: {  	s5 =	rddreg [dreg:$0xd]  }
0xcc: {  	s8 =	rddreg [dreg:$0xe]  }
0xcd: {  	s9 =	rddreg [dreg:$0x7]  }
0xce: {  	[spmem:s8], [sflag:s5] =	dma.local [hbm:s9], $0x3100  }
0xcf: {  	_ =	swait.ge [sflag:s20], $0x3100  }
0xd0: {  	[sflag:s20] =	ssyncset.done $0x0  }
0xd1: {  	s5 =	simm.s32 $0x0;
	s8 =	simm.s32 $0x0;
	[sflag:s20] =	ssyncadd.s32 $0xFFFFCF00  }
.LBB2_37:
0xd2: {  	s9 =	sshll.u32 s8, $0xB  }
0xd3: {  	s9 =	sadd.s32 s14, s9  }
0xd4: {  	s9 =	sshrl.u32 s9, $0x3  }
0xd5: {  	s12 =	sadd.s32 s29, s9  }
0xd6: {  	[tilespmem:s13], [sflag:$0x3] =	stream.linear.gather [hbm4b:s12+s5], $0x800, $0x38;
	[tilespmem:$0x1C400] =	vst v63  }
0xd7: {  	_ =	swait.ge [sflag:s20], $0x800  }
0xd8: {  	[sflag:s20] =	ssyncset.done $0x0;
	s13 =	rddreg [dreg:$0xb]  }
0xd9: {  	[sflag:s20] =	ssyncadd.s32 $0xFFFFF800;
	s12 =	sadd.s32 s13, s9;
	s13 =	simm.s32 $0x1AC00  }
0xda: {  	[tilespmem:s13], [sflag:$0x3] =	stream.linear.gather [hbm4b:s12+s5], $0x800, $0x38;
	[tilespmem:$0x1C400] =	vst v63  }
0xdb: {  	_ =	swait.ge [sflag:s20], $0x800  }
0xdc: {  	[sflag:s20] =	ssyncset.done $0x0  }
0xdd: {  	s12 =	simm.s32 $0x0;
	[sflag:s20] =	ssyncadd.s32 $0xFFFFF800  }
0xde: {  	v0 =	vld [tilespmem:s12+$0x1AC00]  }
0xdf: {  	v1 =	vld [tilespmem:s12+$0x1B400];
	_ =	sdelay $0x4  }
0xe0: {  	v2 =	vmul.f32 v0, v1  }
0xe1: {  	s13 =	simm.s32 $0x10;
	v1 =	vmul.f32 $2.500000000e-01, v1  }
0xe2: {  	s30 =	simm.s32 $0x80;
	v0 =	vld [tilespmem:s13+$0x1AC00];
	[tilespmem:s12+$0x1B400] =	vst v2  }
.LBB2_38:
0xe3: {  	p1 =	sne.s32 s30, $0x1FC0;
	v2 =	vld [tilespmem:s13+$0x1B400];
	[tilespmem:s12+$0x1BC00] =	vst v1;
	s12 =	smov.u32 s13;
	_ =	sdelay $0x2  }
.Ltmp6:
0xe4: {  	(pc) =	sbr.rel @p1 .LBB2_38-.Ltmp6, $4  }
0xe5: {  	_ = 	snop  }
0xe6: {  	v1 =	vmul.f32 $2.500000000e-01, v2;
	v2 =	vmul.f32 v0, v2  }
0xe7: {  	s13 =	sshra.s32 s30, $0x2  }
0xe8: {  	s30 =	sadd.s32 $0x40, s30;
	v0 =	vld [tilespmem:s13+$0x1AC00];
	[tilespmem:s12+$0x1B400] =	vst v2  }
0xe9: {  	v2 =	vld [tilespmem:s13+$0x1B400];
	_ =	sdelay $0x4  }
0xea: {  	v0 =	vmul.f32 v0, v2  }
0xeb: {  	[tilespmem:s12+$0x1BC00] =	vst v1;
	v63 =	vmul.f32 $2.500000000e-01, v2  }
0xec: {  	[tilespmem:s13+$0x1B400] =	vst v0  }
0xed: {  	[tilespmem:s13+$0x1BC00] =	vst v63;
	s13 =	rddreg [dreg:$0x9]  }
0xee: {  	s12 =	sadd.s32 s13, s9  }
0xef: {  	[hbm4b:s12+s3] =	stream.linear.scatter [tilespmem:s31], [sflag:$0x3], $0x800, $0x38;
	[tilespmem:$0x1C400] =	vst v63  }
0xf0: {  	s8 =	sadd.s32 $0x1, s8;
	_ =	swait.ge [sflag:s20], $0x800  }
0xf1: {  	s30 =	sadd.s32 s11, s9;
	p1 =	sne.s32 s8, $0x31;
	[sflag:s20] =	ssyncset.done $0x0  }
.Ltmp7:
0xf2: {  	s13 =	simm.s32 $0x1B400;
	[sflag:s20] =	ssyncadd.s32 $0xFFFFF800;
	(pc) =	sbr.rel @p1 .LBB2_37-.Ltmp7, $4  }
0xf3: {  	[hbm4b:s30+s3] =	stream.linear.scatter [tilespmem:s13], [sflag:$0x3], $0x800, $0x38;
	[tilespmem:$0x1C400] =	vst v63  }
0xf4: {  	_ =	swait.ge [sflag:s20], $0x800  }
0xf5: {  	[sflag:s20] =	ssyncset.done $0x0  }
0xf6: {  	[sflag:s20] =	ssyncadd.s32 $0xFFFFF800  }
0xf7: {  	[bflag:$0x0] =	sbarrier.arrive $0xFFFF;
	s5 =	sadd.s32 $0x0, s18  }
0xf8: {  	[tilespmem:s0], [sflag:$0x3] =	stream.linear.gather [hbm4b:s5+s3], $0x200, $0x38;
	[tilespmem:$0x1C400] =	vst v63  }
0xf9: {  	_ =	swait.ge [sflag:s20], $0x200  }
0xfa: {  	[sflag:s20] =	ssyncset.done $0x0  }
0xfb: {  	s29 =	sadd.s32 $0x0, s17;
	[sflag:s20] =	ssyncadd.s32 $0xFFFFFE00  }
0xfc: {  	[tilespmem:s22], [sflag:$0x3] =	stream.linear.gather [hbm4b:s29+s3], $0x80, $0x38;
	[tilespmem:$0x1C400] =	vst v63  }
0xfd: {  	_ =	swait.ge [sflag:s20], $0x80  }
0xfe: {  	[sflag:s20] =	ssyncset.done $0x0  }
0xff: {  	s8 =	sadd.s32 $0x10, s29;
	[sflag:s20] =	ssyncadd.s32 $0xFFFFFF80  }
0x100: {  	[tilespmem:s23], [sflag:$0x3] =	stream.linear.gather [hbm4b:s8+s3], $0x80, $0x38;
	[tilespmem:$0x1C400] =	vst v63  }
0x101: {  	_ =	swait.ge [sflag:s20], $0x80  }
0x102: {  	[sflag:s20] =	ssyncset.done $0x0  }
0x103: {  	s30 =	sadd.s32 $0x20, s29;
	[sflag:s20] =	ssyncadd.s32 $0xFFFFFF80  }
0x104: {  	[tilespmem:s24], [sflag:$0x3] =	stream.linear.gather [hbm4b:s30+s3], $0x80, $0x38;
	[tilespmem:$0x1C400] =	vst v63  }
0x105: {  	_ =	swait.ge [sflag:s20], $0x80  }
0x106: {  	[sflag:s20] =	ssyncset.done $0x0  }
0x107: {  	s5 =	sadd.s32 $0x30, s29;
	[sflag:s20] =	ssyncadd.s32 $0xFFFFFF80  }
0x108: {  	[tilespmem:s25], [sflag:$0x3] =	stream.linear.gather [hbm4b:s5+s3], $0x80, $0x38;
	[tilespmem:$0x1C400] =	vst v63  }
0x109: {  	_ =	swait.ge [sflag:s20], $0x80  }
0x10a: {  	[sflag:s20] =	ssyncset.done $0x0  }
0x10b: {  	[sflag:s20] =	ssyncadd.s32 $0xFFFFFF80  }
0x10c: {  	[tilespmem:s21], [sflag:$0x1] =	stream.indirect.gather [hbm4b:s11+s26], $0x10, s0, s26, $0xb8;
	[tilespmem:$0x1C400] =	vst v63  }
0x10d: {  	_ = 	snop  }
0x10e: {  	[tilespmem:s6], [sflag:$0x1] =	stream.indirect.gather [hbm4b:s11+s26], $0x10, s1, s26, $0xb8;
	[tilespmem:$0x1C400] =	vst v63  }
0x10f: {  	_ = 	snop  }
0x110: {  	[tilespmem:s7], [sflag:$0x1] =	stream.indirect.gather [hbm4b:s11+s26], $0x10, s15, s26, $0xb8;
	[tilespmem:$0x1C400] =	vst v63  }
0x111: {  	_ = 	snop  }
0x112: {  	[tilespmem:s19], [sflag:$0x1] =	stream.indirect.gather [hbm4b:s11+s26], $0x10, s16, s26, $0xb8;
	[tilespmem:$0x1C400] =	vst v63  }
0x113: {  	_ =	swait.ge [sflag:s4], $0x800  }
0x114: {  	[sflag:s4] =	ssyncset.done $0x0  }
0x115: {  	[sflag:s4] =	ssyncadd.s32 $0xFFFFF800  }
0x116: {  	_ =	swait.ge [sflag:s4], $0x800  }
0x117: {  	[sflag:s4] =	ssyncset.done $0x0  }
0x118: {  	[sflag:s4] =	ssyncadd.s32 $0xFFFFF800  }
0x119: {  	_ =	swait.ge [sflag:s4], $0x800  }
0x11a: {  	[sflag:s4] =	ssyncset.done $0x0  }
0x11b: {  	[sflag:s4] =	ssyncadd.s32 $0xFFFFF800  }
0x11c: {  	_ =	swait.ge [sflag:s4], $0x800  }
0x11d: {  	[sflag:s4] =	ssyncset.done $0x0  }
0x11e: {  	[sflag:s4] =	ssyncadd.s32 $0xFFFFF800  }
0x11f: {  	[spmem:s2] =	stream.indirect.scatter.add.f32 [tilespmem:s21], [sflag:$0x2], $0x10, s22, s26, $0xb8;
	[tilespmem:$0x1C400] =	vst v63  }
0x120: {  	_ = 	snop  }
0x121: {  	[spmem:s2] =	stream.indirect.scatter.add.f32 [tilespmem:s6], [sflag:$0x2], $0x10, s23, s26, $0xb8;
	[tilespmem:$0x1C400] =	vst v63  }
0x122: {  	_ = 	snop  }
0x123: {  	[spmem:s2] =	stream.indirect.scatter.add.f32 [tilespmem:s7], [sflag:$0x2], $0x10, s24, s26, $0xb8;
	[tilespmem:$0x1C400] =	vst v63  }
0x124: {  	_ = 	snop  }
0x125: {  	[spmem:s2] =	stream.indirect.scatter.add.f32 [tilespmem:s19], [sflag:$0x2], $0x10, s25, s26, $0xb8;
	[tilespmem:$0x1C400] =	vst v63  }
0x126: {  	_ =	swait.ge [sflag:s28], $0x800  }
0x127: {  	[sflag:s28] =	ssyncset.done $0x0  }
0x128: {  	[sflag:s28] =	ssyncadd.s32 $0xFFFFF800  }
0x129: {  	_ =	swait.ge [sflag:s28], $0x800  }
0x12a: {  	[sflag:s28] =	ssyncset.done $0x0  }
0x12b: {  	[sflag:s28] =	ssyncadd.s32 $0xFFFFF800  }
0x12c: {  	_ =	swait.ge [sflag:s28], $0x800  }
0x12d: {  	[sflag:s28] =	ssyncset.done $0x0  }
0x12e: {  	[sflag:s28] =	ssyncadd.s32 $0xFFFFF800  }
0x12f: {  	_ =	swait.ge [sflag:s28], $0x800  }
0x130: {  	s9 =	simm.s32 $0x80;
	s5 =	simm.s32 $0x40;
	[sflag:s28] =	ssyncset.done $0x0  }
.LBB2_41:
0x131: {  	s12 =	sadd.s32 s5, s18  }
0x132: {  	[sflag:s28] =	ssyncadd.s32 $0xFFFFF800;
	s13 =	smov.u32 s9;
	s8 =	sadd.s32 $0x40, s9  }
0x133: {  	[tilespmem:s0], [sflag:$0x3] =	stream.linear.gather [hbm4b:s12+s3], $0x200, $0x38;
	[tilespmem:$0x1C400] =	vst v63  }
0x134: {  	p1 =	sne.s32 s9, $0x31C0;
	_ =	swait.ge [sflag:s20], $0x200  }
0x135: {  	[sflag:s20] =	ssyncset.done $0x0  }
0x136: {  	s9 =	sadd.s32 s5, s17;
	s5 =	smov.u32 s13;
	[sflag:s20] =	ssyncadd.s32 $0xFFFFFE00  }
0x137: {  	[tilespmem:s22], [sflag:$0x3] =	stream.linear.gather [hbm4b:s9+s3], $0x80, $0x38;
	[tilespmem:$0x1C400] =	vst v63  }
0x138: {  	_ =	swait.ge [sflag:s20], $0x80  }
0x139: {  	[sflag:s20] =	ssyncset.done $0x0  }
0x13a: {  	s12 =	sadd.s32 $0x10, s9;
	[sflag:s20] =	ssyncadd.s32 $0xFFFFFF80  }
0x13b: {  	[tilespmem:s23], [sflag:$0x3] =	stream.linear.gather [hbm4b:s12+s3], $0x80, $0x38;
	[tilespmem:$0x1C400] =	vst v63  }
0x13c: {  	_ =	swait.ge [sflag:s20], $0x80  }
0x13d: {  	[sflag:s20] =	ssyncset.done $0x0  }
0x13e: {  	s12 =	sadd.s32 $0x20, s9;
	[sflag:s20] =	ssyncadd.s32 $0xFFFFFF80  }
0x13f: {  	[tilespmem:s24], [sflag:$0x3] =	stream.linear.gather [hbm4b:s12+s3], $0x80, $0x38;
	[tilespmem:$0x1C400] =	vst v63  }
0x140: {  	_ =	swait.ge [sflag:s20], $0x80  }
0x141: {  	[sflag:s20] =	ssyncset.done $0x0  }
0x142: {  	s9 =	sadd.s32 $0x30, s9;
	[sflag:s20] =	ssyncadd.s32 $0xFFFFFF80  }
0x143: {  	[tilespmem:s25], [sflag:$0x3] =	stream.linear.gather [hbm4b:s9+s3], $0x80, $0x38;
	[tilespmem:$0x1C400] =	vst v63  }
0x144: {  	_ =	swait.ge [sflag:s20], $0x80  }
0x145: {  	[sflag:s20] =	ssyncset.done $0x0  }
0x146: {  	[sflag:s20] =	ssyncadd.s32 $0xFFFFFF80  }
0x147: {  	[tilespmem:s21], [sflag:$0x1] =	stream.indirect.gather [hbm4b:s11+s26], $0x10, s0, s26, $0xb8;
	[tilespmem:$0x1C400] =	vst v63  }
0x148: {  	_ = 	snop  }
0x149: {  	[tilespmem:s6], [sflag:$0x1] =	stream.indirect.gather [hbm4b:s11+s26], $0x10, s1, s26, $0xb8;
	[tilespmem:$0x1C400] =	vst v63  }
0x14a: {  	_ = 	snop  }
0x14b: {  	[tilespmem:s7], [sflag:$0x1] =	stream.indirect.gather [hbm4b:s11+s26], $0x10, s15, s26, $0xb8;
	[tilespmem:$0x1C400] =	vst v63  }
0x14c: {  	_ = 	snop  }
0x14d: {  	[tilespmem:s19], [sflag:$0x1] =	stream.indirect.gather [hbm4b:s11+s26], $0x10, s16, s26, $0xb8;
	[tilespmem:$0x1C400] =	vst v63  }
0x14e: {  	_ =	swait.ge [sflag:s4], $0x800  }
0x14f: {  	[sflag:s4] =	ssyncset.done $0x0  }
0x150: {  	[sflag:s4] =	ssyncadd.s32 $0xFFFFF800  }
0x151: {  	_ =	swait.ge [sflag:s4], $0x800  }
0x152: {  	[sflag:s4] =	ssyncset.done $0x0  }
0x153: {  	[sflag:s4] =	ssyncadd.s32 $0xFFFFF800  }
0x154: {  	_ =	swait.ge [sflag:s4], $0x800  }
0x155: {  	[sflag:s4] =	ssyncset.done $0x0  }
0x156: {  	[sflag:s4] =	ssyncadd.s32 $0xFFFFF800  }
0x157: {  	_ =	swait.ge [sflag:s4], $0x800  }
0x158: {  	[sflag:s4] =	ssyncset.done $0x0  }
0x159: {  	[sflag:s4] =	ssyncadd.s32 $0xFFFFF800  }
0x15a: {  	[spmem:s2] =	stream.indirect.scatter.add.f32 [tilespmem:s21], [sflag:$0x2], $0x10, s22, s26, $0xb8;
	[tilespmem:$0x1C400] =	vst v63  }
0x15b: {  	_ = 	snop  }
0x15c: {  	[spmem:s2] =	stream.indirect.scatter.add.f32 [tilespmem:s6], [sflag:$0x2], $0x10, s23, s26, $0xb8;
	[tilespmem:$0x1C400] =	vst v63  }
0x15d: {  	_ = 	snop  }
0x15e: {  	[spmem:s2] =	stream.indirect.scatter.add.f32 [tilespmem:s7], [sflag:$0x2], $0x10, s24, s26, $0xb8;
	[tilespmem:$0x1C400] =	vst v63  }
0x15f: {  	_ = 	snop  }
0x160: {  	[spmem:s2] =	stream.indirect.scatter.add.f32 [tilespmem:s19], [sflag:$0x2], $0x10, s25, s26, $0xb8;
	[tilespmem:$0x1C400] =	vst v63  }
0x161: {  	_ =	swait.ge [sflag:s28], $0x800  }
0x162: {  	[sflag:s28] =	ssyncset.done $0x0  }
0x163: {  	[sflag:s28] =	ssyncadd.s32 $0xFFFFF800  }
0x164: {  	_ =	swait.ge [sflag:s28], $0x800  }
0x165: {  	[sflag:s28] =	ssyncset.done $0x0  }
0x166: {  	[sflag:s28] =	ssyncadd.s32 $0xFFFFF800  }
.Ltmp8:
0x167: {  	_ =	swait.ge [sflag:s28], $0x800;
	(pc) =	sbr.rel @p1 .LBB2_41-.Ltmp8, $4  }
0x168: {  	[sflag:s28] =	ssyncset.done $0x0  }
0x169: {  	[sflag:s28] =	ssyncadd.s32 $0xFFFFF800  }
0x16a: {  	_ =	swait.ge [sflag:s28], $0x800  }
0x16b: {  	s9 =	smov.u32 s8;
	[sflag:s28] =	ssyncset.done $0x0  }
0x16c: {  	s8 =	sadd.s32 s5, s18;
	[sflag:s28] =	ssyncadd.s32 $0xFFFFF800  }
0x16d: {  	[tilespmem:s0], [sflag:$0x3] =	stream.linear.gather [hbm4b:s8+s3], $0x200, $0x38;
	[tilespmem:$0x1C400] =	vst v63  }
0x16e: {  	_ =	swait.ge [sflag:s20], $0x200  }
0x16f: {  	[sflag:s20] =	ssyncset.done $0x0  }
0x170: {  	s13 =	sadd.s32 s5, s17;
	[sflag:s20] =	ssyncadd.s32 $0xFFFFFE00  }
0x171: {  	[tilespmem:s22], [sflag:$0x3] =	stream.linear.gather [hbm4b:s13+s3], $0x80, $0x38;
	[tilespmem:$0x1C400] =	vst v63  }
0x172: {  	_ =	swait.ge [sflag:s20], $0x80  }
0x173: {  	[sflag:s20] =	ssyncset.done $0x0  }
0x174: {  	s29 =	sadd.s32 $0x10, s13;
	[sflag:s20] =	ssyncadd.s32 $0xFFFFFF80  }
0x175: {  	[tilespmem:s23], [sflag:$0x3] =	stream.linear.gather [hbm4b:s29+s3], $0x80, $0x38;
	[tilespmem:$0x1C400] =	vst v63  }
0x176: {  	_ =	swait.ge [sflag:s20], $0x80  }
0x177: {  	[sflag:s20] =	ssyncset.done $0x0  }
0x178: {  	s30 =	sadd.s32 $0x20, s13;
	[sflag:s20] =	ssyncadd.s32 $0xFFFFFF80  }
0x179: {  	[tilespmem:s24], [sflag:$0x3] =	stream.linear.gather [hbm4b:s30+s3], $0x80, $0x38;
	[tilespmem:$0x1C400] =	vst v63  }
0x17a: {  	_ =	swait.ge [sflag:s20], $0x80  }
0x17b: {  	[sflag:s20] =	ssyncset.done $0x0  }
0x17c: {  	s5 =	sadd.s32 $0x30, s13;
	[sflag:s20] =	ssyncadd.s32 $0xFFFFFF80  }
0x17d: {  	[tilespmem:s25], [sflag:$0x3] =	stream.linear.gather [hbm4b:s5+s3], $0x80, $0x38;
	[tilespmem:$0x1C400] =	vst v63  }
0x17e: {  	_ =	swait.ge [sflag:s20], $0x80  }
0x17f: {  	[sflag:s20] =	ssyncset.done $0x0  }
0x180: {  	[sflag:s20] =	ssyncadd.s32 $0xFFFFFF80  }
0x181: {  	[tilespmem:s21], [sflag:$0x1] =	stream.indirect.gather [hbm4b:s11+s26], $0x10, s0, s26, $0xb8;
	[tilespmem:$0x1C400] =	vst v63  }
0x182: {  	_ = 	snop  }
0x183: {  	[tilespmem:s6], [sflag:$0x1] =	stream.indirect.gather [hbm4b:s11+s26], $0x10, s1, s26, $0xb8;
	[tilespmem:$0x1C400] =	vst v63  }
0x184: {  	_ = 	snop  }
0x185: {  	[tilespmem:s7], [sflag:$0x1] =	stream.indirect.gather [hbm4b:s11+s26], $0x10, s15, s26, $0xb8;
	[tilespmem:$0x1C400] =	vst v63  }
0x186: {  	_ = 	snop  }
0x187: {  	[tilespmem:s19], [sflag:$0x1] =	stream.indirect.gather [hbm4b:s11+s26], $0x10, s16, s26, $0xb8;
	[tilespmem:$0x1C400] =	vst v63  }
0x188: {  	_ =	swait.ge [sflag:s4], $0x800  }
0x189: {  	[sflag:s4] =	ssyncset.done $0x0  }
0x18a: {  	[sflag:s4] =	ssyncadd.s32 $0xFFFFF800  }
0x18b: {  	_ =	swait.ge [sflag:s4], $0x800  }
0x18c: {  	[sflag:s4] =	ssyncset.done $0x0  }
0x18d: {  	[sflag:s4] =	ssyncadd.s32 $0xFFFFF800  }
0x18e: {  	_ =	swait.ge [sflag:s4], $0x800  }
0x18f: {  	[sflag:s4] =	ssyncset.done $0x0  }
0x190: {  	[sflag:s4] =	ssyncadd.s32 $0xFFFFF800  }
0x191: {  	_ =	swait.ge [sflag:s4], $0x800  }
0x192: {  	[sflag:s4] =	ssyncset.done $0x0  }
0x193: {  	[sflag:s4] =	ssyncadd.s32 $0xFFFFF800  }
0x194: {  	[spmem:s2] =	stream.indirect.scatter.add.f32 [tilespmem:s21], [sflag:$0x2], $0x10, s22, s26, $0xb8;
	[tilespmem:$0x1C400] =	vst v63  }
0x195: {  	_ = 	snop  }
0x196: {  	[spmem:s2] =	stream.indirect.scatter.add.f32 [tilespmem:s6], [sflag:$0x2], $0x10, s23, s26, $0xb8;
	[tilespmem:$0x1C400] =	vst v63  }
0x197: {  	_ = 	snop  }
0x198: {  	[spmem:s2] =	stream.indirect.scatter.add.f32 [tilespmem:s7], [sflag:$0x2], $0x10, s24, s26, $0xb8;
	[tilespmem:$0x1C400] =	vst v63  }
0x199: {  	_ = 	snop  }
0x19a: {  	[spmem:s2] =	stream.indirect.scatter.add.f32 [tilespmem:s19], [sflag:$0x2], $0x10, s25, s26, $0xb8;
	[tilespmem:$0x1C400] =	vst v63  }
0x19b: {  	_ =	swait.ge [sflag:s28], $0x800  }
0x19c: {  	[sflag:s28] =	ssyncset.done $0x0  }
0x19d: {  	[sflag:s28] =	ssyncadd.s32 $0xFFFFF800  }
0x19e: {  	_ =	swait.ge [sflag:s28], $0x800  }
0x19f: {  	[sflag:s28] =	ssyncset.done $0x0  }
0x1a0: {  	[sflag:s28] =	ssyncadd.s32 $0xFFFFF800  }
0x1a1: {  	_ =	swait.ge [sflag:s28], $0x800  }
0x1a2: {  	[sflag:s28] =	ssyncset.done $0x0  }
0x1a3: {  	[sflag:s28] =	ssyncadd.s32 $0xFFFFF800  }
0x1a4: {  	_ =	swait.ge [sflag:s28], $0x800  }
0x1a5: {  	[sflag:s28] =	ssyncset.done $0x0  }
0x1a6: {  	s8 =	simm.s32 $0x0;
	[sflag:s28] =	ssyncadd.s32 $0xFFFFF800  }
0x1a7: {  	s13 =	simm.s32 $0x1B400;
	s5 =	simm.s32 $0x0;
	[bflag:$0x0] =	sbarrier.arrive $0xFFFF  }
.LBB2_43:
0x1a8: {  	s9 =	sshll.u32 s8, $0xB  }
0x1a9: {  	s9 =	sadd.s32 s14, s9  }
0x1aa: {  	s12 =	sadd.s32 s9, s2  }
0x1ab: {  	[tilespmem:s13], [sflag:$0x3] =	stream.linear.gather [spmem:s12], $0x800, $0x38;
	[tilespmem:$0x1C400] =	vst v63  }
0x1ac: {  	_ =	swait.ge [sflag:s20], $0x800  }
0x1ad: {  	s9 =	sshrl.u32 s9, $0x3;
	[sflag:s20] =	ssyncset.done $0x0;
	s29 =	rddreg [dreg:$0x9]  }
0x1ae: {  	[sflag:s20] =	ssyncadd.s32 $0xFFFFF800;
	s30 =	sadd.s32 s29, s9  }
0x1af: {  	[tilespmem:s31], [sflag:$0x3] =	stream.linear.gather [hbm4b:s30+s5], $0x800, $0x38;
	[tilespmem:$0x1C400] =	vst v63  }
0x1b0: {  	_ =	swait.ge [sflag:s20], $0x800  }
0x1b1: {  	[sflag:s20] =	ssyncset.done $0x0;
	s13 =	rddreg [dreg:$0xb]  }
0x1b2: {  	s29 =	simm.s32 $0x1AC00;
	[sflag:s20] =	ssyncadd.s32 $0xFFFFF800;
	s12 =	sadd.s32 s13, s9  }
0x1b3: {  	[tilespmem:s29], [sflag:$0x3] =	stream.linear.gather [hbm4b:s12+s5], $0x800, $0x38;
	[tilespmem:$0x1C400] =	vst v63  }
0x1b4: {  	_ =	swait.ge [sflag:s20], $0x800  }
0x1b5: {  	[sflag:s20] =	ssyncset.done $0x0  }
0x1b6: {  	s13 =	simm.s32 $0x0;
	[sflag:s20] =	ssyncadd.s32 $0xFFFFF800  }
0x1b7: {  	v0 =	vld [tilespmem:s13+$0x1AC00];
	_ =	sdelay $0x1  }
0x1b8: {  	v1 =	vld [tilespmem:s13+$0x1B400];
	_ =	sdelay $0x1  }
0x1b9: {  	v2 =	vld [tilespmem:s13+$0x1BC00]  }
0x1ba: {  	v3 =	vmul.f32 v0, v0;
	v0 =	vmul.f32 $2.500000000e-01, v0;
	_ =	sdelay $0x1  }
0x1bb: {  	s12 =	simm.s32 $0x10;
	v3 =	vmul.f32 v3, v1;
	v1 =	vmul.f32 v0, v1  }
0x1bc: {  	v0 =	vld [tilespmem:s12+$0x1AC00]  }
0x1bd: {  	[tilespmem:s13+$0x1B400] =	vst v3;
	v2 =	vadd.f32 v1, v2  }
0x1be: {  	s31 =	simm.s32 $0x80;
	v1 =	vld [tilespmem:s12+$0x1B400]  }
.LBB2_44:
0x1bf: {  	p1 =	sne.s32 s31, $0x1FC0;
	[tilespmem:s13+$0x1BC00] =	vst v2;
	s29 =	smov.u32 s31;
	s31 =	sadd.s32 $0x40, s31  }
0x1c0: {  	s13 =	smov.u32 s12;
	v2 =	vld [tilespmem:s12+$0x1BC00]  }
0x1c1: {  	v3 =	vmul.f32 $2.500000000e-01, v0;
	v0 =	vmul.f32 v0, v0  }
.Ltmp9:
0x1c2: {  	(pc) =	sbr.rel @p1 .LBB2_44-.Ltmp9, $4  }
0x1c3: {  	s12 =	sshra.s32 s29, $0x2;
	v3 =	vmul.f32 v3, v1;
	v1 =	vmul.f32 v0, v1  }
0x1c4: {  	v0 =	vld [tilespmem:s12+$0x1AC00]  }
0x1c5: {  	v2 =	vadd.f32 v3, v2;
	[tilespmem:s13+$0x1B400] =	vst v1  }
0x1c6: {  	v1 =	vld [tilespmem:s12+$0x1B400]  }
0x1c7: {  	[tilespmem:s13+$0x1BC00] =	vst v2  }
0x1c8: {  	v2 =	vld [tilespmem:s12+$0x1BC00]  }
0x1c9: {  	v3 =	vmul.f32 $2.500000000e-01, v0  }
0x1ca: {  	v62 =	vmul.f32 v0, v0  }
0x1cb: {  	v3 =	vmul.f32 v3, v1  }
0x1cc: {  	v0 =	vmul.f32 v62, v1  }
0x1cd: {  	v63 =	vadd.f32 v3, v2  }
0x1ce: {  	[tilespmem:s12+$0x1B400] =	vst v0  }
0x1cf: {  	s31 =	simm.s32 $0x1BC00;
	[tilespmem:s12+$0x1BC00] =	vst v63  }
0x1d0: {  	[hbm4b:s30+s3] =	stream.linear.scatter [tilespmem:s31], [sflag:$0x3], $0x800, $0x38;
	[tilespmem:$0x1C400] =	vst v63  }
0x1d1: {  	s8 =	sadd.s32 $0x1, s8;
	_ =	swait.ge [sflag:s20], $0x800  }
0x1d2: {  	s9 =	sadd.s32 s11, s9;
	p1 =	sne.s32 s8, $0x31;
	[sflag:s20] =	ssyncset.done $0x0  }
.Ltmp10:
0x1d3: {  	s13 =	simm.s32 $0x1B400;
	[sflag:s20] =	ssyncadd.s32 $0xFFFFF800;
	(pc) =	sbr.rel @p1 .LBB2_43-.Ltmp10, $4  }
0x1d4: {  	[hbm4b:s9+s3] =	stream.linear.scatter [tilespmem:s13], [sflag:$0x3], $0x800, $0x38;
	[tilespmem:$0x1C400] =	vst v63  }
0x1d5: {  	_ =	swait.ge [sflag:s20], $0x800  }
0x1d6: {  	[sflag:s20] =	ssyncset.done $0x0  }
0x1d7: {  	[sflag:s20] =	ssyncadd.s32 $0xFFFFF800  }
0x1d8: {  	s5 =	rddreg [dreg:$0x7]  }
0x1d9: {  	s8 =	rddreg [dreg:$0xd]  }
0x1da: {  	s9 =	rddreg [dreg:$0xe]  }
0x1db: {  	[spmem:s9], [sflag:s8] =	dma.local [hbm:s5], $0x3100  }
0x1dc: {  	_ =	swait.ge [sflag:s20], $0x3100  }
0x1dd: {  	[sflag:s20] =	ssyncset.done $0x0  }
0x1de: {  	[sflag:s20] =	ssyncadd.s32 $0xFFFFCF00  }
0x1df: {  	s12 =	sadd.s32 $0x0, s18;
	[bflag:$0x0] =	sbarrier.arrive $0xFFFF  }
0x1e0: {  	[tilespmem:s0], [sflag:$0x3] =	stream.linear.gather [hbm4b:s12+s3], $0x200, $0x38;
	[tilespmem:$0x1C400] =	vst v63  }
0x1e1: {  	_ =	swait.ge [sflag:s20], $0x200  }
0x1e2: {  	[sflag:s20] =	ssyncset.done $0x0  }
0x1e3: {  	s13 =	sadd.s32 $0x0, s17;
	[sflag:s20] =	ssyncadd.s32 $0xFFFFFE00  }
0x1e4: {  	[tilespmem:s22], [sflag:$0x3] =	stream.linear.gather [hbm4b:s13+s3], $0x80, $0x38;
	[tilespmem:$0x1C400] =	vst v63  }
0x1e5: {  	_ =	swait.ge [sflag:s20], $0x80  }
0x1e6: {  	[sflag:s20] =	ssyncset.done $0x0  }
0x1e7: {  	s29 =	sadd.s32 $0x10, s13;
	[sflag:s20] =	ssyncadd.s32 $0xFFFFFF80  }
0x1e8: {  	[tilespmem:s23], [sflag:$0x3] =	stream.linear.gather [hbm4b:s29+s3], $0x80, $0x38;
	[tilespmem:$0x1C400] =	vst v63  }
0x1e9: {  	_ =	swait.ge [sflag:s20], $0x80  }
0x1ea: {  	[sflag:s20] =	ssyncset.done $0x0  }
0x1eb: {  	s30 =	sadd.s32 $0x20, s13;
	[sflag:s20] =	ssyncadd.s32 $0xFFFFFF80  }
0x1ec: {  	[tilespmem:s24], [sflag:$0x3] =	stream.linear.gather [hbm4b:s30+s3], $0x80, $0x38;
	[tilespmem:$0x1C400] =	vst v63  }
0x1ed: {  	_ =	swait.ge [sflag:s20], $0x80  }
0x1ee: {  	[sflag:s20] =	ssyncset.done $0x0  }
0x1ef: {  	s5 =	sadd.s32 $0x30, s13;
	[sflag:s20] =	ssyncadd.s32 $0xFFFFFF80  }
0x1f0: {  	[tilespmem:s25], [sflag:$0x3] =	stream.linear.gather [hbm4b:s5+s3], $0x80, $0x38;
	[tilespmem:$0x1C400] =	vst v63  }
0x1f1: {  	_ =	swait.ge [sflag:s20], $0x80  }
0x1f2: {  	[sflag:s20] =	ssyncset.done $0x0  }
0x1f3: {  	[sflag:s20] =	ssyncadd.s32 $0xFFFFFF80  }
0x1f4: {  	[tilespmem:s21], [sflag:$0x1] =	stream.indirect.gather [hbm4b:s11+s26], $0x10, s0, s26, $0xb8;
	[tilespmem:$0x1C400] =	vst v63  }
0x1f5: {  	_ = 	snop  }
0x1f6: {  	[tilespmem:s6], [sflag:$0x1] =	stream.indirect.gather [hbm4b:s11+s26], $0x10, s1, s26, $0xb8;
	[tilespmem:$0x1C400] =	vst v63  }
0x1f7: {  	_ = 	snop  }
0x1f8: {  	[tilespmem:s7], [sflag:$0x1] =	stream.indirect.gather [hbm4b:s11+s26], $0x10, s15, s26, $0xb8;
	[tilespmem:$0x1C400] =	vst v63  }
0x1f9: {  	_ = 	snop  }
0x1fa: {  	[tilespmem:s19], [sflag:$0x1] =	stream.indirect.gather [hbm4b:s11+s26], $0x10, s16, s26, $0xb8;
	[tilespmem:$0x1C400] =	vst v63  }
0x1fb: {  	_ =	swait.ge [sflag:s4], $0x800  }
0x1fc: {  	[sflag:s4] =	ssyncset.done $0x0  }
0x1fd: {  	[sflag:s4] =	ssyncadd.s32 $0xFFFFF800  }
0x1fe: {  	_ =	swait.ge [sflag:s4], $0x800  }
0x1ff: {  	[sflag:s4] =	ssyncset.done $0x0  }
0x200: {  	[sflag:s4] =	ssyncadd.s32 $0xFFFFF800  }
0x201: {  	_ =	swait.ge [sflag:s4], $0x800  }
0x202: {  	[sflag:s4] =	ssyncset.done $0x0  }
0x203: {  	[sflag:s4] =	ssyncadd.s32 $0xFFFFF800  }
0x204: {  	_ =	swait.ge [sflag:s4], $0x800  }
0x205: {  	[sflag:s4] =	ssyncset.done $0x0  }
0x206: {  	[sflag:s4] =	ssyncadd.s32 $0xFFFFF800  }
0x207: {  	[spmem:s2] =	stream.indirect.scatter.add.f32 [tilespmem:s21], [sflag:$0x2], $0x10, s22, s26, $0xb8;
	[tilespmem:$0x1C400] =	vst v63  }
0x208: {  	_ = 	snop  }
0x209: {  	[spmem:s2] =	stream.indirect.scatter.add.f32 [tilespmem:s6], [sflag:$0x2], $0x10, s23, s26, $0xb8;
	[tilespmem:$0x1C400] =	vst v63  }
0x20a: {  	_ = 	snop  }
0x20b: {  	[spmem:s2] =	stream.indirect.scatter.add.f32 [tilespmem:s7], [sflag:$0x2], $0x10, s24, s26, $0xb8;
	[tilespmem:$0x1C400] =	vst v63  }
0x20c: {  	_ = 	snop  }
0x20d: {  	[spmem:s2] =	stream.indirect.scatter.add.f32 [tilespmem:s19], [sflag:$0x2], $0x10, s25, s26, $0xb8;
	[tilespmem:$0x1C400] =	vst v63  }
0x20e: {  	_ =	swait.ge [sflag:s28], $0x800  }
0x20f: {  	[sflag:s28] =	ssyncset.done $0x0  }
0x210: {  	[sflag:s28] =	ssyncadd.s32 $0xFFFFF800  }
0x211: {  	_ =	swait.ge [sflag:s28], $0x800  }
0x212: {  	[sflag:s28] =	ssyncset.done $0x0  }
0x213: {  	[sflag:s28] =	ssyncadd.s32 $0xFFFFF800  }
0x214: {  	_ =	swait.ge [sflag:s28], $0x800  }
0x215: {  	[sflag:s28] =	ssyncset.done $0x0  }
0x216: {  	[sflag:s28] =	ssyncadd.s32 $0xFFFFF800  }
0x217: {  	_ =	swait.ge [sflag:s28], $0x800  }
0x218: {  	s9 =	simm.s32 $0x80;
	s5 =	simm.s32 $0x40;
	[sflag:s28] =	ssyncset.done $0x0  }
.LBB2_47:
0x219: {  	s12 =	sadd.s32 s5, s18  }
0x21a: {  	[sflag:s28] =	ssyncadd.s32 $0xFFFFF800;
	s13 =	smov.u32 s9;
	s8 =	sadd.s32 $0x40, s9  }
0x21b: {  	[tilespmem:s0], [sflag:$0x3] =	stream.linear.gather [hbm4b:s12+s3], $0x200, $0x38;
	[tilespmem:$0x1C400] =	vst v63  }
0x21c: {  	p1 =	sne.s32 s9, $0x31C0;
	_ =	swait.ge [sflag:s20], $0x200  }
0x21d: {  	[sflag:s20] =	ssyncset.done $0x0  }
0x21e: {  	s9 =	sadd.s32 s5, s17;
	s5 =	smov.u32 s13;
	[sflag:s20] =	ssyncadd.s32 $0xFFFFFE00  }
0x21f: {  	[tilespmem:s22], [sflag:$0x3] =	stream.linear.gather [hbm4b:s9+s3], $0x80, $0x38;
	[tilespmem:$0x1C400] =	vst v63  }
0x220: {  	_ =	swait.ge [sflag:s20], $0x80  }
0x221: {  	[sflag:s20] =	ssyncset.done $0x0  }
0x222: {  	s12 =	sadd.s32 $0x10, s9;
	[sflag:s20] =	ssyncadd.s32 $0xFFFFFF80  }
0x223: {  	[tilespmem:s23], [sflag:$0x3] =	stream.linear.gather [hbm4b:s12+s3], $0x80, $0x38;
	[tilespmem:$0x1C400] =	vst v63  }
0x224: {  	_ =	swait.ge [sflag:s20], $0x80  }
0x225: {  	[sflag:s20] =	ssyncset.done $0x0  }
0x226: {  	s12 =	sadd.s32 $0x20, s9;
	[sflag:s20] =	ssyncadd.s32 $0xFFFFFF80  }
0x227: {  	[tilespmem:s24], [sflag:$0x3] =	stream.linear.gather [hbm4b:s12+s3], $0x80, $0x38;
	[tilespmem:$0x1C400] =	vst v63  }
0x228: {  	_ =	swait.ge [sflag:s20], $0x80  }
0x229: {  	[sflag:s20] =	ssyncset.done $0x0  }
0x22a: {  	s9 =	sadd.s32 $0x30, s9;
	[sflag:s20] =	ssyncadd.s32 $0xFFFFFF80  }
0x22b: {  	[tilespmem:s25], [sflag:$0x3] =	stream.linear.gather [hbm4b:s9+s3], $0x80, $0x38;
	[tilespmem:$0x1C400] =	vst v63  }
0x22c: {  	_ =	swait.ge [sflag:s20], $0x80  }
0x22d: {  	[sflag:s20] =	ssyncset.done $0x0  }
0x22e: {  	[sflag:s20] =	ssyncadd.s32 $0xFFFFFF80  }
0x22f: {  	[tilespmem:s21], [sflag:$0x1] =	stream.indirect.gather [hbm4b:s11+s26], $0x10, s0, s26, $0xb8;
	[tilespmem:$0x1C400] =	vst v63  }
0x230: {  	_ = 	snop  }
0x231: {  	[tilespmem:s6], [sflag:$0x1] =	stream.indirect.gather [hbm4b:s11+s26], $0x10, s1, s26, $0xb8;
	[tilespmem:$0x1C400] =	vst v63  }
0x232: {  	_ = 	snop  }
0x233: {  	[tilespmem:s7], [sflag:$0x1] =	stream.indirect.gather [hbm4b:s11+s26], $0x10, s15, s26, $0xb8;
	[tilespmem:$0x1C400] =	vst v63  }
0x234: {  	_ = 	snop  }
0x235: {  	[tilespmem:s19], [sflag:$0x1] =	stream.indirect.gather [hbm4b:s11+s26], $0x10, s16, s26, $0xb8;
	[tilespmem:$0x1C400] =	vst v63  }
0x236: {  	_ =	swait.ge [sflag:s4], $0x800  }
0x237: {  	[sflag:s4] =	ssyncset.done $0x0  }
0x238: {  	[sflag:s4] =	ssyncadd.s32 $0xFFFFF800  }
0x239: {  	_ =	swait.ge [sflag:s4], $0x800  }
0x23a: {  	[sflag:s4] =	ssyncset.done $0x0  }
0x23b: {  	[sflag:s4] =	ssyncadd.s32 $0xFFFFF800  }
0x23c: {  	_ =	swait.ge [sflag:s4], $0x800  }
0x23d: {  	[sflag:s4] =	ssyncset.done $0x0  }
0x23e: {  	[sflag:s4] =	ssyncadd.s32 $0xFFFFF800  }
0x23f: {  	_ =	swait.ge [sflag:s4], $0x800  }
0x240: {  	[sflag:s4] =	ssyncset.done $0x0  }
0x241: {  	[sflag:s4] =	ssyncadd.s32 $0xFFFFF800  }
0x242: {  	[spmem:s2] =	stream.indirect.scatter.add.f32 [tilespmem:s21], [sflag:$0x2], $0x10, s22, s26, $0xb8;
	[tilespmem:$0x1C400] =	vst v63  }
0x243: {  	_ = 	snop  }
0x244: {  	[spmem:s2] =	stream.indirect.scatter.add.f32 [tilespmem:s6], [sflag:$0x2], $0x10, s23, s26, $0xb8;
	[tilespmem:$0x1C400] =	vst v63  }
0x245: {  	_ = 	snop  }
0x246: {  	[spmem:s2] =	stream.indirect.scatter.add.f32 [tilespmem:s7], [sflag:$0x2], $0x10, s24, s26, $0xb8;
	[tilespmem:$0x1C400] =	vst v63  }
0x247: {  	_ = 	snop  }
0x248: {  	[spmem:s2] =	stream.indirect.scatter.add.f32 [tilespmem:s19], [sflag:$0x2], $0x10, s25, s26, $0xb8;
	[tilespmem:$0x1C400] =	vst v63  }
0x249: {  	_ =	swait.ge [sflag:s28], $0x800  }
0x24a: {  	[sflag:s28] =	ssyncset.done $0x0  }
0x24b: {  	[sflag:s28] =	ssyncadd.s32 $0xFFFFF800  }
0x24c: {  	_ =	swait.ge [sflag:s28], $0x800  }
0x24d: {  	[sflag:s28] =	ssyncset.done $0x0  }
0x24e: {  	[sflag:s28] =	ssyncadd.s32 $0xFFFFF800  }
.Ltmp11:
0x24f: {  	_ =	swait.ge [sflag:s28], $0x800;
	(pc) =	sbr.rel @p1 .LBB2_47-.Ltmp11, $4  }
0x250: {  	[sflag:s28] =	ssyncset.done $0x0  }
0x251: {  	[sflag:s28] =	ssyncadd.s32 $0xFFFFF800  }
0x252: {  	_ =	swait.ge [sflag:s28], $0x800  }
0x253: {  	s9 =	smov.u32 s8;
	[sflag:s28] =	ssyncset.done $0x0  }
0x254: {  	s8 =	sadd.s32 s5, s18;
	[sflag:s28] =	ssyncadd.s32 $0xFFFFF800  }
0x255: {  	[tilespmem:s0], [sflag:$0x3] =	stream.linear.gather [hbm4b:s8+s3], $0x200, $0x38;
	[tilespmem:$0x1C400] =	vst v63  }
0x256: {  	_ =	swait.ge [sflag:s20], $0x200  }
0x257: {  	[sflag:s20] =	ssyncset.done $0x0  }
0x258: {  	s13 =	sadd.s32 s5, s17;
	[sflag:s20] =	ssyncadd.s32 $0xFFFFFE00  }
0x259: {  	[tilespmem:s22], [sflag:$0x3] =	stream.linear.gather [hbm4b:s13+s3], $0x80, $0x38;
	[tilespmem:$0x1C400] =	vst v63  }
0x25a: {  	_ =	swait.ge [sflag:s20], $0x80  }
0x25b: {  	[sflag:s20] =	ssyncset.done $0x0  }
0x25c: {  	s29 =	sadd.s32 $0x10, s13;
	[sflag:s20] =	ssyncadd.s32 $0xFFFFFF80  }
0x25d: {  	[tilespmem:s23], [sflag:$0x3] =	stream.linear.gather [hbm4b:s29+s3], $0x80, $0x38;
	[tilespmem:$0x1C400] =	vst v63  }
0x25e: {  	_ =	swait.ge [sflag:s20], $0x80  }
0x25f: {  	[sflag:s20] =	ssyncset.done $0x0  }
0x260: {  	s30 =	sadd.s32 $0x20, s13;
	[sflag:s20] =	ssyncadd.s32 $0xFFFFFF80  }
0x261: {  	[tilespmem:s24], [sflag:$0x3] =	stream.linear.gather [hbm4b:s30+s3], $0x80, $0x38;
	[tilespmem:$0x1C400] =	vst v63  }
0x262: {  	_ =	swait.ge [sflag:s20], $0x80  }
0x263: {  	[sflag:s20] =	ssyncset.done $0x0  }
0x264: {  	s5 =	sadd.s32 $0x30, s13;
	[sflag:s20] =	ssyncadd.s32 $0xFFFFFF80  }
0x265: {  	[tilespmem:s25], [sflag:$0x3] =	stream.linear.gather [hbm4b:s5+s3], $0x80, $0x38;
	[tilespmem:$0x1C400] =	vst v63  }
0x266: {  	_ =	swait.ge [sflag:s20], $0x80  }
0x267: {  	[sflag:s20] =	ssyncset.done $0x0  }
0x268: {  	[sflag:s20] =	ssyncadd.s32 $0xFFFFFF80  }
0x269: {  	[tilespmem:s21], [sflag:$0x1] =	stream.indirect.gather [hbm4b:s11+s26], $0x10, s0, s26, $0xb8;
	[tilespmem:$0x1C400] =	vst v63  }
0x26a: {  	_ = 	snop  }
0x26b: {  	[tilespmem:s6], [sflag:$0x1] =	stream.indirect.gather [hbm4b:s11+s26], $0x10, s1, s26, $0xb8;
	[tilespmem:$0x1C400] =	vst v63  }
0x26c: {  	_ = 	snop  }
0x26d: {  	[tilespmem:s7], [sflag:$0x1] =	stream.indirect.gather [hbm4b:s11+s26], $0x10, s15, s26, $0xb8;
	[tilespmem:$0x1C400] =	vst v63  }
0x26e: {  	_ = 	snop  }
0x26f: {  	[tilespmem:s19], [sflag:$0x1] =	stream.indirect.gather [hbm4b:s11+s26], $0x10, s16, s26, $0xb8;
	[tilespmem:$0x1C400] =	vst v63  }
0x270: {  	_ =	swait.ge [sflag:s4], $0x800  }
0x271: {  	[sflag:s4] =	ssyncset.done $0x0  }
0x272: {  	[sflag:s4] =	ssyncadd.s32 $0xFFFFF800  }
0x273: {  	_ =	swait.ge [sflag:s4], $0x800  }
0x274: {  	[sflag:s4] =	ssyncset.done $0x0  }
0x275: {  	[sflag:s4] =	ssyncadd.s32 $0xFFFFF800  }
0x276: {  	_ =	swait.ge [sflag:s4], $0x800  }
0x277: {  	[sflag:s4] =	ssyncset.done $0x0  }
0x278: {  	[sflag:s4] =	ssyncadd.s32 $0xFFFFF800  }
0x279: {  	_ =	swait.ge [sflag:s4], $0x800  }
0x27a: {  	[sflag:s4] =	ssyncset.done $0x0  }
0x27b: {  	[sflag:s4] =	ssyncadd.s32 $0xFFFFF800  }
0x27c: {  	[spmem:s2] =	stream.indirect.scatter.add.f32 [tilespmem:s21], [sflag:$0x2], $0x10, s22, s26, $0xb8;
	[tilespmem:$0x1C400] =	vst v63  }
0x27d: {  	_ = 	snop  }
0x27e: {  	[spmem:s2] =	stream.indirect.scatter.add.f32 [tilespmem:s6], [sflag:$0x2], $0x10, s23, s26, $0xb8;
	[tilespmem:$0x1C400] =	vst v63  }
0x27f: {  	_ = 	snop  }
0x280: {  	[spmem:s2] =	stream.indirect.scatter.add.f32 [tilespmem:s7], [sflag:$0x2], $0x10, s24, s26, $0xb8;
	[tilespmem:$0x1C400] =	vst v63  }
0x281: {  	_ = 	snop  }
0x282: {  	[spmem:s2] =	stream.indirect.scatter.add.f32 [tilespmem:s19], [sflag:$0x2], $0x10, s25, s26, $0xb8;
	[tilespmem:$0x1C400] =	vst v63  }
0x283: {  	_ =	swait.ge [sflag:s28], $0x800  }
0x284: {  	[sflag:s28] =	ssyncset.done $0x0  }
0x285: {  	[sflag:s28] =	ssyncadd.s32 $0xFFFFF800  }
0x286: {  	_ =	swait.ge [sflag:s28], $0x800  }
0x287: {  	[sflag:s28] =	ssyncset.done $0x0  }
0x288: {  	[sflag:s28] =	ssyncadd.s32 $0xFFFFF800  }
0x289: {  	_ =	swait.ge [sflag:s28], $0x800  }
0x28a: {  	[sflag:s28] =	ssyncset.done $0x0  }
0x28b: {  	[sflag:s28] =	ssyncadd.s32 $0xFFFFF800  }
0x28c: {  	_ =	swait.ge [sflag:s28], $0x800  }
0x28d: {  	[sflag:s28] =	ssyncset.done $0x0  }
0x28e: {  	s8 =	simm.s32 $0x0;
	[sflag:s28] =	ssyncadd.s32 $0xFFFFF800  }
0x28f: {  	s13 =	simm.s32 $0x1B400;
	s5 =	simm.s32 $0x0;
	[bflag:$0x0] =	sbarrier.arrive $0xFFFF  }
.LBB2_49:
0x290: {  	s9 =	sshll.u32 s8, $0xB  }
0x291: {  	s9 =	sadd.s32 s14, s9  }
0x292: {  	s12 =	sadd.s32 s9, s2  }
0x293: {  	[tilespmem:s13], [sflag:$0x3] =	stream.linear.gather [spmem:s12], $0x800, $0x38;
	[tilespmem:$0x1C400] =	vst v63  }
0x294: {  	_ =	swait.ge [sflag:s20], $0x800  }
0x295: {  	s9 =	sshrl.u32 s9, $0x3;
	[sflag:s20] =	ssyncset.done $0x0;
	s29 =	rddreg [dreg:$0x9]  }
0x296: {  	[sflag:s20] =	ssyncadd.s32 $0xFFFFF800;
	s30 =	sadd.s32 s29, s9  }
0x297: {  	[tilespmem:s31], [sflag:$0x3] =	stream.linear.gather [hbm4b:s30+s5], $0x800, $0x38;
	[tilespmem:$0x1C400] =	vst v63  }
0x298: {  	_ =	swait.ge [sflag:s20], $0x800  }
0x299: {  	[sflag:s20] =	ssyncset.done $0x0;
	s13 =	rddreg [dreg:$0xb]  }
0x29a: {  	s29 =	simm.s32 $0x1AC00;
	[sflag:s20] =	ssyncadd.s32 $0xFFFFF800;
	s12 =	sadd.s32 s13, s9  }
0x29b: {  	[tilespmem:s29], [sflag:$0x3] =	stream.linear.gather [hbm4b:s12+s5], $0x800, $0x38;
	[tilespmem:$0x1C400] =	vst v63  }
0x29c: {  	_ =	swait.ge [sflag:s20], $0x800  }
0x29d: {  	[sflag:s20] =	ssyncset.done $0x0  }
0x29e: {  	s13 =	simm.s32 $0x0;
	[sflag:s20] =	ssyncadd.s32 $0xFFFFF800  }
0x29f: {  	v0 =	vld [tilespmem:s13+$0x1AC00];
	_ =	sdelay $0x1  }
0x2a0: {  	v1 =	vld [tilespmem:s13+$0x1B400];
	_ =	sdelay $0x1  }
0x2a1: {  	v2 =	vld [tilespmem:s13+$0x1BC00]  }
0x2a2: {  	v3 =	vmul.f32 v0, v0;
	v0 =	vmul.f32 $2.500000000e-01, v0;
	_ =	sdelay $0x1  }
0x2a3: {  	s12 =	simm.s32 $0x10;
	v3 =	vmul.f32 v3, v1;
	v1 =	vmul.f32 v0, v1  }
0x2a4: {  	v0 =	vld [tilespmem:s12+$0x1AC00]  }
0x2a5: {  	[tilespmem:s13+$0x1B400] =	vst v3;
	v2 =	vadd.f32 v1, v2  }
0x2a6: {  	s31 =	simm.s32 $0x80;
	v1 =	vld [tilespmem:s12+$0x1B400]  }
.LBB2_50:
0x2a7: {  	p1 =	sne.s32 s31, $0x1FC0;
	[tilespmem:s13+$0x1BC00] =	vst v2;
	s29 =	smov.u32 s31;
	s31 =	sadd.s32 $0x40, s31  }
0x2a8: {  	s13 =	smov.u32 s12;
	v2 =	vld [tilespmem:s12+$0x1BC00]  }
0x2a9: {  	v3 =	vmul.f32 $2.500000000e-01, v0;
	v0 =	vmul.f32 v0, v0  }
.Ltmp12:
0x2aa: {  	(pc) =	sbr.rel @p1 .LBB2_50-.Ltmp12, $4  }
0x2ab: {  	s12 =	sshra.s32 s29, $0x2;
	v3 =	vmul.f32 v3, v1;
	v1 =	vmul.f32 v0, v1  }
0x2ac: {  	v0 =	vld [tilespmem:s12+$0x1AC00]  }
0x2ad: {  	v2 =	vadd.f32 v3, v2;
	[tilespmem:s13+$0x1B400] =	vst v1  }
0x2ae: {  	v1 =	vld [tilespmem:s12+$0x1B400]  }
0x2af: {  	[tilespmem:s13+$0x1BC00] =	vst v2  }
0x2b0: {  	v2 =	vld [tilespmem:s12+$0x1BC00]  }
0x2b1: {  	v3 =	vmul.f32 $2.500000000e-01, v0  }
0x2b2: {  	v62 =	vmul.f32 v0, v0  }
0x2b3: {  	v3 =	vmul.f32 v3, v1  }
0x2b4: {  	v0 =	vmul.f32 v62, v1  }
0x2b5: {  	v63 =	vadd.f32 v3, v2  }
0x2b6: {  	[tilespmem:s12+$0x1B400] =	vst v0  }
0x2b7: {  	s31 =	simm.s32 $0x1BC00;
	[tilespmem:s12+$0x1BC00] =	vst v63  }
0x2b8: {  	[hbm4b:s30+s3] =	stream.linear.scatter [tilespmem:s31], [sflag:$0x3], $0x800, $0x38;
	[tilespmem:$0x1C400] =	vst v63  }
0x2b9: {  	s8 =	sadd.s32 $0x1, s8;
	_ =	swait.ge [sflag:s20], $0x800  }
0x2ba: {  	s9 =	sadd.s32 s11, s9;
	p1 =	sne.s32 s8, $0x31;
	[sflag:s20] =	ssyncset.done $0x0  }
.Ltmp13:
0x2bb: {  	s13 =	simm.s32 $0x1B400;
	[sflag:s20] =	ssyncadd.s32 $0xFFFFF800;
	(pc) =	sbr.rel @p1 .LBB2_49-.Ltmp13, $4  }
0x2bc: {  	[hbm4b:s9+s3] =	stream.linear.scatter [tilespmem:s13], [sflag:$0x3], $0x800, $0x38;
	[tilespmem:$0x1C400] =	vst v63  }
0x2bd: {  	_ =	swait.ge [sflag:s20], $0x800  }
0x2be: {  	[sflag:s20] =	ssyncset.done $0x0  }
0x2bf: {  	[sflag:s20] =	ssyncadd.s32 $0xFFFFF800  }
0x2c0: {  	s9 =	rddreg [dreg:$0x7]  }
0x2c1: {  	s5 =	rddreg [dreg:$0xd]  }
0x2c2: {  	s8 =	rddreg [dreg:$0xe]  }
0x2c3: {  	[spmem:s8], [sflag:s5] =	dma.local [hbm:s9], $0x3100  }
0x2c4: {  	_ =	swait.ge [sflag:s20], $0x3100  }
0x2c5: {  	[sflag:s20] =	ssyncset.done $0x0  }
0x2c6: {  	[sflag:s20] =	ssyncadd.s32 $0xFFFFCF00  }
0x2c7: {  	s12 =	sadd.s32 $0x0, s18;
	[bflag:$0x0] =	sbarrier.arrive $0xFFFF  }
0x2c8: {  	[tilespmem:s0], [sflag:$0x3] =	stream.linear.gather [hbm4b:s12+s3], $0x200, $0x38;
	[tilespmem:$0x1C400] =	vst v63  }
0x2c9: {  	_ =	swait.ge [sflag:s20], $0x200  }
0x2ca: {  	[sflag:s20] =	ssyncset.done $0x0  }
0x2cb: {  	s13 =	sadd.s32 $0x0, s17;
	[sflag:s20] =	ssyncadd.s32 $0xFFFFFE00  }
0x2cc: {  	[tilespmem:s22], [sflag:$0x3] =	stream.linear.gather [hbm4b:s13+s3], $0x80, $0x38;
	[tilespmem:$0x1C400] =	vst v63  }
0x2cd: {  	_ =	swait.ge [sflag:s20], $0x80  }
0x2ce: {  	[sflag:s20] =	ssyncset.done $0x0  }
0x2cf: {  	s29 =	sadd.s32 $0x10, s13;
	[sflag:s20] =	ssyncadd.s32 $0xFFFFFF80  }
0x2d0: {  	[tilespmem:s23], [sflag:$0x3] =	stream.linear.gather [hbm4b:s29+s3], $0x80, $0x38;
	[tilespmem:$0x1C400] =	vst v63  }
0x2d1: {  	_ =	swait.ge [sflag:s20], $0x80  }
0x2d2: {  	[sflag:s20] =	ssyncset.done $0x0  }
0x2d3: {  	s30 =	sadd.s32 $0x20, s13;
	[sflag:s20] =	ssyncadd.s32 $0xFFFFFF80  }
0x2d4: {  	[tilespmem:s24], [sflag:$0x3] =	stream.linear.gather [hbm4b:s30+s3], $0x80, $0x38;
	[tilespmem:$0x1C400] =	vst v63  }
0x2d5: {  	_ =	swait.ge [sflag:s20], $0x80  }
0x2d6: {  	[sflag:s20] =	ssyncset.done $0x0  }
0x2d7: {  	s5 =	sadd.s32 $0x30, s13;
	[sflag:s20] =	ssyncadd.s32 $0xFFFFFF80  }
0x2d8: {  	[tilespmem:s25], [sflag:$0x3] =	stream.linear.gather [hbm4b:s5+s3], $0x80, $0x38;
	[tilespmem:$0x1C400] =	vst v63  }
0x2d9: {  	_ =	swait.ge [sflag:s20], $0x80  }
0x2da: {  	[sflag:s20] =	ssyncset.done $0x0  }
0x2db: {  	[sflag:s20] =	ssyncadd.s32 $0xFFFFFF80  }
0x2dc: {  	[tilespmem:s21], [sflag:$0x1] =	stream.indirect.gather [hbm4b:s11+s26], $0x10, s0, s26, $0xb8;
	[tilespmem:$0x1C400] =	vst v63  }
0x2dd: {  	_ = 	snop  }
0x2de: {  	[tilespmem:s6], [sflag:$0x1] =	stream.indirect.gather [hbm4b:s11+s26], $0x10, s1, s26, $0xb8;
	[tilespmem:$0x1C400] =	vst v63  }
0x2df: {  	_ = 	snop  }
0x2e0: {  	[tilespmem:s7], [sflag:$0x1] =	stream.indirect.gather [hbm4b:s11+s26], $0x10, s15, s26, $0xb8;
	[tilespmem:$0x1C400] =	vst v63  }
0x2e1: {  	_ = 	snop  }
0x2e2: {  	[tilespmem:s19], [sflag:$0x1] =	stream.indirect.gather [hbm4b:s11+s26], $0x10, s16, s26, $0xb8;
	[tilespmem:$0x1C400] =	vst v63  }
0x2e3: {  	_ =	swait.ge [sflag:s4], $0x800  }
0x2e4: {  	[sflag:s4] =	ssyncset.done $0x0  }
0x2e5: {  	[sflag:s4] =	ssyncadd.s32 $0xFFFFF800  }
0x2e6: {  	_ =	swait.ge [sflag:s4], $0x800  }
0x2e7: {  	[sflag:s4] =	ssyncset.done $0x0  }
0x2e8: {  	[sflag:s4] =	ssyncadd.s32 $0xFFFFF800  }
0x2e9: {  	_ =	swait.ge [sflag:s4], $0x800  }
0x2ea: {  	[sflag:s4] =	ssyncset.done $0x0  }
0x2eb: {  	[sflag:s4] =	ssyncadd.s32 $0xFFFFF800  }
0x2ec: {  	_ =	swait.ge [sflag:s4], $0x800  }
0x2ed: {  	[sflag:s4] =	ssyncset.done $0x0  }
0x2ee: {  	[sflag:s4] =	ssyncadd.s32 $0xFFFFF800  }
0x2ef: {  	[spmem:s2] =	stream.indirect.scatter.add.f32 [tilespmem:s21], [sflag:$0x2], $0x10, s22, s26, $0xb8;
	[tilespmem:$0x1C400] =	vst v63  }
0x2f0: {  	_ = 	snop  }
0x2f1: {  	[spmem:s2] =	stream.indirect.scatter.add.f32 [tilespmem:s6], [sflag:$0x2], $0x10, s23, s26, $0xb8;
	[tilespmem:$0x1C400] =	vst v63  }
0x2f2: {  	_ = 	snop  }
0x2f3: {  	[spmem:s2] =	stream.indirect.scatter.add.f32 [tilespmem:s7], [sflag:$0x2], $0x10, s24, s26, $0xb8;
	[tilespmem:$0x1C400] =	vst v63  }
0x2f4: {  	_ = 	snop  }
0x2f5: {  	[spmem:s2] =	stream.indirect.scatter.add.f32 [tilespmem:s19], [sflag:$0x2], $0x10, s25, s26, $0xb8;
	[tilespmem:$0x1C400] =	vst v63  }
0x2f6: {  	_ =	swait.ge [sflag:s28], $0x800  }
0x2f7: {  	[sflag:s28] =	ssyncset.done $0x0  }
0x2f8: {  	[sflag:s28] =	ssyncadd.s32 $0xFFFFF800  }
0x2f9: {  	_ =	swait.ge [sflag:s28], $0x800  }
0x2fa: {  	[sflag:s28] =	ssyncset.done $0x0  }
0x2fb: {  	[sflag:s28] =	ssyncadd.s32 $0xFFFFF800  }
0x2fc: {  	_ =	swait.ge [sflag:s28], $0x800  }
0x2fd: {  	[sflag:s28] =	ssyncset.done $0x0  }
0x2fe: {  	[sflag:s28] =	ssyncadd.s32 $0xFFFFF800  }
0x2ff: {  	s31 =	simm.s32 $0x1B400;
	_ =	swait.ge [sflag:s28], $0x800  }
0x300: {  	s9 =	simm.s32 $0x80;
	s5 =	simm.s32 $0x40;
	[sflag:s28] =	ssyncset.done $0x0  }
.LBB2_53:
0x301: {  	s12 =	sadd.s32 s5, s18  }
0x302: {  	[sflag:s28] =	ssyncadd.s32 $0xFFFFF800;
	s13 =	smov.u32 s9;
	s8 =	sadd.s32 $0x40, s9  }
0x303: {  	[tilespmem:s0], [sflag:$0x3] =	stream.linear.gather [hbm4b:s12+s3], $0x200, $0x38;
	[tilespmem:$0x1C400] =	vst v63  }
0x304: {  	p1 =	sne.s32 s9, $0x31C0;
	_ =	swait.ge [sflag:s20], $0x200  }
0x305: {  	[sflag:s20] =	ssyncset.done $0x0  }
0x306: {  	s9 =	sadd.s32 s5, s17;
	s5 =	smov.u32 s13;
	[sflag:s20] =	ssyncadd.s32 $0xFFFFFE00  }
0x307: {  	[tilespmem:s22], [sflag:$0x3] =	stream.linear.gather [hbm4b:s9+s3], $0x80, $0x38;
	[tilespmem:$0x1C400] =	vst v63  }
0x308: {  	_ =	swait.ge [sflag:s20], $0x80  }
0x309: {  	[sflag:s20] =	ssyncset.done $0x0  }
0x30a: {  	s12 =	sadd.s32 $0x10, s9;
	[sflag:s20] =	ssyncadd.s32 $0xFFFFFF80  }
0x30b: {  	[tilespmem:s23], [sflag:$0x3] =	stream.linear.gather [hbm4b:s12+s3], $0x80, $0x38;
	[tilespmem:$0x1C400] =	vst v63  }
0x30c: {  	_ =	swait.ge [sflag:s20], $0x80  }
0x30d: {  	[sflag:s20] =	ssyncset.done $0x0  }
0x30e: {  	s12 =	sadd.s32 $0x20, s9;
	[sflag:s20] =	ssyncadd.s32 $0xFFFFFF80  }
0x30f: {  	[tilespmem:s24], [sflag:$0x3] =	stream.linear.gather [hbm4b:s12+s3], $0x80, $0x38;
	[tilespmem:$0x1C400] =	vst v63  }
0x310: {  	_ =	swait.ge [sflag:s20], $0x80  }
0x311: {  	[sflag:s20] =	ssyncset.done $0x0  }
0x312: {  	s9 =	sadd.s32 $0x30, s9;
	[sflag:s20] =	ssyncadd.s32 $0xFFFFFF80  }
0x313: {  	[tilespmem:s25], [sflag:$0x3] =	stream.linear.gather [hbm4b:s9+s3], $0x80, $0x38;
	[tilespmem:$0x1C400] =	vst v63  }
0x314: {  	_ =	swait.ge [sflag:s20], $0x80  }
0x315: {  	[sflag:s20] =	ssyncset.done $0x0  }
0x316: {  	[sflag:s20] =	ssyncadd.s32 $0xFFFFFF80  }
0x317: {  	[tilespmem:s21], [sflag:$0x1] =	stream.indirect.gather [hbm4b:s11+s26], $0x10, s0, s26, $0xb8;
	[tilespmem:$0x1C400] =	vst v63  }
0x318: {  	_ = 	snop  }
0x319: {  	[tilespmem:s6], [sflag:$0x1] =	stream.indirect.gather [hbm4b:s11+s26], $0x10, s1, s26, $0xb8;
	[tilespmem:$0x1C400] =	vst v63  }
0x31a: {  	_ = 	snop  }
0x31b: {  	[tilespmem:s7], [sflag:$0x1] =	stream.indirect.gather [hbm4b:s11+s26], $0x10, s15, s26, $0xb8;
	[tilespmem:$0x1C400] =	vst v63  }
0x31c: {  	_ = 	snop  }
0x31d: {  	[tilespmem:s19], [sflag:$0x1] =	stream.indirect.gather [hbm4b:s11+s26], $0x10, s16, s26, $0xb8;
	[tilespmem:$0x1C400] =	vst v63  }
0x31e: {  	_ =	swait.ge [sflag:s4], $0x800  }
0x31f: {  	[sflag:s4] =	ssyncset.done $0x0  }
0x320: {  	[sflag:s4] =	ssyncadd.s32 $0xFFFFF800  }
0x321: {  	_ =	swait.ge [sflag:s4], $0x800  }
0x322: {  	[sflag:s4] =	ssyncset.done $0x0  }
0x323: {  	[sflag:s4] =	ssyncadd.s32 $0xFFFFF800  }
0x324: {  	_ =	swait.ge [sflag:s4], $0x800  }
0x325: {  	[sflag:s4] =	ssyncset.done $0x0  }
0x326: {  	[sflag:s4] =	ssyncadd.s32 $0xFFFFF800  }
0x327: {  	_ =	swait.ge [sflag:s4], $0x800  }
0x328: {  	[sflag:s4] =	ssyncset.done $0x0  }
0x329: {  	[sflag:s4] =	ssyncadd.s32 $0xFFFFF800  }
0x32a: {  	[spmem:s2] =	stream.indirect.scatter.add.f32 [tilespmem:s21], [sflag:$0x2], $0x10, s22, s26, $0xb8;
	[tilespmem:$0x1C400] =	vst v63  }
0x32b: {  	_ = 	snop  }
0x32c: {  	[spmem:s2] =	stream.indirect.scatter.add.f32 [tilespmem:s6], [sflag:$0x2], $0x10, s23, s26, $0xb8;
	[tilespmem:$0x1C400] =	vst v63  }
0x32d: {  	_ = 	snop  }
0x32e: {  	[spmem:s2] =	stream.indirect.scatter.add.f32 [tilespmem:s7], [sflag:$0x2], $0x10, s24, s26, $0xb8;
	[tilespmem:$0x1C400] =	vst v63  }
0x32f: {  	_ = 	snop  }
0x330: {  	[spmem:s2] =	stream.indirect.scatter.add.f32 [tilespmem:s19], [sflag:$0x2], $0x10, s25, s26, $0xb8;
	[tilespmem:$0x1C400] =	vst v63  }
0x331: {  	_ =	swait.ge [sflag:s28], $0x800  }
0x332: {  	[sflag:s28] =	ssyncset.done $0x0  }
0x333: {  	[sflag:s28] =	ssyncadd.s32 $0xFFFFF800  }
0x334: {  	_ =	swait.ge [sflag:s28], $0x800  }
0x335: {  	[sflag:s28] =	ssyncset.done $0x0  }
0x336: {  	[sflag:s28] =	ssyncadd.s32 $0xFFFFF800  }
.Ltmp14:
0x337: {  	_ =	swait.ge [sflag:s28], $0x800;
	(pc) =	sbr.rel @p1 .LBB2_53-.Ltmp14, $4  }
0x338: {  	[sflag:s28] =	ssyncset.done $0x0  }
0x339: {  	[sflag:s28] =	ssyncadd.s32 $0xFFFFF800  }
0x33a: {  	_ =	swait.ge [sflag:s28], $0x800  }
0x33b: {  	s9 =	smov.u32 s8;
	[sflag:s28] =	ssyncset.done $0x0  }
0x33c: {  	s8 =	sadd.s32 s5, s18;
	[sflag:s28] =	ssyncadd.s32 $0xFFFFF800  }
0x33d: {  	[tilespmem:s0], [sflag:$0x3] =	stream.linear.gather [hbm4b:s8+s3], $0x200, $0x38;
	[tilespmem:$0x1C400] =	vst v63  }
0x33e: {  	_ =	swait.ge [sflag:s20], $0x200  }
0x33f: {  	[sflag:s20] =	ssyncset.done $0x0  }
0x340: {  	s12 =	sadd.s32 s5, s17;
	[sflag:s20] =	ssyncadd.s32 $0xFFFFFE00  }
0x341: {  	[tilespmem:s22], [sflag:$0x3] =	stream.linear.gather [hbm4b:s12+s3], $0x80, $0x38;
	[tilespmem:$0x1C400] =	vst v63  }
0x342: {  	_ =	swait.ge [sflag:s20], $0x80  }
0x343: {  	[sflag:s20] =	ssyncset.done $0x0  }
0x344: {  	s13 =	sadd.s32 $0x10, s12;
	[sflag:s20] =	ssyncadd.s32 $0xFFFFFF80  }
0x345: {  	[tilespmem:s23], [sflag:$0x3] =	stream.linear.gather [hbm4b:s13+s3], $0x80, $0x38;
	[tilespmem:$0x1C400] =	vst v63  }
0x346: {  	_ =	swait.ge [sflag:s20], $0x80  }
0x347: {  	[sflag:s20] =	ssyncset.done $0x0  }
0x348: {  	s30 =	sadd.s32 $0x20, s12;
	[sflag:s20] =	ssyncadd.s32 $0xFFFFFF80  }
0x349: {  	[tilespmem:s24], [sflag:$0x3] =	stream.linear.gather [hbm4b:s30+s3], $0x80, $0x38;
	[tilespmem:$0x1C400] =	vst v63  }
0x34a: {  	_ =	swait.ge [sflag:s20], $0x80  }
0x34b: {  	[sflag:s20] =	ssyncset.done $0x0  }
0x34c: {  	s5 =	sadd.s32 $0x30, s12;
	[sflag:s20] =	ssyncadd.s32 $0xFFFFFF80  }
0x34d: {  	[tilespmem:s25], [sflag:$0x3] =	stream.linear.gather [hbm4b:s5+s3], $0x80, $0x38;
	[tilespmem:$0x1C400] =	vst v63  }
0x34e: {  	_ =	swait.ge [sflag:s20], $0x80  }
0x34f: {  	[sflag:s20] =	ssyncset.done $0x0  }
0x350: {  	[sflag:s20] =	ssyncadd.s32 $0xFFFFFF80  }
0x351: {  	[tilespmem:s21], [sflag:$0x1] =	stream.indirect.gather [hbm4b:s11+s26], $0x10, s0, s26, $0xb8;
	[tilespmem:$0x1C400] =	vst v63  }
0x352: {  	_ = 	snop  }
0x353: {  	[tilespmem:s6], [sflag:$0x1] =	stream.indirect.gather [hbm4b:s11+s26], $0x10, s1, s26, $0xb8;
	[tilespmem:$0x1C400] =	vst v63  }
0x354: {  	_ = 	snop  }
0x355: {  	[tilespmem:s7], [sflag:$0x1] =	stream.indirect.gather [hbm4b:s11+s26], $0x10, s15, s26, $0xb8;
	[tilespmem:$0x1C400] =	vst v63  }
0x356: {  	_ = 	snop  }
0x357: {  	[tilespmem:s19], [sflag:$0x1] =	stream.indirect.gather [hbm4b:s11+s26], $0x10, s16, s26, $0xb8;
	[tilespmem:$0x1C400] =	vst v63  }
0x358: {  	_ =	swait.ge [sflag:s4], $0x800  }
0x359: {  	[sflag:s4] =	ssyncset.done $0x0  }
0x35a: {  	[sflag:s4] =	ssyncadd.s32 $0xFFFFF800  }
0x35b: {  	_ =	swait.ge [sflag:s4], $0x800  }
0x35c: {  	[sflag:s4] =	ssyncset.done $0x0  }
0x35d: {  	[sflag:s4] =	ssyncadd.s32 $0xFFFFF800  }
0x35e: {  	_ =	swait.ge [sflag:s4], $0x800  }
0x35f: {  	[sflag:s4] =	ssyncset.done $0x0  }
0x360: {  	[sflag:s4] =	ssyncadd.s32 $0xFFFFF800  }
0x361: {  	_ =	swait.ge [sflag:s4], $0x800  }
0x362: {  	[sflag:s4] =	ssyncset.done $0x0  }
0x363: {  	[sflag:s4] =	ssyncadd.s32 $0xFFFFF800  }
0x364: {  	[spmem:s2] =	stream.indirect.scatter.add.f32 [tilespmem:s21], [sflag:$0x2], $0x10, s22, s26, $0xb8;
	[tilespmem:$0x1C400] =	vst v63  }
0x365: {  	_ = 	snop  }
0x366: {  	[spmem:s2] =	stream.indirect.scatter.add.f32 [tilespmem:s6], [sflag:$0x2], $0x10, s23, s26, $0xb8;
	[tilespmem:$0x1C400] =	vst v63  }
0x367: {  	_ = 	snop  }
0x368: {  	[spmem:s2] =	stream.indirect.scatter.add.f32 [tilespmem:s7], [sflag:$0x2], $0x10, s24, s26, $0xb8;
	[tilespmem:$0x1C400] =	vst v63  }
0x369: {  	_ = 	snop  }
0x36a: {  	[spmem:s2] =	stream.indirect.scatter.add.f32 [tilespmem:s19], [sflag:$0x2], $0x10, s25, s26, $0xb8;
	[tilespmem:$0x1C400] =	vst v63  }
0x36b: {  	_ =	swait.ge [sflag:s28], $0x800  }
0x36c: {  	[sflag:s28] =	ssyncset.done $0x0  }
0x36d: {  	[sflag:s28] =	ssyncadd.s32 $0xFFFFF800  }
0x36e: {  	_ =	swait.ge [sflag:s28], $0x800  }
0x36f: {  	[sflag:s28] =	ssyncset.done $0x0  }
0x370: {  	[sflag:s28] =	ssyncadd.s32 $0xFFFFF800  }
0x371: {  	_ =	swait.ge [sflag:s28], $0x800  }
0x372: {  	[sflag:s28] =	ssyncset.done $0x0  }
0x373: {  	[sflag:s28] =	ssyncadd.s32 $0xFFFFF800  }
0x374: {  	_ =	swait.ge [sflag:s28], $0x800  }
0x375: {  	[sflag:s28] =	ssyncset.done $0x0  }
0x376: {  	[sflag:s28] =	ssyncadd.s32 $0xFFFFF800  }
0x377: {  	s8 =	simm.s32 $0x0;
	[bflag:$0x0] =	sbarrier.arrive $0xFFFF  }
0x378: {  	s13 =	simm.s32 $0x1BC00;
	s5 =	simm.s32 $0x0;
	s29 =	rddreg [dreg:$0x4]  }
.LBB2_55:
0x379: {  	s9 =	sshll.u32 s8, $0xB  }
0x37a: {  	s9 =	sadd.s32 s14, s9  }
0x37b: {  	s12 =	sadd.s32 s9, s2  }
0x37c: {  	[tilespmem:s31], [sflag:$0x3] =	stream.linear.gather [spmem:s12], $0x800, $0x38;
	[tilespmem:$0x1C400] =	vst v63  }
0x37d: {  	_ =	swait.ge [sflag:s20], $0x800  }
0x37e: {  	s12 =	sshrl.u32 s9, $0x3;
	[sflag:s20] =	ssyncset.done $0x0;
	s9 =	rddreg [dreg:$0x9]  }
0x37f: {  	[sflag:s20] =	ssyncadd.s32 $0xFFFFF800;
	s9 =	sadd.s32 s9, s12  }
0x380: {  	[tilespmem:s13], [sflag:$0x3] =	stream.linear.gather [hbm4b:s9+s5], $0x800, $0x38;
	[tilespmem:$0x1C400] =	vst v63  }
0x381: {  	_ =	swait.ge [sflag:s20], $0x800  }
0x382: {  	[sflag:s20] =	ssyncset.done $0x0;
	s13 =	rddreg [dreg:$0xb]  }
0x383: {  	[sflag:s20] =	ssyncadd.s32 $0xFFFFF800;
	s12 =	sadd.s32 s13, s12;
	s13 =	simm.s32 $0x1AC00  }
0x384: {  	[tilespmem:s13], [sflag:$0x3] =	stream.linear.gather [hbm4b:s12+s5], $0x800, $0x38;
	[tilespmem:$0x1C400] =	vst v63  }
0x385: {  	_ =	swait.ge [sflag:s20], $0x800  }
0x386: {  	[sflag:s20] =	ssyncset.done $0x0  }
0x387: {  	s12 =	simm.s32 $0x0;
	[sflag:s20] =	ssyncadd.s32 $0xFFFFF800  }
0x388: {  	v0 =	vld [tilespmem:s12+$0x1AC00];
	_ =	sdelay $0x2  }
0x389: {  	v1 =	vld [tilespmem:s12+$0x1B400];
	_ =	sdelay $0x1  }
0x38a: {  	v2 =	vmul.f32 $2.500000000e-01, v0;
	v0 =	vld [tilespmem:s12+$0x1BC00];
	_ =	sdelay $0x2  }
0x38b: {  	s30 =	simm.s32 $0x80;
	s13 =	simm.s32 $0x10;
	v1 =	vmul.f32 v2, v1  }
.LBB2_56:
0x38c: {  	p1 =	sne.s32 s30, $0x1FC0;
	v2 =	vld [tilespmem:s13+$0x1AC00]  }
0x38d: {  	v0 =	vadd.f32 v1, v0  }
0x38e: {  	v1 =	vld [tilespmem:s13+$0x1B400]  }
.Ltmp15:
0x38f: {  	[tilespmem:s12+$0x1BC00] =	vst v0;
	s12 =	smov.u32 s13;
	(pc) =	sbr.rel @p1 .LBB2_56-.Ltmp15, $3  }
0x390: {  	v0 =	vld [tilespmem:s12+$0x1BC00]  }
0x391: {  	v2 =	vmul.f32 $2.500000000e-01, v2;
	_ =	sdelay $0x1  }
0x392: {  	s13 =	sshra.s32 s30, $0x2;
	s30 =	sadd.s32 $0x40, s30;
	v1 =	vmul.f32 v2, v1  }
0x393: {  	v2 =	vld [tilespmem:s13+$0x1AC00]  }
0x394: {  	v0 =	vadd.f32 v1, v0  }
0x395: {  	v63 =	vld [tilespmem:s13+$0x1B400]  }
0x396: {  	[tilespmem:s12+$0x1BC00] =	vst v0  }
0x397: {  	v0 =	vld [tilespmem:s13+$0x1BC00]  }
0x398: {  	v2 =	vmul.f32 $2.500000000e-01, v2;
	_ =	sdelay $0x1  }
0x399: {  	v1 =	vmul.f32 v2, v63;
	_ =	sdelay $0x1  }
0x39a: {  	v0 =	vadd.f32 v1, v0  }
0x39b: {  	s8 =	sadd.s32 $0x1, s8  }
0x39c: {  	p1 =	sne.s32 s8, $0x31;
	[tilespmem:s13+$0x1BC00] =	vst v0;
	s13 =	simm.s32 $0x1BC00  }
0x39d: {  	[hbm4b:s9+s3] =	stream.linear.scatter [tilespmem:s13], [sflag:$0x3], $0x800, $0x38;
	[tilespmem:$0x1C400] =	vst v63  }
.Ltmp16:
0x39e: {  	_ = 	snop;
	(pc) =	sbr.rel @p1 .LBB2_55-.Ltmp16, $4  }
.Ltmp17:
0x39f: {  	_ = 	snop;
	(pc) =	sbr.rel @!p1 .LBB2_58-.Ltmp17, $4  }
0x3a0: {  	_ =	swait.ge [sflag:s20], $0x800  }
0x3a1: {  	[sflag:s20] =	ssyncset.done $0x0  }
0x3a2: {  	[sflag:s20] =	ssyncadd.s32 $0xFFFFF800  }
0x3a3: {  	_ = 	snop  }
.LBB2_2:
0x3a4: {  	[tilespmem:s22], [sflag:$0x3] =	stream.linear.gather [hbm4b:s5+s3], $0x80, $0x38;
	[tilespmem:$0x1C400] =	vst v63  }
0x3a5: {  	_ =	swait.ge [sflag:s20], $0x80  }
0x3a6: {  	[sflag:s20] =	ssyncset.done $0x0  }
0x3a7: {  	s8 =	sadd.s32 $0x10, s5;
	[sflag:s20] =	ssyncadd.s32 $0xFFFFFF80  }
0x3a8: {  	[tilespmem:s23], [sflag:$0x3] =	stream.linear.gather [hbm4b:s8+s3], $0x80, $0x38;
	[tilespmem:$0x1C400] =	vst v63  }
0x3a9: {  	_ =	swait.ge [sflag:s20], $0x80  }
0x3aa: {  	[sflag:s20] =	ssyncset.done $0x0  }
0x3ab: {  	s12 =	sadd.s32 $0x20, s5;
	[sflag:s20] =	ssyncadd.s32 $0xFFFFFF80  }
0x3ac: {  	[tilespmem:s24], [sflag:$0x3] =	stream.linear.gather [hbm4b:s12+s3], $0x80, $0x38;
	[tilespmem:$0x1C400] =	vst v63  }
0x3ad: {  	_ =	swait.ge [sflag:s20], $0x80  }
0x3ae: {  	[sflag:s20] =	ssyncset.done $0x0  }
0x3af: {  	s30 =	sadd.s32 $0x30, s5;
	[sflag:s20] =	ssyncadd.s32 $0xFFFFFF80  }
0x3b0: {  	[tilespmem:s25], [sflag:$0x3] =	stream.linear.gather [hbm4b:s30+s3], $0x80, $0x38;
	[tilespmem:$0x1C400] =	vst v63  }
0x3b1: {  	_ =	swait.ge [sflag:s20], $0x80  }
0x3b2: {  	[sflag:s20] =	ssyncset.done $0x0  }
0x3b3: {  	[sflag:s20] =	ssyncadd.s32 $0xFFFFFF80  }
0x3b4: {  	[spmem:s2] =	stream.indirect.scatter.add.f32 [tilespmem:s21], [sflag:$0x2], $0x10, s22, s26, $0xb8;
	[tilespmem:$0x1C400] =	vst v63  }
0x3b5: {  	_ = 	snop  }
0x3b6: {  	[spmem:s2] =	stream.indirect.scatter.add.f32 [tilespmem:s21], [sflag:$0x2], $0x10, s23, s26, $0xb8;
	[tilespmem:$0x1C400] =	vst v63  }
0x3b7: {  	_ = 	snop  }
0x3b8: {  	[spmem:s2] =	stream.indirect.scatter.add.f32 [tilespmem:s21], [sflag:$0x2], $0x10, s24, s26, $0xb8;
	[tilespmem:$0x1C400] =	vst v63  }
0x3b9: {  	_ = 	snop  }
0x3ba: {  	[spmem:s2] =	stream.indirect.scatter.add.f32 [tilespmem:s21], [sflag:$0x2], $0x10, s25, s26, $0xb8;
	[tilespmem:$0x1C400] =	vst v63  }
0x3bb: {  	_ =	swait.ge [sflag:s28], $0x800  }
0x3bc: {  	[sflag:s28] =	ssyncset.done $0x0  }
0x3bd: {  	[sflag:s28] =	ssyncadd.s32 $0xFFFFF800  }
0x3be: {  	_ =	swait.ge [sflag:s28], $0x800  }
0x3bf: {  	[sflag:s28] =	ssyncset.done $0x0  }
0x3c0: {  	[sflag:s28] =	ssyncadd.s32 $0xFFFFF800  }
0x3c1: {  	_ =	swait.ge [sflag:s28], $0x800  }
0x3c2: {  	[sflag:s28] =	ssyncset.done $0x0  }
0x3c3: {  	[sflag:s28] =	ssyncadd.s32 $0xFFFFF800  }
0x3c4: {  	_ =	swait.ge [sflag:s28], $0x800  }
0x3c5: {  	s5 =	simm.s32 $0x40;
	s9 =	simm.s32 $0x80;
	[sflag:s28] =	ssyncset.done $0x0  }
.LBB2_3:
0x3c6: {  	s12 =	sadd.s32 s5, s17  }
0x3c7: {  	[sflag:s28] =	ssyncadd.s32 $0xFFFFF800;
	s5 =	smov.u32 s9;
	s8 =	sadd.s32 $0x40, s9  }
0x3c8: {  	[tilespmem:s22], [sflag:$0x3] =	stream.linear.gather [hbm4b:s12+s3], $0x80, $0x38;
	[tilespmem:$0x1C400] =	vst v63  }
0x3c9: {  	p1 =	sne.s32 s9, $0x31C0;
	_ =	swait.ge [sflag:s20], $0x80  }
0x3ca: {  	[sflag:s20] =	ssyncset.done $0x0  }
0x3cb: {  	s9 =	sadd.s32 $0x10, s12;
	[sflag:s20] =	ssyncadd.s32 $0xFFFFFF80  }
0x3cc: {  	[tilespmem:s23], [sflag:$0x3] =	stream.linear.gather [hbm4b:s9+s3], $0x80, $0x38;
	[tilespmem:$0x1C400] =	vst v63  }
0x3cd: {  	_ =	swait.ge [sflag:s20], $0x80  }
0x3ce: {  	[sflag:s20] =	ssyncset.done $0x0  }
0x3cf: {  	s9 =	sadd.s32 $0x20, s12;
	[sflag:s20] =	ssyncadd.s32 $0xFFFFFF80  }
0x3d0: {  	[tilespmem:s24], [sflag:$0x3] =	stream.linear.gather [hbm4b:s9+s3], $0x80, $0x38;
	[tilespmem:$0x1C400] =	vst v63  }
0x3d1: {  	_ =	swait.ge [sflag:s20], $0x80  }
0x3d2: {  	[sflag:s20] =	ssyncset.done $0x0  }
0x3d3: {  	s9 =	sadd.s32 $0x30, s12;
	[sflag:s20] =	ssyncadd.s32 $0xFFFFFF80  }
0x3d4: {  	[tilespmem:s25], [sflag:$0x3] =	stream.linear.gather [hbm4b:s9+s3], $0x80, $0x38;
	[tilespmem:$0x1C400] =	vst v63  }
0x3d5: {  	_ =	swait.ge [sflag:s20], $0x80  }
0x3d6: {  	[sflag:s20] =	ssyncset.done $0x0  }
0x3d7: {  	[sflag:s20] =	ssyncadd.s32 $0xFFFFFF80  }
0x3d8: {  	[spmem:s2] =	stream.indirect.scatter.add.f32 [tilespmem:s21], [sflag:$0x2], $0x10, s22, s26, $0xb8;
	[tilespmem:$0x1C400] =	vst v63  }
0x3d9: {  	_ = 	snop  }
0x3da: {  	[spmem:s2] =	stream.indirect.scatter.add.f32 [tilespmem:s21], [sflag:$0x2], $0x10, s23, s26, $0xb8;
	[tilespmem:$0x1C400] =	vst v63  }
0x3db: {  	_ = 	snop  }
0x3dc: {  	[spmem:s2] =	stream.indirect.scatter.add.f32 [tilespmem:s21], [sflag:$0x2], $0x10, s24, s26, $0xb8;
	[tilespmem:$0x1C400] =	vst v63  }
0x3dd: {  	_ = 	snop  }
0x3de: {  	[spmem:s2] =	stream.indirect.scatter.add.f32 [tilespmem:s21], [sflag:$0x2], $0x10, s25, s26, $0xb8;
	[tilespmem:$0x1C400] =	vst v63  }
0x3df: {  	_ =	swait.ge [sflag:s28], $0x800  }
0x3e0: {  	[sflag:s28] =	ssyncset.done $0x0  }
0x3e1: {  	[sflag:s28] =	ssyncadd.s32 $0xFFFFF800  }
0x3e2: {  	_ =	swait.ge [sflag:s28], $0x800  }
0x3e3: {  	[sflag:s28] =	ssyncset.done $0x0  }
0x3e4: {  	[sflag:s28] =	ssyncadd.s32 $0xFFFFF800  }
.Ltmp18:
0x3e5: {  	_ =	swait.ge [sflag:s28], $0x800;
	(pc) =	sbr.rel @p1 .LBB2_3-.Ltmp18, $4  }
0x3e6: {  	[sflag:s28] =	ssyncset.done $0x0  }
0x3e7: {  	[sflag:s28] =	ssyncadd.s32 $0xFFFFF800  }
0x3e8: {  	_ =	swait.ge [sflag:s28], $0x800  }
0x3e9: {  	s9 =	smov.u32 s8;
	[sflag:s28] =	ssyncset.done $0x0  }
0x3ea: {  	s5 =	sadd.s32 s5, s17;
	[sflag:s28] =	ssyncadd.s32 $0xFFFFF800  }
0x3eb: {  	[tilespmem:s22], [sflag:$0x3] =	stream.linear.gather [hbm4b:s5+s3], $0x80, $0x38;
	[tilespmem:$0x1C400] =	vst v63  }
0x3ec: {  	_ =	swait.ge [sflag:s20], $0x80  }
0x3ed: {  	[sflag:s20] =	ssyncset.done $0x0  }
0x3ee: {  	s8 =	sadd.s32 $0x10, s5;
	[sflag:s20] =	ssyncadd.s32 $0xFFFFFF80  }
0x3ef: {  	[tilespmem:s23], [sflag:$0x3] =	stream.linear.gather [hbm4b:s8+s3], $0x80, $0x38;
	[tilespmem:$0x1C400] =	vst v63  }
0x3f0: {  	_ =	swait.ge [sflag:s20], $0x80  }
0x3f1: {  	[sflag:s20] =	ssyncset.done $0x0  }
0x3f2: {  	s30 =	sadd.s32 $0x20, s5;
	[sflag:s20] =	ssyncadd.s32 $0xFFFFFF80  }
0x3f3: {  	[tilespmem:s24], [sflag:$0x3] =	stream.linear.gather [hbm4b:s30+s3], $0x80, $0x38;
	[tilespmem:$0x1C400] =	vst v63  }
0x3f4: {  	_ =	swait.ge [sflag:s20], $0x80  }
0x3f5: {  	[sflag:s20] =	ssyncset.done $0x0  }
0x3f6: {  	s5 =	sadd.s32 $0x30, s5;
	[sflag:s20] =	ssyncadd.s32 $0xFFFFFF80  }
0x3f7: {  	[tilespmem:s25], [sflag:$0x3] =	stream.linear.gather [hbm4b:s5+s3], $0x80, $0x38;
	[tilespmem:$0x1C400] =	vst v63  }
0x3f8: {  	_ =	swait.ge [sflag:s20], $0x80  }
0x3f9: {  	[sflag:s20] =	ssyncset.done $0x0  }
0x3fa: {  	[sflag:s20] =	ssyncadd.s32 $0xFFFFFF80  }
0x3fb: {  	[spmem:s2] =	stream.indirect.scatter.add.f32 [tilespmem:s21], [sflag:$0x2], $0x10, s22, s26, $0xb8;
	[tilespmem:$0x1C400] =	vst v63  }
0x3fc: {  	_ = 	snop  }
0x3fd: {  	[spmem:s2] =	stream.indirect.scatter.add.f32 [tilespmem:s21], [sflag:$0x2], $0x10, s23, s26, $0xb8;
	[tilespmem:$0x1C400] =	vst v63  }
0x3fe: {  	_ = 	snop  }
0x3ff: {  	[spmem:s2] =	stream.indirect.scatter.add.f32 [tilespmem:s21], [sflag:$0x2], $0x10, s24, s26, $0xb8;
	[tilespmem:$0x1C400] =	vst v63  }
0x400: {  	_ = 	snop  }
0x401: {  	[spmem:s2] =	stream.indirect.scatter.add.f32 [tilespmem:s21], [sflag:$0x2], $0x10, s25, s26, $0xb8;
	[tilespmem:$0x1C400] =	vst v63  }
0x402: {  	_ =	swait.ge [sflag:s28], $0x800  }
0x403: {  	[sflag:s28] =	ssyncset.done $0x0  }
0x404: {  	[sflag:s28] =	ssyncadd.s32 $0xFFFFF800  }
0x405: {  	_ =	swait.ge [sflag:s28], $0x800  }
0x406: {  	[sflag:s28] =	ssyncset.done $0x0  }
0x407: {  	[sflag:s28] =	ssyncadd.s32 $0xFFFFF800  }
0x408: {  	_ =	swait.ge [sflag:s28], $0x800  }
0x409: {  	[sflag:s28] =	ssyncset.done $0x0  }
0x40a: {  	[sflag:s28] =	ssyncadd.s32 $0xFFFFF800  }
0x40b: {  	_ =	swait.ge [sflag:s28], $0x800  }
0x40c: {  	[sflag:s28] =	ssyncset.done $0x0  }
0x40d: {  	[sflag:s28] =	ssyncadd.s32 $0xFFFFF800  }
0x40e: {  	s5 =	simm.s32 $0x0;
	[bflag:$0x0] =	sbarrier.arrive $0xFFFF  }
.LBB2_5:
0x40f: {  	s8 =	sshll.u32 s5, $0xB  }
0x410: {  	s8 =	sadd.s32 s14, s8  }
0x411: {  	s9 =	sadd.s32 s8, s2  }
0x412: {  	[tilespmem:s13], [sflag:$0x3] =	stream.linear.gather [spmem:s9], $0x800, $0x38;
	[tilespmem:$0x1C400] =	vst v63  }
0x413: {  	_ =	swait.ge [sflag:s20], $0x800  }
0x414: {  	[sflag:s20] =	ssyncset.done $0x0  }
0x415: {  	s30 =	simm.s32 $0x40;
	s9 =	simm.s32 $0x0;
	[sflag:s20] =	ssyncadd.s32 $0xFFFFF800  }
.LBB2_6:
0x416: {  	p1 =	sne.s32 s30, $0x1FC0;
	v0 =	vld [tilespmem:s9+$0x1B400];
	_ =	sdelay $0x4  }
0x417: {  	v1 =	vmax.f32 v0, $1.000000000e+00  }
0x418: {  	v2 =	vshrl.u32 v1, $0x1;
	v1 =	vmul.f32 $5.000000000e-01, v1  }
0x419: {  	v2 =	vsub.s32 $0x5F3759DF, v2  }
0x41a: {  	v3 =	vmul.f32 v2, v1;
	_ =	sdelay $0x1  }
0x41b: {  	v3 =	vmul.f32 v2, v3;
	_ =	sdelay $0x1  }
0x41c: {  	v3 =	vsub.f32 $1.500000000e+00, v3;
	_ =	sdelay $0x1  }
0x41d: {  	v2 =	vmul.f32 v2, v3;
	_ =	sdelay $0x1  }
0x41e: {  	v3 =	vmul.f32 v2, v1;
	_ =	sdelay $0x1  }
0x41f: {  	v3 =	vmul.f32 v3, v2;
	_ =	sdelay $0x1  }
0x420: {  	v3 =	vsub.f32 $1.500000000e+00, v3;
	_ =	sdelay $0x1  }
0x421: {  	v2 =	vmul.f32 v3, v2;
	_ =	sdelay $0x1  }
0x422: {  	v1 =	vmul.f32 v2, v1;
	_ =	sdelay $0x1  }
0x423: {  	v1 =	vmul.f32 v1, v2;
	_ =	sdelay $0x1  }
0x424: {  	v1 =	vsub.f32 $1.500000000e+00, v1  }
.Ltmp19:
0x425: {  	(pc) =	sbr.rel @p1 .LBB2_6-.Ltmp19, $4  }
0x426: {  	v1 =	vmul.f32 v1, v2  }
0x427: {  	vm0 =	vgt.f32 v0, $0.0e+00  }
0x428: {  	v0 =	vnsel vm0, $0x0, v1  }
0x429: {  	[tilespmem:s9+$0x1B400] =	vst v0;
	s9 =	sshra.s32 s30, $0x2;
	s30 =	sadd.s32 $0x40, s30  }
0x42a: {  	v0 =	vld [tilespmem:s9+$0x1B400];
	_ =	sdelay $0x4  }
0x42b: {  	v1 =	vmax.f32 v0, $1.000000000e+00  }
0x42c: {  	v2 =	vshrl.u32 v1, $0x1;
	v1 =	vmul.f32 $5.000000000e-01, v1  }
0x42d: {  	v2 =	vsub.s32 $0x5F3759DF, v2  }
0x42e: {  	v3 =	vmul.f32 v2, v1;
	_ =	sdelay $0x1  }
0x42f: {  	v3 =	vmul.f32 v2, v3;
	_ =	sdelay $0x1  }
0x430: {  	v3 =	vsub.f32 $1.500000000e+00, v3;
	_ =	sdelay $0x1  }
0x431: {  	v2 =	vmul.f32 v2, v3;
	_ =	sdelay $0x1  }
0x432: {  	v3 =	vmul.f32 v2, v1;
	_ =	sdelay $0x1  }
0x433: {  	v3 =	vmul.f32 v3, v2;
	_ =	sdelay $0x1  }
0x434: {  	v3 =	vsub.f32 $1.500000000e+00, v3;
	_ =	sdelay $0x1  }
0x435: {  	v2 =	vmul.f32 v3, v2;
	_ =	sdelay $0x1  }
0x436: {  	v1 =	vmul.f32 v2, v1;
	_ =	sdelay $0x1  }
0x437: {  	v1 =	vmul.f32 v1, v2;
	_ =	sdelay $0x1  }
0x438: {  	v1 =	vsub.f32 $1.500000000e+00, v1;
	_ =	sdelay $0x1  }
0x439: {  	v1 =	vmul.f32 v1, v2  }
0x43a: {  	s5 =	sadd.s32 $0x1, s5;
	vm0 =	vgt.f32 v0, $0.0e+00  }
0x43b: {  	s8 =	sshrl.u32 s8, $0x3;
	s30 =	rddreg [dreg:$0xa];
	p1 =	sne.s32 s5, $0x31;
	v0 =	vnsel vm0, $0x0, v1  }
.Ltmp20:
0x43c: {  	s8 =	sadd.s32 s30, s8;
	[tilespmem:s9+$0x1B400] =	vst v0;
	(pc) =	sbr.rel @p1 .LBB2_5-.Ltmp20, $4  }
0x43d: {  	[hbm4b:s8+s3] =	stream.linear.scatter [tilespmem:s13], [sflag:$0x3], $0x800, $0x38;
	[tilespmem:$0x1C400] =	vst v63  }
0x43e: {  	_ =	swait.ge [sflag:s20], $0x800  }
0x43f: {  	[sflag:s20] =	ssyncset.done $0x0  }
0x440: {  	[sflag:s20] =	ssyncadd.s32 $0xFFFFF800  }
0x441: {  	s5 =	rddreg [dreg:$0xd]  }
0x442: {  	s8 =	rddreg [dreg:$0xe]  }
0x443: {  	s9 =	rddreg [dreg:$0x7]  }
0x444: {  	[spmem:s8], [sflag:s5] =	dma.local [hbm:s9], $0x3100  }
0x445: {  	_ =	swait.ge [sflag:s20], $0x3100  }
0x446: {  	[sflag:s20] =	ssyncset.done $0x0  }
0x447: {  	s5 =	simm.s32 $0x0;
	s8 =	simm.s32 $0x0;
	[sflag:s20] =	ssyncadd.s32 $0xFFFFCF00  }
.LBB2_9:
0x448: {  	s9 =	sshll.u32 s8, $0xB  }
0x449: {  	s9 =	sadd.s32 s14, s9  }
0x44a: {  	s9 =	sshrl.u32 s9, $0x3  }
0x44b: {  	s12 =	sadd.s32 s29, s9  }
0x44c: {  	[tilespmem:s13], [sflag:$0x3] =	stream.linear.gather [hbm4b:s12+s5], $0x800, $0x38;
	[tilespmem:$0x1C400] =	vst v63  }
0x44d: {  	_ =	swait.ge [sflag:s20], $0x800  }
0x44e: {  	[sflag:s20] =	ssyncset.done $0x0;
	s13 =	rddreg [dreg:$0xa]  }
0x44f: {  	[sflag:s20] =	ssyncadd.s32 $0xFFFFF800;
	s12 =	sadd.s32 s13, s9;
	s13 =	simm.s32 $0x1AC00  }
0x450: {  	[tilespmem:s13], [sflag:$0x3] =	stream.linear.gather [hbm4b:s12+s5], $0x800, $0x38;
	[tilespmem:$0x1C400] =	vst v63  }
0x451: {  	_ =	swait.ge [sflag:s20], $0x800  }
0x452: {  	[sflag:s20] =	ssyncset.done $0x0  }
0x453: {  	s12 =	simm.s32 $0x0;
	[sflag:s20] =	ssyncadd.s32 $0xFFFFF800  }
0x454: {  	v0 =	vld [tilespmem:s12+$0x1AC00]  }
0x455: {  	v1 =	vld [tilespmem:s12+$0x1B400];
	_ =	sdelay $0x4  }
0x456: {  	v2 =	vmul.f32 v0, v1  }
0x457: {  	s13 =	simm.s32 $0x10;
	v1 =	vmul.f32 $2.500000000e-01, v1  }
0x458: {  	s30 =	simm.s32 $0x80;
	v0 =	vld [tilespmem:s13+$0x1AC00];
	[tilespmem:s12+$0x1B400] =	vst v2  }
.LBB2_10:
0x459: {  	p1 =	sne.s32 s30, $0x1FC0;
	v2 =	vld [tilespmem:s13+$0x1B400];
	[tilespmem:s12+$0x1BC00] =	vst v1;
	s12 =	smov.u32 s13;
	_ =	sdelay $0x2  }
.Ltmp21:
0x45a: {  	(pc) =	sbr.rel @p1 .LBB2_10-.Ltmp21, $4  }
0x45b: {  	_ = 	snop  }
0x45c: {  	v1 =	vmul.f32 $2.500000000e-01, v2;
	v2 =	vmul.f32 v0, v2  }
0x45d: {  	s13 =	sshra.s32 s30, $0x2  }
0x45e: {  	s30 =	sadd.s32 $0x40, s30;
	v0 =	vld [tilespmem:s13+$0x1AC00];
	[tilespmem:s12+$0x1B400] =	vst v2  }
0x45f: {  	v2 =	vld [tilespmem:s13+$0x1B400];
	_ =	sdelay $0x4  }
0x460: {  	v0 =	vmul.f32 v0, v2  }
0x461: {  	[tilespmem:s12+$0x1BC00] =	vst v1;
	v63 =	vmul.f32 $2.500000000e-01, v2  }
0x462: {  	[tilespmem:s13+$0x1B400] =	vst v0  }
0x463: {  	[tilespmem:s13+$0x1BC00] =	vst v63;
	s13 =	rddreg [dreg:$0x8]  }
0x464: {  	s12 =	sadd.s32 s13, s9  }
0x465: {  	[hbm4b:s12+s3] =	stream.linear.scatter [tilespmem:s31], [sflag:$0x3], $0x800, $0x38;
	[tilespmem:$0x1C400] =	vst v63  }
0x466: {  	s8 =	sadd.s32 $0x1, s8;
	_ =	swait.ge [sflag:s20], $0x800  }
0x467: {  	s30 =	sadd.s32 s10, s9;
	p1 =	sne.s32 s8, $0x31;
	[sflag:s20] =	ssyncset.done $0x0  }
.Ltmp22:
0x468: {  	s13 =	simm.s32 $0x1B400;
	[sflag:s20] =	ssyncadd.s32 $0xFFFFF800;
	(pc) =	sbr.rel @p1 .LBB2_9-.Ltmp22, $4  }
0x469: {  	[hbm4b:s30+s3] =	stream.linear.scatter [tilespmem:s13], [sflag:$0x3], $0x800, $0x38;
	[tilespmem:$0x1C400] =	vst v63  }
0x46a: {  	_ =	swait.ge [sflag:s20], $0x800  }
0x46b: {  	[sflag:s20] =	ssyncset.done $0x0  }
0x46c: {  	[sflag:s20] =	ssyncadd.s32 $0xFFFFF800  }
0x46d: {  	[bflag:$0x0] =	sbarrier.arrive $0xFFFF;
	s5 =	sadd.s32 $0x0, s18  }
0x46e: {  	[tilespmem:s0], [sflag:$0x3] =	stream.linear.gather [hbm4b:s5+s3], $0x200, $0x38;
	[tilespmem:$0x1C400] =	vst v63  }
0x46f: {  	_ =	swait.ge [sflag:s20], $0x200  }
0x470: {  	[sflag:s20] =	ssyncset.done $0x0  }
0x471: {  	s29 =	sadd.s32 $0x0, s17;
	[sflag:s20] =	ssyncadd.s32 $0xFFFFFE00  }
0x472: {  	[tilespmem:s22], [sflag:$0x3] =	stream.linear.gather [hbm4b:s29+s3], $0x80, $0x38;
	[tilespmem:$0x1C400] =	vst v63  }
0x473: {  	_ =	swait.ge [sflag:s20], $0x80  }
0x474: {  	[sflag:s20] =	ssyncset.done $0x0  }
0x475: {  	s8 =	sadd.s32 $0x10, s29;
	[sflag:s20] =	ssyncadd.s32 $0xFFFFFF80  }
0x476: {  	[tilespmem:s23], [sflag:$0x3] =	stream.linear.gather [hbm4b:s8+s3], $0x80, $0x38;
	[tilespmem:$0x1C400] =	vst v63  }
0x477: {  	_ =	swait.ge [sflag:s20], $0x80  }
0x478: {  	[sflag:s20] =	ssyncset.done $0x0  }
0x479: {  	s30 =	sadd.s32 $0x20, s29;
	[sflag:s20] =	ssyncadd.s32 $0xFFFFFF80  }
0x47a: {  	[tilespmem:s24], [sflag:$0x3] =	stream.linear.gather [hbm4b:s30+s3], $0x80, $0x38;
	[tilespmem:$0x1C400] =	vst v63  }
0x47b: {  	_ =	swait.ge [sflag:s20], $0x80  }
0x47c: {  	[sflag:s20] =	ssyncset.done $0x0  }
0x47d: {  	s5 =	sadd.s32 $0x30, s29;
	[sflag:s20] =	ssyncadd.s32 $0xFFFFFF80  }
0x47e: {  	[tilespmem:s25], [sflag:$0x3] =	stream.linear.gather [hbm4b:s5+s3], $0x80, $0x38;
	[tilespmem:$0x1C400] =	vst v63  }
0x47f: {  	_ =	swait.ge [sflag:s20], $0x80  }
0x480: {  	[sflag:s20] =	ssyncset.done $0x0  }
0x481: {  	[sflag:s20] =	ssyncadd.s32 $0xFFFFFF80  }
0x482: {  	[tilespmem:s21], [sflag:$0x1] =	stream.indirect.gather [hbm4b:s10+s26], $0x10, s0, s26, $0xb8;
	[tilespmem:$0x1C400] =	vst v63  }
0x483: {  	_ = 	snop  }
0x484: {  	[tilespmem:s6], [sflag:$0x1] =	stream.indirect.gather [hbm4b:s10+s26], $0x10, s1, s26, $0xb8;
	[tilespmem:$0x1C400] =	vst v63  }
0x485: {  	_ = 	snop  }
0x486: {  	[tilespmem:s7], [sflag:$0x1] =	stream.indirect.gather [hbm4b:s10+s26], $0x10, s15, s26, $0xb8;
	[tilespmem:$0x1C400] =	vst v63  }
0x487: {  	_ = 	snop  }
0x488: {  	[tilespmem:s19], [sflag:$0x1] =	stream.indirect.gather [hbm4b:s10+s26], $0x10, s16, s26, $0xb8;
	[tilespmem:$0x1C400] =	vst v63  }
0x489: {  	_ =	swait.ge [sflag:s4], $0x800  }
0x48a: {  	[sflag:s4] =	ssyncset.done $0x0  }
0x48b: {  	[sflag:s4] =	ssyncadd.s32 $0xFFFFF800  }
0x48c: {  	_ =	swait.ge [sflag:s4], $0x800  }
0x48d: {  	[sflag:s4] =	ssyncset.done $0x0  }
0x48e: {  	[sflag:s4] =	ssyncadd.s32 $0xFFFFF800  }
0x48f: {  	_ =	swait.ge [sflag:s4], $0x800  }
0x490: {  	[sflag:s4] =	ssyncset.done $0x0  }
0x491: {  	[sflag:s4] =	ssyncadd.s32 $0xFFFFF800  }
0x492: {  	_ =	swait.ge [sflag:s4], $0x800  }
0x493: {  	[sflag:s4] =	ssyncset.done $0x0  }
0x494: {  	[sflag:s4] =	ssyncadd.s32 $0xFFFFF800  }
0x495: {  	[spmem:s2] =	stream.indirect.scatter.add.f32 [tilespmem:s21], [sflag:$0x2], $0x10, s22, s26, $0xb8;
	[tilespmem:$0x1C400] =	vst v63  }
0x496: {  	_ = 	snop  }
0x497: {  	[spmem:s2] =	stream.indirect.scatter.add.f32 [tilespmem:s6], [sflag:$0x2], $0x10, s23, s26, $0xb8;
	[tilespmem:$0x1C400] =	vst v63  }
0x498: {  	_ = 	snop  }
0x499: {  	[spmem:s2] =	stream.indirect.scatter.add.f32 [tilespmem:s7], [sflag:$0x2], $0x10, s24, s26, $0xb8;
	[tilespmem:$0x1C400] =	vst v63  }
0x49a: {  	_ = 	snop  }
0x49b: {  	[spmem:s2] =	stream.indirect.scatter.add.f32 [tilespmem:s19], [sflag:$0x2], $0x10, s25, s26, $0xb8;
	[tilespmem:$0x1C400] =	vst v63  }
0x49c: {  	_ =	swait.ge [sflag:s28], $0x800  }
0x49d: {  	[sflag:s28] =	ssyncset.done $0x0  }
0x49e: {  	[sflag:s28] =	ssyncadd.s32 $0xFFFFF800  }
0x49f: {  	_ =	swait.ge [sflag:s28], $0x800  }
0x4a0: {  	[sflag:s28] =	ssyncset.done $0x0  }
0x4a1: {  	[sflag:s28] =	ssyncadd.s32 $0xFFFFF800  }
0x4a2: {  	_ =	swait.ge [sflag:s28], $0x800  }
0x4a3: {  	[sflag:s28] =	ssyncset.done $0x0  }
0x4a4: {  	[sflag:s28] =	ssyncadd.s32 $0xFFFFF800  }
0x4a5: {  	_ =	swait.ge [sflag:s28], $0x800  }
0x4a6: {  	s9 =	simm.s32 $0x80;
	s5 =	simm.s32 $0x40;
	[sflag:s28] =	ssyncset.done $0x0  }
.LBB2_13:
0x4a7: {  	s12 =	sadd.s32 s5, s18  }
0x4a8: {  	[sflag:s28] =	ssyncadd.s32 $0xFFFFF800;
	s13 =	smov.u32 s9;
	s8 =	sadd.s32 $0x40, s9  }
0x4a9: {  	[tilespmem:s0], [sflag:$0x3] =	stream.linear.gather [hbm4b:s12+s3], $0x200, $0x38;
	[tilespmem:$0x1C400] =	vst v63  }
0x4aa: {  	p1 =	sne.s32 s9, $0x31C0;
	_ =	swait.ge [sflag:s20], $0x200  }
0x4ab: {  	[sflag:s20] =	ssyncset.done $0x0  }
0x4ac: {  	s9 =	sadd.s32 s5, s17;
	s5 =	smov.u32 s13;
	[sflag:s20] =	ssyncadd.s32 $0xFFFFFE00  }
0x4ad: {  	[tilespmem:s22], [sflag:$0x3] =	stream.linear.gather [hbm4b:s9+s3], $0x80, $0x38;
	[tilespmem:$0x1C400] =	vst v63  }
0x4ae: {  	_ =	swait.ge [sflag:s20], $0x80  }
0x4af: {  	[sflag:s20] =	ssyncset.done $0x0  }
0x4b0: {  	s12 =	sadd.s32 $0x10, s9;
	[sflag:s20] =	ssyncadd.s32 $0xFFFFFF80  }
0x4b1: {  	[tilespmem:s23], [sflag:$0x3] =	stream.linear.gather [hbm4b:s12+s3], $0x80, $0x38;
	[tilespmem:$0x1C400] =	vst v63  }
0x4b2: {  	_ =	swait.ge [sflag:s20], $0x80  }
0x4b3: {  	[sflag:s20] =	ssyncset.done $0x0  }
0x4b4: {  	s12 =	sadd.s32 $0x20, s9;
	[sflag:s20] =	ssyncadd.s32 $0xFFFFFF80  }
0x4b5: {  	[tilespmem:s24], [sflag:$0x3] =	stream.linear.gather [hbm4b:s12+s3], $0x80, $0x38;
	[tilespmem:$0x1C400] =	vst v63  }
0x4b6: {  	_ =	swait.ge [sflag:s20], $0x80  }
0x4b7: {  	[sflag:s20] =	ssyncset.done $0x0  }
0x4b8: {  	s9 =	sadd.s32 $0x30, s9;
	[sflag:s20] =	ssyncadd.s32 $0xFFFFFF80  }
0x4b9: {  	[tilespmem:s25], [sflag:$0x3] =	stream.linear.gather [hbm4b:s9+s3], $0x80, $0x38;
	[tilespmem:$0x1C400] =	vst v63  }
0x4ba: {  	_ =	swait.ge [sflag:s20], $0x80  }
0x4bb: {  	[sflag:s20] =	ssyncset.done $0x0  }
0x4bc: {  	[sflag:s20] =	ssyncadd.s32 $0xFFFFFF80  }
0x4bd: {  	[tilespmem:s21], [sflag:$0x1] =	stream.indirect.gather [hbm4b:s10+s26], $0x10, s0, s26, $0xb8;
	[tilespmem:$0x1C400] =	vst v63  }
0x4be: {  	_ = 	snop  }
0x4bf: {  	[tilespmem:s6], [sflag:$0x1] =	stream.indirect.gather [hbm4b:s10+s26], $0x10, s1, s26, $0xb8;
	[tilespmem:$0x1C400] =	vst v63  }
0x4c0: {  	_ = 	snop  }
0x4c1: {  	[tilespmem:s7], [sflag:$0x1] =	stream.indirect.gather [hbm4b:s10+s26], $0x10, s15, s26, $0xb8;
	[tilespmem:$0x1C400] =	vst v63  }
0x4c2: {  	_ = 	snop  }
0x4c3: {  	[tilespmem:s19], [sflag:$0x1] =	stream.indirect.gather [hbm4b:s10+s26], $0x10, s16, s26, $0xb8;
	[tilespmem:$0x1C400] =	vst v63  }
0x4c4: {  	_ =	swait.ge [sflag:s4], $0x800  }
0x4c5: {  	[sflag:s4] =	ssyncset.done $0x0  }
0x4c6: {  	[sflag:s4] =	ssyncadd.s32 $0xFFFFF800  }
0x4c7: {  	_ =	swait.ge [sflag:s4], $0x800  }
0x4c8: {  	[sflag:s4] =	ssyncset.done $0x0  }
0x4c9: {  	[sflag:s4] =	ssyncadd.s32 $0xFFFFF800  }
0x4ca: {  	_ =	swait.ge [sflag:s4], $0x800  }
0x4cb: {  	[sflag:s4] =	ssyncset.done $0x0  }
0x4cc: {  	[sflag:s4] =	ssyncadd.s32 $0xFFFFF800  }
0x4cd: {  	_ =	swait.ge [sflag:s4], $0x800  }
0x4ce: {  	[sflag:s4] =	ssyncset.done $0x0  }
0x4cf: {  	[sflag:s4] =	ssyncadd.s32 $0xFFFFF800  }
0x4d0: {  	[spmem:s2] =	stream.indirect.scatter.add.f32 [tilespmem:s21], [sflag:$0x2], $0x10, s22, s26, $0xb8;
	[tilespmem:$0x1C400] =	vst v63  }
0x4d1: {  	_ = 	snop  }
0x4d2: {  	[spmem:s2] =	stream.indirect.scatter.add.f32 [tilespmem:s6], [sflag:$0x2], $0x10, s23, s26, $0xb8;
	[tilespmem:$0x1C400] =	vst v63  }
0x4d3: {  	_ = 	snop  }
0x4d4: {  	[spmem:s2] =	stream.indirect.scatter.add.f32 [tilespmem:s7], [sflag:$0x2], $0x10, s24, s26, $0xb8;
	[tilespmem:$0x1C400] =	vst v63  }
0x4d5: {  	_ = 	snop  }
0x4d6: {  	[spmem:s2] =	stream.indirect.scatter.add.f32 [tilespmem:s19], [sflag:$0x2], $0x10, s25, s26, $0xb8;
	[tilespmem:$0x1C400] =	vst v63  }
0x4d7: {  	_ =	swait.ge [sflag:s28], $0x800  }
0x4d8: {  	[sflag:s28] =	ssyncset.done $0x0  }
0x4d9: {  	[sflag:s28] =	ssyncadd.s32 $0xFFFFF800  }
0x4da: {  	_ =	swait.ge [sflag:s28], $0x800  }
0x4db: {  	[sflag:s28] =	ssyncset.done $0x0  }
0x4dc: {  	[sflag:s28] =	ssyncadd.s32 $0xFFFFF800  }
.Ltmp23:
0x4dd: {  	_ =	swait.ge [sflag:s28], $0x800;
	(pc) =	sbr.rel @p1 .LBB2_13-.Ltmp23, $4  }
0x4de: {  	[sflag:s28] =	ssyncset.done $0x0  }
0x4df: {  	[sflag:s28] =	ssyncadd.s32 $0xFFFFF800  }
0x4e0: {  	_ =	swait.ge [sflag:s28], $0x800  }
0x4e1: {  	s9 =	smov.u32 s8;
	[sflag:s28] =	ssyncset.done $0x0  }
0x4e2: {  	s8 =	sadd.s32 s5, s18;
	[sflag:s28] =	ssyncadd.s32 $0xFFFFF800  }
0x4e3: {  	[tilespmem:s0], [sflag:$0x3] =	stream.linear.gather [hbm4b:s8+s3], $0x200, $0x38;
	[tilespmem:$0x1C400] =	vst v63  }
0x4e4: {  	_ =	swait.ge [sflag:s20], $0x200  }
0x4e5: {  	[sflag:s20] =	ssyncset.done $0x0  }
0x4e6: {  	s13 =	sadd.s32 s5, s17;
	[sflag:s20] =	ssyncadd.s32 $0xFFFFFE00  }
0x4e7: {  	[tilespmem:s22], [sflag:$0x3] =	stream.linear.gather [hbm4b:s13+s3], $0x80, $0x38;
	[tilespmem:$0x1C400] =	vst v63  }
0x4e8: {  	_ =	swait.ge [sflag:s20], $0x80  }
0x4e9: {  	[sflag:s20] =	ssyncset.done $0x0  }
0x4ea: {  	s29 =	sadd.s32 $0x10, s13;
	[sflag:s20] =	ssyncadd.s32 $0xFFFFFF80  }
0x4eb: {  	[tilespmem:s23], [sflag:$0x3] =	stream.linear.gather [hbm4b:s29+s3], $0x80, $0x38;
	[tilespmem:$0x1C400] =	vst v63  }
0x4ec: {  	_ =	swait.ge [sflag:s20], $0x80  }
0x4ed: {  	[sflag:s20] =	ssyncset.done $0x0  }
0x4ee: {  	s30 =	sadd.s32 $0x20, s13;
	[sflag:s20] =	ssyncadd.s32 $0xFFFFFF80  }
0x4ef: {  	[tilespmem:s24], [sflag:$0x3] =	stream.linear.gather [hbm4b:s30+s3], $0x80, $0x38;
	[tilespmem:$0x1C400] =	vst v63  }
0x4f0: {  	_ =	swait.ge [sflag:s20], $0x80  }
0x4f1: {  	[sflag:s20] =	ssyncset.done $0x0  }
0x4f2: {  	s5 =	sadd.s32 $0x30, s13;
	[sflag:s20] =	ssyncadd.s32 $0xFFFFFF80  }
0x4f3: {  	[tilespmem:s25], [sflag:$0x3] =	stream.linear.gather [hbm4b:s5+s3], $0x80, $0x38;
	[tilespmem:$0x1C400] =	vst v63  }
0x4f4: {  	_ =	swait.ge [sflag:s20], $0x80  }
0x4f5: {  	[sflag:s20] =	ssyncset.done $0x0  }
0x4f6: {  	[sflag:s20] =	ssyncadd.s32 $0xFFFFFF80  }
0x4f7: {  	[tilespmem:s21], [sflag:$0x1] =	stream.indirect.gather [hbm4b:s10+s26], $0x10, s0, s26, $0xb8;
	[tilespmem:$0x1C400] =	vst v63  }
0x4f8: {  	_ = 	snop  }
0x4f9: {  	[tilespmem:s6], [sflag:$0x1] =	stream.indirect.gather [hbm4b:s10+s26], $0x10, s1, s26, $0xb8;
	[tilespmem:$0x1C400] =	vst v63  }
0x4fa: {  	_ = 	snop  }
0x4fb: {  	[tilespmem:s7], [sflag:$0x1] =	stream.indirect.gather [hbm4b:s10+s26], $0x10, s15, s26, $0xb8;
	[tilespmem:$0x1C400] =	vst v63  }
0x4fc: {  	_ = 	snop  }
0x4fd: {  	[tilespmem:s19], [sflag:$0x1] =	stream.indirect.gather [hbm4b:s10+s26], $0x10, s16, s26, $0xb8;
	[tilespmem:$0x1C400] =	vst v63  }
0x4fe: {  	_ =	swait.ge [sflag:s4], $0x800  }
0x4ff: {  	[sflag:s4] =	ssyncset.done $0x0  }
0x500: {  	[sflag:s4] =	ssyncadd.s32 $0xFFFFF800  }
0x501: {  	_ =	swait.ge [sflag:s4], $0x800  }
0x502: {  	[sflag:s4] =	ssyncset.done $0x0  }
0x503: {  	[sflag:s4] =	ssyncadd.s32 $0xFFFFF800  }
0x504: {  	_ =	swait.ge [sflag:s4], $0x800  }
0x505: {  	[sflag:s4] =	ssyncset.done $0x0  }
0x506: {  	[sflag:s4] =	ssyncadd.s32 $0xFFFFF800  }
0x507: {  	_ =	swait.ge [sflag:s4], $0x800  }
0x508: {  	[sflag:s4] =	ssyncset.done $0x0  }
0x509: {  	[sflag:s4] =	ssyncadd.s32 $0xFFFFF800  }
0x50a: {  	[spmem:s2] =	stream.indirect.scatter.add.f32 [tilespmem:s21], [sflag:$0x2], $0x10, s22, s26, $0xb8;
	[tilespmem:$0x1C400] =	vst v63  }
0x50b: {  	_ = 	snop  }
0x50c: {  	[spmem:s2] =	stream.indirect.scatter.add.f32 [tilespmem:s6], [sflag:$0x2], $0x10, s23, s26, $0xb8;
	[tilespmem:$0x1C400] =	vst v63  }
0x50d: {  	_ = 	snop  }
0x50e: {  	[spmem:s2] =	stream.indirect.scatter.add.f32 [tilespmem:s7], [sflag:$0x2], $0x10, s24, s26, $0xb8;
	[tilespmem:$0x1C400] =	vst v63  }
0x50f: {  	_ = 	snop  }
0x510: {  	[spmem:s2] =	stream.indirect.scatter.add.f32 [tilespmem:s19], [sflag:$0x2], $0x10, s25, s26, $0xb8;
	[tilespmem:$0x1C400] =	vst v63  }
0x511: {  	_ =	swait.ge [sflag:s28], $0x800  }
0x512: {  	[sflag:s28] =	ssyncset.done $0x0  }
0x513: {  	[sflag:s28] =	ssyncadd.s32 $0xFFFFF800  }
0x514: {  	_ =	swait.ge [sflag:s28], $0x800  }
0x515: {  	[sflag:s28] =	ssyncset.done $0x0  }
0x516: {  	[sflag:s28] =	ssyncadd.s32 $0xFFFFF800  }
0x517: {  	_ =	swait.ge [sflag:s28], $0x800  }
0x518: {  	[sflag:s28] =	ssyncset.done $0x0  }
0x519: {  	[sflag:s28] =	ssyncadd.s32 $0xFFFFF800  }
0x51a: {  	_ =	swait.ge [sflag:s28], $0x800  }
0x51b: {  	[sflag:s28] =	ssyncset.done $0x0  }
0x51c: {  	s8 =	simm.s32 $0x0;
	[sflag:s28] =	ssyncadd.s32 $0xFFFFF800  }
0x51d: {  	s13 =	simm.s32 $0x1B400;
	s5 =	simm.s32 $0x0;
	[bflag:$0x0] =	sbarrier.arrive $0xFFFF  }
.LBB2_15:
0x51e: {  	s9 =	sshll.u32 s8, $0xB  }
0x51f: {  	s9 =	sadd.s32 s14, s9  }
0x520: {  	s12 =	sadd.s32 s9, s2  }
0x521: {  	[tilespmem:s13], [sflag:$0x3] =	stream.linear.gather [spmem:s12], $0x800, $0x38;
	[tilespmem:$0x1C400] =	vst v63  }
0x522: {  	_ =	swait.ge [sflag:s20], $0x800  }
0x523: {  	s9 =	sshrl.u32 s9, $0x3;
	[sflag:s20] =	ssyncset.done $0x0;
	s29 =	rddreg [dreg:$0x8]  }
0x524: {  	[sflag:s20] =	ssyncadd.s32 $0xFFFFF800;
	s30 =	sadd.s32 s29, s9  }
0x525: {  	[tilespmem:s31], [sflag:$0x3] =	stream.linear.gather [hbm4b:s30+s5], $0x800, $0x38;
	[tilespmem:$0x1C400] =	vst v63  }
0x526: {  	_ =	swait.ge [sflag:s20], $0x800  }
0x527: {  	[sflag:s20] =	ssyncset.done $0x0;
	s13 =	rddreg [dreg:$0xa]  }
0x528: {  	s29 =	simm.s32 $0x1AC00;
	[sflag:s20] =	ssyncadd.s32 $0xFFFFF800;
	s12 =	sadd.s32 s13, s9  }
0x529: {  	[tilespmem:s29], [sflag:$0x3] =	stream.linear.gather [hbm4b:s12+s5], $0x800, $0x38;
	[tilespmem:$0x1C400] =	vst v63  }
0x52a: {  	_ =	swait.ge [sflag:s20], $0x800  }
0x52b: {  	[sflag:s20] =	ssyncset.done $0x0  }
0x52c: {  	s13 =	simm.s32 $0x0;
	[sflag:s20] =	ssyncadd.s32 $0xFFFFF800  }
0x52d: {  	v0 =	vld [tilespmem:s13+$0x1AC00];
	_ =	sdelay $0x1  }
0x52e: {  	v1 =	vld [tilespmem:s13+$0x1B400];
	_ =	sdelay $0x1  }
0x52f: {  	v2 =	vld [tilespmem:s13+$0x1BC00]  }
0x530: {  	v3 =	vmul.f32 v0, v0;
	v0 =	vmul.f32 $2.500000000e-01, v0;
	_ =	sdelay $0x1  }
0x531: {  	s12 =	simm.s32 $0x10;
	v3 =	vmul.f32 v3, v1;
	v1 =	vmul.f32 v0, v1  }
0x532: {  	v0 =	vld [tilespmem:s12+$0x1AC00]  }
0x533: {  	[tilespmem:s13+$0x1B400] =	vst v3;
	v2 =	vadd.f32 v1, v2  }
0x534: {  	s31 =	simm.s32 $0x80;
	v1 =	vld [tilespmem:s12+$0x1B400]  }
.LBB2_16:
0x535: {  	p1 =	sne.s32 s31, $0x1FC0;
	[tilespmem:s13+$0x1BC00] =	vst v2;
	s29 =	smov.u32 s31;
	s31 =	sadd.s32 $0x40, s31  }
0x536: {  	s13 =	smov.u32 s12;
	v2 =	vld [tilespmem:s12+$0x1BC00]  }
0x537: {  	v3 =	vmul.f32 $2.500000000e-01, v0;
	v0 =	vmul.f32 v0, v0  }
.Ltmp24:
0x538: {  	(pc) =	sbr.rel @p1 .LBB2_16-.Ltmp24, $4  }
0x539: {  	s12 =	sshra.s32 s29, $0x2;
	v3 =	vmul.f32 v3, v1;
	v1 =	vmul.f32 v0, v1  }
0x53a: {  	v0 =	vld [tilespmem:s12+$0x1AC00]  }
0x53b: {  	v2 =	vadd.f32 v3, v2;
	[tilespmem:s13+$0x1B400] =	vst v1  }
0x53c: {  	v1 =	vld [tilespmem:s12+$0x1B400]  }
0x53d: {  	[tilespmem:s13+$0x1BC00] =	vst v2  }
0x53e: {  	v2 =	vld [tilespmem:s12+$0x1BC00]  }
0x53f: {  	v3 =	vmul.f32 $2.500000000e-01, v0  }
0x540: {  	v62 =	vmul.f32 v0, v0  }
0x541: {  	v3 =	vmul.f32 v3, v1  }
0x542: {  	v0 =	vmul.f32 v62, v1  }
0x543: {  	v63 =	vadd.f32 v3, v2  }
0x544: {  	[tilespmem:s12+$0x1B400] =	vst v0  }
0x545: {  	s31 =	simm.s32 $0x1BC00;
	[tilespmem:s12+$0x1BC00] =	vst v63  }
0x546: {  	[hbm4b:s30+s3] =	stream.linear.scatter [tilespmem:s31], [sflag:$0x3], $0x800, $0x38;
	[tilespmem:$0x1C400] =	vst v63  }
0x547: {  	s8 =	sadd.s32 $0x1, s8;
	_ =	swait.ge [sflag:s20], $0x800  }
0x548: {  	s9 =	sadd.s32 s10, s9;
	p1 =	sne.s32 s8, $0x31;
	[sflag:s20] =	ssyncset.done $0x0  }
.Ltmp25:
0x549: {  	s13 =	simm.s32 $0x1B400;
	[sflag:s20] =	ssyncadd.s32 $0xFFFFF800;
	(pc) =	sbr.rel @p1 .LBB2_15-.Ltmp25, $4  }
0x54a: {  	[hbm4b:s9+s3] =	stream.linear.scatter [tilespmem:s13], [sflag:$0x3], $0x800, $0x38;
	[tilespmem:$0x1C400] =	vst v63  }
0x54b: {  	_ =	swait.ge [sflag:s20], $0x800  }
0x54c: {  	[sflag:s20] =	ssyncset.done $0x0  }
0x54d: {  	[sflag:s20] =	ssyncadd.s32 $0xFFFFF800  }
0x54e: {  	s5 =	rddreg [dreg:$0x7]  }
0x54f: {  	s8 =	rddreg [dreg:$0xd]  }
0x550: {  	s9 =	rddreg [dreg:$0xe]  }
0x551: {  	[spmem:s9], [sflag:s8] =	dma.local [hbm:s5], $0x3100  }
0x552: {  	_ =	swait.ge [sflag:s20], $0x3100  }
0x553: {  	[sflag:s20] =	ssyncset.done $0x0  }
0x554: {  	[sflag:s20] =	ssyncadd.s32 $0xFFFFCF00  }
0x555: {  	s12 =	sadd.s32 $0x0, s18;
	[bflag:$0x0] =	sbarrier.arrive $0xFFFF  }
0x556: {  	[tilespmem:s0], [sflag:$0x3] =	stream.linear.gather [hbm4b:s12+s3], $0x200, $0x38;
	[tilespmem:$0x1C400] =	vst v63  }
0x557: {  	_ =	swait.ge [sflag:s20], $0x200  }
0x558: {  	[sflag:s20] =	ssyncset.done $0x0  }
0x559: {  	s13 =	sadd.s32 $0x0, s17;
	[sflag:s20] =	ssyncadd.s32 $0xFFFFFE00  }
0x55a: {  	[tilespmem:s22], [sflag:$0x3] =	stream.linear.gather [hbm4b:s13+s3], $0x80, $0x38;
	[tilespmem:$0x1C400] =	vst v63  }
0x55b: {  	_ =	swait.ge [sflag:s20], $0x80  }
0x55c: {  	[sflag:s20] =	ssyncset.done $0x0  }
0x55d: {  	s29 =	sadd.s32 $0x10, s13;
	[sflag:s20] =	ssyncadd.s32 $0xFFFFFF80  }
0x55e: {  	[tilespmem:s23], [sflag:$0x3] =	stream.linear.gather [hbm4b:s29+s3], $0x80, $0x38;
	[tilespmem:$0x1C400] =	vst v63  }
0x55f: {  	_ =	swait.ge [sflag:s20], $0x80  }
0x560: {  	[sflag:s20] =	ssyncset.done $0x0  }
0x561: {  	s30 =	sadd.s32 $0x20, s13;
	[sflag:s20] =	ssyncadd.s32 $0xFFFFFF80  }
0x562: {  	[tilespmem:s24], [sflag:$0x3] =	stream.linear.gather [hbm4b:s30+s3], $0x80, $0x38;
	[tilespmem:$0x1C400] =	vst v63  }
0x563: {  	_ =	swait.ge [sflag:s20], $0x80  }
0x564: {  	[sflag:s20] =	ssyncset.done $0x0  }
0x565: {  	s5 =	sadd.s32 $0x30, s13;
	[sflag:s20] =	ssyncadd.s32 $0xFFFFFF80  }
0x566: {  	[tilespmem:s25], [sflag:$0x3] =	stream.linear.gather [hbm4b:s5+s3], $0x80, $0x38;
	[tilespmem:$0x1C400] =	vst v63  }
0x567: {  	_ =	swait.ge [sflag:s20], $0x80  }
0x568: {  	[sflag:s20] =	ssyncset.done $0x0  }
0x569: {  	[sflag:s20] =	ssyncadd.s32 $0xFFFFFF80  }
0x56a: {  	[tilespmem:s21], [sflag:$0x1] =	stream.indirect.gather [hbm4b:s10+s26], $0x10, s0, s26, $0xb8;
	[tilespmem:$0x1C400] =	vst v63  }
0x56b: {  	_ = 	snop  }
0x56c: {  	[tilespmem:s6], [sflag:$0x1] =	stream.indirect.gather [hbm4b:s10+s26], $0x10, s1, s26, $0xb8;
	[tilespmem:$0x1C400] =	vst v63  }
0x56d: {  	_ = 	snop  }
0x56e: {  	[tilespmem:s7], [sflag:$0x1] =	stream.indirect.gather [hbm4b:s10+s26], $0x10, s15, s26, $0xb8;
	[tilespmem:$0x1C400] =	vst v63  }
0x56f: {  	_ = 	snop  }
0x570: {  	[tilespmem:s19], [sflag:$0x1] =	stream.indirect.gather [hbm4b:s10+s26], $0x10, s16, s26, $0xb8;
	[tilespmem:$0x1C400] =	vst v63  }
0x571: {  	_ =	swait.ge [sflag:s4], $0x800  }
0x572: {  	[sflag:s4] =	ssyncset.done $0x0  }
0x573: {  	[sflag:s4] =	ssyncadd.s32 $0xFFFFF800  }
0x574: {  	_ =	swait.ge [sflag:s4], $0x800  }
0x575: {  	[sflag:s4] =	ssyncset.done $0x0  }
0x576: {  	[sflag:s4] =	ssyncadd.s32 $0xFFFFF800  }
0x577: {  	_ =	swait.ge [sflag:s4], $0x800  }
0x578: {  	[sflag:s4] =	ssyncset.done $0x0  }
0x579: {  	[sflag:s4] =	ssyncadd.s32 $0xFFFFF800  }
0x57a: {  	_ =	swait.ge [sflag:s4], $0x800  }
0x57b: {  	[sflag:s4] =	ssyncset.done $0x0  }
0x57c: {  	[sflag:s4] =	ssyncadd.s32 $0xFFFFF800  }
0x57d: {  	[spmem:s2] =	stream.indirect.scatter.add.f32 [tilespmem:s21], [sflag:$0x2], $0x10, s22, s26, $0xb8;
	[tilespmem:$0x1C400] =	vst v63  }
0x57e: {  	_ = 	snop  }
0x57f: {  	[spmem:s2] =	stream.indirect.scatter.add.f32 [tilespmem:s6], [sflag:$0x2], $0x10, s23, s26, $0xb8;
	[tilespmem:$0x1C400] =	vst v63  }
0x580: {  	_ = 	snop  }
0x581: {  	[spmem:s2] =	stream.indirect.scatter.add.f32 [tilespmem:s7], [sflag:$0x2], $0x10, s24, s26, $0xb8;
	[tilespmem:$0x1C400] =	vst v63  }
0x582: {  	_ = 	snop  }
0x583: {  	[spmem:s2] =	stream.indirect.scatter.add.f32 [tilespmem:s19], [sflag:$0x2], $0x10, s25, s26, $0xb8;
	[tilespmem:$0x1C400] =	vst v63  }
0x584: {  	_ =	swait.ge [sflag:s28], $0x800  }
0x585: {  	[sflag:s28] =	ssyncset.done $0x0  }
0x586: {  	[sflag:s28] =	ssyncadd.s32 $0xFFFFF800  }
0x587: {  	_ =	swait.ge [sflag:s28], $0x800  }
0x588: {  	[sflag:s28] =	ssyncset.done $0x0  }
0x589: {  	[sflag:s28] =	ssyncadd.s32 $0xFFFFF800  }
0x58a: {  	_ =	swait.ge [sflag:s28], $0x800  }
0x58b: {  	[sflag:s28] =	ssyncset.done $0x0  }
0x58c: {  	[sflag:s28] =	ssyncadd.s32 $0xFFFFF800  }
0x58d: {  	_ =	swait.ge [sflag:s28], $0x800  }
0x58e: {  	s9 =	simm.s32 $0x80;
	s5 =	simm.s32 $0x40;
	[sflag:s28] =	ssyncset.done $0x0  }
.LBB2_19:
0x58f: {  	s12 =	sadd.s32 s5, s18  }
0x590: {  	[sflag:s28] =	ssyncadd.s32 $0xFFFFF800;
	s13 =	smov.u32 s9;
	s8 =	sadd.s32 $0x40, s9  }
0x591: {  	[tilespmem:s0], [sflag:$0x3] =	stream.linear.gather [hbm4b:s12+s3], $0x200, $0x38;
	[tilespmem:$0x1C400] =	vst v63  }
0x592: {  	p1 =	sne.s32 s9, $0x31C0;
	_ =	swait.ge [sflag:s20], $0x200  }
0x593: {  	[sflag:s20] =	ssyncset.done $0x0  }
0x594: {  	s9 =	sadd.s32 s5, s17;
	s5 =	smov.u32 s13;
	[sflag:s20] =	ssyncadd.s32 $0xFFFFFE00  }
0x595: {  	[tilespmem:s22], [sflag:$0x3] =	stream.linear.gather [hbm4b:s9+s3], $0x80, $0x38;
	[tilespmem:$0x1C400] =	vst v63  }
0x596: {  	_ =	swait.ge [sflag:s20], $0x80  }
0x597: {  	[sflag:s20] =	ssyncset.done $0x0  }
0x598: {  	s12 =	sadd.s32 $0x10, s9;
	[sflag:s20] =	ssyncadd.s32 $0xFFFFFF80  }
0x599: {  	[tilespmem:s23], [sflag:$0x3] =	stream.linear.gather [hbm4b:s12+s3], $0x80, $0x38;
	[tilespmem:$0x1C400] =	vst v63  }
0x59a: {  	_ =	swait.ge [sflag:s20], $0x80  }
0x59b: {  	[sflag:s20] =	ssyncset.done $0x0  }
0x59c: {  	s12 =	sadd.s32 $0x20, s9;
	[sflag:s20] =	ssyncadd.s32 $0xFFFFFF80  }
0x59d: {  	[tilespmem:s24], [sflag:$0x3] =	stream.linear.gather [hbm4b:s12+s3], $0x80, $0x38;
	[tilespmem:$0x1C400] =	vst v63  }
0x59e: {  	_ =	swait.ge [sflag:s20], $0x80  }
0x59f: {  	[sflag:s20] =	ssyncset.done $0x0  }
0x5a0: {  	s9 =	sadd.s32 $0x30, s9;
	[sflag:s20] =	ssyncadd.s32 $0xFFFFFF80  }
0x5a1: {  	[tilespmem:s25], [sflag:$0x3] =	stream.linear.gather [hbm4b:s9+s3], $0x80, $0x38;
	[tilespmem:$0x1C400] =	vst v63  }
0x5a2: {  	_ =	swait.ge [sflag:s20], $0x80  }
0x5a3: {  	[sflag:s20] =	ssyncset.done $0x0  }
0x5a4: {  	[sflag:s20] =	ssyncadd.s32 $0xFFFFFF80  }
0x5a5: {  	[tilespmem:s21], [sflag:$0x1] =	stream.indirect.gather [hbm4b:s10+s26], $0x10, s0, s26, $0xb8;
	[tilespmem:$0x1C400] =	vst v63  }
0x5a6: {  	_ = 	snop  }
0x5a7: {  	[tilespmem:s6], [sflag:$0x1] =	stream.indirect.gather [hbm4b:s10+s26], $0x10, s1, s26, $0xb8;
	[tilespmem:$0x1C400] =	vst v63  }
0x5a8: {  	_ = 	snop  }
0x5a9: {  	[tilespmem:s7], [sflag:$0x1] =	stream.indirect.gather [hbm4b:s10+s26], $0x10, s15, s26, $0xb8;
	[tilespmem:$0x1C400] =	vst v63  }
0x5aa: {  	_ = 	snop  }
0x5ab: {  	[tilespmem:s19], [sflag:$0x1] =	stream.indirect.gather [hbm4b:s10+s26], $0x10, s16, s26, $0xb8;
	[tilespmem:$0x1C400] =	vst v63  }
0x5ac: {  	_ =	swait.ge [sflag:s4], $0x800  }
0x5ad: {  	[sflag:s4] =	ssyncset.done $0x0  }
0x5ae: {  	[sflag:s4] =	ssyncadd.s32 $0xFFFFF800  }
0x5af: {  	_ =	swait.ge [sflag:s4], $0x800  }
0x5b0: {  	[sflag:s4] =	ssyncset.done $0x0  }
0x5b1: {  	[sflag:s4] =	ssyncadd.s32 $0xFFFFF800  }
0x5b2: {  	_ =	swait.ge [sflag:s4], $0x800  }
0x5b3: {  	[sflag:s4] =	ssyncset.done $0x0  }
0x5b4: {  	[sflag:s4] =	ssyncadd.s32 $0xFFFFF800  }
0x5b5: {  	_ =	swait.ge [sflag:s4], $0x800  }
0x5b6: {  	[sflag:s4] =	ssyncset.done $0x0  }
0x5b7: {  	[sflag:s4] =	ssyncadd.s32 $0xFFFFF800  }
0x5b8: {  	[spmem:s2] =	stream.indirect.scatter.add.f32 [tilespmem:s21], [sflag:$0x2], $0x10, s22, s26, $0xb8;
	[tilespmem:$0x1C400] =	vst v63  }
0x5b9: {  	_ = 	snop  }
0x5ba: {  	[spmem:s2] =	stream.indirect.scatter.add.f32 [tilespmem:s6], [sflag:$0x2], $0x10, s23, s26, $0xb8;
	[tilespmem:$0x1C400] =	vst v63  }
0x5bb: {  	_ = 	snop  }
0x5bc: {  	[spmem:s2] =	stream.indirect.scatter.add.f32 [tilespmem:s7], [sflag:$0x2], $0x10, s24, s26, $0xb8;
	[tilespmem:$0x1C400] =	vst v63  }
0x5bd: {  	_ = 	snop  }
0x5be: {  	[spmem:s2] =	stream.indirect.scatter.add.f32 [tilespmem:s19], [sflag:$0x2], $0x10, s25, s26, $0xb8;
	[tilespmem:$0x1C400] =	vst v63  }
0x5bf: {  	_ =	swait.ge [sflag:s28], $0x800  }
0x5c0: {  	[sflag:s28] =	ssyncset.done $0x0  }
0x5c1: {  	[sflag:s28] =	ssyncadd.s32 $0xFFFFF800  }
0x5c2: {  	_ =	swait.ge [sflag:s28], $0x800  }
0x5c3: {  	[sflag:s28] =	ssyncset.done $0x0  }
0x5c4: {  	[sflag:s28] =	ssyncadd.s32 $0xFFFFF800  }
.Ltmp26:
0x5c5: {  	_ =	swait.ge [sflag:s28], $0x800;
	(pc) =	sbr.rel @p1 .LBB2_19-.Ltmp26, $4  }
0x5c6: {  	[sflag:s28] =	ssyncset.done $0x0  }
0x5c7: {  	[sflag:s28] =	ssyncadd.s32 $0xFFFFF800  }
0x5c8: {  	_ =	swait.ge [sflag:s28], $0x800  }
0x5c9: {  	s9 =	smov.u32 s8;
	[sflag:s28] =	ssyncset.done $0x0  }
0x5ca: {  	s8 =	sadd.s32 s5, s18;
	[sflag:s28] =	ssyncadd.s32 $0xFFFFF800  }
0x5cb: {  	[tilespmem:s0], [sflag:$0x3] =	stream.linear.gather [hbm4b:s8+s3], $0x200, $0x38;
	[tilespmem:$0x1C400] =	vst v63  }
0x5cc: {  	_ =	swait.ge [sflag:s20], $0x200  }
0x5cd: {  	[sflag:s20] =	ssyncset.done $0x0  }
0x5ce: {  	s13 =	sadd.s32 s5, s17;
	[sflag:s20] =	ssyncadd.s32 $0xFFFFFE00  }
0x5cf: {  	[tilespmem:s22], [sflag:$0x3] =	stream.linear.gather [hbm4b:s13+s3], $0x80, $0x38;
	[tilespmem:$0x1C400] =	vst v63  }
0x5d0: {  	_ =	swait.ge [sflag:s20], $0x80  }
0x5d1: {  	[sflag:s20] =	ssyncset.done $0x0  }
0x5d2: {  	s29 =	sadd.s32 $0x10, s13;
	[sflag:s20] =	ssyncadd.s32 $0xFFFFFF80  }
0x5d3: {  	[tilespmem:s23], [sflag:$0x3] =	stream.linear.gather [hbm4b:s29+s3], $0x80, $0x38;
	[tilespmem:$0x1C400] =	vst v63  }
0x5d4: {  	_ =	swait.ge [sflag:s20], $0x80  }
0x5d5: {  	[sflag:s20] =	ssyncset.done $0x0  }
0x5d6: {  	s30 =	sadd.s32 $0x20, s13;
	[sflag:s20] =	ssyncadd.s32 $0xFFFFFF80  }
0x5d7: {  	[tilespmem:s24], [sflag:$0x3] =	stream.linear.gather [hbm4b:s30+s3], $0x80, $0x38;
	[tilespmem:$0x1C400] =	vst v63  }
0x5d8: {  	_ =	swait.ge [sflag:s20], $0x80  }
0x5d9: {  	[sflag:s20] =	ssyncset.done $0x0  }
0x5da: {  	s5 =	sadd.s32 $0x30, s13;
	[sflag:s20] =	ssyncadd.s32 $0xFFFFFF80  }
0x5db: {  	[tilespmem:s25], [sflag:$0x3] =	stream.linear.gather [hbm4b:s5+s3], $0x80, $0x38;
	[tilespmem:$0x1C400] =	vst v63  }
0x5dc: {  	_ =	swait.ge [sflag:s20], $0x80  }
0x5dd: {  	[sflag:s20] =	ssyncset.done $0x0  }
0x5de: {  	[sflag:s20] =	ssyncadd.s32 $0xFFFFFF80  }
0x5df: {  	[tilespmem:s21], [sflag:$0x1] =	stream.indirect.gather [hbm4b:s10+s26], $0x10, s0, s26, $0xb8;
	[tilespmem:$0x1C400] =	vst v63  }
0x5e0: {  	_ = 	snop  }
0x5e1: {  	[tilespmem:s6], [sflag:$0x1] =	stream.indirect.gather [hbm4b:s10+s26], $0x10, s1, s26, $0xb8;
	[tilespmem:$0x1C400] =	vst v63  }
0x5e2: {  	_ = 	snop  }
0x5e3: {  	[tilespmem:s7], [sflag:$0x1] =	stream.indirect.gather [hbm4b:s10+s26], $0x10, s15, s26, $0xb8;
	[tilespmem:$0x1C400] =	vst v63  }
0x5e4: {  	_ = 	snop  }
0x5e5: {  	[tilespmem:s19], [sflag:$0x1] =	stream.indirect.gather [hbm4b:s10+s26], $0x10, s16, s26, $0xb8;
	[tilespmem:$0x1C400] =	vst v63  }
0x5e6: {  	_ =	swait.ge [sflag:s4], $0x800  }
0x5e7: {  	[sflag:s4] =	ssyncset.done $0x0  }
0x5e8: {  	[sflag:s4] =	ssyncadd.s32 $0xFFFFF800  }
0x5e9: {  	_ =	swait.ge [sflag:s4], $0x800  }
0x5ea: {  	[sflag:s4] =	ssyncset.done $0x0  }
0x5eb: {  	[sflag:s4] =	ssyncadd.s32 $0xFFFFF800  }
0x5ec: {  	_ =	swait.ge [sflag:s4], $0x800  }
0x5ed: {  	[sflag:s4] =	ssyncset.done $0x0  }
0x5ee: {  	[sflag:s4] =	ssyncadd.s32 $0xFFFFF800  }
0x5ef: {  	_ =	swait.ge [sflag:s4], $0x800  }
0x5f0: {  	[sflag:s4] =	ssyncset.done $0x0  }
0x5f1: {  	[sflag:s4] =	ssyncadd.s32 $0xFFFFF800  }
0x5f2: {  	[spmem:s2] =	stream.indirect.scatter.add.f32 [tilespmem:s21], [sflag:$0x2], $0x10, s22, s26, $0xb8;
	[tilespmem:$0x1C400] =	vst v63  }
0x5f3: {  	_ = 	snop  }
0x5f4: {  	[spmem:s2] =	stream.indirect.scatter.add.f32 [tilespmem:s6], [sflag:$0x2], $0x10, s23, s26, $0xb8;
	[tilespmem:$0x1C400] =	vst v63  }
0x5f5: {  	_ = 	snop  }
0x5f6: {  	[spmem:s2] =	stream.indirect.scatter.add.f32 [tilespmem:s7], [sflag:$0x2], $0x10, s24, s26, $0xb8;
	[tilespmem:$0x1C400] =	vst v63  }
0x5f7: {  	_ = 	snop  }
0x5f8: {  	[spmem:s2] =	stream.indirect.scatter.add.f32 [tilespmem:s19], [sflag:$0x2], $0x10, s25, s26, $0xb8;
	[tilespmem:$0x1C400] =	vst v63  }
0x5f9: {  	_ =	swait.ge [sflag:s28], $0x800  }
0x5fa: {  	[sflag:s28] =	ssyncset.done $0x0  }
0x5fb: {  	[sflag:s28] =	ssyncadd.s32 $0xFFFFF800  }
0x5fc: {  	_ =	swait.ge [sflag:s28], $0x800  }
0x5fd: {  	[sflag:s28] =	ssyncset.done $0x0  }
0x5fe: {  	[sflag:s28] =	ssyncadd.s32 $0xFFFFF800  }
0x5ff: {  	_ =	swait.ge [sflag:s28], $0x800  }
0x600: {  	[sflag:s28] =	ssyncset.done $0x0  }
0x601: {  	[sflag:s28] =	ssyncadd.s32 $0xFFFFF800  }
0x602: {  	_ =	swait.ge [sflag:s28], $0x800  }
0x603: {  	[sflag:s28] =	ssyncset.done $0x0  }
0x604: {  	s8 =	simm.s32 $0x0;
	[sflag:s28] =	ssyncadd.s32 $0xFFFFF800  }
0x605: {  	s13 =	simm.s32 $0x1B400;
	s5 =	simm.s32 $0x0;
	[bflag:$0x0] =	sbarrier.arrive $0xFFFF  }
.LBB2_21:
0x606: {  	s9 =	sshll.u32 s8, $0xB  }
0x607: {  	s9 =	sadd.s32 s14, s9  }
0x608: {  	s12 =	sadd.s32 s9, s2  }
0x609: {  	[tilespmem:s13], [sflag:$0x3] =	stream.linear.gather [spmem:s12], $0x800, $0x38;
	[tilespmem:$0x1C400] =	vst v63  }
0x60a: {  	_ =	swait.ge [sflag:s20], $0x800  }
0x60b: {  	s9 =	sshrl.u32 s9, $0x3;
	[sflag:s20] =	ssyncset.done $0x0;
	s29 =	rddreg [dreg:$0x8]  }
0x60c: {  	[sflag:s20] =	ssyncadd.s32 $0xFFFFF800;
	s30 =	sadd.s32 s29, s9  }
0x60d: {  	[tilespmem:s31], [sflag:$0x3] =	stream.linear.gather [hbm4b:s30+s5], $0x800, $0x38;
	[tilespmem:$0x1C400] =	vst v63  }
0x60e: {  	_ =	swait.ge [sflag:s20], $0x800  }
0x60f: {  	[sflag:s20] =	ssyncset.done $0x0;
	s13 =	rddreg [dreg:$0xa]  }
0x610: {  	s29 =	simm.s32 $0x1AC00;
	[sflag:s20] =	ssyncadd.s32 $0xFFFFF800;
	s12 =	sadd.s32 s13, s9  }
0x611: {  	[tilespmem:s29], [sflag:$0x3] =	stream.linear.gather [hbm4b:s12+s5], $0x800, $0x38;
	[tilespmem:$0x1C400] =	vst v63  }
0x612: {  	_ =	swait.ge [sflag:s20], $0x800  }
0x613: {  	[sflag:s20] =	ssyncset.done $0x0  }
0x614: {  	s13 =	simm.s32 $0x0;
	[sflag:s20] =	ssyncadd.s32 $0xFFFFF800  }
0x615: {  	v0 =	vld [tilespmem:s13+$0x1AC00];
	_ =	sdelay $0x1  }
0x616: {  	v1 =	vld [tilespmem:s13+$0x1B400];
	_ =	sdelay $0x1  }
0x617: {  	v2 =	vld [tilespmem:s13+$0x1BC00]  }
0x618: {  	v3 =	vmul.f32 v0, v0;
	v0 =	vmul.f32 $2.500000000e-01, v0;
	_ =	sdelay $0x1  }
0x619: {  	s12 =	simm.s32 $0x10;
	v3 =	vmul.f32 v3, v1;
	v1 =	vmul.f32 v0, v1  }
0x61a: {  	v0 =	vld [tilespmem:s12+$0x1AC00]  }
0x61b: {  	[tilespmem:s13+$0x1B400] =	vst v3;
	v2 =	vadd.f32 v1, v2  }
0x61c: {  	s31 =	simm.s32 $0x80;
	v1 =	vld [tilespmem:s12+$0x1B400]  }
.LBB2_22:
0x61d: {  	p1 =	sne.s32 s31, $0x1FC0;
	[tilespmem:s13+$0x1BC00] =	vst v2;
	s29 =	smov.u32 s31;
	s31 =	sadd.s32 $0x40, s31  }
0x61e: {  	s13 =	smov.u32 s12;
	v2 =	vld [tilespmem:s12+$0x1BC00]  }
0x61f: {  	v3 =	vmul.f32 $2.500000000e-01, v0;
	v0 =	vmul.f32 v0, v0  }
.Ltmp27:
0x620: {  	(pc) =	sbr.rel @p1 .LBB2_22-.Ltmp27, $4  }
0x621: {  	s12 =	sshra.s32 s29, $0x2;
	v3 =	vmul.f32 v3, v1;
	v1 =	vmul.f32 v0, v1  }
0x622: {  	v0 =	vld [tilespmem:s12+$0x1AC00]  }
0x623: {  	v2 =	vadd.f32 v3, v2;
	[tilespmem:s13+$0x1B400] =	vst v1  }
0x624: {  	v1 =	vld [tilespmem:s12+$0x1B400]  }
0x625: {  	[tilespmem:s13+$0x1BC00] =	vst v2  }
0x626: {  	v2 =	vld [tilespmem:s12+$0x1BC00]  }
0x627: {  	v3 =	vmul.f32 $2.500000000e-01, v0  }
0x628: {  	v62 =	vmul.f32 v0, v0  }
0x629: {  	v3 =	vmul.f32 v3, v1  }
0x62a: {  	v0 =	vmul.f32 v62, v1  }
0x62b: {  	v63 =	vadd.f32 v3, v2  }
0x62c: {  	[tilespmem:s12+$0x1B400] =	vst v0  }
0x62d: {  	s31 =	simm.s32 $0x1BC00;
	[tilespmem:s12+$0x1BC00] =	vst v63  }
0x62e: {  	[hbm4b:s30+s3] =	stream.linear.scatter [tilespmem:s31], [sflag:$0x3], $0x800, $0x38;
	[tilespmem:$0x1C400] =	vst v63  }
0x62f: {  	s8 =	sadd.s32 $0x1, s8;
	_ =	swait.ge [sflag:s20], $0x800  }
0x630: {  	s9 =	sadd.s32 s10, s9;
	p1 =	sne.s32 s8, $0x31;
	[sflag:s20] =	ssyncset.done $0x0  }
.Ltmp28:
0x631: {  	s13 =	simm.s32 $0x1B400;
	[sflag:s20] =	ssyncadd.s32 $0xFFFFF800;
	(pc) =	sbr.rel @p1 .LBB2_21-.Ltmp28, $4  }
0x632: {  	[hbm4b:s9+s3] =	stream.linear.scatter [tilespmem:s13], [sflag:$0x3], $0x800, $0x38;
	[tilespmem:$0x1C400] =	vst v63  }
0x633: {  	_ =	swait.ge [sflag:s20], $0x800  }
0x634: {  	[sflag:s20] =	ssyncset.done $0x0  }
0x635: {  	[sflag:s20] =	ssyncadd.s32 $0xFFFFF800  }
0x636: {  	s9 =	rddreg [dreg:$0x7]  }
0x637: {  	s5 =	rddreg [dreg:$0xd]  }
0x638: {  	s8 =	rddreg [dreg:$0xe]  }
0x639: {  	[spmem:s8], [sflag:s5] =	dma.local [hbm:s9], $0x3100  }
0x63a: {  	_ =	swait.ge [sflag:s20], $0x3100  }
0x63b: {  	[sflag:s20] =	ssyncset.done $0x0  }
0x63c: {  	[sflag:s20] =	ssyncadd.s32 $0xFFFFCF00  }
0x63d: {  	s12 =	sadd.s32 $0x0, s18;
	[bflag:$0x0] =	sbarrier.arrive $0xFFFF  }
0x63e: {  	[tilespmem:s0], [sflag:$0x3] =	stream.linear.gather [hbm4b:s12+s3], $0x200, $0x38;
	[tilespmem:$0x1C400] =	vst v63  }
0x63f: {  	_ =	swait.ge [sflag:s20], $0x200  }
0x640: {  	[sflag:s20] =	ssyncset.done $0x0  }
0x641: {  	s13 =	sadd.s32 $0x0, s17;
	[sflag:s20] =	ssyncadd.s32 $0xFFFFFE00  }
0x642: {  	[tilespmem:s22], [sflag:$0x3] =	stream.linear.gather [hbm4b:s13+s3], $0x80, $0x38;
	[tilespmem:$0x1C400] =	vst v63  }
0x643: {  	_ =	swait.ge [sflag:s20], $0x80  }
0x644: {  	[sflag:s20] =	ssyncset.done $0x0  }
0x645: {  	s29 =	sadd.s32 $0x10, s13;
	[sflag:s20] =	ssyncadd.s32 $0xFFFFFF80  }
0x646: {  	[tilespmem:s23], [sflag:$0x3] =	stream.linear.gather [hbm4b:s29+s3], $0x80, $0x38;
	[tilespmem:$0x1C400] =	vst v63  }
0x647: {  	_ =	swait.ge [sflag:s20], $0x80  }
0x648: {  	[sflag:s20] =	ssyncset.done $0x0  }
0x649: {  	s30 =	sadd.s32 $0x20, s13;
	[sflag:s20] =	ssyncadd.s32 $0xFFFFFF80  }
0x64a: {  	[tilespmem:s24], [sflag:$0x3] =	stream.linear.gather [hbm4b:s30+s3], $0x80, $0x38;
	[tilespmem:$0x1C400] =	vst v63  }
0x64b: {  	_ =	swait.ge [sflag:s20], $0x80  }
0x64c: {  	[sflag:s20] =	ssyncset.done $0x0  }
0x64d: {  	s5 =	sadd.s32 $0x30, s13;
	[sflag:s20] =	ssyncadd.s32 $0xFFFFFF80  }
0x64e: {  	[tilespmem:s25], [sflag:$0x3] =	stream.linear.gather [hbm4b:s5+s3], $0x80, $0x38;
	[tilespmem:$0x1C400] =	vst v63  }
0x64f: {  	_ =	swait.ge [sflag:s20], $0x80  }
0x650: {  	[sflag:s20] =	ssyncset.done $0x0  }
0x651: {  	[sflag:s20] =	ssyncadd.s32 $0xFFFFFF80  }
0x652: {  	[tilespmem:s21], [sflag:$0x1] =	stream.indirect.gather [hbm4b:s10+s26], $0x10, s0, s26, $0xb8;
	[tilespmem:$0x1C400] =	vst v63  }
0x653: {  	_ = 	snop  }
0x654: {  	[tilespmem:s6], [sflag:$0x1] =	stream.indirect.gather [hbm4b:s10+s26], $0x10, s1, s26, $0xb8;
	[tilespmem:$0x1C400] =	vst v63  }
0x655: {  	_ = 	snop  }
0x656: {  	[tilespmem:s7], [sflag:$0x1] =	stream.indirect.gather [hbm4b:s10+s26], $0x10, s15, s26, $0xb8;
	[tilespmem:$0x1C400] =	vst v63  }
0x657: {  	_ = 	snop  }
0x658: {  	[tilespmem:s19], [sflag:$0x1] =	stream.indirect.gather [hbm4b:s10+s26], $0x10, s16, s26, $0xb8;
	[tilespmem:$0x1C400] =	vst v63  }
0x659: {  	_ =	swait.ge [sflag:s4], $0x800  }
0x65a: {  	[sflag:s4] =	ssyncset.done $0x0  }
0x65b: {  	[sflag:s4] =	ssyncadd.s32 $0xFFFFF800  }
0x65c: {  	_ =	swait.ge [sflag:s4], $0x800  }
0x65d: {  	[sflag:s4] =	ssyncset.done $0x0  }
0x65e: {  	[sflag:s4] =	ssyncadd.s32 $0xFFFFF800  }
0x65f: {  	_ =	swait.ge [sflag:s4], $0x800  }
0x660: {  	[sflag:s4] =	ssyncset.done $0x0  }
0x661: {  	[sflag:s4] =	ssyncadd.s32 $0xFFFFF800  }
0x662: {  	_ =	swait.ge [sflag:s4], $0x800  }
0x663: {  	[sflag:s4] =	ssyncset.done $0x0  }
0x664: {  	[sflag:s4] =	ssyncadd.s32 $0xFFFFF800  }
0x665: {  	[spmem:s2] =	stream.indirect.scatter.add.f32 [tilespmem:s21], [sflag:$0x2], $0x10, s22, s26, $0xb8;
	[tilespmem:$0x1C400] =	vst v63  }
0x666: {  	_ = 	snop  }
0x667: {  	[spmem:s2] =	stream.indirect.scatter.add.f32 [tilespmem:s6], [sflag:$0x2], $0x10, s23, s26, $0xb8;
	[tilespmem:$0x1C400] =	vst v63  }
0x668: {  	_ = 	snop  }
0x669: {  	[spmem:s2] =	stream.indirect.scatter.add.f32 [tilespmem:s7], [sflag:$0x2], $0x10, s24, s26, $0xb8;
	[tilespmem:$0x1C400] =	vst v63  }
0x66a: {  	_ = 	snop  }
0x66b: {  	[spmem:s2] =	stream.indirect.scatter.add.f32 [tilespmem:s19], [sflag:$0x2], $0x10, s25, s26, $0xb8;
	[tilespmem:$0x1C400] =	vst v63  }
0x66c: {  	_ =	swait.ge [sflag:s28], $0x800  }
0x66d: {  	[sflag:s28] =	ssyncset.done $0x0  }
0x66e: {  	[sflag:s28] =	ssyncadd.s32 $0xFFFFF800  }
0x66f: {  	_ =	swait.ge [sflag:s28], $0x800  }
0x670: {  	[sflag:s28] =	ssyncset.done $0x0  }
0x671: {  	[sflag:s28] =	ssyncadd.s32 $0xFFFFF800  }
0x672: {  	_ =	swait.ge [sflag:s28], $0x800  }
0x673: {  	[sflag:s28] =	ssyncset.done $0x0  }
0x674: {  	[sflag:s28] =	ssyncadd.s32 $0xFFFFF800  }
0x675: {  	s31 =	simm.s32 $0x1B400;
	_ =	swait.ge [sflag:s28], $0x800  }
0x676: {  	s9 =	simm.s32 $0x80;
	s5 =	simm.s32 $0x40;
	[sflag:s28] =	ssyncset.done $0x0  }
.LBB2_25:
0x677: {  	s12 =	sadd.s32 s5, s18  }
0x678: {  	[sflag:s28] =	ssyncadd.s32 $0xFFFFF800;
	s13 =	smov.u32 s9;
	s8 =	sadd.s32 $0x40, s9  }
0x679: {  	[tilespmem:s0], [sflag:$0x3] =	stream.linear.gather [hbm4b:s12+s3], $0x200, $0x38;
	[tilespmem:$0x1C400] =	vst v63  }
0x67a: {  	p1 =	sne.s32 s9, $0x31C0;
	_ =	swait.ge [sflag:s20], $0x200  }
0x67b: {  	[sflag:s20] =	ssyncset.done $0x0  }
0x67c: {  	s9 =	sadd.s32 s5, s17;
	s5 =	smov.u32 s13;
	[sflag:s20] =	ssyncadd.s32 $0xFFFFFE00  }
0x67d: {  	[tilespmem:s22], [sflag:$0x3] =	stream.linear.gather [hbm4b:s9+s3], $0x80, $0x38;
	[tilespmem:$0x1C400] =	vst v63  }
0x67e: {  	_ =	swait.ge [sflag:s20], $0x80  }
0x67f: {  	[sflag:s20] =	ssyncset.done $0x0  }
0x680: {  	s12 =	sadd.s32 $0x10, s9;
	[sflag:s20] =	ssyncadd.s32 $0xFFFFFF80  }
0x681: {  	[tilespmem:s23], [sflag:$0x3] =	stream.linear.gather [hbm4b:s12+s3], $0x80, $0x38;
	[tilespmem:$0x1C400] =	vst v63  }
0x682: {  	_ =	swait.ge [sflag:s20], $0x80  }
0x683: {  	[sflag:s20] =	ssyncset.done $0x0  }
0x684: {  	s12 =	sadd.s32 $0x20, s9;
	[sflag:s20] =	ssyncadd.s32 $0xFFFFFF80  }
0x685: {  	[tilespmem:s24], [sflag:$0x3] =	stream.linear.gather [hbm4b:s12+s3], $0x80, $0x38;
	[tilespmem:$0x1C400] =	vst v63  }
0x686: {  	_ =	swait.ge [sflag:s20], $0x80  }
0x687: {  	[sflag:s20] =	ssyncset.done $0x0  }
0x688: {  	s9 =	sadd.s32 $0x30, s9;
	[sflag:s20] =	ssyncadd.s32 $0xFFFFFF80  }
0x689: {  	[tilespmem:s25], [sflag:$0x3] =	stream.linear.gather [hbm4b:s9+s3], $0x80, $0x38;
	[tilespmem:$0x1C400] =	vst v63  }
0x68a: {  	_ =	swait.ge [sflag:s20], $0x80  }
0x68b: {  	[sflag:s20] =	ssyncset.done $0x0  }
0x68c: {  	[sflag:s20] =	ssyncadd.s32 $0xFFFFFF80  }
0x68d: {  	[tilespmem:s21], [sflag:$0x1] =	stream.indirect.gather [hbm4b:s10+s26], $0x10, s0, s26, $0xb8;
	[tilespmem:$0x1C400] =	vst v63  }
0x68e: {  	_ = 	snop  }
0x68f: {  	[tilespmem:s6], [sflag:$0x1] =	stream.indirect.gather [hbm4b:s10+s26], $0x10, s1, s26, $0xb8;
	[tilespmem:$0x1C400] =	vst v63  }
0x690: {  	_ = 	snop  }
0x691: {  	[tilespmem:s7], [sflag:$0x1] =	stream.indirect.gather [hbm4b:s10+s26], $0x10, s15, s26, $0xb8;
	[tilespmem:$0x1C400] =	vst v63  }
0x692: {  	_ = 	snop  }
0x693: {  	[tilespmem:s19], [sflag:$0x1] =	stream.indirect.gather [hbm4b:s10+s26], $0x10, s16, s26, $0xb8;
	[tilespmem:$0x1C400] =	vst v63  }
0x694: {  	_ =	swait.ge [sflag:s4], $0x800  }
0x695: {  	[sflag:s4] =	ssyncset.done $0x0  }
0x696: {  	[sflag:s4] =	ssyncadd.s32 $0xFFFFF800  }
0x697: {  	_ =	swait.ge [sflag:s4], $0x800  }
0x698: {  	[sflag:s4] =	ssyncset.done $0x0  }
0x699: {  	[sflag:s4] =	ssyncadd.s32 $0xFFFFF800  }
0x69a: {  	_ =	swait.ge [sflag:s4], $0x800  }
0x69b: {  	[sflag:s4] =	ssyncset.done $0x0  }
0x69c: {  	[sflag:s4] =	ssyncadd.s32 $0xFFFFF800  }
0x69d: {  	_ =	swait.ge [sflag:s4], $0x800  }
0x69e: {  	[sflag:s4] =	ssyncset.done $0x0  }
0x69f: {  	[sflag:s4] =	ssyncadd.s32 $0xFFFFF800  }
0x6a0: {  	[spmem:s2] =	stream.indirect.scatter.add.f32 [tilespmem:s21], [sflag:$0x2], $0x10, s22, s26, $0xb8;
	[tilespmem:$0x1C400] =	vst v63  }
0x6a1: {  	_ = 	snop  }
0x6a2: {  	[spmem:s2] =	stream.indirect.scatter.add.f32 [tilespmem:s6], [sflag:$0x2], $0x10, s23, s26, $0xb8;
	[tilespmem:$0x1C400] =	vst v63  }
0x6a3: {  	_ = 	snop  }
0x6a4: {  	[spmem:s2] =	stream.indirect.scatter.add.f32 [tilespmem:s7], [sflag:$0x2], $0x10, s24, s26, $0xb8;
	[tilespmem:$0x1C400] =	vst v63  }
0x6a5: {  	_ = 	snop  }
0x6a6: {  	[spmem:s2] =	stream.indirect.scatter.add.f32 [tilespmem:s19], [sflag:$0x2], $0x10, s25, s26, $0xb8;
	[tilespmem:$0x1C400] =	vst v63  }
0x6a7: {  	_ =	swait.ge [sflag:s28], $0x800  }
0x6a8: {  	[sflag:s28] =	ssyncset.done $0x0  }
0x6a9: {  	[sflag:s28] =	ssyncadd.s32 $0xFFFFF800  }
0x6aa: {  	_ =	swait.ge [sflag:s28], $0x800  }
0x6ab: {  	[sflag:s28] =	ssyncset.done $0x0  }
0x6ac: {  	[sflag:s28] =	ssyncadd.s32 $0xFFFFF800  }
.Ltmp29:
0x6ad: {  	_ =	swait.ge [sflag:s28], $0x800;
	(pc) =	sbr.rel @p1 .LBB2_25-.Ltmp29, $4  }
0x6ae: {  	[sflag:s28] =	ssyncset.done $0x0  }
0x6af: {  	[sflag:s28] =	ssyncadd.s32 $0xFFFFF800  }
0x6b0: {  	_ =	swait.ge [sflag:s28], $0x800  }
0x6b1: {  	s9 =	smov.u32 s8;
	[sflag:s28] =	ssyncset.done $0x0  }
0x6b2: {  	s8 =	sadd.s32 s5, s18;
	[sflag:s28] =	ssyncadd.s32 $0xFFFFF800  }
0x6b3: {  	[tilespmem:s0], [sflag:$0x3] =	stream.linear.gather [hbm4b:s8+s3], $0x200, $0x38;
	[tilespmem:$0x1C400] =	vst v63  }
0x6b4: {  	_ =	swait.ge [sflag:s20], $0x200  }
0x6b5: {  	[sflag:s20] =	ssyncset.done $0x0  }
0x6b6: {  	s12 =	sadd.s32 s5, s17;
	[sflag:s20] =	ssyncadd.s32 $0xFFFFFE00  }
0x6b7: {  	[tilespmem:s22], [sflag:$0x3] =	stream.linear.gather [hbm4b:s12+s3], $0x80, $0x38;
	[tilespmem:$0x1C400] =	vst v63  }
0x6b8: {  	_ =	swait.ge [sflag:s20], $0x80  }
0x6b9: {  	[sflag:s20] =	ssyncset.done $0x0  }
0x6ba: {  	s13 =	sadd.s32 $0x10, s12;
	[sflag:s20] =	ssyncadd.s32 $0xFFFFFF80  }
0x6bb: {  	[tilespmem:s23], [sflag:$0x3] =	stream.linear.gather [hbm4b:s13+s3], $0x80, $0x38;
	[tilespmem:$0x1C400] =	vst v63  }
0x6bc: {  	_ =	swait.ge [sflag:s20], $0x80  }
0x6bd: {  	[sflag:s20] =	ssyncset.done $0x0  }
0x6be: {  	s30 =	sadd.s32 $0x20, s12;
	[sflag:s20] =	ssyncadd.s32 $0xFFFFFF80  }
0x6bf: {  	[tilespmem:s24], [sflag:$0x3] =	stream.linear.gather [hbm4b:s30+s3], $0x80, $0x38;
	[tilespmem:$0x1C400] =	vst v63  }
0x6c0: {  	_ =	swait.ge [sflag:s20], $0x80  }
0x6c1: {  	[sflag:s20] =	ssyncset.done $0x0  }
0x6c2: {  	s5 =	sadd.s32 $0x30, s12;
	[sflag:s20] =	ssyncadd.s32 $0xFFFFFF80  }
0x6c3: {  	[tilespmem:s25], [sflag:$0x3] =	stream.linear.gather [hbm4b:s5+s3], $0x80, $0x38;
	[tilespmem:$0x1C400] =	vst v63  }
0x6c4: {  	_ =	swait.ge [sflag:s20], $0x80  }
0x6c5: {  	[sflag:s20] =	ssyncset.done $0x0  }
0x6c6: {  	[sflag:s20] =	ssyncadd.s32 $0xFFFFFF80  }
0x6c7: {  	[tilespmem:s21], [sflag:$0x1] =	stream.indirect.gather [hbm4b:s10+s26], $0x10, s0, s26, $0xb8;
	[tilespmem:$0x1C400] =	vst v63  }
0x6c8: {  	_ = 	snop  }
0x6c9: {  	[tilespmem:s6], [sflag:$0x1] =	stream.indirect.gather [hbm4b:s10+s26], $0x10, s1, s26, $0xb8;
	[tilespmem:$0x1C400] =	vst v63  }
0x6ca: {  	_ = 	snop  }
0x6cb: {  	[tilespmem:s7], [sflag:$0x1] =	stream.indirect.gather [hbm4b:s10+s26], $0x10, s15, s26, $0xb8;
	[tilespmem:$0x1C400] =	vst v63  }
0x6cc: {  	_ = 	snop  }
0x6cd: {  	[tilespmem:s19], [sflag:$0x1] =	stream.indirect.gather [hbm4b:s10+s26], $0x10, s16, s26, $0xb8;
	[tilespmem:$0x1C400] =	vst v63  }
0x6ce: {  	_ =	swait.ge [sflag:s4], $0x800  }
0x6cf: {  	[sflag:s4] =	ssyncset.done $0x0  }
0x6d0: {  	[sflag:s4] =	ssyncadd.s32 $0xFFFFF800  }
0x6d1: {  	_ =	swait.ge [sflag:s4], $0x800  }
0x6d2: {  	[sflag:s4] =	ssyncset.done $0x0  }
0x6d3: {  	[sflag:s4] =	ssyncadd.s32 $0xFFFFF800  }
0x6d4: {  	_ =	swait.ge [sflag:s4], $0x800  }
0x6d5: {  	[sflag:s4] =	ssyncset.done $0x0  }
0x6d6: {  	[sflag:s4] =	ssyncadd.s32 $0xFFFFF800  }
0x6d7: {  	_ =	swait.ge [sflag:s4], $0x800  }
0x6d8: {  	[sflag:s4] =	ssyncset.done $0x0  }
0x6d9: {  	[sflag:s4] =	ssyncadd.s32 $0xFFFFF800  }
0x6da: {  	[spmem:s2] =	stream.indirect.scatter.add.f32 [tilespmem:s21], [sflag:$0x2], $0x10, s22, s26, $0xb8;
	[tilespmem:$0x1C400] =	vst v63  }
0x6db: {  	_ = 	snop  }
0x6dc: {  	[spmem:s2] =	stream.indirect.scatter.add.f32 [tilespmem:s6], [sflag:$0x2], $0x10, s23, s26, $0xb8;
	[tilespmem:$0x1C400] =	vst v63  }
0x6dd: {  	_ = 	snop  }
0x6de: {  	[spmem:s2] =	stream.indirect.scatter.add.f32 [tilespmem:s7], [sflag:$0x2], $0x10, s24, s26, $0xb8;
	[tilespmem:$0x1C400] =	vst v63  }
0x6df: {  	_ = 	snop  }
0x6e0: {  	[spmem:s2] =	stream.indirect.scatter.add.f32 [tilespmem:s19], [sflag:$0x2], $0x10, s25, s26, $0xb8;
	[tilespmem:$0x1C400] =	vst v63  }
0x6e1: {  	_ =	swait.ge [sflag:s28], $0x800  }
0x6e2: {  	[sflag:s28] =	ssyncset.done $0x0  }
0x6e3: {  	[sflag:s28] =	ssyncadd.s32 $0xFFFFF800  }
0x6e4: {  	_ =	swait.ge [sflag:s28], $0x800  }
0x6e5: {  	[sflag:s28] =	ssyncset.done $0x0  }
0x6e6: {  	[sflag:s28] =	ssyncadd.s32 $0xFFFFF800  }
0x6e7: {  	_ =	swait.ge [sflag:s28], $0x800  }
0x6e8: {  	[sflag:s28] =	ssyncset.done $0x0  }
0x6e9: {  	[sflag:s28] =	ssyncadd.s32 $0xFFFFF800  }
0x6ea: {  	_ =	swait.ge [sflag:s28], $0x800  }
0x6eb: {  	[sflag:s28] =	ssyncset.done $0x0  }
0x6ec: {  	[sflag:s28] =	ssyncadd.s32 $0xFFFFF800  }
0x6ed: {  	s8 =	simm.s32 $0x0;
	[bflag:$0x0] =	sbarrier.arrive $0xFFFF  }
0x6ee: {  	s13 =	simm.s32 $0x1BC00;
	s5 =	simm.s32 $0x0;
	s29 =	rddreg [dreg:$0x4]  }
.LBB2_27:
0x6ef: {  	s9 =	sshll.u32 s8, $0xB  }
0x6f0: {  	s9 =	sadd.s32 s14, s9  }
0x6f1: {  	s12 =	sadd.s32 s9, s2  }
0x6f2: {  	[tilespmem:s31], [sflag:$0x3] =	stream.linear.gather [spmem:s12], $0x800, $0x38;
	[tilespmem:$0x1C400] =	vst v63  }
0x6f3: {  	_ =	swait.ge [sflag:s20], $0x800  }
0x6f4: {  	s12 =	sshrl.u32 s9, $0x3;
	[sflag:s20] =	ssyncset.done $0x0;
	s9 =	rddreg [dreg:$0x8]  }
0x6f5: {  	[sflag:s20] =	ssyncadd.s32 $0xFFFFF800;
	s9 =	sadd.s32 s9, s12  }
0x6f6: {  	[tilespmem:s13], [sflag:$0x3] =	stream.linear.gather [hbm4b:s9+s5], $0x800, $0x38;
	[tilespmem:$0x1C400] =	vst v63  }
0x6f7: {  	_ =	swait.ge [sflag:s20], $0x800  }
0x6f8: {  	[sflag:s20] =	ssyncset.done $0x0;
	s13 =	rddreg [dreg:$0xa]  }
0x6f9: {  	[sflag:s20] =	ssyncadd.s32 $0xFFFFF800;
	s12 =	sadd.s32 s13, s12;
	s13 =	simm.s32 $0x1AC00  }
0x6fa: {  	[tilespmem:s13], [sflag:$0x3] =	stream.linear.gather [hbm4b:s12+s5], $0x800, $0x38;
	[tilespmem:$0x1C400] =	vst v63  }
0x6fb: {  	_ =	swait.ge [sflag:s20], $0x800  }
0x6fc: {  	[sflag:s20] =	ssyncset.done $0x0  }
0x6fd: {  	s12 =	simm.s32 $0x0;
	[sflag:s20] =	ssyncadd.s32 $0xFFFFF800  }
0x6fe: {  	v0 =	vld [tilespmem:s12+$0x1AC00];
	_ =	sdelay $0x2  }
0x6ff: {  	v1 =	vld [tilespmem:s12+$0x1B400];
	_ =	sdelay $0x1  }
0x700: {  	v2 =	vmul.f32 $2.500000000e-01, v0;
	v0 =	vld [tilespmem:s12+$0x1BC00];
	_ =	sdelay $0x2  }
0x701: {  	s30 =	simm.s32 $0x80;
	s13 =	simm.s32 $0x10;
	v1 =	vmul.f32 v2, v1  }
.LBB2_28:
0x702: {  	p1 =	sne.s32 s30, $0x1FC0;
	v2 =	vld [tilespmem:s13+$0x1AC00]  }
0x703: {  	v0 =	vadd.f32 v1, v0  }
0x704: {  	v1 =	vld [tilespmem:s13+$0x1B400]  }
.Ltmp30:
0x705: {  	[tilespmem:s12+$0x1BC00] =	vst v0;
	s12 =	smov.u32 s13;
	(pc) =	sbr.rel @p1 .LBB2_28-.Ltmp30, $3  }
0x706: {  	v0 =	vld [tilespmem:s12+$0x1BC00]  }
0x707: {  	v2 =	vmul.f32 $2.500000000e-01, v2;
	_ =	sdelay $0x1  }
0x708: {  	s13 =	sshra.s32 s30, $0x2;
	s30 =	sadd.s32 $0x40, s30;
	v1 =	vmul.f32 v2, v1  }
0x709: {  	v2 =	vld [tilespmem:s13+$0x1AC00]  }
0x70a: {  	v0 =	vadd.f32 v1, v0  }
0x70b: {  	v63 =	vld [tilespmem:s13+$0x1B400]  }
0x70c: {  	[tilespmem:s12+$0x1BC00] =	vst v0  }
0x70d: {  	v0 =	vld [tilespmem:s13+$0x1BC00]  }
0x70e: {  	v2 =	vmul.f32 $2.500000000e-01, v2;
	_ =	sdelay $0x1  }
0x70f: {  	v1 =	vmul.f32 v2, v63;
	_ =	sdelay $0x1  }
0x710: {  	v0 =	vadd.f32 v1, v0  }
0x711: {  	s8 =	sadd.s32 $0x1, s8  }
0x712: {  	p1 =	seq.s32 s8, $0x31;
	[tilespmem:s13+$0x1BC00] =	vst v0;
	s13 =	simm.s32 $0x1BC00  }
0x713: {  	[hbm4b:s9+s3] =	stream.linear.scatter [tilespmem:s13], [sflag:$0x3], $0x800, $0x38;
	[tilespmem:$0x1C400] =	vst v63  }
.Ltmp31:
0x714: {  	_ = 	snop;
	(pc) =	sbr.rel @!p1 .LBB2_27-.Ltmp31, $4  }
.Ltmp32:
0x715: {  	_ = 	snop;
	(pc) =	sbr.rel @p1 .LBB2_58-.Ltmp32, $4  }
0x716: {  	_ =	swait.ge [sflag:s20], $0x800  }
0x717: {  	[sflag:s20] =	ssyncset.done $0x0  }
0x718: {  	[sflag:s20] =	ssyncadd.s32 $0xFFFFF800  }
0x719: {  	_ = 	snop  }
.LBB2_59:
0x71a: {  	_ =	sfence.sel $0x180000  }
0x71b: {  	[bflag:$0x0] =	sbarrier.arrive $0xFFFF  }
0x71c: {  	_ =	strace $0x90000047  }
0x71d: {  	s0 =	stileid.u32;
	[bflag:$0x2] =	sbarrier.arrive $0xFFFF  }
0x71e: {  	p0 =	sne.s32 s0, $0x0;
	s0 =	rddreg [dreg:$0x3]  }
0x71f: {  	s0 =	sadd.s32 @!p0 $0x100000, s0  }
0x720: {  	[sflag:s0] =	ssyncadd.tile.s32 @!p0 $0x1;
	_ =	shalt  }
.Lfunc_end2:
_tile_overlayer_lowered:
.L_overlay_start_2:
0x721: {  	(tag) =	ssettag $0x2  }
0x722: {  	s0 =	rddreg [dreg:$0x0];
	s2 =	stileid.u32  }
0x723: {  	s1 =	rddreg [dreg:$0x1];
	p0 =	sne.s32 s2, $0x0  }
0x724: {  	s3 =	rddreg [dreg:$0x2];
	[bflag:$0x3] =	sbarrier.arrive $0xFFFF;
	s2 =	simm.s32 @!p0 $0x1C03  }
0x725: {  	[timem:s3], [sflag:s2] =	dma.local @!p0 [hbm:s0], s1  }
0x726: {  	s0 =	simm.s32 @!p0 $0x3  }
0x727: {  	_ =	swait.ge @!p0 [sflag:s0], s1  }
0x728: {  	s1 =	ssub.s32 @!p0 $0x0, s1;
	[sflag:s0] =	ssyncset.done @!p0 $0x0  }
0x729: {  	[sflag:s0] =	ssyncadd.s32 @!p0 s1  }
0x72a: {  	[bflag:$0x3] =	sbarrier.arrive $0xFFFF  }
0x72b: {  	_ =	shalt  }

</sc_bundles>
